<compile_context>
chip_gen: v7x
topology: tpu7x:2x2x1
jax: 0.10.2.dev20260603
libtpu: 0.0.44.dev20260713+nightly
codegen_flags: <defaults>
</compile_context>

<pallas_src>
import functools

import jax
import jax.numpy as jnp
from jax import lax
from jax.experimental import pallas as pl
from jax.experimental.pallas import tpu as pltpu
from jax.experimental.pallas import tpu_sc as plsc

N = 10000
E = 320000
DIN = 128
H = 64
G = 64

NC = 2
NS = 16
CW = 128
EPAD = NS * 160 * CW
NPAD = N + 8
RB = N // 10
NBUF = 4
SP = 40
NRS = N // NS


def _r(a):
    return a.astype(jnp.bfloat16).astype(jnp.float32)


def _dotd(a, b):
    return jax.lax.dot_general(_r(a), _r(b), (((1,), (0,)), ((), ())),
                               preferred_element_type=jnp.float32)


def _dote(a, b):
    return jax.lax.dot_general(a, b, (((1,), (0,)), ((), ())),
                               preferred_element_type=jnp.float32)


_SC_PARAMS = pltpu.CompilerParams(use_tc_tiling_on_sc=False)
_MESH = plsc.VectorSubcoreMesh(core_axis_name="c", subcore_axis_name="s")


def _edge_ring(y_s, agg_s, src_hbm, dst_hbm, src_v, dst_v, rows, gsem, ssem,
               row0, nstage, cnt=None):
    def g_cp(j, b):
        return pltpu.make_async_copy(y_s.at[src_v.at[j]], rows[b], gsem[b])

    def s_cp(j, b):
        return pltpu.make_async_copy(rows[b], agg_s.at[dst_v.at[j]], ssem[b])

    def cnt_fire(j):
        if cnt is None:
            return
        cond, cnt_s, ones_v, csem = cnt

        @pl.when(cond)
        def _():
            pltpu.async_copy(ones_v.at[pl.ds(0, CW)], cnt_s.at[dst_v.at[j]],
                             csem, add=True)

    def cnt_drain(k):
        if cnt is None:
            return
        cond, cnt_s, ones_v, csem = cnt

        @pl.when(cond)
        def _():
            @pl.loop(0, k)
            def _(_i):
                pltpu.make_async_copy(ones_v.at[pl.ds(0, CW)],
                                      cnt_s.at[dst_v.at[0]], csem).wait()

    for st in range(nstage):
        off = row0 + st * SP
        pltpu.sync_copy(src_hbm.at[pl.ds(off, SP)], src_v)
        pltpu.sync_copy(dst_hbm.at[pl.ds(off, SP)], dst_v)

        for b in range(NBUF):
            pltpu.async_copy(y_s.at[src_v.at[b]], rows[b], gsem[b])

        @pl.loop(0, SP - NBUF, step=NBUF)
        def _(j):
            for b in range(NBUF):
                g_cp(j + b, b).wait()
                pltpu.async_copy(rows[b], agg_s.at[dst_v.at[j + b]],
                                 ssem[b], add=True)
                cnt_fire(j + b)
            for b in range(NBUF):
                s_cp(j + b, b).wait()
                pltpu.async_copy(y_s.at[src_v.at[j + b + NBUF]], rows[b],
                                 gsem[b])
            cnt_drain(NBUF)

        for b in range(NBUF):
            g_cp(SP - NBUF + b, b).wait()
            pltpu.async_copy(rows[b], agg_s.at[dst_v.at[SP - NBUF + b]],
                             ssem[b], add=True)
            cnt_fire(SP - NBUF + b)
        for b in range(NBUF):
            s_cp(SP - NBUF + b, b).wait()
        cnt_drain(NBUF)


def _fill(ref, n, val):
    @pl.loop(0, n, step=16)
    def _(i):
        ref[pl.ds(i, 16)] = jnp.full((16,), val, jnp.float32)



@functools.partial(
    pl.kernel,
    out_type=[jax.ShapeDtypeStruct((N, H), jnp.float32),
              jax.ShapeDtypeStruct((N, H), jnp.float32),
              jax.ShapeDtypeStruct((N // RB, 1, RB), jnp.float32)],
    mesh=_MESH,
    compiler_params=_SC_PARAMS,
    scratch_types=[
        pltpu.VMEM_SHARED((N, H), jnp.float32),
        pltpu.VMEM_SHARED((NPAD, H), jnp.float32),
        pltpu.VMEM((SP, CW), jnp.int32),
        pltpu.VMEM((SP, CW), jnp.int32),
        [pltpu.VMEM((CW, H), jnp.float32)] * NBUF,
        [pltpu.SemaphoreType.DMA] * NBUF,
        [pltpu.SemaphoreType.DMA] * NBUF,
        pltpu.VMEM_SHARED((NPAD,), jnp.float32),
        pltpu.VMEM((128,), jnp.float32),
        pltpu.VMEM((RB + 8,), jnp.float32),
        pltpu.SemaphoreType.DMA,
    ])
def _sc_agg_x(x0_hbm, x1_hbm, src_hbm, dst_hbm, za_hbm,
              a0_hbm, a1_hbm, c_hbm,
              y_s, agg_s, src_v, dst_v, rows, gsem, ssem,
              cnt_s, ones_v, zb_v, csem):
    cid = lax.axis_index("c")
    sid = lax.axis_index("s")
    rr0 = sid * NRS
    r0 = sid * RB
    is0 = cid == 0

    _fill(ones_v, 128, 1.0)
    _fill(zb_v, RB + 8, 0.0)

    @pl.when(is0)
    def _():
        pltpu.sync_copy(x0_hbm.at[pl.ds(rr0, NRS)], y_s.at[pl.ds(rr0, NRS)])

        @pl.when(sid < 10)
        def _():
            pltpu.sync_copy(zb_v.at[pl.ds(0, RB)], cnt_s.at[pl.ds(r0, RB)])

    @pl.when(cid == 1)
    def _():
        pltpu.sync_copy(x1_hbm.at[pl.ds(rr0, NRS)], y_s.at[pl.ds(rr0, NRS)])

    pltpu.sync_copy(za_hbm.at[pl.ds(rr0, NRS)], agg_s.at[pl.ds(rr0, NRS)])
    plsc.subcore_barrier()

    _edge_ring(y_s, agg_s, src_hbm, dst_hbm, src_v, dst_v, rows, gsem, ssem,
               row0=sid * 160, nstage=4, cnt=(is0, cnt_s, ones_v, csem))

    plsc.subcore_barrier()

    @pl.when(is0)
    def _():
        pltpu.sync_copy(agg_s.at[pl.ds(rr0, NRS)], a0_hbm.at[pl.ds(rr0, NRS)])

        @pl.when(sid < 10)
        def _():
            pltpu.sync_copy(cnt_s.at[pl.ds(r0, RB)], zb_v.at[pl.ds(0, RB)])
            pltpu.sync_copy(zb_v.at[pl.ds(0, RB)], c_hbm.at[sid, 0])

    @pl.when(cid == 1)
    def _():
        pltpu.sync_copy(agg_s.at[pl.ds(rr0, NRS)], a1_hbm.at[pl.ds(rr0, NRS)])



@functools.partial(
    pl.kernel,
    out_type=[jax.ShapeDtypeStruct((N, H), jnp.float32),
              jax.ShapeDtypeStruct((N, H), jnp.float32)],
    mesh=_MESH,
    compiler_params=_SC_PARAMS,
    scratch_types=[
        pltpu.VMEM_SHARED((N, H), jnp.float32),
        pltpu.VMEM_SHARED((NPAD, H), jnp.float32),
        pltpu.VMEM((SP, CW), jnp.int32),
        pltpu.VMEM((SP, CW), jnp.int32),
        [pltpu.VMEM((CW, H), jnp.float32)] * NBUF,
        [pltpu.SemaphoreType.DMA] * NBUF,
        [pltpu.SemaphoreType.DMA] * NBUF,
    ])
def _sc_agg_h(h_hbm, src_hbm, dst_hbm, za_hbm, p0_hbm, p1_hbm,
              y_s, agg_s, src_v, dst_v, rows, gsem, ssem):
    cid = lax.axis_index("c")
    sid = lax.axis_index("s")
    rr0 = sid * NRS

    pltpu.sync_copy(h_hbm.at[pl.ds(rr0, NRS)], y_s.at[pl.ds(rr0, NRS)])
    pltpu.sync_copy(za_hbm.at[pl.ds(rr0, NRS)], agg_s.at[pl.ds(rr0, NRS)])
    plsc.subcore_barrier()

    _edge_ring(y_s, agg_s, src_hbm, dst_hbm, src_v, dst_v, rows, gsem, ssem,
               row0=(cid * NS + sid) * 80, nstage=2)

    plsc.subcore_barrier()

    @pl.when(cid == 0)
    def _():
        pltpu.sync_copy(agg_s.at[pl.ds(rr0, NRS)], p0_hbm.at[pl.ds(rr0, NRS)])

    @pl.when(cid == 1)
    def _():
        pltpu.sync_copy(agg_s.at[pl.ds(rr0, NRS)], p1_hbm.at[pl.ds(rr0, NRS)])



_NB = 10
_BN = N // _NB


def _tc_h1(a0, a1, c3, x, b1, wl1t, wl1b, wr1):
    def body(a0r, a1r, cr, xr, b1r, wtr, wbr, wrr, hr):
        cnt = jnp.maximum(cr[0, 0], 1.0)[:, None]
        d = _dotd(a0r[...] / cnt, wtr[...]) + _dotd(a1r[...] / cnt, wbr[...])
        hr[...] = jnp.maximum(d + b1r[...] + _dotd(xr[...], wrr[...]), 0.0)

    return pl.pallas_call(
        body,
        grid=(_NB,),
        in_specs=[pl.BlockSpec((_BN, H), lambda i: (i, 0)),
                  pl.BlockSpec((_BN, H), lambda i: (i, 0)),
                  pl.BlockSpec((1, 1, _BN), lambda i: (i, 0, 0)),
                  pl.BlockSpec((_BN, DIN), lambda i: (i, 0)),
                  pl.BlockSpec((1, H), lambda i: (0, 0)),
                  pl.BlockSpec((H, H), lambda i: (0, 0)),
                  pl.BlockSpec((H, H), lambda i: (0, 0)),
                  pl.BlockSpec((DIN, H), lambda i: (0, 0))],
        out_specs=pl.BlockSpec((_BN, H), lambda i: (i, 0)),
        out_shape=jax.ShapeDtypeStruct((N, H), jnp.float32),
    )(a0, a1, c3, x, b1, wl1t, wl1b, wr1)


def _tc_final(q0, q1, c3, h, b2, wl2, wr2, batch3, wrow, brow):
    def body(q0r, q1r, cr, hr, b2r, wlr, wrr, br, wror, bror, out_ref, acc):
        i = pl.program_id(0)

        @pl.when(i == 0)
        def _():
            acc[...] = jnp.zeros_like(acc)

        cnt = jnp.maximum(cr[0, 0], 1.0)[:, None]
        h2 = jnp.maximum(_dotd((q0r[...] + q1r[...]) / cnt, wlr[...])
                         + b2r[...] + _dotd(hr[...], wrr[...]), 0.0)
        h2_hi = _r(h2)
        h2_lo = h2 - h2_hi
        hcat = jnp.concatenate(
            [h2_hi, jnp.ones((_BN, 1), jnp.float32),
             jnp.zeros((_BN, DIN - H - 1), jnp.float32)], axis=1)
        lcat = jnp.concatenate(
            [h2_lo, jnp.zeros((_BN, DIN - H), jnp.float32)], axis=1)
        b = br[0, 0]
        mask = (lax.broadcasted_iota(jnp.int32, (G, _BN), 0)
                == b[None, :]).astype(jnp.float32)
        acc[...] += _dote(mask, hcat) + _dote(mask, lcat)

        @pl.when(i == _NB - 1)
        def _():
            pooled = acc[:, :H] / jnp.maximum(acc[:, H:H + 1], 1.0)
            out_ref[...] = (jnp.sum(_r(pooled) * _r(wror[...]), axis=1)
                            + bror[0])

    return pl.pallas_call(
        body,
        grid=(_NB,),
        in_specs=[pl.BlockSpec((_BN, H), lambda i: (i, 0)),
                  pl.BlockSpec((_BN, H), lambda i: (i, 0)),
                  pl.BlockSpec((1, 1, _BN), lambda i: (i, 0, 0)),
                  pl.BlockSpec((_BN, H), lambda i: (i, 0)),
                  pl.BlockSpec((1, H), lambda i: (0, 0)),
                  pl.BlockSpec((H, H), lambda i: (0, 0)),
                  pl.BlockSpec((H, H), lambda i: (0, 0)),
                  pl.BlockSpec((1, 1, _BN), lambda i: (i, 0, 0)),
                  pl.BlockSpec((1, H), lambda i: (0, 0)),
                  pl.BlockSpec((1, H), lambda i: (0, 0))],
        out_specs=pl.BlockSpec((G,), lambda i: (0,)),
        out_shape=jax.ShapeDtypeStruct((G,), jnp.float32),
        scratch_shapes=[pltpu.VMEM((G, DIN), jnp.float32)],
    )(q0, q1, c3, h, b2, wl2, wr2, batch3, wrow, brow)


def kernel(x, edge_index, batch, W_l1, b_l1, W_r1, W_l2, b_l2, W_r2,
           W_out, b_out):
    npad = EPAD - E
    src2 = jnp.concatenate(
        [edge_index[0], jnp.zeros((npad,), jnp.int32)]).reshape(EPAD // CW, CW)
    dst2 = jnp.concatenate(
        [edge_index[1], jnp.full((npad,), N, jnp.int32)]).reshape(EPAD // CW,
                                                                  CW)
    za = jnp.zeros((N, H), jnp.float32)
    x0 = x[:, :H]
    x1 = x[:, H:]
    wl1t = W_l1[:H]
    wl1b = W_l1[H:]
    b1 = b_l1.reshape(1, H)
    b2 = b_l2.reshape(1, H)
    batch3 = batch.reshape(_NB, 1, _BN)
    wrow = W_out.reshape(1, H)
    brow = jnp.broadcast_to(b_out.reshape(1, 1), (1, H))

    a0, a1, c3 = _sc_agg_x(x0, x1, src2, dst2, za)
    h = _tc_h1(a0, a1, c3, x, b1, wl1t, wl1b, wr1=W_r1)
    q0, q1 = _sc_agg_h(h, src2, dst2, za)
    return _tc_final(q0, q1, c3, h, b2, W_l2, W_r2, batch3, wrow, brow)

# --- scband reference (transcript-rebuilt; emitter-appended) ---
"""Pipeline reference for scband-cascade-gnn-21629455303127 (READ-ONLY COPY).

The authoritative reference and input builder live on the scoring server;
editing this copy changes nothing except your own understanding.
"""

import jax, jax.numpy as jnp
import numpy as np

N = 10000
E = 320000
DIN = 128
H = 64
G = 64


def setup_inputs(seed: int = 0) -> dict:
    key = jax.random.key(seed)
    ks = jax.random.split(key, 12)
    x = jax.random.normal(ks[0], (N, DIN), dtype=jnp.float32)
    edge_index = jax.random.randint(ks[1], (2, E), 0, N, dtype=jnp.int32)
    batch = jnp.sort(jax.random.randint(ks[2], (N,), 0, G, dtype=jnp.int32))
    # SAGEConv layer 1: lin_l (applied to aggregated neighbors, with bias), lin_r (root, no bias)
    W_l1 = jax.random.normal(ks[3], (DIN, H), dtype=jnp.float32) * (1.0 / np.sqrt(DIN))
    b_l1 = jnp.zeros((H,), dtype=jnp.float32)
    W_r1 = jax.random.normal(ks[4], (DIN, H), dtype=jnp.float32) * (1.0 / np.sqrt(DIN))
    # SAGEConv layer 2
    W_l2 = jax.random.normal(ks[5], (H, H), dtype=jnp.float32) * (1.0 / np.sqrt(H))
    b_l2 = jnp.zeros((H,), dtype=jnp.float32)
    W_r2 = jax.random.normal(ks[6], (H, H), dtype=jnp.float32) * (1.0 / np.sqrt(H))
    # final linear to scalar logit per graph
    W_out = jax.random.normal(ks[7], (H, 1), dtype=jnp.float32) * (1.0 / np.sqrt(H))
    b_out = jnp.zeros((1,), dtype=jnp.float32)
    return {"x": x, "edge_index": edge_index, "batch": batch,
            "W_l1": W_l1, "b_l1": b_l1, "W_r1": W_r1,
            "W_l2": W_l2, "b_l2": b_l2, "W_r2": W_r2,
            "W_out": W_out, "b_out": b_out}


def _sage_conv(x, edge_index, Wl, bl, Wr):
    src = edge_index[0]
    dst = edge_index[1]
    msg = jnp.take(x, src, axis=0)
    agg_sum = jax.ops.segment_sum(msg, dst, num_segments=N)
    cnt = jax.ops.segment_sum(jnp.ones((edge_index.shape[1],), dtype=x.dtype), dst, num_segments=N)
    agg = agg_sum / jnp.maximum(cnt, 1.0)[:, None]
    return agg @ Wl + bl + x @ Wr


def reference(x, edge_index, batch, W_l1, b_l1, W_r1, W_l2, b_l2, W_r2, W_out, b_out):
    h = _sage_conv(x, edge_index, W_l1, b_l1, W_r1)
    h = jax.nn.relu(h)
    # dropout is identity in eval mode
    h = _sage_conv(h, edge_index, W_l2, b_l2, W_r2)
    h = jax.nn.relu(h)
    # global mean pool over graphs
    pool_sum = jax.ops.segment_sum(h, batch, num_segments=G)
    pool_cnt = jax.ops.segment_sum(jnp.ones((N,), dtype=h.dtype), batch, num_segments=G)
    pooled = pool_sum / jnp.maximum(pool_cnt, 1.0)[:, None]
    logits = (pooled @ W_out + b_out).reshape(-1)
    return logits

if __name__ == "__main__":
    import jax
    _d = setup_inputs()
    print(jax.jit(kernel)(*tuple(_d.values())))

</pallas_src>

<mosaic_0001>
#map = affine_map<(d0, d1) -> (0, 0)>
#map1 = affine_map<(d0, d1) -> (0, 0, 0)>
module attributes {stable_mosaic.version = 14 : i64} {
  func.func @_sc_agg_x(%arg0: i32, %arg1: i32, %arg2: memref<10000x64xf32, #tpu.memory_space<hbm>>, %arg3: memref<10000x64xf32, #tpu.memory_space<hbm>>, %arg4: memref<2560x128xi32, #tpu.memory_space<hbm>>, %arg5: memref<2560x128xi32, #tpu.memory_space<hbm>>, %arg6: memref<10000x64xf32, #tpu.memory_space<hbm>>, %arg7: memref<10000x64xf32, #tpu.memory_space<hbm>>, %arg8: memref<10000x64xf32, #tpu.memory_space<hbm>>, %arg9: memref<10x1x1000xf32, #tpu.memory_space<hbm>>, %arg10: memref<10000x64xf32, #tpu.memory_space<vmem_shared>>, %arg11: memref<10008x64xf32, #tpu.memory_space<vmem_shared>>, %arg12: memref<40x128xi32, #tpu.memory_space<vmem>>, %arg13: memref<40x128xi32, #tpu.memory_space<vmem>>, %arg14: memref<128x64xf32, #tpu.memory_space<vmem>>, %arg15: memref<128x64xf32, #tpu.memory_space<vmem>>, %arg16: memref<128x64xf32, #tpu.memory_space<vmem>>, %arg17: memref<128x64xf32, #tpu.memory_space<vmem>>, %arg18: memref<!tpu.dma_semaphore, #tpu.memory_space<semaphore_mem>>, %arg19: memref<!tpu.dma_semaphore, #tpu.memory_space<semaphore_mem>>, %arg20: memref<!tpu.dma_semaphore, #tpu.memory_space<semaphore_mem>>, %arg21: memref<!tpu.dma_semaphore, #tpu.memory_space<semaphore_mem>>, %arg22: memref<!tpu.dma_semaphore, #tpu.memory_space<semaphore_mem>>, %arg23: memref<!tpu.dma_semaphore, #tpu.memory_space<semaphore_mem>>, %arg24: memref<!tpu.dma_semaphore, #tpu.memory_space<semaphore_mem>>, %arg25: memref<!tpu.dma_semaphore, #tpu.memory_space<semaphore_mem>>, %arg26: memref<10008xf32, #tpu.memory_space<vmem_shared>>, %arg27: memref<128xf32, #tpu.memory_space<vmem>>, %arg28: memref<1008xf32, #tpu.memory_space<vmem>>, %arg29: memref<!tpu.dma_semaphore, #tpu.memory_space<semaphore_mem>>) attributes {dimension_semantics = [#tpu.dimension_semantics<core_parallel>, #tpu.dimension_semantics<subcore_parallel>], iteration_bounds = array<i64: 2, 16>, scalar_prefetch = 0 : i64, scratch_operands = 20 : i64, tpu.core_type = #tpu.core_type<sc_vector_subcore>, window_params = [{transform_indices = #map}, {transform_indices = #map}, {transform_indices = #map}, {transform_indices = #map}, {transform_indices = #map}, {transform_indices = #map}, {transform_indices = #map}, {transform_indices = #map1}]} {
    %mul3A = arith.constant 625 : i32
    %mul3A_0 = arith.muli %arg1, %mul3A : i32
    %mul3A_1 = arith.constant 1000 : i32
    %mul3A_2 = arith.muli %arg1, %mul3A_1 : i32
    %eq3A = arith.constant 0 : i32
    %eq3A_3 = arith.cmpi eq, %arg0, %eq3A : i32
    %scan3A = arith.constant 0 : i32
    %scan3A_4 = arith.constant 8 : i32
    %scan3A_5 = arith.addi %scan3A, %scan3A_4 : i32
    %scan3A_6 = arith.constant 1 : i32
    scf.for %scan3A_563 = %scan3A to %scan3A_5 step %scan3A_6  : i32 {
      %mul3A_564 = arith.constant 16 : i32
      %mul3A_565 = arith.muli %scan3A_563, %mul3A_564 : i32
      %add3A_566 = arith.constant 0 : i32
      %add3A_567 = arith.addi %add3A_566, %mul3A_565 : i32
      %broadcast_in_dim3A = arith.constant 1.000000e+00 : f32
      %broadcast_in_dim3A_568 = vector.broadcast %broadcast_in_dim3A : f32 to vector<16xf32>
      %swap3A = arith.index_cast %add3A_567 : i32 to index
      %swap3A_569 = tpu.vector_load %arg27[%swap3A] {strides = array<i32>} : memref<128xf32, #tpu.memory_space<vmem>>, vector<16xf32>,
      %swap3A_570 = vector.shape_cast %swap3A_569 : vector<16xf32> to vector<16xf32>
      %swap3A_571 = vector.shape_cast %broadcast_in_dim3A_568 : vector<16xf32> to vector<16xf32>
      tpu.vector_store %arg27[%swap3A], %swap3A_571 {strides = array<i32>} : memref<128xf32, #tpu.memory_space<vmem>>, vector<16xf32>,
    }
    %scan3A_7 = arith.constant 8 : i32
    %scan3A_8 = arith.constant 0 : i32
    %scan3A_9 = arith.constant 63 : i32
    %scan3A_10 = arith.addi %scan3A_8, %scan3A_9 : i32
    %scan3A_11 = arith.constant 1 : i32
    scf.for %scan3A_563 = %scan3A_8 to %scan3A_10 step %scan3A_11  : i32 {
      %mul3A_564 = arith.constant 16 : i32
      %mul3A_565 = arith.muli %scan3A_563, %mul3A_564 : i32
      %add3A_566 = arith.constant 0 : i32
      %add3A_567 = arith.addi %add3A_566, %mul3A_565 : i32
      %broadcast_in_dim3A = arith.constant 0.000000e+00 : f32
      %broadcast_in_dim3A_568 = vector.broadcast %broadcast_in_dim3A : f32 to vector<16xf32>
      %swap3A = arith.index_cast %add3A_567 : i32 to index
      %swap3A_569 = tpu.vector_load %arg28[%swap3A] {strides = array<i32>} : memref<1008xf32, #tpu.memory_space<vmem>>, vector<16xf32>,
      %swap3A_570 = vector.shape_cast %swap3A_569 : vector<16xf32> to vector<16xf32>
      %swap3A_571 = vector.shape_cast %broadcast_in_dim3A_568 : vector<16xf32> to vector<16xf32>
      tpu.vector_store %arg28[%swap3A], %swap3A_571 {strides = array<i32>} : memref<1008xf32, #tpu.memory_space<vmem>>, vector<16xf32>,
    }
    %scan3A_12 = arith.constant 63 : i32
    %convert_element_type3A = arith.extui %eq3A_3 : i1 to i32
    %cond3A = arith.constant 0 : i32
    %cond3A_13 = arith.cmpi ne, %convert_element_type3A, %cond3A : i32
    scf.if %cond3A_13 {
      "tpu.region"() ({
        %run_scoped3A = tpu.sem_alloc : memref<!tpu.dma_semaphore, #tpu.memory_space<semaphore_mem>>
        %dma_start3A_567 = arith.constant 0 : i32
        %dma_start3A_568 = tpu.memref_slice %arg10[%mul3A_0, %dma_start3A_567] : memref<10000x64xf32, #tpu.memory_space<vmem_shared>> -> memref<625x64xf32, #tpu.memory_space<vmem_shared>>
        %dma_start3A_569 = arith.constant 0 : i32
        %dma_start3A_570 = tpu.memref_slice %arg2[%mul3A_0, %dma_start3A_569] : memref<10000x64xf32, #tpu.memory_space<hbm>> -> memref<625x64xf32, #tpu.memory_space<hbm>>
        tpu.enqueue_dma source(%dma_start3A_570 : memref<625x64xf32, #tpu.memory_space<hbm>>) target(%dma_start3A_568 : memref<625x64xf32, #tpu.memory_space<vmem_shared>>) target_semaphore(%run_scoped3A : memref<!tpu.dma_semaphore, #tpu.memory_space<semaphore_mem>>)
        %dma_wait3A_571 = arith.constant 0 : i32
        %dma_wait3A_572 = tpu.memref_slice %arg10[%mul3A_0, %dma_wait3A_571] : memref<10000x64xf32, #tpu.memory_space<vmem_shared>> -> memref<625x64xf32, #tpu.memory_space<vmem_shared>>
        %dma_wait3A_573 = arith.constant 0 : i32
        %dma_wait3A_574 = tpu.memref_slice %arg2[%mul3A_0, %dma_wait3A_573] : memref<10000x64xf32, #tpu.memory_space<hbm>> -> memref<625x64xf32, #tpu.memory_space<hbm>>
        tpu.wait_dma2 semaphore(%run_scoped3A : memref<!tpu.dma_semaphore, #tpu.memory_space<semaphore_mem>>) src(%dma_wait3A_574 : memref<625x64xf32, #tpu.memory_space<hbm>>) dst(%dma_wait3A_572 : memref<625x64xf32, #tpu.memory_space<vmem_shared>>)
        tpu.yield
      }) : () -> ()
      %lt3A = arith.constant 10 : i32
      %lt3A_563 = arith.cmpi slt, %arg1, %lt3A : i32
      %convert_element_type3A_564 = arith.extui %lt3A_563 : i1 to i32
      %cond3A_565 = arith.constant 0 : i32
      %cond3A_566 = arith.cmpi ne, %convert_element_type3A_564, %cond3A_565 : i32
      scf.if %cond3A_566 {
        "tpu.region"() ({
          %run_scoped3A = tpu.sem_alloc : memref<!tpu.dma_semaphore, #tpu.memory_space<semaphore_mem>>
          %dma_start3A_567 = arith.constant 0 : i32
          %dma_start3A_568 = tpu.memref_slice %arg28[%dma_start3A_567] : memref<1008xf32, #tpu.memory_space<vmem>> -> memref<1000xf32, #tpu.memory_space<vmem>>
          %dma_start3A_569 = tpu.memref_slice %arg26[%mul3A_2] : memref<10008xf32, #tpu.memory_space<vmem_shared>> -> memref<1000xf32, #tpu.memory_space<vmem_shared>>
          %dma_start3A_570 = tpu.memref_slice %arg26[%mul3A_2] : memref<10008xf32, #tpu.memory_space<vmem_shared>> -> memref<1000xf32, #tpu.memory_space<vmem_shared>>
          %dma_start3A_571 = arith.constant 0 : i32
          %dma_start3A_572 = tpu.memref_slice %arg28[%dma_start3A_571] : memref<1008xf32, #tpu.memory_space<vmem>> -> memref<1000xf32, #tpu.memory_space<vmem>>
          tpu.enqueue_dma source(%dma_start3A_572 : memref<1000xf32, #tpu.memory_space<vmem>>) target(%dma_start3A_570 : memref<1000xf32, #tpu.memory_space<vmem_shared>>) target_semaphore(%run_scoped3A : memref<!tpu.dma_semaphore, #tpu.memory_space<semaphore_mem>>)
          %dma_wait3A_573 = arith.constant 0 : i32
          %dma_wait3A_574 = tpu.memref_slice %arg28[%dma_wait3A_573] : memref<1008xf32, #tpu.memory_space<vmem>> -> memref<1000xf32, #tpu.memory_space<vmem>>
          %dma_wait3A_575 = tpu.memref_slice %arg26[%mul3A_2] : memref<10008xf32, #tpu.memory_space<vmem_shared>> -> memref<1000xf32, #tpu.memory_space<vmem_shared>>
          %dma_wait3A_576 = tpu.memref_slice %arg26[%mul3A_2] : memref<10008xf32, #tpu.memory_space<vmem_shared>> -> memref<1000xf32, #tpu.memory_space<vmem_shared>>
          %dma_wait3A_577 = arith.constant 0 : i32
          %dma_wait3A_578 = tpu.memref_slice %arg28[%dma_wait3A_577] : memref<1008xf32, #tpu.memory_space<vmem>> -> memref<1000xf32, #tpu.memory_space<vmem>>
          tpu.wait_dma2 semaphore(%run_scoped3A : memref<!tpu.dma_semaphore, #tpu.memory_space<semaphore_mem>>) src(%dma_wait3A_578 : memref<1000xf32, #tpu.memory_space<vmem>>) dst(%dma_wait3A_576 : memref<1000xf32, #tpu.memory_space<vmem_shared>>)
          tpu.yield
        }) : () -> ()
      } else {
      }
    } else {
    }
    %eq3A_14 = arith.constant 1 : i32
    %eq3A_15 = arith.cmpi eq, %arg0, %eq3A_14 : i32
    %convert_element_type3A_16 = arith.extui %eq3A_15 : i1 to i32
    %cond3A_17 = arith.constant 0 : i32
    %cond3A_18 = arith.cmpi ne, %convert_element_type3A_16, %cond3A_17 : i32
    scf.if %cond3A_18 {
      "tpu.region"() ({
        %run_scoped3A = tpu.sem_alloc : memref<!tpu.dma_semaphore, #tpu.memory_space<semaphore_mem>>
        %dma_start3A_563 = arith.constant 0 : i32
        %dma_start3A_564 = tpu.memref_slice %arg10[%mul3A_0, %dma_start3A_563] : memref<10000x64xf32, #tpu.memory_space<vmem_shared>> -> memref<625x64xf32, #tpu.memory_space<vmem_shared>>
        %dma_start3A_565 = arith.constant 0 : i32
        %dma_start3A_566 = tpu.memref_slice %arg3[%mul3A_0, %dma_start3A_565] : memref<10000x64xf32, #tpu.memory_space<hbm>> -> memref<625x64xf32, #tpu.memory_space<hbm>>
        tpu.enqueue_dma source(%dma_start3A_566 : memref<625x64xf32, #tpu.memory_space<hbm>>) target(%dma_start3A_564 : memref<625x64xf32, #tpu.memory_space<vmem_shared>>) target_semaphore(%run_scoped3A : memref<!tpu.dma_semaphore, #tpu.memory_space<semaphore_mem>>)
        %dma_wait3A_567 = arith.constant 0 : i32
        %dma_wait3A_568 = tpu.memref_slice %arg10[%mul3A_0, %dma_wait3A_567] : memref<10000x64xf32, #tpu.memory_space<vmem_shared>> -> memref<625x64xf32, #tpu.memory_space<vmem_shared>>
        %dma_wait3A_569 = arith.constant 0 : i32
        %dma_wait3A_570 = tpu.memref_slice %arg3[%mul3A_0, %dma_wait3A_569] : memref<10000x64xf32, #tpu.memory_space<hbm>> -> memref<625x64xf32, #tpu.memory_space<hbm>>
        tpu.wait_dma2 semaphore(%run_scoped3A : memref<!tpu.dma_semaphore, #tpu.memory_space<semaphore_mem>>) src(%dma_wait3A_570 : memref<625x64xf32, #tpu.memory_space<hbm>>) dst(%dma_wait3A_568 : memref<625x64xf32, #tpu.memory_space<vmem_shared>>)
        tpu.yield
      }) : () -> ()
    } else {
    }
    "tpu.region"() ({
      %run_scoped3A = tpu.sem_alloc : memref<!tpu.dma_semaphore, #tpu.memory_space<semaphore_mem>>
      %dma_start3A_563 = arith.constant 0 : i32
      %dma_start3A_564 = tpu.memref_slice %arg11[%mul3A_0, %dma_start3A_563] : memref<10008x64xf32, #tpu.memory_space<vmem_shared>> -> memref<625x64xf32, #tpu.memory_space<vmem_shared>>
      %dma_start3A_565 = arith.constant 0 : i32
      %dma_start3A_566 = tpu.memref_slice %arg6[%mul3A_0, %dma_start3A_565] : memref<10000x64xf32, #tpu.memory_space<hbm>> -> memref<625x64xf32, #tpu.memory_space<hbm>>
      tpu.enqueue_dma source(%dma_start3A_566 : memref<625x64xf32, #tpu.memory_space<hbm>>) target(%dma_start3A_564 : memref<625x64xf32, #tpu.memory_space<vmem_shared>>) target_semaphore(%run_scoped3A : memref<!tpu.dma_semaphore, #tpu.memory_space<semaphore_mem>>)
      %dma_wait3A_567 = arith.constant 0 : i32
      %dma_wait3A_568 = tpu.memref_slice %arg11[%mul3A_0, %dma_wait3A_567] : memref<10008x64xf32, #tpu.memory_space<vmem_shared>> -> memref<625x64xf32, #tpu.memory_space<vmem_shared>>
      %dma_wait3A_569 = arith.constant 0 : i32
      %dma_wait3A_570 = tpu.memref_slice %arg6[%mul3A_0, %dma_wait3A_569] : memref<10000x64xf32, #tpu.memory_space<hbm>> -> memref<625x64xf32, #tpu.memory_space<hbm>>
      tpu.wait_dma2 semaphore(%run_scoped3A : memref<!tpu.dma_semaphore, #tpu.memory_space<semaphore_mem>>) src(%dma_wait3A_570 : memref<625x64xf32, #tpu.memory_space<hbm>>) dst(%dma_wait3A_568 : memref<625x64xf32, #tpu.memory_space<vmem_shared>>)
      tpu.yield
    }) : () -> ()
    %barrier3A = arith.constant 0 : index
    tpu.barrier barrier_id(%barrier3A)
    %mul3A_19 = arith.constant 160 : i32
    %mul3A_20 = arith.muli %arg1, %mul3A_19 : i32
    %add3A = arith.constant 0 : i32
    %add3A_21 = arith.addi %mul3A_20, %add3A : i32
    "tpu.region"() ({
      %run_scoped3A = tpu.sem_alloc : memref<!tpu.dma_semaphore, #tpu.memory_space<semaphore_mem>>
      %dma_start3A_563 = arith.constant 0 : i32
      %dma_start3A_564 = tpu.memref_slice %arg4[%add3A_21, %dma_start3A_563] : memref<2560x128xi32, #tpu.memory_space<hbm>> -> memref<40x128xi32, #tpu.memory_space<hbm>>
      %dma_start3A_565 = arith.constant 0 : i32
      %dma_start3A_566 = tpu.memref_slice %arg4[%add3A_21, %dma_start3A_565] : memref<2560x128xi32, #tpu.memory_space<hbm>> -> memref<40x128xi32, #tpu.memory_space<hbm>>
      tpu.enqueue_dma source(%dma_start3A_566 : memref<40x128xi32, #tpu.memory_space<hbm>>) target(%arg12 : memref<40x128xi32, #tpu.memory_space<vmem>>) target_semaphore(%run_scoped3A : memref<!tpu.dma_semaphore, #tpu.memory_space<semaphore_mem>>)
      %dma_wait3A_567 = arith.constant 0 : i32
      %dma_wait3A_568 = tpu.memref_slice %arg4[%add3A_21, %dma_wait3A_567] : memref<2560x128xi32, #tpu.memory_space<hbm>> -> memref<40x128xi32, #tpu.memory_space<hbm>>
      %dma_wait3A_569 = arith.constant 0 : i32
      %dma_wait3A_570 = tpu.memref_slice %arg4[%add3A_21, %dma_wait3A_569] : memref<2560x128xi32, #tpu.memory_space<hbm>> -> memref<40x128xi32, #tpu.memory_space<hbm>>
      tpu.wait_dma2 semaphore(%run_scoped3A : memref<!tpu.dma_semaphore, #tpu.memory_space<semaphore_mem>>) src(%dma_wait3A_570 : memref<40x128xi32, #tpu.memory_space<hbm>>) dst(%arg12 : memref<40x128xi32, #tpu.memory_space<vmem>>)
      tpu.yield
    }) : () -> ()
    "tpu.region"() ({
      %run_scoped3A = tpu.sem_alloc : memref<!tpu.dma_semaphore, #tpu.memory_space<semaphore_mem>>
      %dma_start3A_563 = arith.constant 0 : i32
      %dma_start3A_564 = tpu.memref_slice %arg5[%add3A_21, %dma_start3A_563] : memref<2560x128xi32, #tpu.memory_space<hbm>> -> memref<40x128xi32, #tpu.memory_space<hbm>>
      %dma_start3A_565 = arith.constant 0 : i32
      %dma_start3A_566 = tpu.memref_slice %arg5[%add3A_21, %dma_start3A_565] : memref<2560x128xi32, #tpu.memory_space<hbm>> -> memref<40x128xi32, #tpu.memory_space<hbm>>
      tpu.enqueue_dma source(%dma_start3A_566 : memref<40x128xi32, #tpu.memory_space<hbm>>) target(%arg13 : memref<40x128xi32, #tpu.memory_space<vmem>>) target_semaphore(%run_scoped3A : memref<!tpu.dma_semaphore, #tpu.memory_space<semaphore_mem>>)
      %dma_wait3A_567 = arith.constant 0 : i32
      %dma_wait3A_568 = tpu.memref_slice %arg5[%add3A_21, %dma_wait3A_567] : memref<2560x128xi32, #tpu.memory_space<hbm>> -> memref<40x128xi32, #tpu.memory_space<hbm>>
      %dma_wait3A_569 = arith.constant 0 : i32
      %dma_wait3A_570 = tpu.memref_slice %arg5[%add3A_21, %dma_wait3A_569] : memref<2560x128xi32, #tpu.memory_space<hbm>> -> memref<40x128xi32, #tpu.memory_space<hbm>>
      tpu.wait_dma2 semaphore(%run_scoped3A : memref<!tpu.dma_semaphore, #tpu.memory_space<semaphore_mem>>) src(%dma_wait3A_570 : memref<40x128xi32, #tpu.memory_space<hbm>>) dst(%arg13 : memref<40x128xi32, #tpu.memory_space<vmem>>)
      tpu.yield
    }) : () -> ()
    %dma_start3A = arith.constant 0 : i32
    %dma_start3A_22 = arith.constant 0 : i32
    %dma_start3A_23 = tpu.memref_slice %arg12[%dma_start3A, %dma_start3A_22] : memref<40x128xi32, #tpu.memory_space<vmem>> -> memref<1x128xi32, #tpu.memory_space<vmem>>
    %dma_start3A_24 = tpu.memref_squeeze %dma_start3A_23 : memref<1x128xi32, #tpu.memory_space<vmem>> -> memref<128xi32, #tpu.memory_space<vmem>>
    %dma_start3A_25 = arith.constant 0 : i32
    %dma_start3A_26 = arith.constant 0 : i32
    %dma_start3A_27 = tpu.memref_slice %arg10[%dma_start3A_25, %dma_start3A_26] : memref<10000x64xf32, #tpu.memory_space<vmem_shared>> -> memref<10000x64xf32, #tpu.memory_space<vmem_shared>>
    tpu.enqueue_indirect_dma source(%dma_start3A_27 : memref<10000x64xf32, #tpu.memory_space<vmem_shared>>) target(%arg14 : memref<128x64xf32, #tpu.memory_space<vmem>>) offsets(%dma_start3A_24 : memref<128xi32, #tpu.memory_space<vmem>>) semaphore(%arg18 : memref<!tpu.dma_semaphore, #tpu.memory_space<semaphore_mem>>)
    %dma_start3A_28 = arith.constant 1 : i32
    %dma_start3A_29 = arith.constant 0 : i32
    %dma_start3A_30 = tpu.memref_slice %arg12[%dma_start3A_28, %dma_start3A_29] : memref<40x128xi32, #tpu.memory_space<vmem>> -> memref<1x128xi32, #tpu.memory_space<vmem>>
    %dma_start3A_31 = tpu.memref_squeeze %dma_start3A_30 : memref<1x128xi32, #tpu.memory_space<vmem>> -> memref<128xi32, #tpu.memory_space<vmem>>
    %dma_start3A_32 = arith.constant 0 : i32
    %dma_start3A_33 = arith.constant 0 : i32
    %dma_start3A_34 = tpu.memref_slice %arg10[%dma_start3A_32, %dma_start3A_33] : memref<10000x64xf32, #tpu.memory_space<vmem_shared>> -> memref<10000x64xf32, #tpu.memory_space<vmem_shared>>
    tpu.enqueue_indirect_dma source(%dma_start3A_34 : memref<10000x64xf32, #tpu.memory_space<vmem_shared>>) target(%arg15 : memref<128x64xf32, #tpu.memory_space<vmem>>) offsets(%dma_start3A_31 : memref<128xi32, #tpu.memory_space<vmem>>) semaphore(%arg19 : memref<!tpu.dma_semaphore, #tpu.memory_space<semaphore_mem>>)
    %dma_start3A_35 = arith.constant 2 : i32
    %dma_start3A_36 = arith.constant 0 : i32
    %dma_start3A_37 = tpu.memref_slice %arg12[%dma_start3A_35, %dma_start3A_36] : memref<40x128xi32, #tpu.memory_space<vmem>> -> memref<1x128xi32, #tpu.memory_space<vmem>>
    %dma_start3A_38 = tpu.memref_squeeze %dma_start3A_37 : memref<1x128xi32, #tpu.memory_space<vmem>> -> memref<128xi32, #tpu.memory_space<vmem>>
    %dma_start3A_39 = arith.constant 0 : i32
    %dma_start3A_40 = arith.constant 0 : i32
    %dma_start3A_41 = tpu.memref_slice %arg10[%dma_start3A_39, %dma_start3A_40] : memref<10000x64xf32, #tpu.memory_space<vmem_shared>> -> memref<10000x64xf32, #tpu.memory_space<vmem_shared>>
    tpu.enqueue_indirect_dma source(%dma_start3A_41 : memref<10000x64xf32, #tpu.memory_space<vmem_shared>>) target(%arg16 : memref<128x64xf32, #tpu.memory_space<vmem>>) offsets(%dma_start3A_38 : memref<128xi32, #tpu.memory_space<vmem>>) semaphore(%arg20 : memref<!tpu.dma_semaphore, #tpu.memory_space<semaphore_mem>>)
    %dma_start3A_42 = arith.constant 3 : i32
    %dma_start3A_43 = arith.constant 0 : i32
    %dma_start3A_44 = tpu.memref_slice %arg12[%dma_start3A_42, %dma_start3A_43] : memref<40x128xi32, #tpu.memory_space<vmem>> -> memref<1x128xi32, #tpu.memory_space<vmem>>
    %dma_start3A_45 = tpu.memref_squeeze %dma_start3A_44 : memref<1x128xi32, #tpu.memory_space<vmem>> -> memref<128xi32, #tpu.memory_space<vmem>>
    %dma_start3A_46 = arith.constant 0 : i32
    %dma_start3A_47 = arith.constant 0 : i32
    %dma_start3A_48 = tpu.memref_slice %arg10[%dma_start3A_46, %dma_start3A_47] : memref<10000x64xf32, #tpu.memory_space<vmem_shared>> -> memref<10000x64xf32, #tpu.memory_space<vmem_shared>>
    tpu.enqueue_indirect_dma source(%dma_start3A_48 : memref<10000x64xf32, #tpu.memory_space<vmem_shared>>) target(%arg17 : memref<128x64xf32, #tpu.memory_space<vmem>>) offsets(%dma_start3A_45 : memref<128xi32, #tpu.memory_space<vmem>>) semaphore(%arg21 : memref<!tpu.dma_semaphore, #tpu.memory_space<semaphore_mem>>)
    %scan3A_49 = arith.constant 0 : i32
    %scan3A_50 = arith.constant 9 : i32
    %scan3A_51 = arith.addi %scan3A_49, %scan3A_50 : i32
    %scan3A_52 = arith.constant 1 : i32
    scf.for %scan3A_563 = %scan3A_49 to %scan3A_51 step %scan3A_52  : i32 {
      %mul3A_564 = arith.constant 4 : i32
      %mul3A_565 = arith.muli %scan3A_563, %mul3A_564 : i32
      %add3A_566 = arith.constant 0 : i32
      %add3A_567 = arith.addi %add3A_566, %mul3A_565 : i32
      %add3A_568 = arith.constant 0 : i32
      %add3A_569 = arith.addi %add3A_567, %add3A_568 : i32
      %dma_wait3A_570 = arith.constant 0 : i32
      %dma_wait3A_571 = tpu.memref_slice %arg12[%add3A_569, %dma_wait3A_570] : memref<40x128xi32, #tpu.memory_space<vmem>> -> memref<1x128xi32, #tpu.memory_space<vmem>>
      %dma_wait3A_572 = tpu.memref_squeeze %dma_wait3A_571 : memref<1x128xi32, #tpu.memory_space<vmem>> -> memref<128xi32, #tpu.memory_space<vmem>>
      %dma_wait3A_573 = arith.constant 0 : i32
      %dma_wait3A_574 = arith.constant 0 : i32
      %dma_wait3A_575 = tpu.memref_slice %arg10[%dma_wait3A_573, %dma_wait3A_574] : memref<10000x64xf32, #tpu.memory_space<vmem_shared>> -> memref<10000x64xf32, #tpu.memory_space<vmem_shared>>
      tpu.wait_indirect_dma semaphore(%arg18 : memref<!tpu.dma_semaphore, #tpu.memory_space<semaphore_mem>>) src(%dma_wait3A_575 : memref<10000x64xf32, #tpu.memory_space<vmem_shared>>) dst(%arg14 : memref<128x64xf32, #tpu.memory_space<vmem>>)
      %add3A_576 = arith.constant 0 : i32
      %add3A_577 = arith.addi %add3A_567, %add3A_576 : i32
      %dma_start3A_578 = arith.constant 0 : i32
      %dma_start3A_579 = tpu.memref_slice %arg13[%add3A_577, %dma_start3A_578] : memref<40x128xi32, #tpu.memory_space<vmem>> -> memref<1x128xi32, #tpu.memory_space<vmem>>
      %dma_start3A_580 = tpu.memref_squeeze %dma_start3A_579 : memref<1x128xi32, #tpu.memory_space<vmem>> -> memref<128xi32, #tpu.memory_space<vmem>>
      %dma_start3A_581 = arith.constant 0 : i32
      %dma_start3A_582 = arith.constant 0 : i32
      %dma_start3A_583 = tpu.memref_slice %arg11[%dma_start3A_581, %dma_start3A_582] : memref<10008x64xf32, #tpu.memory_space<vmem_shared>> -> memref<10008x64xf32, #tpu.memory_space<vmem_shared>>
      tpu.enqueue_indirect_dma source(%arg14 : memref<128x64xf32, #tpu.memory_space<vmem>>) target(%dma_start3A_583 : memref<10008x64xf32, #tpu.memory_space<vmem_shared>>) offsets(%dma_start3A_580 : memref<128xi32, #tpu.memory_space<vmem>>) semaphore(%arg22 : memref<!tpu.dma_semaphore, #tpu.memory_space<semaphore_mem>>) {add = true}
      %add3A_584 = arith.constant 0 : i32
      %add3A_585 = arith.addi %add3A_567, %add3A_584 : i32
      %convert_element_type3A_586 = arith.extui %eq3A_3 : i1 to i32
      %cond3A_587 = arith.constant 0 : i32
      %cond3A_588 = arith.cmpi ne, %convert_element_type3A_586, %cond3A_587 : i32
      scf.if %cond3A_588 {
        %dma_start3A_727 = arith.constant 0 : i32
        %dma_start3A_728 = tpu.memref_slice %arg27[%dma_start3A_727] : memref<128xf32, #tpu.memory_space<vmem>> -> memref<128xf32, #tpu.memory_space<vmem>>
        %dma_start3A_729 = arith.constant 0 : i32
        %dma_start3A_730 = tpu.memref_slice %arg13[%add3A_585, %dma_start3A_729] : memref<40x128xi32, #tpu.memory_space<vmem>> -> memref<1x128xi32, #tpu.memory_space<vmem>>
        %dma_start3A_731 = tpu.memref_squeeze %dma_start3A_730 : memref<1x128xi32, #tpu.memory_space<vmem>> -> memref<128xi32, #tpu.memory_space<vmem>>
        %dma_start3A_732 = arith.constant 0 : i32
        %dma_start3A_733 = tpu.memref_slice %arg26[%dma_start3A_732] : memref<10008xf32, #tpu.memory_space<vmem_shared>> -> memref<10008xf32, #tpu.memory_space<vmem_shared>>
        tpu.enqueue_indirect_dma source(%dma_start3A_728 : memref<128xf32, #tpu.memory_space<vmem>>) target(%dma_start3A_733 : memref<10008xf32, #tpu.memory_space<vmem_shared>>) offsets(%dma_start3A_731 : memref<128xi32, #tpu.memory_space<vmem>>) semaphore(%arg29 : memref<!tpu.dma_semaphore, #tpu.memory_space<semaphore_mem>>) {add = true}
      } else {
      }
      %add3A_589 = arith.constant 1 : i32
      %add3A_590 = arith.addi %add3A_567, %add3A_589 : i32
      %dma_wait3A_591 = arith.constant 0 : i32
      %dma_wait3A_592 = tpu.memref_slice %arg12[%add3A_590, %dma_wait3A_591] : memref<40x128xi32, #tpu.memory_space<vmem>> -> memref<1x128xi32, #tpu.memory_space<vmem>>
      %dma_wait3A_593 = tpu.memref_squeeze %dma_wait3A_592 : memref<1x128xi32, #tpu.memory_space<vmem>> -> memref<128xi32, #tpu.memory_space<vmem>>
      %dma_wait3A_594 = arith.constant 0 : i32
      %dma_wait3A_595 = arith.constant 0 : i32
      %dma_wait3A_596 = tpu.memref_slice %arg10[%dma_wait3A_594, %dma_wait3A_595] : memref<10000x64xf32, #tpu.memory_space<vmem_shared>> -> memref<10000x64xf32, #tpu.memory_space<vmem_shared>>
      tpu.wait_indirect_dma semaphore(%arg19 : memref<!tpu.dma_semaphore, #tpu.memory_space<semaphore_mem>>) src(%dma_wait3A_596 : memref<10000x64xf32, #tpu.memory_space<vmem_shared>>) dst(%arg15 : memref<128x64xf32, #tpu.memory_space<vmem>>)
      %add3A_597 = arith.constant 1 : i32
      %add3A_598 = arith.addi %add3A_567, %add3A_597 : i32
      %dma_start3A_599 = arith.constant 0 : i32
      %dma_start3A_600 = tpu.memref_slice %arg13[%add3A_598, %dma_start3A_599] : memref<40x128xi32, #tpu.memory_space<vmem>> -> memref<1x128xi32, #tpu.memory_space<vmem>>
      %dma_start3A_601 = tpu.memref_squeeze %dma_start3A_600 : memref<1x128xi32, #tpu.memory_space<vmem>> -> memref<128xi32, #tpu.memory_space<vmem>>
      %dma_start3A_602 = arith.constant 0 : i32
      %dma_start3A_603 = arith.constant 0 : i32
      %dma_start3A_604 = tpu.memref_slice %arg11[%dma_start3A_602, %dma_start3A_603] : memref<10008x64xf32, #tpu.memory_space<vmem_shared>> -> memref<10008x64xf32, #tpu.memory_space<vmem_shared>>
      tpu.enqueue_indirect_dma source(%arg15 : memref<128x64xf32, #tpu.memory_space<vmem>>) target(%dma_start3A_604 : memref<10008x64xf32, #tpu.memory_space<vmem_shared>>) offsets(%dma_start3A_601 : memref<128xi32, #tpu.memory_space<vmem>>) semaphore(%arg23 : memref<!tpu.dma_semaphore, #tpu.memory_space<semaphore_mem>>) {add = true}
      %add3A_605 = arith.constant 1 : i32
      %add3A_606 = arith.addi %add3A_567, %add3A_605 : i32
      %convert_element_type3A_607 = arith.extui %eq3A_3 : i1 to i32
      %cond3A_608 = arith.constant 0 : i32
      %cond3A_609 = arith.cmpi ne, %convert_element_type3A_607, %cond3A_608 : i32
      scf.if %cond3A_609 {
        %dma_start3A_727 = arith.constant 0 : i32
        %dma_start3A_728 = tpu.memref_slice %arg27[%dma_start3A_727] : memref<128xf32, #tpu.memory_space<vmem>> -> memref<128xf32, #tpu.memory_space<vmem>>
        %dma_start3A_729 = arith.constant 0 : i32
        %dma_start3A_730 = tpu.memref_slice %arg13[%add3A_606, %dma_start3A_729] : memref<40x128xi32, #tpu.memory_space<vmem>> -> memref<1x128xi32, #tpu.memory_space<vmem>>
        %dma_start3A_731 = tpu.memref_squeeze %dma_start3A_730 : memref<1x128xi32, #tpu.memory_space<vmem>> -> memref<128xi32, #tpu.memory_space<vmem>>
        %dma_start3A_732 = arith.constant 0 : i32
        %dma_start3A_733 = tpu.memref_slice %arg26[%dma_start3A_732] : memref<10008xf32, #tpu.memory_space<vmem_shared>> -> memref<10008xf32, #tpu.memory_space<vmem_shared>>
        tpu.enqueue_indirect_dma source(%dma_start3A_728 : memref<128xf32, #tpu.memory_space<vmem>>) target(%dma_start3A_733 : memref<10008xf32, #tpu.memory_space<vmem_shared>>) offsets(%dma_start3A_731 : memref<128xi32, #tpu.memory_space<vmem>>) semaphore(%arg29 : memref<!tpu.dma_semaphore, #tpu.memory_space<semaphore_mem>>) {add = true}
      } else {
      }
      %add3A_610 = arith.constant 2 : i32
      %add3A_611 = arith.addi %add3A_567, %add3A_610 : i32
      %dma_wait3A_612 = arith.constant 0 : i32
      %dma_wait3A_613 = tpu.memref_slice %arg12[%add3A_611, %dma_wait3A_612] : memref<40x128xi32, #tpu.memory_space<vmem>> -> memref<1x128xi32, #tpu.memory_space<vmem>>
      %dma_wait3A_614 = tpu.memref_squeeze %dma_wait3A_613 : memref<1x128xi32, #tpu.memory_space<vmem>> -> memref<128xi32, #tpu.memory_space<vmem>>
      %dma_wait3A_615 = arith.constant 0 : i32
      %dma_wait3A_616 = arith.constant 0 : i32
      %dma_wait3A_617 = tpu.memref_slice %arg10[%dma_wait3A_615, %dma_wait3A_616] : memref<10000x64xf32, #tpu.memory_space<vmem_shared>> -> memref<10000x64xf32, #tpu.memory_space<vmem_shared>>
      tpu.wait_indirect_dma semaphore(%arg20 : memref<!tpu.dma_semaphore, #tpu.memory_space<semaphore_mem>>) src(%dma_wait3A_617 : memref<10000x64xf32, #tpu.memory_space<vmem_shared>>) dst(%arg16 : memref<128x64xf32, #tpu.memory_space<vmem>>)
      %add3A_618 = arith.constant 2 : i32
      %add3A_619 = arith.addi %add3A_567, %add3A_618 : i32
      %dma_start3A_620 = arith.constant 0 : i32
      %dma_start3A_621 = tpu.memref_slice %arg13[%add3A_619, %dma_start3A_620] : memref<40x128xi32, #tpu.memory_space<vmem>> -> memref<1x128xi32, #tpu.memory_space<vmem>>
      %dma_start3A_622 = tpu.memref_squeeze %dma_start3A_621 : memref<1x128xi32, #tpu.memory_space<vmem>> -> memref<128xi32, #tpu.memory_space<vmem>>
      %dma_start3A_623 = arith.constant 0 : i32
      %dma_start3A_624 = arith.constant 0 : i32
      %dma_start3A_625 = tpu.memref_slice %arg11[%dma_start3A_623, %dma_start3A_624] : memref<10008x64xf32, #tpu.memory_space<vmem_shared>> -> memref<10008x64xf32, #tpu.memory_space<vmem_shared>>
      tpu.enqueue_indirect_dma source(%arg16 : memref<128x64xf32, #tpu.memory_space<vmem>>) target(%dma_start3A_625 : memref<10008x64xf32, #tpu.memory_space<vmem_shared>>) offsets(%dma_start3A_622 : memref<128xi32, #tpu.memory_space<vmem>>) semaphore(%arg24 : memref<!tpu.dma_semaphore, #tpu.memory_space<semaphore_mem>>) {add = true}
      %add3A_626 = arith.constant 2 : i32
      %add3A_627 = arith.addi %add3A_567, %add3A_626 : i32
      %convert_element_type3A_628 = arith.extui %eq3A_3 : i1 to i32
      %cond3A_629 = arith.constant 0 : i32
      %cond3A_630 = arith.cmpi ne, %convert_element_type3A_628, %cond3A_629 : i32
      scf.if %cond3A_630 {
        %dma_start3A_727 = arith.constant 0 : i32
        %dma_start3A_728 = tpu.memref_slice %arg27[%dma_start3A_727] : memref<128xf32, #tpu.memory_space<vmem>> -> memref<128xf32, #tpu.memory_space<vmem>>
        %dma_start3A_729 = arith.constant 0 : i32
        %dma_start3A_730 = tpu.memref_slice %arg13[%add3A_627, %dma_start3A_729] : memref<40x128xi32, #tpu.memory_space<vmem>> -> memref<1x128xi32, #tpu.memory_space<vmem>>
        %dma_start3A_731 = tpu.memref_squeeze %dma_start3A_730 : memref<1x128xi32, #tpu.memory_space<vmem>> -> memref<128xi32, #tpu.memory_space<vmem>>
        %dma_start3A_732 = arith.constant 0 : i32
        %dma_start3A_733 = tpu.memref_slice %arg26[%dma_start3A_732] : memref<10008xf32, #tpu.memory_space<vmem_shared>> -> memref<10008xf32, #tpu.memory_space<vmem_shared>>
        tpu.enqueue_indirect_dma source(%dma_start3A_728 : memref<128xf32, #tpu.memory_space<vmem>>) target(%dma_start3A_733 : memref<10008xf32, #tpu.memory_space<vmem_shared>>) offsets(%dma_start3A_731 : memref<128xi32, #tpu.memory_space<vmem>>) semaphore(%arg29 : memref<!tpu.dma_semaphore, #tpu.memory_space<semaphore_mem>>) {add = true}
      } else {
      }
      %add3A_631 = arith.constant 3 : i32
      %add3A_632 = arith.addi %add3A_567, %add3A_631 : i32
      %dma_wait3A_633 = arith.constant 0 : i32
      %dma_wait3A_634 = tpu.memref_slice %arg12[%add3A_632, %dma_wait3A_633] : memref<40x128xi32, #tpu.memory_space<vmem>> -> memref<1x128xi32, #tpu.memory_space<vmem>>
      %dma_wait3A_635 = tpu.memref_squeeze %dma_wait3A_634 : memref<1x128xi32, #tpu.memory_space<vmem>> -> memref<128xi32, #tpu.memory_space<vmem>>
      %dma_wait3A_636 = arith.constant 0 : i32
      %dma_wait3A_637 = arith.constant 0 : i32
      %dma_wait3A_638 = tpu.memref_slice %arg10[%dma_wait3A_636, %dma_wait3A_637] : memref<10000x64xf32, #tpu.memory_space<vmem_shared>> -> memref<10000x64xf32, #tpu.memory_space<vmem_shared>>
      tpu.wait_indirect_dma semaphore(%arg21 : memref<!tpu.dma_semaphore, #tpu.memory_space<semaphore_mem>>) src(%dma_wait3A_638 : memref<10000x64xf32, #tpu.memory_space<vmem_shared>>) dst(%arg17 : memref<128x64xf32, #tpu.memory_space<vmem>>)
      %add3A_639 = arith.constant 3 : i32
      %add3A_640 = arith.addi %add3A_567, %add3A_639 : i32
      %dma_start3A_641 = arith.constant 0 : i32
      %dma_start3A_642 = tpu.memref_slice %arg13[%add3A_640, %dma_start3A_641] : memref<40x128xi32, #tpu.memory_space<vmem>> -> memref<1x128xi32, #tpu.memory_space<vmem>>
      %dma_start3A_643 = tpu.memref_squeeze %dma_start3A_642 : memref<1x128xi32, #tpu.memory_space<vmem>> -> memref<128xi32, #tpu.memory_space<vmem>>
      %dma_start3A_644 = arith.constant 0 : i32
      %dma_start3A_645 = arith.constant 0 : i32
      %dma_start3A_646 = tpu.memref_slice %arg11[%dma_start3A_644, %dma_start3A_645] : memref<10008x64xf32, #tpu.memory_space<vmem_shared>> -> memref<10008x64xf32, #tpu.memory_space<vmem_shared>>
      tpu.enqueue_indirect_dma source(%arg17 : memref<128x64xf32, #tpu.memory_space<vmem>>) target(%dma_start3A_646 : memref<10008x64xf32, #tpu.memory_space<vmem_shared>>) offsets(%dma_start3A_643 : memref<128xi32, #tpu.memory_space<vmem>>) semaphore(%arg25 : memref<!tpu.dma_semaphore, #tpu.memory_space<semaphore_mem>>) {add = true}
      %add3A_647 = arith.constant 3 : i32
      %add3A_648 = arith.addi %add3A_567, %add3A_647 : i32
      %convert_element_type3A_649 = arith.extui %eq3A_3 : i1 to i32
      %cond3A_650 = arith.constant 0 : i32
      %cond3A_651 = arith.cmpi ne, %convert_element_type3A_649, %cond3A_650 : i32
      scf.if %cond3A_651 {
        %dma_start3A_727 = arith.constant 0 : i32
        %dma_start3A_728 = tpu.memref_slice %arg27[%dma_start3A_727] : memref<128xf32, #tpu.memory_space<vmem>> -> memref<128xf32, #tpu.memory_space<vmem>>
        %dma_start3A_729 = arith.constant 0 : i32
        %dma_start3A_730 = tpu.memref_slice %arg13[%add3A_648, %dma_start3A_729] : memref<40x128xi32, #tpu.memory_space<vmem>> -> memref<1x128xi32, #tpu.memory_space<vmem>>
        %dma_start3A_731 = tpu.memref_squeeze %dma_start3A_730 : memref<1x128xi32, #tpu.memory_space<vmem>> -> memref<128xi32, #tpu.memory_space<vmem>>
        %dma_start3A_732 = arith.constant 0 : i32
        %dma_start3A_733 = tpu.memref_slice %arg26[%dma_start3A_732] : memref<10008xf32, #tpu.memory_space<vmem_shared>> -> memref<10008xf32, #tpu.memory_space<vmem_shared>>
        tpu.enqueue_indirect_dma source(%dma_start3A_728 : memref<128xf32, #tpu.memory_space<vmem>>) target(%dma_start3A_733 : memref<10008xf32, #tpu.memory_space<vmem_shared>>) offsets(%dma_start3A_731 : memref<128xi32, #tpu.memory_space<vmem>>) semaphore(%arg29 : memref<!tpu.dma_semaphore, #tpu.memory_space<semaphore_mem>>) {add = true}
      } else {
      }
      %add3A_652 = arith.constant 0 : i32
      %add3A_653 = arith.addi %add3A_567, %add3A_652 : i32
      %dma_wait3A_654 = arith.constant 0 : i32
      %dma_wait3A_655 = tpu.memref_slice %arg13[%add3A_653, %dma_wait3A_654] : memref<40x128xi32, #tpu.memory_space<vmem>> -> memref<1x128xi32, #tpu.memory_space<vmem>>
      %dma_wait3A_656 = tpu.memref_squeeze %dma_wait3A_655 : memref<1x128xi32, #tpu.memory_space<vmem>> -> memref<128xi32, #tpu.memory_space<vmem>>
      %dma_wait3A_657 = arith.constant 0 : i32
      %dma_wait3A_658 = arith.constant 0 : i32
      %dma_wait3A_659 = tpu.memref_slice %arg11[%dma_wait3A_657, %dma_wait3A_658] : memref<10008x64xf32, #tpu.memory_space<vmem_shared>> -> memref<10008x64xf32, #tpu.memory_space<vmem_shared>>
      tpu.wait_indirect_dma semaphore(%arg22 : memref<!tpu.dma_semaphore, #tpu.memory_space<semaphore_mem>>) src(%arg14 : memref<128x64xf32, #tpu.memory_space<vmem>>) dst(%dma_wait3A_659 : memref<10008x64xf32, #tpu.memory_space<vmem_shared>>)
      %add3A_660 = arith.constant 0 : i32
      %add3A_661 = arith.addi %add3A_567, %add3A_660 : i32
      %add3A_662 = arith.constant 4 : i32
      %add3A_663 = arith.addi %add3A_661, %add3A_662 : i32
      %dma_start3A_664 = arith.constant 0 : i32
      %dma_start3A_665 = tpu.memref_slice %arg12[%add3A_663, %dma_start3A_664] : memref<40x128xi32, #tpu.memory_space<vmem>> -> memref<1x128xi32, #tpu.memory_space<vmem>>
      %dma_start3A_666 = tpu.memref_squeeze %dma_start3A_665 : memref<1x128xi32, #tpu.memory_space<vmem>> -> memref<128xi32, #tpu.memory_space<vmem>>
      %dma_start3A_667 = arith.constant 0 : i32
      %dma_start3A_668 = arith.constant 0 : i32
      %dma_start3A_669 = tpu.memref_slice %arg10[%dma_start3A_667, %dma_start3A_668] : memref<10000x64xf32, #tpu.memory_space<vmem_shared>> -> memref<10000x64xf32, #tpu.memory_space<vmem_shared>>
      tpu.enqueue_indirect_dma source(%dma_start3A_669 : memref<10000x64xf32, #tpu.memory_space<vmem_shared>>) target(%arg14 : memref<128x64xf32, #tpu.memory_space<vmem>>) offsets(%dma_start3A_666 : memref<128xi32, #tpu.memory_space<vmem>>) semaphore(%arg18 : memref<!tpu.dma_semaphore, #tpu.memory_space<semaphore_mem>>)
      %add3A_670 = arith.constant 1 : i32
      %add3A_671 = arith.addi %add3A_567, %add3A_670 : i32
      %dma_wait3A_672 = arith.constant 0 : i32
      %dma_wait3A_673 = tpu.memref_slice %arg13[%add3A_671, %dma_wait3A_672] : memref<40x128xi32, #tpu.memory_space<vmem>> -> memref<1x128xi32, #tpu.memory_space<vmem>>
      %dma_wait3A_674 = tpu.memref_squeeze %dma_wait3A_673 : memref<1x128xi32, #tpu.memory_space<vmem>> -> memref<128xi32, #tpu.memory_space<vmem>>
      %dma_wait3A_675 = arith.constant 0 : i32
      %dma_wait3A_676 = arith.constant 0 : i32
      %dma_wait3A_677 = tpu.memref_slice %arg11[%dma_wait3A_675, %dma_wait3A_676] : memref<10008x64xf32, #tpu.memory_space<vmem_shared>> -> memref<10008x64xf32, #tpu.memory_space<vmem_shared>>
      tpu.wait_indirect_dma semaphore(%arg23 : memref<!tpu.dma_semaphore, #tpu.memory_space<semaphore_mem>>) src(%arg15 : memref<128x64xf32, #tpu.memory_space<vmem>>) dst(%dma_wait3A_677 : memref<10008x64xf32, #tpu.memory_space<vmem_shared>>)
      %add3A_678 = arith.constant 1 : i32
      %add3A_679 = arith.addi %add3A_567, %add3A_678 : i32
      %add3A_680 = arith.constant 4 : i32
      %add3A_681 = arith.addi %add3A_679, %add3A_680 : i32
      %dma_start3A_682 = arith.constant 0 : i32
      %dma_start3A_683 = tpu.memref_slice %arg12[%add3A_681, %dma_start3A_682] : memref<40x128xi32, #tpu.memory_space<vmem>> -> memref<1x128xi32, #tpu.memory_space<vmem>>
      %dma_start3A_684 = tpu.memref_squeeze %dma_start3A_683 : memref<1x128xi32, #tpu.memory_space<vmem>> -> memref<128xi32, #tpu.memory_space<vmem>>
      %dma_start3A_685 = arith.constant 0 : i32
      %dma_start3A_686 = arith.constant 0 : i32
      %dma_start3A_687 = tpu.memref_slice %arg10[%dma_start3A_685, %dma_start3A_686] : memref<10000x64xf32, #tpu.memory_space<vmem_shared>> -> memref<10000x64xf32, #tpu.memory_space<vmem_shared>>
      tpu.enqueue_indirect_dma source(%dma_start3A_687 : memref<10000x64xf32, #tpu.memory_space<vmem_shared>>) target(%arg15 : memref<128x64xf32, #tpu.memory_space<vmem>>) offsets(%dma_start3A_684 : memref<128xi32, #tpu.memory_space<vmem>>) semaphore(%arg19 : memref<!tpu.dma_semaphore, #tpu.memory_space<semaphore_mem>>)
      %add3A_688 = arith.constant 2 : i32
      %add3A_689 = arith.addi %add3A_567, %add3A_688 : i32
      %dma_wait3A_690 = arith.constant 0 : i32
      %dma_wait3A_691 = tpu.memref_slice %arg13[%add3A_689, %dma_wait3A_690] : memref<40x128xi32, #tpu.memory_space<vmem>> -> memref<1x128xi32, #tpu.memory_space<vmem>>
      %dma_wait3A_692 = tpu.memref_squeeze %dma_wait3A_691 : memref<1x128xi32, #tpu.memory_space<vmem>> -> memref<128xi32, #tpu.memory_space<vmem>>
      %dma_wait3A_693 = arith.constant 0 : i32
      %dma_wait3A_694 = arith.constant 0 : i32
      %dma_wait3A_695 = tpu.memref_slice %arg11[%dma_wait3A_693, %dma_wait3A_694] : memref<10008x64xf32, #tpu.memory_space<vmem_shared>> -> memref<10008x64xf32, #tpu.memory_space<vmem_shared>>
      tpu.wait_indirect_dma semaphore(%arg24 : memref<!tpu.dma_semaphore, #tpu.memory_space<semaphore_mem>>) src(%arg16 : memref<128x64xf32, #tpu.memory_space<vmem>>) dst(%dma_wait3A_695 : memref<10008x64xf32, #tpu.memory_space<vmem_shared>>)
      %add3A_696 = arith.constant 2 : i32
      %add3A_697 = arith.addi %add3A_567, %add3A_696 : i32
      %add3A_698 = arith.constant 4 : i32
      %add3A_699 = arith.addi %add3A_697, %add3A_698 : i32
      %dma_start3A_700 = arith.constant 0 : i32
      %dma_start3A_701 = tpu.memref_slice %arg12[%add3A_699, %dma_start3A_700] : memref<40x128xi32, #tpu.memory_space<vmem>> -> memref<1x128xi32, #tpu.memory_space<vmem>>
      %dma_start3A_702 = tpu.memref_squeeze %dma_start3A_701 : memref<1x128xi32, #tpu.memory_space<vmem>> -> memref<128xi32, #tpu.memory_space<vmem>>
      %dma_start3A_703 = arith.constant 0 : i32
      %dma_start3A_704 = arith.constant 0 : i32
      %dma_start3A_705 = tpu.memref_slice %arg10[%dma_start3A_703, %dma_start3A_704] : memref<10000x64xf32, #tpu.memory_space<vmem_shared>> -> memref<10000x64xf32, #tpu.memory_space<vmem_shared>>
      tpu.enqueue_indirect_dma source(%dma_start3A_705 : memref<10000x64xf32, #tpu.memory_space<vmem_shared>>) target(%arg16 : memref<128x64xf32, #tpu.memory_space<vmem>>) offsets(%dma_start3A_702 : memref<128xi32, #tpu.memory_space<vmem>>) semaphore(%arg20 : memref<!tpu.dma_semaphore, #tpu.memory_space<semaphore_mem>>)
      %add3A_706 = arith.constant 3 : i32
      %add3A_707 = arith.addi %add3A_567, %add3A_706 : i32
      %dma_wait3A_708 = arith.constant 0 : i32
      %dma_wait3A_709 = tpu.memref_slice %arg13[%add3A_707, %dma_wait3A_708] : memref<40x128xi32, #tpu.memory_space<vmem>> -> memref<1x128xi32, #tpu.memory_space<vmem>>
      %dma_wait3A_710 = tpu.memref_squeeze %dma_wait3A_709 : memref<1x128xi32, #tpu.memory_space<vmem>> -> memref<128xi32, #tpu.memory_space<vmem>>
      %dma_wait3A_711 = arith.constant 0 : i32
      %dma_wait3A_712 = arith.constant 0 : i32
      %dma_wait3A_713 = tpu.memref_slice %arg11[%dma_wait3A_711, %dma_wait3A_712] : memref<10008x64xf32, #tpu.memory_space<vmem_shared>> -> memref<10008x64xf32, #tpu.memory_space<vmem_shared>>
      tpu.wait_indirect_dma semaphore(%arg25 : memref<!tpu.dma_semaphore, #tpu.memory_space<semaphore_mem>>) src(%arg17 : memref<128x64xf32, #tpu.memory_space<vmem>>) dst(%dma_wait3A_713 : memref<10008x64xf32, #tpu.memory_space<vmem_shared>>)
      %add3A_714 = arith.constant 3 : i32
      %add3A_715 = arith.addi %add3A_567, %add3A_714 : i32
      %add3A_716 = arith.constant 4 : i32
      %add3A_717 = arith.addi %add3A_715, %add3A_716 : i32
      %dma_start3A_718 = arith.constant 0 : i32
      %dma_start3A_719 = tpu.memref_slice %arg12[%add3A_717, %dma_start3A_718] : memref<40x128xi32, #tpu.memory_space<vmem>> -> memref<1x128xi32, #tpu.memory_space<vmem>>
      %dma_start3A_720 = tpu.memref_squeeze %dma_start3A_719 : memref<1x128xi32, #tpu.memory_space<vmem>> -> memref<128xi32, #tpu.memory_space<vmem>>
      %dma_start3A_721 = arith.constant 0 : i32
      %dma_start3A_722 = arith.constant 0 : i32
      %dma_start3A_723 = tpu.memref_slice %arg10[%dma_start3A_721, %dma_start3A_722] : memref<10000x64xf32, #tpu.memory_space<vmem_shared>> -> memref<10000x64xf32, #tpu.memory_space<vmem_shared>>
      tpu.enqueue_indirect_dma source(%dma_start3A_723 : memref<10000x64xf32, #tpu.memory_space<vmem_shared>>) target(%arg17 : memref<128x64xf32, #tpu.memory_space<vmem>>) offsets(%dma_start3A_720 : memref<128xi32, #tpu.memory_space<vmem>>) semaphore(%arg21 : memref<!tpu.dma_semaphore, #tpu.memory_space<semaphore_mem>>)
      %convert_element_type3A_724 = arith.extui %eq3A_3 : i1 to i32
      %cond3A_725 = arith.constant 0 : i32
      %cond3A_726 = arith.cmpi ne, %convert_element_type3A_724, %cond3A_725 : i32
      scf.if %cond3A_726 {
        %scan3A_727 = arith.constant 0 : i32
        %scan3A_728 = arith.constant 4 : i32
        %scan3A_729 = arith.addi %scan3A_727, %scan3A_728 : i32
        %scan3A_730 = arith.constant 1 : i32
        scf.for %scan3A_732 = %scan3A_727 to %scan3A_729 step %scan3A_730  : i32 {
          %mul3A_733 = arith.constant 1 : i32
          %mul3A_734 = arith.muli %scan3A_732, %mul3A_733 : i32
          %add3A_735 = arith.constant 0 : i32
          %add3A_736 = arith.addi %add3A_735, %mul3A_734 : i32
          %dma_wait3A_737 = arith.constant 0 : i32
          %dma_wait3A_738 = arith.constant 0 : i32
          %dma_wait3A_739 = tpu.memref_slice %arg27[%dma_wait3A_738] : memref<128xf32, #tpu.memory_space<vmem>> -> memref<128xf32, #tpu.memory_space<vmem>>
          %dma_wait3A_740 = arith.constant 0 : i32
          %dma_wait3A_741 = tpu.memref_slice %arg13[%dma_wait3A_737, %dma_wait3A_740] : memref<40x128xi32, #tpu.memory_space<vmem>> -> memref<1x128xi32, #tpu.memory_space<vmem>>
          %dma_wait3A_742 = tpu.memref_squeeze %dma_wait3A_741 : memref<1x128xi32, #tpu.memory_space<vmem>> -> memref<128xi32, #tpu.memory_space<vmem>>
          %dma_wait3A_743 = arith.constant 0 : i32
          %dma_wait3A_744 = tpu.memref_slice %arg26[%dma_wait3A_743] : memref<10008xf32, #tpu.memory_space<vmem_shared>> -> memref<10008xf32, #tpu.memory_space<vmem_shared>>
          tpu.wait_indirect_dma semaphore(%arg29 : memref<!tpu.dma_semaphore, #tpu.memory_space<semaphore_mem>>) src(%dma_wait3A_739 : memref<128xf32, #tpu.memory_space<vmem>>) dst(%dma_wait3A_744 : memref<10008xf32, #tpu.memory_space<vmem_shared>>)
        }
        %scan3A_731 = arith.constant 4 : i32
      } else {
      }
    }
    %scan3A_53 = arith.constant 9 : i32
    %dma_wait3A = arith.constant 36 : i32
    %dma_wait3A_54 = arith.constant 0 : i32
    %dma_wait3A_55 = tpu.memref_slice %arg12[%dma_wait3A, %dma_wait3A_54] : memref<40x128xi32, #tpu.memory_space<vmem>> -> memref<1x128xi32, #tpu.memory_space<vmem>>
    %dma_wait3A_56 = tpu.memref_squeeze %dma_wait3A_55 : memref<1x128xi32, #tpu.memory_space<vmem>> -> memref<128xi32, #tpu.memory_space<vmem>>
    %dma_wait3A_57 = arith.constant 0 : i32
    %dma_wait3A_58 = arith.constant 0 : i32
    %dma_wait3A_59 = tpu.memref_slice %arg10[%dma_wait3A_57, %dma_wait3A_58] : memref<10000x64xf32, #tpu.memory_space<vmem_shared>> -> memref<10000x64xf32, #tpu.memory_space<vmem_shared>>
    tpu.wait_indirect_dma semaphore(%arg18 : memref<!tpu.dma_semaphore, #tpu.memory_space<semaphore_mem>>) src(%dma_wait3A_59 : memref<10000x64xf32, #tpu.memory_space<vmem_shared>>) dst(%arg14 : memref<128x64xf32, #tpu.memory_space<vmem>>)
    %dma_start3A_60 = arith.constant 36 : i32
    %dma_start3A_61 = arith.constant 0 : i32
    %dma_start3A_62 = tpu.memref_slice %arg13[%dma_start3A_60, %dma_start3A_61] : memref<40x128xi32, #tpu.memory_space<vmem>> -> memref<1x128xi32, #tpu.memory_space<vmem>>
    %dma_start3A_63 = tpu.memref_squeeze %dma_start3A_62 : memref<1x128xi32, #tpu.memory_space<vmem>> -> memref<128xi32, #tpu.memory_space<vmem>>
    %dma_start3A_64 = arith.constant 0 : i32
    %dma_start3A_65 = arith.constant 0 : i32
    %dma_start3A_66 = tpu.memref_slice %arg11[%dma_start3A_64, %dma_start3A_65] : memref<10008x64xf32, #tpu.memory_space<vmem_shared>> -> memref<10008x64xf32, #tpu.memory_space<vmem_shared>>
    tpu.enqueue_indirect_dma source(%arg14 : memref<128x64xf32, #tpu.memory_space<vmem>>) target(%dma_start3A_66 : memref<10008x64xf32, #tpu.memory_space<vmem_shared>>) offsets(%dma_start3A_63 : memref<128xi32, #tpu.memory_space<vmem>>) semaphore(%arg22 : memref<!tpu.dma_semaphore, #tpu.memory_space<semaphore_mem>>) {add = true}
    %convert_element_type3A_67 = arith.extui %eq3A_3 : i1 to i32
    %cond3A_68 = arith.constant 0 : i32
    %cond3A_69 = arith.cmpi ne, %convert_element_type3A_67, %cond3A_68 : i32
    scf.if %cond3A_69 {
      %dma_start3A_563 = arith.constant 36 : i32
      %dma_start3A_564 = arith.constant 0 : i32
      %dma_start3A_565 = tpu.memref_slice %arg27[%dma_start3A_564] : memref<128xf32, #tpu.memory_space<vmem>> -> memref<128xf32, #tpu.memory_space<vmem>>
      %dma_start3A_566 = arith.constant 0 : i32
      %dma_start3A_567 = tpu.memref_slice %arg13[%dma_start3A_563, %dma_start3A_566] : memref<40x128xi32, #tpu.memory_space<vmem>> -> memref<1x128xi32, #tpu.memory_space<vmem>>
      %dma_start3A_568 = tpu.memref_squeeze %dma_start3A_567 : memref<1x128xi32, #tpu.memory_space<vmem>> -> memref<128xi32, #tpu.memory_space<vmem>>
      %dma_start3A_569 = arith.constant 0 : i32
      %dma_start3A_570 = tpu.memref_slice %arg26[%dma_start3A_569] : memref<10008xf32, #tpu.memory_space<vmem_shared>> -> memref<10008xf32, #tpu.memory_space<vmem_shared>>
      tpu.enqueue_indirect_dma source(%dma_start3A_565 : memref<128xf32, #tpu.memory_space<vmem>>) target(%dma_start3A_570 : memref<10008xf32, #tpu.memory_space<vmem_shared>>) offsets(%dma_start3A_568 : memref<128xi32, #tpu.memory_space<vmem>>) semaphore(%arg29 : memref<!tpu.dma_semaphore, #tpu.memory_space<semaphore_mem>>) {add = true}
    } else {
    }
    %dma_wait3A_70 = arith.constant 37 : i32
    %dma_wait3A_71 = arith.constant 0 : i32
    %dma_wait3A_72 = tpu.memref_slice %arg12[%dma_wait3A_70, %dma_wait3A_71] : memref<40x128xi32, #tpu.memory_space<vmem>> -> memref<1x128xi32, #tpu.memory_space<vmem>>
    %dma_wait3A_73 = tpu.memref_squeeze %dma_wait3A_72 : memref<1x128xi32, #tpu.memory_space<vmem>> -> memref<128xi32, #tpu.memory_space<vmem>>
    %dma_wait3A_74 = arith.constant 0 : i32
    %dma_wait3A_75 = arith.constant 0 : i32
    %dma_wait3A_76 = tpu.memref_slice %arg10[%dma_wait3A_74, %dma_wait3A_75] : memref<10000x64xf32, #tpu.memory_space<vmem_shared>> -> memref<10000x64xf32, #tpu.memory_space<vmem_shared>>
    tpu.wait_indirect_dma semaphore(%arg19 : memref<!tpu.dma_semaphore, #tpu.memory_space<semaphore_mem>>) src(%dma_wait3A_76 : memref<10000x64xf32, #tpu.memory_space<vmem_shared>>) dst(%arg15 : memref<128x64xf32, #tpu.memory_space<vmem>>)
    %dma_start3A_77 = arith.constant 37 : i32
    %dma_start3A_78 = arith.constant 0 : i32
    %dma_start3A_79 = tpu.memref_slice %arg13[%dma_start3A_77, %dma_start3A_78] : memref<40x128xi32, #tpu.memory_space<vmem>> -> memref<1x128xi32, #tpu.memory_space<vmem>>
    %dma_start3A_80 = tpu.memref_squeeze %dma_start3A_79 : memref<1x128xi32, #tpu.memory_space<vmem>> -> memref<128xi32, #tpu.memory_space<vmem>>
    %dma_start3A_81 = arith.constant 0 : i32
    %dma_start3A_82 = arith.constant 0 : i32
    %dma_start3A_83 = tpu.memref_slice %arg11[%dma_start3A_81, %dma_start3A_82] : memref<10008x64xf32, #tpu.memory_space<vmem_shared>> -> memref<10008x64xf32, #tpu.memory_space<vmem_shared>>
    tpu.enqueue_indirect_dma source(%arg15 : memref<128x64xf32, #tpu.memory_space<vmem>>) target(%dma_start3A_83 : memref<10008x64xf32, #tpu.memory_space<vmem_shared>>) offsets(%dma_start3A_80 : memref<128xi32, #tpu.memory_space<vmem>>) semaphore(%arg23 : memref<!tpu.dma_semaphore, #tpu.memory_space<semaphore_mem>>) {add = true}
    %convert_element_type3A_84 = arith.extui %eq3A_3 : i1 to i32
    %cond3A_85 = arith.constant 0 : i32
    %cond3A_86 = arith.cmpi ne, %convert_element_type3A_84, %cond3A_85 : i32
    scf.if %cond3A_86 {
      %dma_start3A_563 = arith.constant 37 : i32
      %dma_start3A_564 = arith.constant 0 : i32
      %dma_start3A_565 = tpu.memref_slice %arg27[%dma_start3A_564] : memref<128xf32, #tpu.memory_space<vmem>> -> memref<128xf32, #tpu.memory_space<vmem>>
      %dma_start3A_566 = arith.constant 0 : i32
      %dma_start3A_567 = tpu.memref_slice %arg13[%dma_start3A_563, %dma_start3A_566] : memref<40x128xi32, #tpu.memory_space<vmem>> -> memref<1x128xi32, #tpu.memory_space<vmem>>
      %dma_start3A_568 = tpu.memref_squeeze %dma_start3A_567 : memref<1x128xi32, #tpu.memory_space<vmem>> -> memref<128xi32, #tpu.memory_space<vmem>>
      %dma_start3A_569 = arith.constant 0 : i32
      %dma_start3A_570 = tpu.memref_slice %arg26[%dma_start3A_569] : memref<10008xf32, #tpu.memory_space<vmem_shared>> -> memref<10008xf32, #tpu.memory_space<vmem_shared>>
      tpu.enqueue_indirect_dma source(%dma_start3A_565 : memref<128xf32, #tpu.memory_space<vmem>>) target(%dma_start3A_570 : memref<10008xf32, #tpu.memory_space<vmem_shared>>) offsets(%dma_start3A_568 : memref<128xi32, #tpu.memory_space<vmem>>) semaphore(%arg29 : memref<!tpu.dma_semaphore, #tpu.memory_space<semaphore_mem>>) {add = true}
    } else {
    }
    %dma_wait3A_87 = arith.constant 38 : i32
    %dma_wait3A_88 = arith.constant 0 : i32
    %dma_wait3A_89 = tpu.memref_slice %arg12[%dma_wait3A_87, %dma_wait3A_88] : memref<40x128xi32, #tpu.memory_space<vmem>> -> memref<1x128xi32, #tpu.memory_space<vmem>>
    %dma_wait3A_90 = tpu.memref_squeeze %dma_wait3A_89 : memref<1x128xi32, #tpu.memory_space<vmem>> -> memref<128xi32, #tpu.memory_space<vmem>>
    %dma_wait3A_91 = arith.constant 0 : i32
    %dma_wait3A_92 = arith.constant 0 : i32
    %dma_wait3A_93 = tpu.memref_slice %arg10[%dma_wait3A_91, %dma_wait3A_92] : memref<10000x64xf32, #tpu.memory_space<vmem_shared>> -> memref<10000x64xf32, #tpu.memory_space<vmem_shared>>
    tpu.wait_indirect_dma semaphore(%arg20 : memref<!tpu.dma_semaphore, #tpu.memory_space<semaphore_mem>>) src(%dma_wait3A_93 : memref<10000x64xf32, #tpu.memory_space<vmem_shared>>) dst(%arg16 : memref<128x64xf32, #tpu.memory_space<vmem>>)
    %dma_start3A_94 = arith.constant 38 : i32
    %dma_start3A_95 = arith.constant 0 : i32
    %dma_start3A_96 = tpu.memref_slice %arg13[%dma_start3A_94, %dma_start3A_95] : memref<40x128xi32, #tpu.memory_space<vmem>> -> memref<1x128xi32, #tpu.memory_space<vmem>>
    %dma_start3A_97 = tpu.memref_squeeze %dma_start3A_96 : memref<1x128xi32, #tpu.memory_space<vmem>> -> memref<128xi32, #tpu.memory_space<vmem>>
    %dma_start3A_98 = arith.constant 0 : i32
    %dma_start3A_99 = arith.constant 0 : i32
    %dma_start3A_100 = tpu.memref_slice %arg11[%dma_start3A_98, %dma_start3A_99] : memref<10008x64xf32, #tpu.memory_space<vmem_shared>> -> memref<10008x64xf32, #tpu.memory_space<vmem_shared>>
    tpu.enqueue_indirect_dma source(%arg16 : memref<128x64xf32, #tpu.memory_space<vmem>>) target(%dma_start3A_100 : memref<10008x64xf32, #tpu.memory_space<vmem_shared>>) offsets(%dma_start3A_97 : memref<128xi32, #tpu.memory_space<vmem>>) semaphore(%arg24 : memref<!tpu.dma_semaphore, #tpu.memory_space<semaphore_mem>>) {add = true}
    %convert_element_type3A_101 = arith.extui %eq3A_3 : i1 to i32
    %cond3A_102 = arith.constant 0 : i32
    %cond3A_103 = arith.cmpi ne, %convert_element_type3A_101, %cond3A_102 : i32
    scf.if %cond3A_103 {
      %dma_start3A_563 = arith.constant 38 : i32
      %dma_start3A_564 = arith.constant 0 : i32
      %dma_start3A_565 = tpu.memref_slice %arg27[%dma_start3A_564] : memref<128xf32, #tpu.memory_space<vmem>> -> memref<128xf32, #tpu.memory_space<vmem>>
      %dma_start3A_566 = arith.constant 0 : i32
      %dma_start3A_567 = tpu.memref_slice %arg13[%dma_start3A_563, %dma_start3A_566] : memref<40x128xi32, #tpu.memory_space<vmem>> -> memref<1x128xi32, #tpu.memory_space<vmem>>
      %dma_start3A_568 = tpu.memref_squeeze %dma_start3A_567 : memref<1x128xi32, #tpu.memory_space<vmem>> -> memref<128xi32, #tpu.memory_space<vmem>>
      %dma_start3A_569 = arith.constant 0 : i32
      %dma_start3A_570 = tpu.memref_slice %arg26[%dma_start3A_569] : memref<10008xf32, #tpu.memory_space<vmem_shared>> -> memref<10008xf32, #tpu.memory_space<vmem_shared>>
      tpu.enqueue_indirect_dma source(%dma_start3A_565 : memref<128xf32, #tpu.memory_space<vmem>>) target(%dma_start3A_570 : memref<10008xf32, #tpu.memory_space<vmem_shared>>) offsets(%dma_start3A_568 : memref<128xi32, #tpu.memory_space<vmem>>) semaphore(%arg29 : memref<!tpu.dma_semaphore, #tpu.memory_space<semaphore_mem>>) {add = true}
    } else {
    }
    %dma_wait3A_104 = arith.constant 39 : i32
    %dma_wait3A_105 = arith.constant 0 : i32
    %dma_wait3A_106 = tpu.memref_slice %arg12[%dma_wait3A_104, %dma_wait3A_105] : memref<40x128xi32, #tpu.memory_space<vmem>> -> memref<1x128xi32, #tpu.memory_space<vmem>>
    %dma_wait3A_107 = tpu.memref_squeeze %dma_wait3A_106 : memref<1x128xi32, #tpu.memory_space<vmem>> -> memref<128xi32, #tpu.memory_space<vmem>>
    %dma_wait3A_108 = arith.constant 0 : i32
    %dma_wait3A_109 = arith.constant 0 : i32
    %dma_wait3A_110 = tpu.memref_slice %arg10[%dma_wait3A_108, %dma_wait3A_109] : memref<10000x64xf32, #tpu.memory_space<vmem_shared>> -> memref<10000x64xf32, #tpu.memory_space<vmem_shared>>
    tpu.wait_indirect_dma semaphore(%arg21 : memref<!tpu.dma_semaphore, #tpu.memory_space<semaphore_mem>>) src(%dma_wait3A_110 : memref<10000x64xf32, #tpu.memory_space<vmem_shared>>) dst(%arg17 : memref<128x64xf32, #tpu.memory_space<vmem>>)
    %dma_start3A_111 = arith.constant 39 : i32
    %dma_start3A_112 = arith.constant 0 : i32
    %dma_start3A_113 = tpu.memref_slice %arg13[%dma_start3A_111, %dma_start3A_112] : memref<40x128xi32, #tpu.memory_space<vmem>> -> memref<1x128xi32, #tpu.memory_space<vmem>>
    %dma_start3A_114 = tpu.memref_squeeze %dma_start3A_113 : memref<1x128xi32, #tpu.memory_space<vmem>> -> memref<128xi32, #tpu.memory_space<vmem>>
    %dma_start3A_115 = arith.constant 0 : i32
    %dma_start3A_116 = arith.constant 0 : i32
    %dma_start3A_117 = tpu.memref_slice %arg11[%dma_start3A_115, %dma_start3A_116] : memref<10008x64xf32, #tpu.memory_space<vmem_shared>> -> memref<10008x64xf32, #tpu.memory_space<vmem_shared>>
    tpu.enqueue_indirect_dma source(%arg17 : memref<128x64xf32, #tpu.memory_space<vmem>>) target(%dma_start3A_117 : memref<10008x64xf32, #tpu.memory_space<vmem_shared>>) offsets(%dma_start3A_114 : memref<128xi32, #tpu.memory_space<vmem>>) semaphore(%arg25 : memref<!tpu.dma_semaphore, #tpu.memory_space<semaphore_mem>>) {add = true}
    %convert_element_type3A_118 = arith.extui %eq3A_3 : i1 to i32
    %cond3A_119 = arith.constant 0 : i32
    %cond3A_120 = arith.cmpi ne, %convert_element_type3A_118, %cond3A_119 : i32
    scf.if %cond3A_120 {
      %dma_start3A_563 = arith.constant 39 : i32
      %dma_start3A_564 = arith.constant 0 : i32
      %dma_start3A_565 = tpu.memref_slice %arg27[%dma_start3A_564] : memref<128xf32, #tpu.memory_space<vmem>> -> memref<128xf32, #tpu.memory_space<vmem>>
      %dma_start3A_566 = arith.constant 0 : i32
      %dma_start3A_567 = tpu.memref_slice %arg13[%dma_start3A_563, %dma_start3A_566] : memref<40x128xi32, #tpu.memory_space<vmem>> -> memref<1x128xi32, #tpu.memory_space<vmem>>
      %dma_start3A_568 = tpu.memref_squeeze %dma_start3A_567 : memref<1x128xi32, #tpu.memory_space<vmem>> -> memref<128xi32, #tpu.memory_space<vmem>>
      %dma_start3A_569 = arith.constant 0 : i32
      %dma_start3A_570 = tpu.memref_slice %arg26[%dma_start3A_569] : memref<10008xf32, #tpu.memory_space<vmem_shared>> -> memref<10008xf32, #tpu.memory_space<vmem_shared>>
      tpu.enqueue_indirect_dma source(%dma_start3A_565 : memref<128xf32, #tpu.memory_space<vmem>>) target(%dma_start3A_570 : memref<10008xf32, #tpu.memory_space<vmem_shared>>) offsets(%dma_start3A_568 : memref<128xi32, #tpu.memory_space<vmem>>) semaphore(%arg29 : memref<!tpu.dma_semaphore, #tpu.memory_space<semaphore_mem>>) {add = true}
    } else {
    }
    %dma_wait3A_121 = arith.constant 36 : i32
    %dma_wait3A_122 = arith.constant 0 : i32
    %dma_wait3A_123 = tpu.memref_slice %arg13[%dma_wait3A_121, %dma_wait3A_122] : memref<40x128xi32, #tpu.memory_space<vmem>> -> memref<1x128xi32, #tpu.memory_space<vmem>>
    %dma_wait3A_124 = tpu.memref_squeeze %dma_wait3A_123 : memref<1x128xi32, #tpu.memory_space<vmem>> -> memref<128xi32, #tpu.memory_space<vmem>>
    %dma_wait3A_125 = arith.constant 0 : i32
    %dma_wait3A_126 = arith.constant 0 : i32
    %dma_wait3A_127 = tpu.memref_slice %arg11[%dma_wait3A_125, %dma_wait3A_126] : memref<10008x64xf32, #tpu.memory_space<vmem_shared>> -> memref<10008x64xf32, #tpu.memory_space<vmem_shared>>
    tpu.wait_indirect_dma semaphore(%arg22 : memref<!tpu.dma_semaphore, #tpu.memory_space<semaphore_mem>>) src(%arg14 : memref<128x64xf32, #tpu.memory_space<vmem>>) dst(%dma_wait3A_127 : memref<10008x64xf32, #tpu.memory_space<vmem_shared>>)
    %dma_wait3A_128 = arith.constant 37 : i32
    %dma_wait3A_129 = arith.constant 0 : i32
    %dma_wait3A_130 = tpu.memref_slice %arg13[%dma_wait3A_128, %dma_wait3A_129] : memref<40x128xi32, #tpu.memory_space<vmem>> -> memref<1x128xi32, #tpu.memory_space<vmem>>
    %dma_wait3A_131 = tpu.memref_squeeze %dma_wait3A_130 : memref<1x128xi32, #tpu.memory_space<vmem>> -> memref<128xi32, #tpu.memory_space<vmem>>
    %dma_wait3A_132 = arith.constant 0 : i32
    %dma_wait3A_133 = arith.constant 0 : i32
    %dma_wait3A_134 = tpu.memref_slice %arg11[%dma_wait3A_132, %dma_wait3A_133] : memref<10008x64xf32, #tpu.memory_space<vmem_shared>> -> memref<10008x64xf32, #tpu.memory_space<vmem_shared>>
    tpu.wait_indirect_dma semaphore(%arg23 : memref<!tpu.dma_semaphore, #tpu.memory_space<semaphore_mem>>) src(%arg15 : memref<128x64xf32, #tpu.memory_space<vmem>>) dst(%dma_wait3A_134 : memref<10008x64xf32, #tpu.memory_space<vmem_shared>>)
    %dma_wait3A_135 = arith.constant 38 : i32
    %dma_wait3A_136 = arith.constant 0 : i32
    %dma_wait3A_137 = tpu.memref_slice %arg13[%dma_wait3A_135, %dma_wait3A_136] : memref<40x128xi32, #tpu.memory_space<vmem>> -> memref<1x128xi32, #tpu.memory_space<vmem>>
    %dma_wait3A_138 = tpu.memref_squeeze %dma_wait3A_137 : memref<1x128xi32, #tpu.memory_space<vmem>> -> memref<128xi32, #tpu.memory_space<vmem>>
    %dma_wait3A_139 = arith.constant 0 : i32
    %dma_wait3A_140 = arith.constant 0 : i32
    %dma_wait3A_141 = tpu.memref_slice %arg11[%dma_wait3A_139, %dma_wait3A_140] : memref<10008x64xf32, #tpu.memory_space<vmem_shared>> -> memref<10008x64xf32, #tpu.memory_space<vmem_shared>>
    tpu.wait_indirect_dma semaphore(%arg24 : memref<!tpu.dma_semaphore, #tpu.memory_space<semaphore_mem>>) src(%arg16 : memref<128x64xf32, #tpu.memory_space<vmem>>) dst(%dma_wait3A_141 : memref<10008x64xf32, #tpu.memory_space<vmem_shared>>)
    %dma_wait3A_142 = arith.constant 39 : i32
    %dma_wait3A_143 = arith.constant 0 : i32
    %dma_wait3A_144 = tpu.memref_slice %arg13[%dma_wait3A_142, %dma_wait3A_143] : memref<40x128xi32, #tpu.memory_space<vmem>> -> memref<1x128xi32, #tpu.memory_space<vmem>>
    %dma_wait3A_145 = tpu.memref_squeeze %dma_wait3A_144 : memref<1x128xi32, #tpu.memory_space<vmem>> -> memref<128xi32, #tpu.memory_space<vmem>>
    %dma_wait3A_146 = arith.constant 0 : i32
    %dma_wait3A_147 = arith.constant 0 : i32
    %dma_wait3A_148 = tpu.memref_slice %arg11[%dma_wait3A_146, %dma_wait3A_147] : memref<10008x64xf32, #tpu.memory_space<vmem_shared>> -> memref<10008x64xf32, #tpu.memory_space<vmem_shared>>
    tpu.wait_indirect_dma semaphore(%arg25 : memref<!tpu.dma_semaphore, #tpu.memory_space<semaphore_mem>>) src(%arg17 : memref<128x64xf32, #tpu.memory_space<vmem>>) dst(%dma_wait3A_148 : memref<10008x64xf32, #tpu.memory_space<vmem_shared>>)
    %convert_element_type3A_149 = arith.extui %eq3A_3 : i1 to i32
    %cond3A_150 = arith.constant 0 : i32
    %cond3A_151 = arith.cmpi ne, %convert_element_type3A_149, %cond3A_150 : i32
    scf.if %cond3A_151 {
      %scan3A_563 = arith.constant 0 : i32
      %scan3A_564 = arith.constant 4 : i32
      %scan3A_565 = arith.addi %scan3A_563, %scan3A_564 : i32
      %scan3A_566 = arith.constant 1 : i32
      scf.for %scan3A_568 = %scan3A_563 to %scan3A_565 step %scan3A_566  : i32 {
        %mul3A_569 = arith.constant 1 : i32
        %mul3A_570 = arith.muli %scan3A_568, %mul3A_569 : i32
        %add3A_571 = arith.constant 0 : i32
        %add3A_572 = arith.addi %add3A_571, %mul3A_570 : i32
        %dma_wait3A_573 = arith.constant 0 : i32
        %dma_wait3A_574 = arith.constant 0 : i32
        %dma_wait3A_575 = tpu.memref_slice %arg27[%dma_wait3A_574] : memref<128xf32, #tpu.memory_space<vmem>> -> memref<128xf32, #tpu.memory_space<vmem>>
        %dma_wait3A_576 = arith.constant 0 : i32
        %dma_wait3A_577 = tpu.memref_slice %arg13[%dma_wait3A_573, %dma_wait3A_576] : memref<40x128xi32, #tpu.memory_space<vmem>> -> memref<1x128xi32, #tpu.memory_space<vmem>>
        %dma_wait3A_578 = tpu.memref_squeeze %dma_wait3A_577 : memref<1x128xi32, #tpu.memory_space<vmem>> -> memref<128xi32, #tpu.memory_space<vmem>>
        %dma_wait3A_579 = arith.constant 0 : i32
        %dma_wait3A_580 = tpu.memref_slice %arg26[%dma_wait3A_579] : memref<10008xf32, #tpu.memory_space<vmem_shared>> -> memref<10008xf32, #tpu.memory_space<vmem_shared>>
        tpu.wait_indirect_dma semaphore(%arg29 : memref<!tpu.dma_semaphore, #tpu.memory_space<semaphore_mem>>) src(%dma_wait3A_575 : memref<128xf32, #tpu.memory_space<vmem>>) dst(%dma_wait3A_580 : memref<10008xf32, #tpu.memory_space<vmem_shared>>)
      }
      %scan3A_567 = arith.constant 4 : i32
    } else {
    }
    %add3A_152 = arith.constant 40 : i32
    %add3A_153 = arith.addi %mul3A_20, %add3A_152 : i32
    "tpu.region"() ({
      %run_scoped3A = tpu.sem_alloc : memref<!tpu.dma_semaphore, #tpu.memory_space<semaphore_mem>>
      %dma_start3A_563 = arith.constant 0 : i32
      %dma_start3A_564 = tpu.memref_slice %arg4[%add3A_153, %dma_start3A_563] : memref<2560x128xi32, #tpu.memory_space<hbm>> -> memref<40x128xi32, #tpu.memory_space<hbm>>
      %dma_start3A_565 = arith.constant 0 : i32
      %dma_start3A_566 = tpu.memref_slice %arg4[%add3A_153, %dma_start3A_565] : memref<2560x128xi32, #tpu.memory_space<hbm>> -> memref<40x128xi32, #tpu.memory_space<hbm>>
      tpu.enqueue_dma source(%dma_start3A_566 : memref<40x128xi32, #tpu.memory_space<hbm>>) target(%arg12 : memref<40x128xi32, #tpu.memory_space<vmem>>) target_semaphore(%run_scoped3A : memref<!tpu.dma_semaphore, #tpu.memory_space<semaphore_mem>>)
      %dma_wait3A_567 = arith.constant 0 : i32
      %dma_wait3A_568 = tpu.memref_slice %arg4[%add3A_153, %dma_wait3A_567] : memref<2560x128xi32, #tpu.memory_space<hbm>> -> memref<40x128xi32, #tpu.memory_space<hbm>>
      %dma_wait3A_569 = arith.constant 0 : i32
      %dma_wait3A_570 = tpu.memref_slice %arg4[%add3A_153, %dma_wait3A_569] : memref<2560x128xi32, #tpu.memory_space<hbm>> -> memref<40x128xi32, #tpu.memory_space<hbm>>
      tpu.wait_dma2 semaphore(%run_scoped3A : memref<!tpu.dma_semaphore, #tpu.memory_space<semaphore_mem>>) src(%dma_wait3A_570 : memref<40x128xi32, #tpu.memory_space<hbm>>) dst(%arg12 : memref<40x128xi32, #tpu.memory_space<vmem>>)
      tpu.yield
    }) : () -> ()
    "tpu.region"() ({
      %run_scoped3A = tpu.sem_alloc : memref<!tpu.dma_semaphore, #tpu.memory_space<semaphore_mem>>
      %dma_start3A_563 = arith.constant 0 : i32
      %dma_start3A_564 = tpu.memref_slice %arg5[%add3A_153, %dma_start3A_563] : memref<2560x128xi32, #tpu.memory_space<hbm>> -> memref<40x128xi32, #tpu.memory_space<hbm>>
      %dma_start3A_565 = arith.constant 0 : i32
      %dma_start3A_566 = tpu.memref_slice %arg5[%add3A_153, %dma_start3A_565] : memref<2560x128xi32, #tpu.memory_space<hbm>> -> memref<40x128xi32, #tpu.memory_space<hbm>>
      tpu.enqueue_dma source(%dma_start3A_566 : memref<40x128xi32, #tpu.memory_space<hbm>>) target(%arg13 : memref<40x128xi32, #tpu.memory_space<vmem>>) target_semaphore(%run_scoped3A : memref<!tpu.dma_semaphore, #tpu.memory_space<semaphore_mem>>)
      %dma_wait3A_567 = arith.constant 0 : i32
      %dma_wait3A_568 = tpu.memref_slice %arg5[%add3A_153, %dma_wait3A_567] : memref<2560x128xi32, #tpu.memory_space<hbm>> -> memref<40x128xi32, #tpu.memory_space<hbm>>
      %dma_wait3A_569 = arith.constant 0 : i32
      %dma_wait3A_570 = tpu.memref_slice %arg5[%add3A_153, %dma_wait3A_569] : memref<2560x128xi32, #tpu.memory_space<hbm>> -> memref<40x128xi32, #tpu.memory_space<hbm>>
      tpu.wait_dma2 semaphore(%run_scoped3A : memref<!tpu.dma_semaphore, #tpu.memory_space<semaphore_mem>>) src(%dma_wait3A_570 : memref<40x128xi32, #tpu.memory_space<hbm>>) dst(%arg13 : memref<40x128xi32, #tpu.memory_space<vmem>>)
      tpu.yield
    }) : () -> ()
    %dma_start3A_154 = arith.constant 0 : i32
    %dma_start3A_155 = arith.constant 0 : i32
    %dma_start3A_156 = tpu.memref_slice %arg12[%dma_start3A_154, %dma_start3A_155] : memref<40x128xi32, #tpu.memory_space<vmem>> -> memref<1x128xi32, #tpu.memory_space<vmem>>
    %dma_start3A_157 = tpu.memref_squeeze %dma_start3A_156 : memref<1x128xi32, #tpu.memory_space<vmem>> -> memref<128xi32, #tpu.memory_space<vmem>>
    %dma_start3A_158 = arith.constant 0 : i32
    %dma_start3A_159 = arith.constant 0 : i32
    %dma_start3A_160 = tpu.memref_slice %arg10[%dma_start3A_158, %dma_start3A_159] : memref<10000x64xf32, #tpu.memory_space<vmem_shared>> -> memref<10000x64xf32, #tpu.memory_space<vmem_shared>>
    tpu.enqueue_indirect_dma source(%dma_start3A_160 : memref<10000x64xf32, #tpu.memory_space<vmem_shared>>) target(%arg14 : memref<128x64xf32, #tpu.memory_space<vmem>>) offsets(%dma_start3A_157 : memref<128xi32, #tpu.memory_space<vmem>>) semaphore(%arg18 : memref<!tpu.dma_semaphore, #tpu.memory_space<semaphore_mem>>)
    %dma_start3A_161 = arith.constant 1 : i32
    %dma_start3A_162 = arith.constant 0 : i32
    %dma_start3A_163 = tpu.memref_slice %arg12[%dma_start3A_161, %dma_start3A_162] : memref<40x128xi32, #tpu.memory_space<vmem>> -> memref<1x128xi32, #tpu.memory_space<vmem>>
    %dma_start3A_164 = tpu.memref_squeeze %dma_start3A_163 : memref<1x128xi32, #tpu.memory_space<vmem>> -> memref<128xi32, #tpu.memory_space<vmem>>
    %dma_start3A_165 = arith.constant 0 : i32
    %dma_start3A_166 = arith.constant 0 : i32
    %dma_start3A_167 = tpu.memref_slice %arg10[%dma_start3A_165, %dma_start3A_166] : memref<10000x64xf32, #tpu.memory_space<vmem_shared>> -> memref<10000x64xf32, #tpu.memory_space<vmem_shared>>
    tpu.enqueue_indirect_dma source(%dma_start3A_167 : memref<10000x64xf32, #tpu.memory_space<vmem_shared>>) target(%arg15 : memref<128x64xf32, #tpu.memory_space<vmem>>) offsets(%dma_start3A_164 : memref<128xi32, #tpu.memory_space<vmem>>) semaphore(%arg19 : memref<!tpu.dma_semaphore, #tpu.memory_space<semaphore_mem>>)
    %dma_start3A_168 = arith.constant 2 : i32
    %dma_start3A_169 = arith.constant 0 : i32
    %dma_start3A_170 = tpu.memref_slice %arg12[%dma_start3A_168, %dma_start3A_169] : memref<40x128xi32, #tpu.memory_space<vmem>> -> memref<1x128xi32, #tpu.memory_space<vmem>>
    %dma_start3A_171 = tpu.memref_squeeze %dma_start3A_170 : memref<1x128xi32, #tpu.memory_space<vmem>> -> memref<128xi32, #tpu.memory_space<vmem>>
    %dma_start3A_172 = arith.constant 0 : i32
    %dma_start3A_173 = arith.constant 0 : i32
    %dma_start3A_174 = tpu.memref_slice %arg10[%dma_start3A_172, %dma_start3A_173] : memref<10000x64xf32, #tpu.memory_space<vmem_shared>> -> memref<10000x64xf32, #tpu.memory_space<vmem_shared>>
    tpu.enqueue_indirect_dma source(%dma_start3A_174 : memref<10000x64xf32, #tpu.memory_space<vmem_shared>>) target(%arg16 : memref<128x64xf32, #tpu.memory_space<vmem>>) offsets(%dma_start3A_171 : memref<128xi32, #tpu.memory_space<vmem>>) semaphore(%arg20 : memref<!tpu.dma_semaphore, #tpu.memory_space<semaphore_mem>>)
    %dma_start3A_175 = arith.constant 3 : i32
    %dma_start3A_176 = arith.constant 0 : i32
    %dma_start3A_177 = tpu.memref_slice %arg12[%dma_start3A_175, %dma_start3A_176] : memref<40x128xi32, #tpu.memory_space<vmem>> -> memref<1x128xi32, #tpu.memory_space<vmem>>
    %dma_start3A_178 = tpu.memref_squeeze %dma_start3A_177 : memref<1x128xi32, #tpu.memory_space<vmem>> -> memref<128xi32, #tpu.memory_space<vmem>>
    %dma_start3A_179 = arith.constant 0 : i32
    %dma_start3A_180 = arith.constant 0 : i32
    %dma_start3A_181 = tpu.memref_slice %arg10[%dma_start3A_179, %dma_start3A_180] : memref<10000x64xf32, #tpu.memory_space<vmem_shared>> -> memref<10000x64xf32, #tpu.memory_space<vmem_shared>>
    tpu.enqueue_indirect_dma source(%dma_start3A_181 : memref<10000x64xf32, #tpu.memory_space<vmem_shared>>) target(%arg17 : memref<128x64xf32, #tpu.memory_space<vmem>>) offsets(%dma_start3A_178 : memref<128xi32, #tpu.memory_space<vmem>>) semaphore(%arg21 : memref<!tpu.dma_semaphore, #tpu.memory_space<semaphore_mem>>)
    %scan3A_182 = arith.constant 0 : i32
    %scan3A_183 = arith.constant 9 : i32
    %scan3A_184 = arith.addi %scan3A_182, %scan3A_183 : i32
    %scan3A_185 = arith.constant 1 : i32
    scf.for %scan3A_563 = %scan3A_182 to %scan3A_184 step %scan3A_185  : i32 {
      %mul3A_564 = arith.constant 4 : i32
      %mul3A_565 = arith.muli %scan3A_563, %mul3A_564 : i32
      %add3A_566 = arith.constant 0 : i32
      %add3A_567 = arith.addi %add3A_566, %mul3A_565 : i32
      %add3A_568 = arith.constant 0 : i32
      %add3A_569 = arith.addi %add3A_567, %add3A_568 : i32
      %dma_wait3A_570 = arith.constant 0 : i32
      %dma_wait3A_571 = tpu.memref_slice %arg12[%add3A_569, %dma_wait3A_570] : memref<40x128xi32, #tpu.memory_space<vmem>> -> memref<1x128xi32, #tpu.memory_space<vmem>>
      %dma_wait3A_572 = tpu.memref_squeeze %dma_wait3A_571 : memref<1x128xi32, #tpu.memory_space<vmem>> -> memref<128xi32, #tpu.memory_space<vmem>>
      %dma_wait3A_573 = arith.constant 0 : i32
      %dma_wait3A_574 = arith.constant 0 : i32
      %dma_wait3A_575 = tpu.memref_slice %arg10[%dma_wait3A_573, %dma_wait3A_574] : memref<10000x64xf32, #tpu.memory_space<vmem_shared>> -> memref<10000x64xf32, #tpu.memory_space<vmem_shared>>
      tpu.wait_indirect_dma semaphore(%arg18 : memref<!tpu.dma_semaphore, #tpu.memory_space<semaphore_mem>>) src(%dma_wait3A_575 : memref<10000x64xf32, #tpu.memory_space<vmem_shared>>) dst(%arg14 : memref<128x64xf32, #tpu.memory_space<vmem>>)
      %add3A_576 = arith.constant 0 : i32
      %add3A_577 = arith.addi %add3A_567, %add3A_576 : i32
      %dma_start3A_578 = arith.constant 0 : i32
      %dma_start3A_579 = tpu.memref_slice %arg13[%add3A_577, %dma_start3A_578] : memref<40x128xi32, #tpu.memory_space<vmem>> -> memref<1x128xi32, #tpu.memory_space<vmem>>
      %dma_start3A_580 = tpu.memref_squeeze %dma_start3A_579 : memref<1x128xi32, #tpu.memory_space<vmem>> -> memref<128xi32, #tpu.memory_space<vmem>>
      %dma_start3A_581 = arith.constant 0 : i32
      %dma_start3A_582 = arith.constant 0 : i32
      %dma_start3A_583 = tpu.memref_slice %arg11[%dma_start3A_581, %dma_start3A_582] : memref<10008x64xf32, #tpu.memory_space<vmem_shared>> -> memref<10008x64xf32, #tpu.memory_space<vmem_shared>>
      tpu.enqueue_indirect_dma source(%arg14 : memref<128x64xf32, #tpu.memory_space<vmem>>) target(%dma_start3A_583 : memref<10008x64xf32, #tpu.memory_space<vmem_shared>>) offsets(%dma_start3A_580 : memref<128xi32, #tpu.memory_space<vmem>>) semaphore(%arg22 : memref<!tpu.dma_semaphore, #tpu.memory_space<semaphore_mem>>) {add = true}
      %add3A_584 = arith.constant 0 : i32
      %add3A_585 = arith.addi %add3A_567, %add3A_584 : i32
      %convert_element_type3A_586 = arith.extui %eq3A_3 : i1 to i32
      %cond3A_587 = arith.constant 0 : i32
      %cond3A_588 = arith.cmpi ne, %convert_element_type3A_586, %cond3A_587 : i32
      scf.if %cond3A_588 {
        %dma_start3A_727 = arith.constant 0 : i32
        %dma_start3A_728 = tpu.memref_slice %arg27[%dma_start3A_727] : memref<128xf32, #tpu.memory_space<vmem>> -> memref<128xf32, #tpu.memory_space<vmem>>
        %dma_start3A_729 = arith.constant 0 : i32
        %dma_start3A_730 = tpu.memref_slice %arg13[%add3A_585, %dma_start3A_729] : memref<40x128xi32, #tpu.memory_space<vmem>> -> memref<1x128xi32, #tpu.memory_space<vmem>>
        %dma_start3A_731 = tpu.memref_squeeze %dma_start3A_730 : memref<1x128xi32, #tpu.memory_space<vmem>> -> memref<128xi32, #tpu.memory_space<vmem>>
        %dma_start3A_732 = arith.constant 0 : i32
        %dma_start3A_733 = tpu.memref_slice %arg26[%dma_start3A_732] : memref<10008xf32, #tpu.memory_space<vmem_shared>> -> memref<10008xf32, #tpu.memory_space<vmem_shared>>
        tpu.enqueue_indirect_dma source(%dma_start3A_728 : memref<128xf32, #tpu.memory_space<vmem>>) target(%dma_start3A_733 : memref<10008xf32, #tpu.memory_space<vmem_shared>>) offsets(%dma_start3A_731 : memref<128xi32, #tpu.memory_space<vmem>>) semaphore(%arg29 : memref<!tpu.dma_semaphore, #tpu.memory_space<semaphore_mem>>) {add = true}
      } else {
      }
      %add3A_589 = arith.constant 1 : i32
      %add3A_590 = arith.addi %add3A_567, %add3A_589 : i32
      %dma_wait3A_591 = arith.constant 0 : i32
      %dma_wait3A_592 = tpu.memref_slice %arg12[%add3A_590, %dma_wait3A_591] : memref<40x128xi32, #tpu.memory_space<vmem>> -> memref<1x128xi32, #tpu.memory_space<vmem>>
      %dma_wait3A_593 = tpu.memref_squeeze %dma_wait3A_592 : memref<1x128xi32, #tpu.memory_space<vmem>> -> memref<128xi32, #tpu.memory_space<vmem>>
      %dma_wait3A_594 = arith.constant 0 : i32
      %dma_wait3A_595 = arith.constant 0 : i32
      %dma_wait3A_596 = tpu.memref_slice %arg10[%dma_wait3A_594, %dma_wait3A_595] : memref<10000x64xf32, #tpu.memory_space<vmem_shared>> -> memref<10000x64xf32, #tpu.memory_space<vmem_shared>>
      tpu.wait_indirect_dma semaphore(%arg19 : memref<!tpu.dma_semaphore, #tpu.memory_space<semaphore_mem>>) src(%dma_wait3A_596 : memref<10000x64xf32, #tpu.memory_space<vmem_shared>>) dst(%arg15 : memref<128x64xf32, #tpu.memory_space<vmem>>)
      %add3A_597 = arith.constant 1 : i32
      %add3A_598 = arith.addi %add3A_567, %add3A_597 : i32
      %dma_start3A_599 = arith.constant 0 : i32
      %dma_start3A_600 = tpu.memref_slice %arg13[%add3A_598, %dma_start3A_599] : memref<40x128xi32, #tpu.memory_space<vmem>> -> memref<1x128xi32, #tpu.memory_space<vmem>>
      %dma_start3A_601 = tpu.memref_squeeze %dma_start3A_600 : memref<1x128xi32, #tpu.memory_space<vmem>> -> memref<128xi32, #tpu.memory_space<vmem>>
      %dma_start3A_602 = arith.constant 0 : i32
      %dma_start3A_603 = arith.constant 0 : i32
      %dma_start3A_604 = tpu.memref_slice %arg11[%dma_start3A_602, %dma_start3A_603] : memref<10008x64xf32, #tpu.memory_space<vmem_shared>> -> memref<10008x64xf32, #tpu.memory_space<vmem_shared>>
      tpu.enqueue_indirect_dma source(%arg15 : memref<128x64xf32, #tpu.memory_space<vmem>>) target(%dma_start3A_604 : memref<10008x64xf32, #tpu.memory_space<vmem_shared>>) offsets(%dma_start3A_601 : memref<128xi32, #tpu.memory_space<vmem>>) semaphore(%arg23 : memref<!tpu.dma_semaphore, #tpu.memory_space<semaphore_mem>>) {add = true}
      %add3A_605 = arith.constant 1 : i32
      %add3A_606 = arith.addi %add3A_567, %add3A_605 : i32
      %convert_element_type3A_607 = arith.extui %eq3A_3 : i1 to i32
      %cond3A_608 = arith.constant 0 : i32
      %cond3A_609 = arith.cmpi ne, %convert_element_type3A_607, %cond3A_608 : i32
      scf.if %cond3A_609 {
        %dma_start3A_727 = arith.constant 0 : i32
        %dma_start3A_728 = tpu.memref_slice %arg27[%dma_start3A_727] : memref<128xf32, #tpu.memory_space<vmem>> -> memref<128xf32, #tpu.memory_space<vmem>>
        %dma_start3A_729 = arith.constant 0 : i32
        %dma_start3A_730 = tpu.memref_slice %arg13[%add3A_606, %dma_start3A_729] : memref<40x128xi32, #tpu.memory_space<vmem>> -> memref<1x128xi32, #tpu.memory_space<vmem>>
        %dma_start3A_731 = tpu.memref_squeeze %dma_start3A_730 : memref<1x128xi32, #tpu.memory_space<vmem>> -> memref<128xi32, #tpu.memory_space<vmem>>
        %dma_start3A_732 = arith.constant 0 : i32
        %dma_start3A_733 = tpu.memref_slice %arg26[%dma_start3A_732] : memref<10008xf32, #tpu.memory_space<vmem_shared>> -> memref<10008xf32, #tpu.memory_space<vmem_shared>>
        tpu.enqueue_indirect_dma source(%dma_start3A_728 : memref<128xf32, #tpu.memory_space<vmem>>) target(%dma_start3A_733 : memref<10008xf32, #tpu.memory_space<vmem_shared>>) offsets(%dma_start3A_731 : memref<128xi32, #tpu.memory_space<vmem>>) semaphore(%arg29 : memref<!tpu.dma_semaphore, #tpu.memory_space<semaphore_mem>>) {add = true}
      } else {
      }
      %add3A_610 = arith.constant 2 : i32
      %add3A_611 = arith.addi %add3A_567, %add3A_610 : i32
      %dma_wait3A_612 = arith.constant 0 : i32
      %dma_wait3A_613 = tpu.memref_slice %arg12[%add3A_611, %dma_wait3A_612] : memref<40x128xi32, #tpu.memory_space<vmem>> -> memref<1x128xi32, #tpu.memory_space<vmem>>
      %dma_wait3A_614 = tpu.memref_squeeze %dma_wait3A_613 : memref<1x128xi32, #tpu.memory_space<vmem>> -> memref<128xi32, #tpu.memory_space<vmem>>
      %dma_wait3A_615 = arith.constant 0 : i32
      %dma_wait3A_616 = arith.constant 0 : i32
      %dma_wait3A_617 = tpu.memref_slice %arg10[%dma_wait3A_615, %dma_wait3A_616] : memref<10000x64xf32, #tpu.memory_space<vmem_shared>> -> memref<10000x64xf32, #tpu.memory_space<vmem_shared>>
      tpu.wait_indirect_dma semaphore(%arg20 : memref<!tpu.dma_semaphore, #tpu.memory_space<semaphore_mem>>) src(%dma_wait3A_617 : memref<10000x64xf32, #tpu.memory_space<vmem_shared>>) dst(%arg16 : memref<128x64xf32, #tpu.memory_space<vmem>>)
      %add3A_618 = arith.constant 2 : i32
      %add3A_619 = arith.addi %add3A_567, %add3A_618 : i32
      %dma_start3A_620 = arith.constant 0 : i32
      %dma_start3A_621 = tpu.memref_slice %arg13[%add3A_619, %dma_start3A_620] : memref<40x128xi32, #tpu.memory_space<vmem>> -> memref<1x128xi32, #tpu.memory_space<vmem>>
      %dma_start3A_622 = tpu.memref_squeeze %dma_start3A_621 : memref<1x128xi32, #tpu.memory_space<vmem>> -> memref<128xi32, #tpu.memory_space<vmem>>
      %dma_start3A_623 = arith.constant 0 : i32
      %dma_start3A_624 = arith.constant 0 : i32
      %dma_start3A_625 = tpu.memref_slice %arg11[%dma_start3A_623, %dma_start3A_624] : memref<10008x64xf32, #tpu.memory_space<vmem_shared>> -> memref<10008x64xf32, #tpu.memory_space<vmem_shared>>
      tpu.enqueue_indirect_dma source(%arg16 : memref<128x64xf32, #tpu.memory_space<vmem>>) target(%dma_start3A_625 : memref<10008x64xf32, #tpu.memory_space<vmem_shared>>) offsets(%dma_start3A_622 : memref<128xi32, #tpu.memory_space<vmem>>) semaphore(%arg24 : memref<!tpu.dma_semaphore, #tpu.memory_space<semaphore_mem>>) {add = true}
      %add3A_626 = arith.constant 2 : i32
      %add3A_627 = arith.addi %add3A_567, %add3A_626 : i32
      %convert_element_type3A_628 = arith.extui %eq3A_3 : i1 to i32
      %cond3A_629 = arith.constant 0 : i32
      %cond3A_630 = arith.cmpi ne, %convert_element_type3A_628, %cond3A_629 : i32
      scf.if %cond3A_630 {
        %dma_start3A_727 = arith.constant 0 : i32
        %dma_start3A_728 = tpu.memref_slice %arg27[%dma_start3A_727] : memref<128xf32, #tpu.memory_space<vmem>> -> memref<128xf32, #tpu.memory_space<vmem>>
        %dma_start3A_729 = arith.constant 0 : i32
        %dma_start3A_730 = tpu.memref_slice %arg13[%add3A_627, %dma_start3A_729] : memref<40x128xi32, #tpu.memory_space<vmem>> -> memref<1x128xi32, #tpu.memory_space<vmem>>
        %dma_start3A_731 = tpu.memref_squeeze %dma_start3A_730 : memref<1x128xi32, #tpu.memory_space<vmem>> -> memref<128xi32, #tpu.memory_space<vmem>>
        %dma_start3A_732 = arith.constant 0 : i32
        %dma_start3A_733 = tpu.memref_slice %arg26[%dma_start3A_732] : memref<10008xf32, #tpu.memory_space<vmem_shared>> -> memref<10008xf32, #tpu.memory_space<vmem_shared>>
        tpu.enqueue_indirect_dma source(%dma_start3A_728 : memref<128xf32, #tpu.memory_space<vmem>>) target(%dma_start3A_733 : memref<10008xf32, #tpu.memory_space<vmem_shared>>) offsets(%dma_start3A_731 : memref<128xi32, #tpu.memory_space<vmem>>) semaphore(%arg29 : memref<!tpu.dma_semaphore, #tpu.memory_space<semaphore_mem>>) {add = true}
      } else {
      }
      %add3A_631 = arith.constant 3 : i32
      %add3A_632 = arith.addi %add3A_567, %add3A_631 : i32
      %dma_wait3A_633 = arith.constant 0 : i32
      %dma_wait3A_634 = tpu.memref_slice %arg12[%add3A_632, %dma_wait3A_633] : memref<40x128xi32, #tpu.memory_space<vmem>> -> memref<1x128xi32, #tpu.memory_space<vmem>>
      %dma_wait3A_635 = tpu.memref_squeeze %dma_wait3A_634 : memref<1x128xi32, #tpu.memory_space<vmem>> -> memref<128xi32, #tpu.memory_space<vmem>>
      %dma_wait3A_636 = arith.constant 0 : i32
      %dma_wait3A_637 = arith.constant 0 : i32
      %dma_wait3A_638 = tpu.memref_slice %arg10[%dma_wait3A_636, %dma_wait3A_637] : memref<10000x64xf32, #tpu.memory_space<vmem_shared>> -> memref<10000x64xf32, #tpu.memory_space<vmem_shared>>
      tpu.wait_indirect_dma semaphore(%arg21 : memref<!tpu.dma_semaphore, #tpu.memory_space<semaphore_mem>>) src(%dma_wait3A_638 : memref<10000x64xf32, #tpu.memory_space<vmem_shared>>) dst(%arg17 : memref<128x64xf32, #tpu.memory_space<vmem>>)
      %add3A_639 = arith.constant 3 : i32
      %add3A_640 = arith.addi %add3A_567, %add3A_639 : i32
      %dma_start3A_641 = arith.constant 0 : i32
      %dma_start3A_642 = tpu.memref_slice %arg13[%add3A_640, %dma_start3A_641] : memref<40x128xi32, #tpu.memory_space<vmem>> -> memref<1x128xi32, #tpu.memory_space<vmem>>
      %dma_start3A_643 = tpu.memref_squeeze %dma_start3A_642 : memref<1x128xi32, #tpu.memory_space<vmem>> -> memref<128xi32, #tpu.memory_space<vmem>>
      %dma_start3A_644 = arith.constant 0 : i32
      %dma_start3A_645 = arith.constant 0 : i32
      %dma_start3A_646 = tpu.memref_slice %arg11[%dma_start3A_644, %dma_start3A_645] : memref<10008x64xf32, #tpu.memory_space<vmem_shared>> -> memref<10008x64xf32, #tpu.memory_space<vmem_shared>>
      tpu.enqueue_indirect_dma source(%arg17 : memref<128x64xf32, #tpu.memory_space<vmem>>) target(%dma_start3A_646 : memref<10008x64xf32, #tpu.memory_space<vmem_shared>>) offsets(%dma_start3A_643 : memref<128xi32, #tpu.memory_space<vmem>>) semaphore(%arg25 : memref<!tpu.dma_semaphore, #tpu.memory_space<semaphore_mem>>) {add = true}
      %add3A_647 = arith.constant 3 : i32
      %add3A_648 = arith.addi %add3A_567, %add3A_647 : i32
      %convert_element_type3A_649 = arith.extui %eq3A_3 : i1 to i32
      %cond3A_650 = arith.constant 0 : i32
      %cond3A_651 = arith.cmpi ne, %convert_element_type3A_649, %cond3A_650 : i32
      scf.if %cond3A_651 {
        %dma_start3A_727 = arith.constant 0 : i32
        %dma_start3A_728 = tpu.memref_slice %arg27[%dma_start3A_727] : memref<128xf32, #tpu.memory_space<vmem>> -> memref<128xf32, #tpu.memory_space<vmem>>
        %dma_start3A_729 = arith.constant 0 : i32
        %dma_start3A_730 = tpu.memref_slice %arg13[%add3A_648, %dma_start3A_729] : memref<40x128xi32, #tpu.memory_space<vmem>> -> memref<1x128xi32, #tpu.memory_space<vmem>>
        %dma_start3A_731 = tpu.memref_squeeze %dma_start3A_730 : memref<1x128xi32, #tpu.memory_space<vmem>> -> memref<128xi32, #tpu.memory_space<vmem>>
        %dma_start3A_732 = arith.constant 0 : i32
        %dma_start3A_733 = tpu.memref_slice %arg26[%dma_start3A_732] : memref<10008xf32, #tpu.memory_space<vmem_shared>> -> memref<10008xf32, #tpu.memory_space<vmem_shared>>
        tpu.enqueue_indirect_dma source(%dma_start3A_728 : memref<128xf32, #tpu.memory_space<vmem>>) target(%dma_start3A_733 : memref<10008xf32, #tpu.memory_space<vmem_shared>>) offsets(%dma_start3A_731 : memref<128xi32, #tpu.memory_space<vmem>>) semaphore(%arg29 : memref<!tpu.dma_semaphore, #tpu.memory_space<semaphore_mem>>) {add = true}
      } else {
      }
      %add3A_652 = arith.constant 0 : i32
      %add3A_653 = arith.addi %add3A_567, %add3A_652 : i32
      %dma_wait3A_654 = arith.constant 0 : i32
      %dma_wait3A_655 = tpu.memref_slice %arg13[%add3A_653, %dma_wait3A_654] : memref<40x128xi32, #tpu.memory_space<vmem>> -> memref<1x128xi32, #tpu.memory_space<vmem>>
      %dma_wait3A_656 = tpu.memref_squeeze %dma_wait3A_655 : memref<1x128xi32, #tpu.memory_space<vmem>> -> memref<128xi32, #tpu.memory_space<vmem>>
      %dma_wait3A_657 = arith.constant 0 : i32
      %dma_wait3A_658 = arith.constant 0 : i32
      %dma_wait3A_659 = tpu.memref_slice %arg11[%dma_wait3A_657, %dma_wait3A_658] : memref<10008x64xf32, #tpu.memory_space<vmem_shared>> -> memref<10008x64xf32, #tpu.memory_space<vmem_shared>>
      tpu.wait_indirect_dma semaphore(%arg22 : memref<!tpu.dma_semaphore, #tpu.memory_space<semaphore_mem>>) src(%arg14 : memref<128x64xf32, #tpu.memory_space<vmem>>) dst(%dma_wait3A_659 : memref<10008x64xf32, #tpu.memory_space<vmem_shared>>)
      %add3A_660 = arith.constant 0 : i32
      %add3A_661 = arith.addi %add3A_567, %add3A_660 : i32
      %add3A_662 = arith.constant 4 : i32
      %add3A_663 = arith.addi %add3A_661, %add3A_662 : i32
      %dma_start3A_664 = arith.constant 0 : i32
      %dma_start3A_665 = tpu.memref_slice %arg12[%add3A_663, %dma_start3A_664] : memref<40x128xi32, #tpu.memory_space<vmem>> -> memref<1x128xi32, #tpu.memory_space<vmem>>
      %dma_start3A_666 = tpu.memref_squeeze %dma_start3A_665 : memref<1x128xi32, #tpu.memory_space<vmem>> -> memref<128xi32, #tpu.memory_space<vmem>>
      %dma_start3A_667 = arith.constant 0 : i32
      %dma_start3A_668 = arith.constant 0 : i32
      %dma_start3A_669 = tpu.memref_slice %arg10[%dma_start3A_667, %dma_start3A_668] : memref<10000x64xf32, #tpu.memory_space<vmem_shared>> -> memref<10000x64xf32, #tpu.memory_space<vmem_shared>>
      tpu.enqueue_indirect_dma source(%dma_start3A_669 : memref<10000x64xf32, #tpu.memory_space<vmem_shared>>) target(%arg14 : memref<128x64xf32, #tpu.memory_space<vmem>>) offsets(%dma_start3A_666 : memref<128xi32, #tpu.memory_space<vmem>>) semaphore(%arg18 : memref<!tpu.dma_semaphore, #tpu.memory_space<semaphore_mem>>)
      %add3A_670 = arith.constant 1 : i32
      %add3A_671 = arith.addi %add3A_567, %add3A_670 : i32
      %dma_wait3A_672 = arith.constant 0 : i32
      %dma_wait3A_673 = tpu.memref_slice %arg13[%add3A_671, %dma_wait3A_672] : memref<40x128xi32, #tpu.memory_space<vmem>> -> memref<1x128xi32, #tpu.memory_space<vmem>>
      %dma_wait3A_674 = tpu.memref_squeeze %dma_wait3A_673 : memref<1x128xi32, #tpu.memory_space<vmem>> -> memref<128xi32, #tpu.memory_space<vmem>>
      %dma_wait3A_675 = arith.constant 0 : i32
      %dma_wait3A_676 = arith.constant 0 : i32
      %dma_wait3A_677 = tpu.memref_slice %arg11[%dma_wait3A_675, %dma_wait3A_676] : memref<10008x64xf32, #tpu.memory_space<vmem_shared>> -> memref<10008x64xf32, #tpu.memory_space<vmem_shared>>
      tpu.wait_indirect_dma semaphore(%arg23 : memref<!tpu.dma_semaphore, #tpu.memory_space<semaphore_mem>>) src(%arg15 : memref<128x64xf32, #tpu.memory_space<vmem>>) dst(%dma_wait3A_677 : memref<10008x64xf32, #tpu.memory_space<vmem_shared>>)
      %add3A_678 = arith.constant 1 : i32
      %add3A_679 = arith.addi %add3A_567, %add3A_678 : i32
      %add3A_680 = arith.constant 4 : i32
      %add3A_681 = arith.addi %add3A_679, %add3A_680 : i32
      %dma_start3A_682 = arith.constant 0 : i32
      %dma_start3A_683 = tpu.memref_slice %arg12[%add3A_681, %dma_start3A_682] : memref<40x128xi32, #tpu.memory_space<vmem>> -> memref<1x128xi32, #tpu.memory_space<vmem>>
      %dma_start3A_684 = tpu.memref_squeeze %dma_start3A_683 : memref<1x128xi32, #tpu.memory_space<vmem>> -> memref<128xi32, #tpu.memory_space<vmem>>
      %dma_start3A_685 = arith.constant 0 : i32
      %dma_start3A_686 = arith.constant 0 : i32
      %dma_start3A_687 = tpu.memref_slice %arg10[%dma_start3A_685, %dma_start3A_686] : memref<10000x64xf32, #tpu.memory_space<vmem_shared>> -> memref<10000x64xf32, #tpu.memory_space<vmem_shared>>
      tpu.enqueue_indirect_dma source(%dma_start3A_687 : memref<10000x64xf32, #tpu.memory_space<vmem_shared>>) target(%arg15 : memref<128x64xf32, #tpu.memory_space<vmem>>) offsets(%dma_start3A_684 : memref<128xi32, #tpu.memory_space<vmem>>) semaphore(%arg19 : memref<!tpu.dma_semaphore, #tpu.memory_space<semaphore_mem>>)
      %add3A_688 = arith.constant 2 : i32
      %add3A_689 = arith.addi %add3A_567, %add3A_688 : i32
      %dma_wait3A_690 = arith.constant 0 : i32
      %dma_wait3A_691 = tpu.memref_slice %arg13[%add3A_689, %dma_wait3A_690] : memref<40x128xi32, #tpu.memory_space<vmem>> -> memref<1x128xi32, #tpu.memory_space<vmem>>
      %dma_wait3A_692 = tpu.memref_squeeze %dma_wait3A_691 : memref<1x128xi32, #tpu.memory_space<vmem>> -> memref<128xi32, #tpu.memory_space<vmem>>
      %dma_wait3A_693 = arith.constant 0 : i32
      %dma_wait3A_694 = arith.constant 0 : i32
      %dma_wait3A_695 = tpu.memref_slice %arg11[%dma_wait3A_693, %dma_wait3A_694] : memref<10008x64xf32, #tpu.memory_space<vmem_shared>> -> memref<10008x64xf32, #tpu.memory_space<vmem_shared>>
      tpu.wait_indirect_dma semaphore(%arg24 : memref<!tpu.dma_semaphore, #tpu.memory_space<semaphore_mem>>) src(%arg16 : memref<128x64xf32, #tpu.memory_space<vmem>>) dst(%dma_wait3A_695 : memref<10008x64xf32, #tpu.memory_space<vmem_shared>>)
      %add3A_696 = arith.constant 2 : i32
      %add3A_697 = arith.addi %add3A_567, %add3A_696 : i32
      %add3A_698 = arith.constant 4 : i32
      %add3A_699 = arith.addi %add3A_697, %add3A_698 : i32
      %dma_start3A_700 = arith.constant 0 : i32
      %dma_start3A_701 = tpu.memref_slice %arg12[%add3A_699, %dma_start3A_700] : memref<40x128xi32, #tpu.memory_space<vmem>> -> memref<1x128xi32, #tpu.memory_space<vmem>>
      %dma_start3A_702 = tpu.memref_squeeze %dma_start3A_701 : memref<1x128xi32, #tpu.memory_space<vmem>> -> memref<128xi32, #tpu.memory_space<vmem>>
      %dma_start3A_703 = arith.constant 0 : i32
      %dma_start3A_704 = arith.constant 0 : i32
      %dma_start3A_705 = tpu.memref_slice %arg10[%dma_start3A_703, %dma_start3A_704] : memref<10000x64xf32, #tpu.memory_space<vmem_shared>> -> memref<10000x64xf32, #tpu.memory_space<vmem_shared>>
      tpu.enqueue_indirect_dma source(%dma_start3A_705 : memref<10000x64xf32, #tpu.memory_space<vmem_shared>>) target(%arg16 : memref<128x64xf32, #tpu.memory_space<vmem>>) offsets(%dma_start3A_702 : memref<128xi32, #tpu.memory_space<vmem>>) semaphore(%arg20 : memref<!tpu.dma_semaphore, #tpu.memory_space<semaphore_mem>>)
      %add3A_706 = arith.constant 3 : i32
      %add3A_707 = arith.addi %add3A_567, %add3A_706 : i32
      %dma_wait3A_708 = arith.constant 0 : i32
      %dma_wait3A_709 = tpu.memref_slice %arg13[%add3A_707, %dma_wait3A_708] : memref<40x128xi32, #tpu.memory_space<vmem>> -> memref<1x128xi32, #tpu.memory_space<vmem>>
      %dma_wait3A_710 = tpu.memref_squeeze %dma_wait3A_709 : memref<1x128xi32, #tpu.memory_space<vmem>> -> memref<128xi32, #tpu.memory_space<vmem>>
      %dma_wait3A_711 = arith.constant 0 : i32
      %dma_wait3A_712 = arith.constant 0 : i32
      %dma_wait3A_713 = tpu.memref_slice %arg11[%dma_wait3A_711, %dma_wait3A_712] : memref<10008x64xf32, #tpu.memory_space<vmem_shared>> -> memref<10008x64xf32, #tpu.memory_space<vmem_shared>>
      tpu.wait_indirect_dma semaphore(%arg25 : memref<!tpu.dma_semaphore, #tpu.memory_space<semaphore_mem>>) src(%arg17 : memref<128x64xf32, #tpu.memory_space<vmem>>) dst(%dma_wait3A_713 : memref<10008x64xf32, #tpu.memory_space<vmem_shared>>)
      %add3A_714 = arith.constant 3 : i32
      %add3A_715 = arith.addi %add3A_567, %add3A_714 : i32
      %add3A_716 = arith.constant 4 : i32
      %add3A_717 = arith.addi %add3A_715, %add3A_716 : i32
      %dma_start3A_718 = arith.constant 0 : i32
      %dma_start3A_719 = tpu.memref_slice %arg12[%add3A_717, %dma_start3A_718] : memref<40x128xi32, #tpu.memory_space<vmem>> -> memref<1x128xi32, #tpu.memory_space<vmem>>
      %dma_start3A_720 = tpu.memref_squeeze %dma_start3A_719 : memref<1x128xi32, #tpu.memory_space<vmem>> -> memref<128xi32, #tpu.memory_space<vmem>>
      %dma_start3A_721 = arith.constant 0 : i32
      %dma_start3A_722 = arith.constant 0 : i32
      %dma_start3A_723 = tpu.memref_slice %arg10[%dma_start3A_721, %dma_start3A_722] : memref<10000x64xf32, #tpu.memory_space<vmem_shared>> -> memref<10000x64xf32, #tpu.memory_space<vmem_shared>>
      tpu.enqueue_indirect_dma source(%dma_start3A_723 : memref<10000x64xf32, #tpu.memory_space<vmem_shared>>) target(%arg17 : memref<128x64xf32, #tpu.memory_space<vmem>>) offsets(%dma_start3A_720 : memref<128xi32, #tpu.memory_space<vmem>>) semaphore(%arg21 : memref<!tpu.dma_semaphore, #tpu.memory_space<semaphore_mem>>)
      %convert_element_type3A_724 = arith.extui %eq3A_3 : i1 to i32
      %cond3A_725 = arith.constant 0 : i32
      %cond3A_726 = arith.cmpi ne, %convert_element_type3A_724, %cond3A_725 : i32
      scf.if %cond3A_726 {
        %scan3A_727 = arith.constant 0 : i32
        %scan3A_728 = arith.constant 4 : i32
        %scan3A_729 = arith.addi %scan3A_727, %scan3A_728 : i32
        %scan3A_730 = arith.constant 1 : i32
        scf.for %scan3A_732 = %scan3A_727 to %scan3A_729 step %scan3A_730  : i32 {
          %mul3A_733 = arith.constant 1 : i32
          %mul3A_734 = arith.muli %scan3A_732, %mul3A_733 : i32
          %add3A_735 = arith.constant 0 : i32
          %add3A_736 = arith.addi %add3A_735, %mul3A_734 : i32
          %dma_wait3A_737 = arith.constant 0 : i32
          %dma_wait3A_738 = arith.constant 0 : i32
          %dma_wait3A_739 = tpu.memref_slice %arg27[%dma_wait3A_738] : memref<128xf32, #tpu.memory_space<vmem>> -> memref<128xf32, #tpu.memory_space<vmem>>
          %dma_wait3A_740 = arith.constant 0 : i32
          %dma_wait3A_741 = tpu.memref_slice %arg13[%dma_wait3A_737, %dma_wait3A_740] : memref<40x128xi32, #tpu.memory_space<vmem>> -> memref<1x128xi32, #tpu.memory_space<vmem>>
          %dma_wait3A_742 = tpu.memref_squeeze %dma_wait3A_741 : memref<1x128xi32, #tpu.memory_space<vmem>> -> memref<128xi32, #tpu.memory_space<vmem>>
          %dma_wait3A_743 = arith.constant 0 : i32
          %dma_wait3A_744 = tpu.memref_slice %arg26[%dma_wait3A_743] : memref<10008xf32, #tpu.memory_space<vmem_shared>> -> memref<10008xf32, #tpu.memory_space<vmem_shared>>
          tpu.wait_indirect_dma semaphore(%arg29 : memref<!tpu.dma_semaphore, #tpu.memory_space<semaphore_mem>>) src(%dma_wait3A_739 : memref<128xf32, #tpu.memory_space<vmem>>) dst(%dma_wait3A_744 : memref<10008xf32, #tpu.memory_space<vmem_shared>>)
        }
        %scan3A_731 = arith.constant 4 : i32
      } else {
      }
    }
    %scan3A_186 = arith.constant 9 : i32
    %dma_wait3A_187 = arith.constant 36 : i32
    %dma_wait3A_188 = arith.constant 0 : i32
    %dma_wait3A_189 = tpu.memref_slice %arg12[%dma_wait3A_187, %dma_wait3A_188] : memref<40x128xi32, #tpu.memory_space<vmem>> -> memref<1x128xi32, #tpu.memory_space<vmem>>
    %dma_wait3A_190 = tpu.memref_squeeze %dma_wait3A_189 : memref<1x128xi32, #tpu.memory_space<vmem>> -> memref<128xi32, #tpu.memory_space<vmem>>
    %dma_wait3A_191 = arith.constant 0 : i32
    %dma_wait3A_192 = arith.constant 0 : i32
    %dma_wait3A_193 = tpu.memref_slice %arg10[%dma_wait3A_191, %dma_wait3A_192] : memref<10000x64xf32, #tpu.memory_space<vmem_shared>> -> memref<10000x64xf32, #tpu.memory_space<vmem_shared>>
    tpu.wait_indirect_dma semaphore(%arg18 : memref<!tpu.dma_semaphore, #tpu.memory_space<semaphore_mem>>) src(%dma_wait3A_193 : memref<10000x64xf32, #tpu.memory_space<vmem_shared>>) dst(%arg14 : memref<128x64xf32, #tpu.memory_space<vmem>>)
    %dma_start3A_194 = arith.constant 36 : i32
    %dma_start3A_195 = arith.constant 0 : i32
    %dma_start3A_196 = tpu.memref_slice %arg13[%dma_start3A_194, %dma_start3A_195] : memref<40x128xi32, #tpu.memory_space<vmem>> -> memref<1x128xi32, #tpu.memory_space<vmem>>
    %dma_start3A_197 = tpu.memref_squeeze %dma_start3A_196 : memref<1x128xi32, #tpu.memory_space<vmem>> -> memref<128xi32, #tpu.memory_space<vmem>>
    %dma_start3A_198 = arith.constant 0 : i32
    %dma_start3A_199 = arith.constant 0 : i32
    %dma_start3A_200 = tpu.memref_slice %arg11[%dma_start3A_198, %dma_start3A_199] : memref<10008x64xf32, #tpu.memory_space<vmem_shared>> -> memref<10008x64xf32, #tpu.memory_space<vmem_shared>>
    tpu.enqueue_indirect_dma source(%arg14 : memref<128x64xf32, #tpu.memory_space<vmem>>) target(%dma_start3A_200 : memref<10008x64xf32, #tpu.memory_space<vmem_shared>>) offsets(%dma_start3A_197 : memref<128xi32, #tpu.memory_space<vmem>>) semaphore(%arg22 : memref<!tpu.dma_semaphore, #tpu.memory_space<semaphore_mem>>) {add = true}
    %convert_element_type3A_201 = arith.extui %eq3A_3 : i1 to i32
    %cond3A_202 = arith.constant 0 : i32
    %cond3A_203 = arith.cmpi ne, %convert_element_type3A_201, %cond3A_202 : i32
    scf.if %cond3A_203 {
      %dma_start3A_563 = arith.constant 36 : i32
      %dma_start3A_564 = arith.constant 0 : i32
      %dma_start3A_565 = tpu.memref_slice %arg27[%dma_start3A_564] : memref<128xf32, #tpu.memory_space<vmem>> -> memref<128xf32, #tpu.memory_space<vmem>>
      %dma_start3A_566 = arith.constant 0 : i32
      %dma_start3A_567 = tpu.memref_slice %arg13[%dma_start3A_563, %dma_start3A_566] : memref<40x128xi32, #tpu.memory_space<vmem>> -> memref<1x128xi32, #tpu.memory_space<vmem>>
      %dma_start3A_568 = tpu.memref_squeeze %dma_start3A_567 : memref<1x128xi32, #tpu.memory_space<vmem>> -> memref<128xi32, #tpu.memory_space<vmem>>
      %dma_start3A_569 = arith.constant 0 : i32
      %dma_start3A_570 = tpu.memref_slice %arg26[%dma_start3A_569] : memref<10008xf32, #tpu.memory_space<vmem_shared>> -> memref<10008xf32, #tpu.memory_space<vmem_shared>>
      tpu.enqueue_indirect_dma source(%dma_start3A_565 : memref<128xf32, #tpu.memory_space<vmem>>) target(%dma_start3A_570 : memref<10008xf32, #tpu.memory_space<vmem_shared>>) offsets(%dma_start3A_568 : memref<128xi32, #tpu.memory_space<vmem>>) semaphore(%arg29 : memref<!tpu.dma_semaphore, #tpu.memory_space<semaphore_mem>>) {add = true}
    } else {
    }
    %dma_wait3A_204 = arith.constant 37 : i32
    %dma_wait3A_205 = arith.constant 0 : i32
    %dma_wait3A_206 = tpu.memref_slice %arg12[%dma_wait3A_204, %dma_wait3A_205] : memref<40x128xi32, #tpu.memory_space<vmem>> -> memref<1x128xi32, #tpu.memory_space<vmem>>
    %dma_wait3A_207 = tpu.memref_squeeze %dma_wait3A_206 : memref<1x128xi32, #tpu.memory_space<vmem>> -> memref<128xi32, #tpu.memory_space<vmem>>
    %dma_wait3A_208 = arith.constant 0 : i32
    %dma_wait3A_209 = arith.constant 0 : i32
    %dma_wait3A_210 = tpu.memref_slice %arg10[%dma_wait3A_208, %dma_wait3A_209] : memref<10000x64xf32, #tpu.memory_space<vmem_shared>> -> memref<10000x64xf32, #tpu.memory_space<vmem_shared>>
    tpu.wait_indirect_dma semaphore(%arg19 : memref<!tpu.dma_semaphore, #tpu.memory_space<semaphore_mem>>) src(%dma_wait3A_210 : memref<10000x64xf32, #tpu.memory_space<vmem_shared>>) dst(%arg15 : memref<128x64xf32, #tpu.memory_space<vmem>>)
    %dma_start3A_211 = arith.constant 37 : i32
    %dma_start3A_212 = arith.constant 0 : i32
    %dma_start3A_213 = tpu.memref_slice %arg13[%dma_start3A_211, %dma_start3A_212] : memref<40x128xi32, #tpu.memory_space<vmem>> -> memref<1x128xi32, #tpu.memory_space<vmem>>
    %dma_start3A_214 = tpu.memref_squeeze %dma_start3A_213 : memref<1x128xi32, #tpu.memory_space<vmem>> -> memref<128xi32, #tpu.memory_space<vmem>>
    %dma_start3A_215 = arith.constant 0 : i32
    %dma_start3A_216 = arith.constant 0 : i32
    %dma_start3A_217 = tpu.memref_slice %arg11[%dma_start3A_215, %dma_start3A_216] : memref<10008x64xf32, #tpu.memory_space<vmem_shared>> -> memref<10008x64xf32, #tpu.memory_space<vmem_shared>>
    tpu.enqueue_indirect_dma source(%arg15 : memref<128x64xf32, #tpu.memory_space<vmem>>) target(%dma_start3A_217 : memref<10008x64xf32, #tpu.memory_space<vmem_shared>>) offsets(%dma_start3A_214 : memref<128xi32, #tpu.memory_space<vmem>>) semaphore(%arg23 : memref<!tpu.dma_semaphore, #tpu.memory_space<semaphore_mem>>) {add = true}
    %convert_element_type3A_218 = arith.extui %eq3A_3 : i1 to i32
    %cond3A_219 = arith.constant 0 : i32
    %cond3A_220 = arith.cmpi ne, %convert_element_type3A_218, %cond3A_219 : i32
    scf.if %cond3A_220 {
      %dma_start3A_563 = arith.constant 37 : i32
      %dma_start3A_564 = arith.constant 0 : i32
      %dma_start3A_565 = tpu.memref_slice %arg27[%dma_start3A_564] : memref<128xf32, #tpu.memory_space<vmem>> -> memref<128xf32, #tpu.memory_space<vmem>>
      %dma_start3A_566 = arith.constant 0 : i32
      %dma_start3A_567 = tpu.memref_slice %arg13[%dma_start3A_563, %dma_start3A_566] : memref<40x128xi32, #tpu.memory_space<vmem>> -> memref<1x128xi32, #tpu.memory_space<vmem>>
      %dma_start3A_568 = tpu.memref_squeeze %dma_start3A_567 : memref<1x128xi32, #tpu.memory_space<vmem>> -> memref<128xi32, #tpu.memory_space<vmem>>
      %dma_start3A_569 = arith.constant 0 : i32
      %dma_start3A_570 = tpu.memref_slice %arg26[%dma_start3A_569] : memref<10008xf32, #tpu.memory_space<vmem_shared>> -> memref<10008xf32, #tpu.memory_space<vmem_shared>>
      tpu.enqueue_indirect_dma source(%dma_start3A_565 : memref<128xf32, #tpu.memory_space<vmem>>) target(%dma_start3A_570 : memref<10008xf32, #tpu.memory_space<vmem_shared>>) offsets(%dma_start3A_568 : memref<128xi32, #tpu.memory_space<vmem>>) semaphore(%arg29 : memref<!tpu.dma_semaphore, #tpu.memory_space<semaphore_mem>>) {add = true}
    } else {
    }
    %dma_wait3A_221 = arith.constant 38 : i32
    %dma_wait3A_222 = arith.constant 0 : i32
    %dma_wait3A_223 = tpu.memref_slice %arg12[%dma_wait3A_221, %dma_wait3A_222] : memref<40x128xi32, #tpu.memory_space<vmem>> -> memref<1x128xi32, #tpu.memory_space<vmem>>
    %dma_wait3A_224 = tpu.memref_squeeze %dma_wait3A_223 : memref<1x128xi32, #tpu.memory_space<vmem>> -> memref<128xi32, #tpu.memory_space<vmem>>
    %dma_wait3A_225 = arith.constant 0 : i32
    %dma_wait3A_226 = arith.constant 0 : i32
    %dma_wait3A_227 = tpu.memref_slice %arg10[%dma_wait3A_225, %dma_wait3A_226] : memref<10000x64xf32, #tpu.memory_space<vmem_shared>> -> memref<10000x64xf32, #tpu.memory_space<vmem_shared>>
    tpu.wait_indirect_dma semaphore(%arg20 : memref<!tpu.dma_semaphore, #tpu.memory_space<semaphore_mem>>) src(%dma_wait3A_227 : memref<10000x64xf32, #tpu.memory_space<vmem_shared>>) dst(%arg16 : memref<128x64xf32, #tpu.memory_space<vmem>>)
    %dma_start3A_228 = arith.constant 38 : i32
    %dma_start3A_229 = arith.constant 0 : i32
    %dma_start3A_230 = tpu.memref_slice %arg13[%dma_start3A_228, %dma_start3A_229] : memref<40x128xi32, #tpu.memory_space<vmem>> -> memref<1x128xi32, #tpu.memory_space<vmem>>
    %dma_start3A_231 = tpu.memref_squeeze %dma_start3A_230 : memref<1x128xi32, #tpu.memory_space<vmem>> -> memref<128xi32, #tpu.memory_space<vmem>>
    %dma_start3A_232 = arith.constant 0 : i32
    %dma_start3A_233 = arith.constant 0 : i32
    %dma_start3A_234 = tpu.memref_slice %arg11[%dma_start3A_232, %dma_start3A_233] : memref<10008x64xf32, #tpu.memory_space<vmem_shared>> -> memref<10008x64xf32, #tpu.memory_space<vmem_shared>>
    tpu.enqueue_indirect_dma source(%arg16 : memref<128x64xf32, #tpu.memory_space<vmem>>) target(%dma_start3A_234 : memref<10008x64xf32, #tpu.memory_space<vmem_shared>>) offsets(%dma_start3A_231 : memref<128xi32, #tpu.memory_space<vmem>>) semaphore(%arg24 : memref<!tpu.dma_semaphore, #tpu.memory_space<semaphore_mem>>) {add = true}
    %convert_element_type3A_235 = arith.extui %eq3A_3 : i1 to i32
    %cond3A_236 = arith.constant 0 : i32
    %cond3A_237 = arith.cmpi ne, %convert_element_type3A_235, %cond3A_236 : i32
    scf.if %cond3A_237 {
      %dma_start3A_563 = arith.constant 38 : i32
      %dma_start3A_564 = arith.constant 0 : i32
      %dma_start3A_565 = tpu.memref_slice %arg27[%dma_start3A_564] : memref<128xf32, #tpu.memory_space<vmem>> -> memref<128xf32, #tpu.memory_space<vmem>>
      %dma_start3A_566 = arith.constant 0 : i32
      %dma_start3A_567 = tpu.memref_slice %arg13[%dma_start3A_563, %dma_start3A_566] : memref<40x128xi32, #tpu.memory_space<vmem>> -> memref<1x128xi32, #tpu.memory_space<vmem>>
      %dma_start3A_568 = tpu.memref_squeeze %dma_start3A_567 : memref<1x128xi32, #tpu.memory_space<vmem>> -> memref<128xi32, #tpu.memory_space<vmem>>
      %dma_start3A_569 = arith.constant 0 : i32
      %dma_start3A_570 = tpu.memref_slice %arg26[%dma_start3A_569] : memref<10008xf32, #tpu.memory_space<vmem_shared>> -> memref<10008xf32, #tpu.memory_space<vmem_shared>>
      tpu.enqueue_indirect_dma source(%dma_start3A_565 : memref<128xf32, #tpu.memory_space<vmem>>) target(%dma_start3A_570 : memref<10008xf32, #tpu.memory_space<vmem_shared>>) offsets(%dma_start3A_568 : memref<128xi32, #tpu.memory_space<vmem>>) semaphore(%arg29 : memref<!tpu.dma_semaphore, #tpu.memory_space<semaphore_mem>>) {add = true}
    } else {
    }
    %dma_wait3A_238 = arith.constant 39 : i32
    %dma_wait3A_239 = arith.constant 0 : i32
    %dma_wait3A_240 = tpu.memref_slice %arg12[%dma_wait3A_238, %dma_wait3A_239] : memref<40x128xi32, #tpu.memory_space<vmem>> -> memref<1x128xi32, #tpu.memory_space<vmem>>
    %dma_wait3A_241 = tpu.memref_squeeze %dma_wait3A_240 : memref<1x128xi32, #tpu.memory_space<vmem>> -> memref<128xi32, #tpu.memory_space<vmem>>
    %dma_wait3A_242 = arith.constant 0 : i32
    %dma_wait3A_243 = arith.constant 0 : i32
    %dma_wait3A_244 = tpu.memref_slice %arg10[%dma_wait3A_242, %dma_wait3A_243] : memref<10000x64xf32, #tpu.memory_space<vmem_shared>> -> memref<10000x64xf32, #tpu.memory_space<vmem_shared>>
    tpu.wait_indirect_dma semaphore(%arg21 : memref<!tpu.dma_semaphore, #tpu.memory_space<semaphore_mem>>) src(%dma_wait3A_244 : memref<10000x64xf32, #tpu.memory_space<vmem_shared>>) dst(%arg17 : memref<128x64xf32, #tpu.memory_space<vmem>>)
    %dma_start3A_245 = arith.constant 39 : i32
    %dma_start3A_246 = arith.constant 0 : i32
    %dma_start3A_247 = tpu.memref_slice %arg13[%dma_start3A_245, %dma_start3A_246] : memref<40x128xi32, #tpu.memory_space<vmem>> -> memref<1x128xi32, #tpu.memory_space<vmem>>
    %dma_start3A_248 = tpu.memref_squeeze %dma_start3A_247 : memref<1x128xi32, #tpu.memory_space<vmem>> -> memref<128xi32, #tpu.memory_space<vmem>>
    %dma_start3A_249 = arith.constant 0 : i32
    %dma_start3A_250 = arith.constant 0 : i32
    %dma_start3A_251 = tpu.memref_slice %arg11[%dma_start3A_249, %dma_start3A_250] : memref<10008x64xf32, #tpu.memory_space<vmem_shared>> -> memref<10008x64xf32, #tpu.memory_space<vmem_shared>>
    tpu.enqueue_indirect_dma source(%arg17 : memref<128x64xf32, #tpu.memory_space<vmem>>) target(%dma_start3A_251 : memref<10008x64xf32, #tpu.memory_space<vmem_shared>>) offsets(%dma_start3A_248 : memref<128xi32, #tpu.memory_space<vmem>>) semaphore(%arg25 : memref<!tpu.dma_semaphore, #tpu.memory_space<semaphore_mem>>) {add = true}
    %convert_element_type3A_252 = arith.extui %eq3A_3 : i1 to i32
    %cond3A_253 = arith.constant 0 : i32
    %cond3A_254 = arith.cmpi ne, %convert_element_type3A_252, %cond3A_253 : i32
    scf.if %cond3A_254 {
      %dma_start3A_563 = arith.constant 39 : i32
      %dma_start3A_564 = arith.constant 0 : i32
      %dma_start3A_565 = tpu.memref_slice %arg27[%dma_start3A_564] : memref<128xf32, #tpu.memory_space<vmem>> -> memref<128xf32, #tpu.memory_space<vmem>>
      %dma_start3A_566 = arith.constant 0 : i32
      %dma_start3A_567 = tpu.memref_slice %arg13[%dma_start3A_563, %dma_start3A_566] : memref<40x128xi32, #tpu.memory_space<vmem>> -> memref<1x128xi32, #tpu.memory_space<vmem>>
      %dma_start3A_568 = tpu.memref_squeeze %dma_start3A_567 : memref<1x128xi32, #tpu.memory_space<vmem>> -> memref<128xi32, #tpu.memory_space<vmem>>
      %dma_start3A_569 = arith.constant 0 : i32
      %dma_start3A_570 = tpu.memref_slice %arg26[%dma_start3A_569] : memref<10008xf32, #tpu.memory_space<vmem_shared>> -> memref<10008xf32, #tpu.memory_space<vmem_shared>>
      tpu.enqueue_indirect_dma source(%dma_start3A_565 : memref<128xf32, #tpu.memory_space<vmem>>) target(%dma_start3A_570 : memref<10008xf32, #tpu.memory_space<vmem_shared>>) offsets(%dma_start3A_568 : memref<128xi32, #tpu.memory_space<vmem>>) semaphore(%arg29 : memref<!tpu.dma_semaphore, #tpu.memory_space<semaphore_mem>>) {add = true}
    } else {
    }
    %dma_wait3A_255 = arith.constant 36 : i32
    %dma_wait3A_256 = arith.constant 0 : i32
    %dma_wait3A_257 = tpu.memref_slice %arg13[%dma_wait3A_255, %dma_wait3A_256] : memref<40x128xi32, #tpu.memory_space<vmem>> -> memref<1x128xi32, #tpu.memory_space<vmem>>
    %dma_wait3A_258 = tpu.memref_squeeze %dma_wait3A_257 : memref<1x128xi32, #tpu.memory_space<vmem>> -> memref<128xi32, #tpu.memory_space<vmem>>
    %dma_wait3A_259 = arith.constant 0 : i32
    %dma_wait3A_260 = arith.constant 0 : i32
    %dma_wait3A_261 = tpu.memref_slice %arg11[%dma_wait3A_259, %dma_wait3A_260] : memref<10008x64xf32, #tpu.memory_space<vmem_shared>> -> memref<10008x64xf32, #tpu.memory_space<vmem_shared>>
    tpu.wait_indirect_dma semaphore(%arg22 : memref<!tpu.dma_semaphore, #tpu.memory_space<semaphore_mem>>) src(%arg14 : memref<128x64xf32, #tpu.memory_space<vmem>>) dst(%dma_wait3A_261 : memref<10008x64xf32, #tpu.memory_space<vmem_shared>>)
    %dma_wait3A_262 = arith.constant 37 : i32
    %dma_wait3A_263 = arith.constant 0 : i32
    %dma_wait3A_264 = tpu.memref_slice %arg13[%dma_wait3A_262, %dma_wait3A_263] : memref<40x128xi32, #tpu.memory_space<vmem>> -> memref<1x128xi32, #tpu.memory_space<vmem>>
    %dma_wait3A_265 = tpu.memref_squeeze %dma_wait3A_264 : memref<1x128xi32, #tpu.memory_space<vmem>> -> memref<128xi32, #tpu.memory_space<vmem>>
    %dma_wait3A_266 = arith.constant 0 : i32
    %dma_wait3A_267 = arith.constant 0 : i32
    %dma_wait3A_268 = tpu.memref_slice %arg11[%dma_wait3A_266, %dma_wait3A_267] : memref<10008x64xf32, #tpu.memory_space<vmem_shared>> -> memref<10008x64xf32, #tpu.memory_space<vmem_shared>>
    tpu.wait_indirect_dma semaphore(%arg23 : memref<!tpu.dma_semaphore, #tpu.memory_space<semaphore_mem>>) src(%arg15 : memref<128x64xf32, #tpu.memory_space<vmem>>) dst(%dma_wait3A_268 : memref<10008x64xf32, #tpu.memory_space<vmem_shared>>)
    %dma_wait3A_269 = arith.constant 38 : i32
    %dma_wait3A_270 = arith.constant 0 : i32
    %dma_wait3A_271 = tpu.memref_slice %arg13[%dma_wait3A_269, %dma_wait3A_270] : memref<40x128xi32, #tpu.memory_space<vmem>> -> memref<1x128xi32, #tpu.memory_space<vmem>>
    %dma_wait3A_272 = tpu.memref_squeeze %dma_wait3A_271 : memref<1x128xi32, #tpu.memory_space<vmem>> -> memref<128xi32, #tpu.memory_space<vmem>>
    %dma_wait3A_273 = arith.constant 0 : i32
    %dma_wait3A_274 = arith.constant 0 : i32
    %dma_wait3A_275 = tpu.memref_slice %arg11[%dma_wait3A_273, %dma_wait3A_274] : memref<10008x64xf32, #tpu.memory_space<vmem_shared>> -> memref<10008x64xf32, #tpu.memory_space<vmem_shared>>
    tpu.wait_indirect_dma semaphore(%arg24 : memref<!tpu.dma_semaphore, #tpu.memory_space<semaphore_mem>>) src(%arg16 : memref<128x64xf32, #tpu.memory_space<vmem>>) dst(%dma_wait3A_275 : memref<10008x64xf32, #tpu.memory_space<vmem_shared>>)
    %dma_wait3A_276 = arith.constant 39 : i32
    %dma_wait3A_277 = arith.constant 0 : i32
    %dma_wait3A_278 = tpu.memref_slice %arg13[%dma_wait3A_276, %dma_wait3A_277] : memref<40x128xi32, #tpu.memory_space<vmem>> -> memref<1x128xi32, #tpu.memory_space<vmem>>
    %dma_wait3A_279 = tpu.memref_squeeze %dma_wait3A_278 : memref<1x128xi32, #tpu.memory_space<vmem>> -> memref<128xi32, #tpu.memory_space<vmem>>
    %dma_wait3A_280 = arith.constant 0 : i32
    %dma_wait3A_281 = arith.constant 0 : i32
    %dma_wait3A_282 = tpu.memref_slice %arg11[%dma_wait3A_280, %dma_wait3A_281] : memref<10008x64xf32, #tpu.memory_space<vmem_shared>> -> memref<10008x64xf32, #tpu.memory_space<vmem_shared>>
    tpu.wait_indirect_dma semaphore(%arg25 : memref<!tpu.dma_semaphore, #tpu.memory_space<semaphore_mem>>) src(%arg17 : memref<128x64xf32, #tpu.memory_space<vmem>>) dst(%dma_wait3A_282 : memref<10008x64xf32, #tpu.memory_space<vmem_shared>>)
    %convert_element_type3A_283 = arith.extui %eq3A_3 : i1 to i32
    %cond3A_284 = arith.constant 0 : i32
    %cond3A_285 = arith.cmpi ne, %convert_element_type3A_283, %cond3A_284 : i32
    scf.if %cond3A_285 {
      %scan3A_563 = arith.constant 0 : i32
      %scan3A_564 = arith.constant 4 : i32
      %scan3A_565 = arith.addi %scan3A_563, %scan3A_564 : i32
      %scan3A_566 = arith.constant 1 : i32
      scf.for %scan3A_568 = %scan3A_563 to %scan3A_565 step %scan3A_566  : i32 {
        %mul3A_569 = arith.constant 1 : i32
        %mul3A_570 = arith.muli %scan3A_568, %mul3A_569 : i32
        %add3A_571 = arith.constant 0 : i32
        %add3A_572 = arith.addi %add3A_571, %mul3A_570 : i32
        %dma_wait3A_573 = arith.constant 0 : i32
        %dma_wait3A_574 = arith.constant 0 : i32
        %dma_wait3A_575 = tpu.memref_slice %arg27[%dma_wait3A_574] : memref<128xf32, #tpu.memory_space<vmem>> -> memref<128xf32, #tpu.memory_space<vmem>>
        %dma_wait3A_576 = arith.constant 0 : i32
        %dma_wait3A_577 = tpu.memref_slice %arg13[%dma_wait3A_573, %dma_wait3A_576] : memref<40x128xi32, #tpu.memory_space<vmem>> -> memref<1x128xi32, #tpu.memory_space<vmem>>
        %dma_wait3A_578 = tpu.memref_squeeze %dma_wait3A_577 : memref<1x128xi32, #tpu.memory_space<vmem>> -> memref<128xi32, #tpu.memory_space<vmem>>
        %dma_wait3A_579 = arith.constant 0 : i32
        %dma_wait3A_580 = tpu.memref_slice %arg26[%dma_wait3A_579] : memref<10008xf32, #tpu.memory_space<vmem_shared>> -> memref<10008xf32, #tpu.memory_space<vmem_shared>>
        tpu.wait_indirect_dma semaphore(%arg29 : memref<!tpu.dma_semaphore, #tpu.memory_space<semaphore_mem>>) src(%dma_wait3A_575 : memref<128xf32, #tpu.memory_space<vmem>>) dst(%dma_wait3A_580 : memref<10008xf32, #tpu.memory_space<vmem_shared>>)
      }
      %scan3A_567 = arith.constant 4 : i32
    } else {
    }
    %add3A_286 = arith.constant 80 : i32
    %add3A_287 = arith.addi %mul3A_20, %add3A_286 : i32
    "tpu.region"() ({
      %run_scoped3A = tpu.sem_alloc : memref<!tpu.dma_semaphore, #tpu.memory_space<semaphore_mem>>
      %dma_start3A_563 = arith.constant 0 : i32
      %dma_start3A_564 = tpu.memref_slice %arg4[%add3A_287, %dma_start3A_563] : memref<2560x128xi32, #tpu.memory_space<hbm>> -> memref<40x128xi32, #tpu.memory_space<hbm>>
      %dma_start3A_565 = arith.constant 0 : i32
      %dma_start3A_566 = tpu.memref_slice %arg4[%add3A_287, %dma_start3A_565] : memref<2560x128xi32, #tpu.memory_space<hbm>> -> memref<40x128xi32, #tpu.memory_space<hbm>>
      tpu.enqueue_dma source(%dma_start3A_566 : memref<40x128xi32, #tpu.memory_space<hbm>>) target(%arg12 : memref<40x128xi32, #tpu.memory_space<vmem>>) target_semaphore(%run_scoped3A : memref<!tpu.dma_semaphore, #tpu.memory_space<semaphore_mem>>)
      %dma_wait3A_567 = arith.constant 0 : i32
      %dma_wait3A_568 = tpu.memref_slice %arg4[%add3A_287, %dma_wait3A_567] : memref<2560x128xi32, #tpu.memory_space<hbm>> -> memref<40x128xi32, #tpu.memory_space<hbm>>
      %dma_wait3A_569 = arith.constant 0 : i32
      %dma_wait3A_570 = tpu.memref_slice %arg4[%add3A_287, %dma_wait3A_569] : memref<2560x128xi32, #tpu.memory_space<hbm>> -> memref<40x128xi32, #tpu.memory_space<hbm>>
      tpu.wait_dma2 semaphore(%run_scoped3A : memref<!tpu.dma_semaphore, #tpu.memory_space<semaphore_mem>>) src(%dma_wait3A_570 : memref<40x128xi32, #tpu.memory_space<hbm>>) dst(%arg12 : memref<40x128xi32, #tpu.memory_space<vmem>>)
      tpu.yield
    }) : () -> ()
    "tpu.region"() ({
      %run_scoped3A = tpu.sem_alloc : memref<!tpu.dma_semaphore, #tpu.memory_space<semaphore_mem>>
      %dma_start3A_563 = arith.constant 0 : i32
      %dma_start3A_564 = tpu.memref_slice %arg5[%add3A_287, %dma_start3A_563] : memref<2560x128xi32, #tpu.memory_space<hbm>> -> memref<40x128xi32, #tpu.memory_space<hbm>>
      %dma_start3A_565 = arith.constant 0 : i32
      %dma_start3A_566 = tpu.memref_slice %arg5[%add3A_287, %dma_start3A_565] : memref<2560x128xi32, #tpu.memory_space<hbm>> -> memref<40x128xi32, #tpu.memory_space<hbm>>
      tpu.enqueue_dma source(%dma_start3A_566 : memref<40x128xi32, #tpu.memory_space<hbm>>) target(%arg13 : memref<40x128xi32, #tpu.memory_space<vmem>>) target_semaphore(%run_scoped3A : memref<!tpu.dma_semaphore, #tpu.memory_space<semaphore_mem>>)
      %dma_wait3A_567 = arith.constant 0 : i32
      %dma_wait3A_568 = tpu.memref_slice %arg5[%add3A_287, %dma_wait3A_567] : memref<2560x128xi32, #tpu.memory_space<hbm>> -> memref<40x128xi32, #tpu.memory_space<hbm>>
      %dma_wait3A_569 = arith.constant 0 : i32
      %dma_wait3A_570 = tpu.memref_slice %arg5[%add3A_287, %dma_wait3A_569] : memref<2560x128xi32, #tpu.memory_space<hbm>> -> memref<40x128xi32, #tpu.memory_space<hbm>>
      tpu.wait_dma2 semaphore(%run_scoped3A : memref<!tpu.dma_semaphore, #tpu.memory_space<semaphore_mem>>) src(%dma_wait3A_570 : memref<40x128xi32, #tpu.memory_space<hbm>>) dst(%arg13 : memref<40x128xi32, #tpu.memory_space<vmem>>)
      tpu.yield
    }) : () -> ()
    %dma_start3A_288 = arith.constant 0 : i32
    %dma_start3A_289 = arith.constant 0 : i32
    %dma_start3A_290 = tpu.memref_slice %arg12[%dma_start3A_288, %dma_start3A_289] : memref<40x128xi32, #tpu.memory_space<vmem>> -> memref<1x128xi32, #tpu.memory_space<vmem>>
    %dma_start3A_291 = tpu.memref_squeeze %dma_start3A_290 : memref<1x128xi32, #tpu.memory_space<vmem>> -> memref<128xi32, #tpu.memory_space<vmem>>
    %dma_start3A_292 = arith.constant 0 : i32
    %dma_start3A_293 = arith.constant 0 : i32
    %dma_start3A_294 = tpu.memref_slice %arg10[%dma_start3A_292, %dma_start3A_293] : memref<10000x64xf32, #tpu.memory_space<vmem_shared>> -> memref<10000x64xf32, #tpu.memory_space<vmem_shared>>
    tpu.enqueue_indirect_dma source(%dma_start3A_294 : memref<10000x64xf32, #tpu.memory_space<vmem_shared>>) target(%arg14 : memref<128x64xf32, #tpu.memory_space<vmem>>) offsets(%dma_start3A_291 : memref<128xi32, #tpu.memory_space<vmem>>) semaphore(%arg18 : memref<!tpu.dma_semaphore, #tpu.memory_space<semaphore_mem>>)
    %dma_start3A_295 = arith.constant 1 : i32
    %dma_start3A_296 = arith.constant 0 : i32
    %dma_start3A_297 = tpu.memref_slice %arg12[%dma_start3A_295, %dma_start3A_296] : memref<40x128xi32, #tpu.memory_space<vmem>> -> memref<1x128xi32, #tpu.memory_space<vmem>>
    %dma_start3A_298 = tpu.memref_squeeze %dma_start3A_297 : memref<1x128xi32, #tpu.memory_space<vmem>> -> memref<128xi32, #tpu.memory_space<vmem>>
    %dma_start3A_299 = arith.constant 0 : i32
    %dma_start3A_300 = arith.constant 0 : i32
    %dma_start3A_301 = tpu.memref_slice %arg10[%dma_start3A_299, %dma_start3A_300] : memref<10000x64xf32, #tpu.memory_space<vmem_shared>> -> memref<10000x64xf32, #tpu.memory_space<vmem_shared>>
    tpu.enqueue_indirect_dma source(%dma_start3A_301 : memref<10000x64xf32, #tpu.memory_space<vmem_shared>>) target(%arg15 : memref<128x64xf32, #tpu.memory_space<vmem>>) offsets(%dma_start3A_298 : memref<128xi32, #tpu.memory_space<vmem>>) semaphore(%arg19 : memref<!tpu.dma_semaphore, #tpu.memory_space<semaphore_mem>>)
    %dma_start3A_302 = arith.constant 2 : i32
    %dma_start3A_303 = arith.constant 0 : i32
    %dma_start3A_304 = tpu.memref_slice %arg12[%dma_start3A_302, %dma_start3A_303] : memref<40x128xi32, #tpu.memory_space<vmem>> -> memref<1x128xi32, #tpu.memory_space<vmem>>
    %dma_start3A_305 = tpu.memref_squeeze %dma_start3A_304 : memref<1x128xi32, #tpu.memory_space<vmem>> -> memref<128xi32, #tpu.memory_space<vmem>>
    %dma_start3A_306 = arith.constant 0 : i32
    %dma_start3A_307 = arith.constant 0 : i32
    %dma_start3A_308 = tpu.memref_slice %arg10[%dma_start3A_306, %dma_start3A_307] : memref<10000x64xf32, #tpu.memory_space<vmem_shared>> -> memref<10000x64xf32, #tpu.memory_space<vmem_shared>>
    tpu.enqueue_indirect_dma source(%dma_start3A_308 : memref<10000x64xf32, #tpu.memory_space<vmem_shared>>) target(%arg16 : memref<128x64xf32, #tpu.memory_space<vmem>>) offsets(%dma_start3A_305 : memref<128xi32, #tpu.memory_space<vmem>>) semaphore(%arg20 : memref<!tpu.dma_semaphore, #tpu.memory_space<semaphore_mem>>)
    %dma_start3A_309 = arith.constant 3 : i32
    %dma_start3A_310 = arith.constant 0 : i32
    %dma_start3A_311 = tpu.memref_slice %arg12[%dma_start3A_309, %dma_start3A_310] : memref<40x128xi32, #tpu.memory_space<vmem>> -> memref<1x128xi32, #tpu.memory_space<vmem>>
    %dma_start3A_312 = tpu.memref_squeeze %dma_start3A_311 : memref<1x128xi32, #tpu.memory_space<vmem>> -> memref<128xi32, #tpu.memory_space<vmem>>
    %dma_start3A_313 = arith.constant 0 : i32
    %dma_start3A_314 = arith.constant 0 : i32
    %dma_start3A_315 = tpu.memref_slice %arg10[%dma_start3A_313, %dma_start3A_314] : memref<10000x64xf32, #tpu.memory_space<vmem_shared>> -> memref<10000x64xf32, #tpu.memory_space<vmem_shared>>
    tpu.enqueue_indirect_dma source(%dma_start3A_315 : memref<10000x64xf32, #tpu.memory_space<vmem_shared>>) target(%arg17 : memref<128x64xf32, #tpu.memory_space<vmem>>) offsets(%dma_start3A_312 : memref<128xi32, #tpu.memory_space<vmem>>) semaphore(%arg21 : memref<!tpu.dma_semaphore, #tpu.memory_space<semaphore_mem>>)
    %scan3A_316 = arith.constant 0 : i32
    %scan3A_317 = arith.constant 9 : i32
    %scan3A_318 = arith.addi %scan3A_316, %scan3A_317 : i32
    %scan3A_319 = arith.constant 1 : i32
    scf.for %scan3A_563 = %scan3A_316 to %scan3A_318 step %scan3A_319  : i32 {
      %mul3A_564 = arith.constant 4 : i32
      %mul3A_565 = arith.muli %scan3A_563, %mul3A_564 : i32
      %add3A_566 = arith.constant 0 : i32
      %add3A_567 = arith.addi %add3A_566, %mul3A_565 : i32
      %add3A_568 = arith.constant 0 : i32
      %add3A_569 = arith.addi %add3A_567, %add3A_568 : i32
      %dma_wait3A_570 = arith.constant 0 : i32
      %dma_wait3A_571 = tpu.memref_slice %arg12[%add3A_569, %dma_wait3A_570] : memref<40x128xi32, #tpu.memory_space<vmem>> -> memref<1x128xi32, #tpu.memory_space<vmem>>
      %dma_wait3A_572 = tpu.memref_squeeze %dma_wait3A_571 : memref<1x128xi32, #tpu.memory_space<vmem>> -> memref<128xi32, #tpu.memory_space<vmem>>
      %dma_wait3A_573 = arith.constant 0 : i32
      %dma_wait3A_574 = arith.constant 0 : i32
      %dma_wait3A_575 = tpu.memref_slice %arg10[%dma_wait3A_573, %dma_wait3A_574] : memref<10000x64xf32, #tpu.memory_space<vmem_shared>> -> memref<10000x64xf32, #tpu.memory_space<vmem_shared>>
      tpu.wait_indirect_dma semaphore(%arg18 : memref<!tpu.dma_semaphore, #tpu.memory_space<semaphore_mem>>) src(%dma_wait3A_575 : memref<10000x64xf32, #tpu.memory_space<vmem_shared>>) dst(%arg14 : memref<128x64xf32, #tpu.memory_space<vmem>>)
      %add3A_576 = arith.constant 0 : i32
      %add3A_577 = arith.addi %add3A_567, %add3A_576 : i32
      %dma_start3A_578 = arith.constant 0 : i32
      %dma_start3A_579 = tpu.memref_slice %arg13[%add3A_577, %dma_start3A_578] : memref<40x128xi32, #tpu.memory_space<vmem>> -> memref<1x128xi32, #tpu.memory_space<vmem>>
      %dma_start3A_580 = tpu.memref_squeeze %dma_start3A_579 : memref<1x128xi32, #tpu.memory_space<vmem>> -> memref<128xi32, #tpu.memory_space<vmem>>
      %dma_start3A_581 = arith.constant 0 : i32
      %dma_start3A_582 = arith.constant 0 : i32
      %dma_start3A_583 = tpu.memref_slice %arg11[%dma_start3A_581, %dma_start3A_582] : memref<10008x64xf32, #tpu.memory_space<vmem_shared>> -> memref<10008x64xf32, #tpu.memory_space<vmem_shared>>
      tpu.enqueue_indirect_dma source(%arg14 : memref<128x64xf32, #tpu.memory_space<vmem>>) target(%dma_start3A_583 : memref<10008x64xf32, #tpu.memory_space<vmem_shared>>) offsets(%dma_start3A_580 : memref<128xi32, #tpu.memory_space<vmem>>) semaphore(%arg22 : memref<!tpu.dma_semaphore, #tpu.memory_space<semaphore_mem>>) {add = true}
      %add3A_584 = arith.constant 0 : i32
      %add3A_585 = arith.addi %add3A_567, %add3A_584 : i32
      %convert_element_type3A_586 = arith.extui %eq3A_3 : i1 to i32
      %cond3A_587 = arith.constant 0 : i32
      %cond3A_588 = arith.cmpi ne, %convert_element_type3A_586, %cond3A_587 : i32
      scf.if %cond3A_588 {
        %dma_start3A_727 = arith.constant 0 : i32
        %dma_start3A_728 = tpu.memref_slice %arg27[%dma_start3A_727] : memref<128xf32, #tpu.memory_space<vmem>> -> memref<128xf32, #tpu.memory_space<vmem>>
        %dma_start3A_729 = arith.constant 0 : i32
        %dma_start3A_730 = tpu.memref_slice %arg13[%add3A_585, %dma_start3A_729] : memref<40x128xi32, #tpu.memory_space<vmem>> -> memref<1x128xi32, #tpu.memory_space<vmem>>
        %dma_start3A_731 = tpu.memref_squeeze %dma_start3A_730 : memref<1x128xi32, #tpu.memory_space<vmem>> -> memref<128xi32, #tpu.memory_space<vmem>>
        %dma_start3A_732 = arith.constant 0 : i32
        %dma_start3A_733 = tpu.memref_slice %arg26[%dma_start3A_732] : memref<10008xf32, #tpu.memory_space<vmem_shared>> -> memref<10008xf32, #tpu.memory_space<vmem_shared>>
        tpu.enqueue_indirect_dma source(%dma_start3A_728 : memref<128xf32, #tpu.memory_space<vmem>>) target(%dma_start3A_733 : memref<10008xf32, #tpu.memory_space<vmem_shared>>) offsets(%dma_start3A_731 : memref<128xi32, #tpu.memory_space<vmem>>) semaphore(%arg29 : memref<!tpu.dma_semaphore, #tpu.memory_space<semaphore_mem>>) {add = true}
      } else {
      }
      %add3A_589 = arith.constant 1 : i32
      %add3A_590 = arith.addi %add3A_567, %add3A_589 : i32
      %dma_wait3A_591 = arith.constant 0 : i32
      %dma_wait3A_592 = tpu.memref_slice %arg12[%add3A_590, %dma_wait3A_591] : memref<40x128xi32, #tpu.memory_space<vmem>> -> memref<1x128xi32, #tpu.memory_space<vmem>>
      %dma_wait3A_593 = tpu.memref_squeeze %dma_wait3A_592 : memref<1x128xi32, #tpu.memory_space<vmem>> -> memref<128xi32, #tpu.memory_space<vmem>>
      %dma_wait3A_594 = arith.constant 0 : i32
      %dma_wait3A_595 = arith.constant 0 : i32
      %dma_wait3A_596 = tpu.memref_slice %arg10[%dma_wait3A_594, %dma_wait3A_595] : memref<10000x64xf32, #tpu.memory_space<vmem_shared>> -> memref<10000x64xf32, #tpu.memory_space<vmem_shared>>
      tpu.wait_indirect_dma semaphore(%arg19 : memref<!tpu.dma_semaphore, #tpu.memory_space<semaphore_mem>>) src(%dma_wait3A_596 : memref<10000x64xf32, #tpu.memory_space<vmem_shared>>) dst(%arg15 : memref<128x64xf32, #tpu.memory_space<vmem>>)
      %add3A_597 = arith.constant 1 : i32
      %add3A_598 = arith.addi %add3A_567, %add3A_597 : i32
      %dma_start3A_599 = arith.constant 0 : i32
      %dma_start3A_600 = tpu.memref_slice %arg13[%add3A_598, %dma_start3A_599] : memref<40x128xi32, #tpu.memory_space<vmem>> -> memref<1x128xi32, #tpu.memory_space<vmem>>
      %dma_start3A_601 = tpu.memref_squeeze %dma_start3A_600 : memref<1x128xi32, #tpu.memory_space<vmem>> -> memref<128xi32, #tpu.memory_space<vmem>>
      %dma_start3A_602 = arith.constant 0 : i32
      %dma_start3A_603 = arith.constant 0 : i32
      %dma_start3A_604 = tpu.memref_slice %arg11[%dma_start3A_602, %dma_start3A_603] : memref<10008x64xf32, #tpu.memory_space<vmem_shared>> -> memref<10008x64xf32, #tpu.memory_space<vmem_shared>>
      tpu.enqueue_indirect_dma source(%arg15 : memref<128x64xf32, #tpu.memory_space<vmem>>) target(%dma_start3A_604 : memref<10008x64xf32, #tpu.memory_space<vmem_shared>>) offsets(%dma_start3A_601 : memref<128xi32, #tpu.memory_space<vmem>>) semaphore(%arg23 : memref<!tpu.dma_semaphore, #tpu.memory_space<semaphore_mem>>) {add = true}
      %add3A_605 = arith.constant 1 : i32
      %add3A_606 = arith.addi %add3A_567, %add3A_605 : i32
      %convert_element_type3A_607 = arith.extui %eq3A_3 : i1 to i32
      %cond3A_608 = arith.constant 0 : i32
      %cond3A_609 = arith.cmpi ne, %convert_element_type3A_607, %cond3A_608 : i32
      scf.if %cond3A_609 {
        %dma_start3A_727 = arith.constant 0 : i32
        %dma_start3A_728 = tpu.memref_slice %arg27[%dma_start3A_727] : memref<128xf32, #tpu.memory_space<vmem>> -> memref<128xf32, #tpu.memory_space<vmem>>
        %dma_start3A_729 = arith.constant 0 : i32
        %dma_start3A_730 = tpu.memref_slice %arg13[%add3A_606, %dma_start3A_729] : memref<40x128xi32, #tpu.memory_space<vmem>> -> memref<1x128xi32, #tpu.memory_space<vmem>>
        %dma_start3A_731 = tpu.memref_squeeze %dma_start3A_730 : memref<1x128xi32, #tpu.memory_space<vmem>> -> memref<128xi32, #tpu.memory_space<vmem>>
        %dma_start3A_732 = arith.constant 0 : i32
        %dma_start3A_733 = tpu.memref_slice %arg26[%dma_start3A_732] : memref<10008xf32, #tpu.memory_space<vmem_shared>> -> memref<10008xf32, #tpu.memory_space<vmem_shared>>
        tpu.enqueue_indirect_dma source(%dma_start3A_728 : memref<128xf32, #tpu.memory_space<vmem>>) target(%dma_start3A_733 : memref<10008xf32, #tpu.memory_space<vmem_shared>>) offsets(%dma_start3A_731 : memref<128xi32, #tpu.memory_space<vmem>>) semaphore(%arg29 : memref<!tpu.dma_semaphore, #tpu.memory_space<semaphore_mem>>) {add = true}
      } else {
      }
      %add3A_610 = arith.constant 2 : i32
      %add3A_611 = arith.addi %add3A_567, %add3A_610 : i32
      %dma_wait3A_612 = arith.constant 0 : i32
      %dma_wait3A_613 = tpu.memref_slice %arg12[%add3A_611, %dma_wait3A_612] : memref<40x128xi32, #tpu.memory_space<vmem>> -> memref<1x128xi32, #tpu.memory_space<vmem>>
      %dma_wait3A_614 = tpu.memref_squeeze %dma_wait3A_613 : memref<1x128xi32, #tpu.memory_space<vmem>> -> memref<128xi32, #tpu.memory_space<vmem>>
      %dma_wait3A_615 = arith.constant 0 : i32
      %dma_wait3A_616 = arith.constant 0 : i32
      %dma_wait3A_617 = tpu.memref_slice %arg10[%dma_wait3A_615, %dma_wait3A_616] : memref<10000x64xf32, #tpu.memory_space<vmem_shared>> -> memref<10000x64xf32, #tpu.memory_space<vmem_shared>>
      tpu.wait_indirect_dma semaphore(%arg20 : memref<!tpu.dma_semaphore, #tpu.memory_space<semaphore_mem>>) src(%dma_wait3A_617 : memref<10000x64xf32, #tpu.memory_space<vmem_shared>>) dst(%arg16 : memref<128x64xf32, #tpu.memory_space<vmem>>)
      %add3A_618 = arith.constant 2 : i32
      %add3A_619 = arith.addi %add3A_567, %add3A_618 : i32
      %dma_start3A_620 = arith.constant 0 : i32
      %dma_start3A_621 = tpu.memref_slice %arg13[%add3A_619, %dma_start3A_620] : memref<40x128xi32, #tpu.memory_space<vmem>> -> memref<1x128xi32, #tpu.memory_space<vmem>>
      %dma_start3A_622 = tpu.memref_squeeze %dma_start3A_621 : memref<1x128xi32, #tpu.memory_space<vmem>> -> memref<128xi32, #tpu.memory_space<vmem>>
      %dma_start3A_623 = arith.constant 0 : i32
      %dma_start3A_624 = arith.constant 0 : i32
      %dma_start3A_625 = tpu.memref_slice %arg11[%dma_start3A_623, %dma_start3A_624] : memref<10008x64xf32, #tpu.memory_space<vmem_shared>> -> memref<10008x64xf32, #tpu.memory_space<vmem_shared>>
      tpu.enqueue_indirect_dma source(%arg16 : memref<128x64xf32, #tpu.memory_space<vmem>>) target(%dma_start3A_625 : memref<10008x64xf32, #tpu.memory_space<vmem_shared>>) offsets(%dma_start3A_622 : memref<128xi32, #tpu.memory_space<vmem>>) semaphore(%arg24 : memref<!tpu.dma_semaphore, #tpu.memory_space<semaphore_mem>>) {add = true}
      %add3A_626 = arith.constant 2 : i32
      %add3A_627 = arith.addi %add3A_567, %add3A_626 : i32
      %convert_element_type3A_628 = arith.extui %eq3A_3 : i1 to i32
      %cond3A_629 = arith.constant 0 : i32
      %cond3A_630 = arith.cmpi ne, %convert_element_type3A_628, %cond3A_629 : i32
      scf.if %cond3A_630 {
        %dma_start3A_727 = arith.constant 0 : i32
        %dma_start3A_728 = tpu.memref_slice %arg27[%dma_start3A_727] : memref<128xf32, #tpu.memory_space<vmem>> -> memref<128xf32, #tpu.memory_space<vmem>>
        %dma_start3A_729 = arith.constant 0 : i32
        %dma_start3A_730 = tpu.memref_slice %arg13[%add3A_627, %dma_start3A_729] : memref<40x128xi32, #tpu.memory_space<vmem>> -> memref<1x128xi32, #tpu.memory_space<vmem>>
        %dma_start3A_731 = tpu.memref_squeeze %dma_start3A_730 : memref<1x128xi32, #tpu.memory_space<vmem>> -> memref<128xi32, #tpu.memory_space<vmem>>
        %dma_start3A_732 = arith.constant 0 : i32
        %dma_start3A_733 = tpu.memref_slice %arg26[%dma_start3A_732] : memref<10008xf32, #tpu.memory_space<vmem_shared>> -> memref<10008xf32, #tpu.memory_space<vmem_shared>>
        tpu.enqueue_indirect_dma source(%dma_start3A_728 : memref<128xf32, #tpu.memory_space<vmem>>) target(%dma_start3A_733 : memref<10008xf32, #tpu.memory_space<vmem_shared>>) offsets(%dma_start3A_731 : memref<128xi32, #tpu.memory_space<vmem>>) semaphore(%arg29 : memref<!tpu.dma_semaphore, #tpu.memory_space<semaphore_mem>>) {add = true}
      } else {
      }
      %add3A_631 = arith.constant 3 : i32
      %add3A_632 = arith.addi %add3A_567, %add3A_631 : i32
      %dma_wait3A_633 = arith.constant 0 : i32
      %dma_wait3A_634 = tpu.memref_slice %arg12[%add3A_632, %dma_wait3A_633] : memref<40x128xi32, #tpu.memory_space<vmem>> -> memref<1x128xi32, #tpu.memory_space<vmem>>
      %dma_wait3A_635 = tpu.memref_squeeze %dma_wait3A_634 : memref<1x128xi32, #tpu.memory_space<vmem>> -> memref<128xi32, #tpu.memory_space<vmem>>
      %dma_wait3A_636 = arith.constant 0 : i32
      %dma_wait3A_637 = arith.constant 0 : i32
      %dma_wait3A_638 = tpu.memref_slice %arg10[%dma_wait3A_636, %dma_wait3A_637] : memref<10000x64xf32, #tpu.memory_space<vmem_shared>> -> memref<10000x64xf32, #tpu.memory_space<vmem_shared>>
      tpu.wait_indirect_dma semaphore(%arg21 : memref<!tpu.dma_semaphore, #tpu.memory_space<semaphore_mem>>) src(%dma_wait3A_638 : memref<10000x64xf32, #tpu.memory_space<vmem_shared>>) dst(%arg17 : memref<128x64xf32, #tpu.memory_space<vmem>>)
      %add3A_639 = arith.constant 3 : i32
      %add3A_640 = arith.addi %add3A_567, %add3A_639 : i32
      %dma_start3A_641 = arith.constant 0 : i32
      %dma_start3A_642 = tpu.memref_slice %arg13[%add3A_640, %dma_start3A_641] : memref<40x128xi32, #tpu.memory_space<vmem>> -> memref<1x128xi32, #tpu.memory_space<vmem>>
      %dma_start3A_643 = tpu.memref_squeeze %dma_start3A_642 : memref<1x128xi32, #tpu.memory_space<vmem>> -> memref<128xi32, #tpu.memory_space<vmem>>
      %dma_start3A_644 = arith.constant 0 : i32
      %dma_start3A_645 = arith.constant 0 : i32
      %dma_start3A_646 = tpu.memref_slice %arg11[%dma_start3A_644, %dma_start3A_645] : memref<10008x64xf32, #tpu.memory_space<vmem_shared>> -> memref<10008x64xf32, #tpu.memory_space<vmem_shared>>
      tpu.enqueue_indirect_dma source(%arg17 : memref<128x64xf32, #tpu.memory_space<vmem>>) target(%dma_start3A_646 : memref<10008x64xf32, #tpu.memory_space<vmem_shared>>) offsets(%dma_start3A_643 : memref<128xi32, #tpu.memory_space<vmem>>) semaphore(%arg25 : memref<!tpu.dma_semaphore, #tpu.memory_space<semaphore_mem>>) {add = true}
      %add3A_647 = arith.constant 3 : i32
      %add3A_648 = arith.addi %add3A_567, %add3A_647 : i32
      %convert_element_type3A_649 = arith.extui %eq3A_3 : i1 to i32
      %cond3A_650 = arith.constant 0 : i32
      %cond3A_651 = arith.cmpi ne, %convert_element_type3A_649, %cond3A_650 : i32
      scf.if %cond3A_651 {
        %dma_start3A_727 = arith.constant 0 : i32
        %dma_start3A_728 = tpu.memref_slice %arg27[%dma_start3A_727] : memref<128xf32, #tpu.memory_space<vmem>> -> memref<128xf32, #tpu.memory_space<vmem>>
        %dma_start3A_729 = arith.constant 0 : i32
        %dma_start3A_730 = tpu.memref_slice %arg13[%add3A_648, %dma_start3A_729] : memref<40x128xi32, #tpu.memory_space<vmem>> -> memref<1x128xi32, #tpu.memory_space<vmem>>
        %dma_start3A_731 = tpu.memref_squeeze %dma_start3A_730 : memref<1x128xi32, #tpu.memory_space<vmem>> -> memref<128xi32, #tpu.memory_space<vmem>>
        %dma_start3A_732 = arith.constant 0 : i32
        %dma_start3A_733 = tpu.memref_slice %arg26[%dma_start3A_732] : memref<10008xf32, #tpu.memory_space<vmem_shared>> -> memref<10008xf32, #tpu.memory_space<vmem_shared>>
        tpu.enqueue_indirect_dma source(%dma_start3A_728 : memref<128xf32, #tpu.memory_space<vmem>>) target(%dma_start3A_733 : memref<10008xf32, #tpu.memory_space<vmem_shared>>) offsets(%dma_start3A_731 : memref<128xi32, #tpu.memory_space<vmem>>) semaphore(%arg29 : memref<!tpu.dma_semaphore, #tpu.memory_space<semaphore_mem>>) {add = true}
      } else {
      }
      %add3A_652 = arith.constant 0 : i32
      %add3A_653 = arith.addi %add3A_567, %add3A_652 : i32
      %dma_wait3A_654 = arith.constant 0 : i32
      %dma_wait3A_655 = tpu.memref_slice %arg13[%add3A_653, %dma_wait3A_654] : memref<40x128xi32, #tpu.memory_space<vmem>> -> memref<1x128xi32, #tpu.memory_space<vmem>>
      %dma_wait3A_656 = tpu.memref_squeeze %dma_wait3A_655 : memref<1x128xi32, #tpu.memory_space<vmem>> -> memref<128xi32, #tpu.memory_space<vmem>>
      %dma_wait3A_657 = arith.constant 0 : i32
      %dma_wait3A_658 = arith.constant 0 : i32
      %dma_wait3A_659 = tpu.memref_slice %arg11[%dma_wait3A_657, %dma_wait3A_658] : memref<10008x64xf32, #tpu.memory_space<vmem_shared>> -> memref<10008x64xf32, #tpu.memory_space<vmem_shared>>
      tpu.wait_indirect_dma semaphore(%arg22 : memref<!tpu.dma_semaphore, #tpu.memory_space<semaphore_mem>>) src(%arg14 : memref<128x64xf32, #tpu.memory_space<vmem>>) dst(%dma_wait3A_659 : memref<10008x64xf32, #tpu.memory_space<vmem_shared>>)
      %add3A_660 = arith.constant 0 : i32
      %add3A_661 = arith.addi %add3A_567, %add3A_660 : i32
      %add3A_662 = arith.constant 4 : i32
      %add3A_663 = arith.addi %add3A_661, %add3A_662 : i32
      %dma_start3A_664 = arith.constant 0 : i32
      %dma_start3A_665 = tpu.memref_slice %arg12[%add3A_663, %dma_start3A_664] : memref<40x128xi32, #tpu.memory_space<vmem>> -> memref<1x128xi32, #tpu.memory_space<vmem>>
      %dma_start3A_666 = tpu.memref_squeeze %dma_start3A_665 : memref<1x128xi32, #tpu.memory_space<vmem>> -> memref<128xi32, #tpu.memory_space<vmem>>
      %dma_start3A_667 = arith.constant 0 : i32
      %dma_start3A_668 = arith.constant 0 : i32
      %dma_start3A_669 = tpu.memref_slice %arg10[%dma_start3A_667, %dma_start3A_668] : memref<10000x64xf32, #tpu.memory_space<vmem_shared>> -> memref<10000x64xf32, #tpu.memory_space<vmem_shared>>
      tpu.enqueue_indirect_dma source(%dma_start3A_669 : memref<10000x64xf32, #tpu.memory_space<vmem_shared>>) target(%arg14 : memref<128x64xf32, #tpu.memory_space<vmem>>) offsets(%dma_start3A_666 : memref<128xi32, #tpu.memory_space<vmem>>) semaphore(%arg18 : memref<!tpu.dma_semaphore, #tpu.memory_space<semaphore_mem>>)
      %add3A_670 = arith.constant 1 : i32
      %add3A_671 = arith.addi %add3A_567, %add3A_670 : i32
      %dma_wait3A_672 = arith.constant 0 : i32
      %dma_wait3A_673 = tpu.memref_slice %arg13[%add3A_671, %dma_wait3A_672] : memref<40x128xi32, #tpu.memory_space<vmem>> -> memref<1x128xi32, #tpu.memory_space<vmem>>
      %dma_wait3A_674 = tpu.memref_squeeze %dma_wait3A_673 : memref<1x128xi32, #tpu.memory_space<vmem>> -> memref<128xi32, #tpu.memory_space<vmem>>
      %dma_wait3A_675 = arith.constant 0 : i32
      %dma_wait3A_676 = arith.constant 0 : i32
      %dma_wait3A_677 = tpu.memref_slice %arg11[%dma_wait3A_675, %dma_wait3A_676] : memref<10008x64xf32, #tpu.memory_space<vmem_shared>> -> memref<10008x64xf32, #tpu.memory_space<vmem_shared>>
      tpu.wait_indirect_dma semaphore(%arg23 : memref<!tpu.dma_semaphore, #tpu.memory_space<semaphore_mem>>) src(%arg15 : memref<128x64xf32, #tpu.memory_space<vmem>>) dst(%dma_wait3A_677 : memref<10008x64xf32, #tpu.memory_space<vmem_shared>>)
      %add3A_678 = arith.constant 1 : i32
      %add3A_679 = arith.addi %add3A_567, %add3A_678 : i32
      %add3A_680 = arith.constant 4 : i32
      %add3A_681 = arith.addi %add3A_679, %add3A_680 : i32
      %dma_start3A_682 = arith.constant 0 : i32
      %dma_start3A_683 = tpu.memref_slice %arg12[%add3A_681, %dma_start3A_682] : memref<40x128xi32, #tpu.memory_space<vmem>> -> memref<1x128xi32, #tpu.memory_space<vmem>>
      %dma_start3A_684 = tpu.memref_squeeze %dma_start3A_683 : memref<1x128xi32, #tpu.memory_space<vmem>> -> memref<128xi32, #tpu.memory_space<vmem>>
      %dma_start3A_685 = arith.constant 0 : i32
      %dma_start3A_686 = arith.constant 0 : i32
      %dma_start3A_687 = tpu.memref_slice %arg10[%dma_start3A_685, %dma_start3A_686] : memref<10000x64xf32, #tpu.memory_space<vmem_shared>> -> memref<10000x64xf32, #tpu.memory_space<vmem_shared>>
      tpu.enqueue_indirect_dma source(%dma_start3A_687 : memref<10000x64xf32, #tpu.memory_space<vmem_shared>>) target(%arg15 : memref<128x64xf32, #tpu.memory_space<vmem>>) offsets(%dma_start3A_684 : memref<128xi32, #tpu.memory_space<vmem>>) semaphore(%arg19 : memref<!tpu.dma_semaphore, #tpu.memory_space<semaphore_mem>>)
      %add3A_688 = arith.constant 2 : i32
      %add3A_689 = arith.addi %add3A_567, %add3A_688 : i32
      %dma_wait3A_690 = arith.constant 0 : i32
      %dma_wait3A_691 = tpu.memref_slice %arg13[%add3A_689, %dma_wait3A_690] : memref<40x128xi32, #tpu.memory_space<vmem>> -> memref<1x128xi32, #tpu.memory_space<vmem>>
      %dma_wait3A_692 = tpu.memref_squeeze %dma_wait3A_691 : memref<1x128xi32, #tpu.memory_space<vmem>> -> memref<128xi32, #tpu.memory_space<vmem>>
      %dma_wait3A_693 = arith.constant 0 : i32
      %dma_wait3A_694 = arith.constant 0 : i32
      %dma_wait3A_695 = tpu.memref_slice %arg11[%dma_wait3A_693, %dma_wait3A_694] : memref<10008x64xf32, #tpu.memory_space<vmem_shared>> -> memref<10008x64xf32, #tpu.memory_space<vmem_shared>>
      tpu.wait_indirect_dma semaphore(%arg24 : memref<!tpu.dma_semaphore, #tpu.memory_space<semaphore_mem>>) src(%arg16 : memref<128x64xf32, #tpu.memory_space<vmem>>) dst(%dma_wait3A_695 : memref<10008x64xf32, #tpu.memory_space<vmem_shared>>)
      %add3A_696 = arith.constant 2 : i32
      %add3A_697 = arith.addi %add3A_567, %add3A_696 : i32
      %add3A_698 = arith.constant 4 : i32
      %add3A_699 = arith.addi %add3A_697, %add3A_698 : i32
      %dma_start3A_700 = arith.constant 0 : i32
      %dma_start3A_701 = tpu.memref_slice %arg12[%add3A_699, %dma_start3A_700] : memref<40x128xi32, #tpu.memory_space<vmem>> -> memref<1x128xi32, #tpu.memory_space<vmem>>
      %dma_start3A_702 = tpu.memref_squeeze %dma_start3A_701 : memref<1x128xi32, #tpu.memory_space<vmem>> -> memref<128xi32, #tpu.memory_space<vmem>>
      %dma_start3A_703 = arith.constant 0 : i32
      %dma_start3A_704 = arith.constant 0 : i32
      %dma_start3A_705 = tpu.memref_slice %arg10[%dma_start3A_703, %dma_start3A_704] : memref<10000x64xf32, #tpu.memory_space<vmem_shared>> -> memref<10000x64xf32, #tpu.memory_space<vmem_shared>>
      tpu.enqueue_indirect_dma source(%dma_start3A_705 : memref<10000x64xf32, #tpu.memory_space<vmem_shared>>) target(%arg16 : memref<128x64xf32, #tpu.memory_space<vmem>>) offsets(%dma_start3A_702 : memref<128xi32, #tpu.memory_space<vmem>>) semaphore(%arg20 : memref<!tpu.dma_semaphore, #tpu.memory_space<semaphore_mem>>)
      %add3A_706 = arith.constant 3 : i32
      %add3A_707 = arith.addi %add3A_567, %add3A_706 : i32
      %dma_wait3A_708 = arith.constant 0 : i32
      %dma_wait3A_709 = tpu.memref_slice %arg13[%add3A_707, %dma_wait3A_708] : memref<40x128xi32, #tpu.memory_space<vmem>> -> memref<1x128xi32, #tpu.memory_space<vmem>>
      %dma_wait3A_710 = tpu.memref_squeeze %dma_wait3A_709 : memref<1x128xi32, #tpu.memory_space<vmem>> -> memref<128xi32, #tpu.memory_space<vmem>>
      %dma_wait3A_711 = arith.constant 0 : i32
      %dma_wait3A_712 = arith.constant 0 : i32
      %dma_wait3A_713 = tpu.memref_slice %arg11[%dma_wait3A_711, %dma_wait3A_712] : memref<10008x64xf32, #tpu.memory_space<vmem_shared>> -> memref<10008x64xf32, #tpu.memory_space<vmem_shared>>
      tpu.wait_indirect_dma semaphore(%arg25 : memref<!tpu.dma_semaphore, #tpu.memory_space<semaphore_mem>>) src(%arg17 : memref<128x64xf32, #tpu.memory_space<vmem>>) dst(%dma_wait3A_713 : memref<10008x64xf32, #tpu.memory_space<vmem_shared>>)
      %add3A_714 = arith.constant 3 : i32
      %add3A_715 = arith.addi %add3A_567, %add3A_714 : i32
      %add3A_716 = arith.constant 4 : i32
      %add3A_717 = arith.addi %add3A_715, %add3A_716 : i32
      %dma_start3A_718 = arith.constant 0 : i32
      %dma_start3A_719 = tpu.memref_slice %arg12[%add3A_717, %dma_start3A_718] : memref<40x128xi32, #tpu.memory_space<vmem>> -> memref<1x128xi32, #tpu.memory_space<vmem>>
      %dma_start3A_720 = tpu.memref_squeeze %dma_start3A_719 : memref<1x128xi32, #tpu.memory_space<vmem>> -> memref<128xi32, #tpu.memory_space<vmem>>
      %dma_start3A_721 = arith.constant 0 : i32
      %dma_start3A_722 = arith.constant 0 : i32
      %dma_start3A_723 = tpu.memref_slice %arg10[%dma_start3A_721, %dma_start3A_722] : memref<10000x64xf32, #tpu.memory_space<vmem_shared>> -> memref<10000x64xf32, #tpu.memory_space<vmem_shared>>
      tpu.enqueue_indirect_dma source(%dma_start3A_723 : memref<10000x64xf32, #tpu.memory_space<vmem_shared>>) target(%arg17 : memref<128x64xf32, #tpu.memory_space<vmem>>) offsets(%dma_start3A_720 : memref<128xi32, #tpu.memory_space<vmem>>) semaphore(%arg21 : memref<!tpu.dma_semaphore, #tpu.memory_space<semaphore_mem>>)
      %convert_element_type3A_724 = arith.extui %eq3A_3 : i1 to i32
      %cond3A_725 = arith.constant 0 : i32
      %cond3A_726 = arith.cmpi ne, %convert_element_type3A_724, %cond3A_725 : i32
      scf.if %cond3A_726 {
        %scan3A_727 = arith.constant 0 : i32
        %scan3A_728 = arith.constant 4 : i32
        %scan3A_729 = arith.addi %scan3A_727, %scan3A_728 : i32
        %scan3A_730 = arith.constant 1 : i32
        scf.for %scan3A_732 = %scan3A_727 to %scan3A_729 step %scan3A_730  : i32 {
          %mul3A_733 = arith.constant 1 : i32
          %mul3A_734 = arith.muli %scan3A_732, %mul3A_733 : i32
          %add3A_735 = arith.constant 0 : i32
          %add3A_736 = arith.addi %add3A_735, %mul3A_734 : i32
          %dma_wait3A_737 = arith.constant 0 : i32
          %dma_wait3A_738 = arith.constant 0 : i32
          %dma_wait3A_739 = tpu.memref_slice %arg27[%dma_wait3A_738] : memref<128xf32, #tpu.memory_space<vmem>> -> memref<128xf32, #tpu.memory_space<vmem>>
          %dma_wait3A_740 = arith.constant 0 : i32
          %dma_wait3A_741 = tpu.memref_slice %arg13[%dma_wait3A_737, %dma_wait3A_740] : memref<40x128xi32, #tpu.memory_space<vmem>> -> memref<1x128xi32, #tpu.memory_space<vmem>>
          %dma_wait3A_742 = tpu.memref_squeeze %dma_wait3A_741 : memref<1x128xi32, #tpu.memory_space<vmem>> -> memref<128xi32, #tpu.memory_space<vmem>>
          %dma_wait3A_743 = arith.constant 0 : i32
          %dma_wait3A_744 = tpu.memref_slice %arg26[%dma_wait3A_743] : memref<10008xf32, #tpu.memory_space<vmem_shared>> -> memref<10008xf32, #tpu.memory_space<vmem_shared>>
          tpu.wait_indirect_dma semaphore(%arg29 : memref<!tpu.dma_semaphore, #tpu.memory_space<semaphore_mem>>) src(%dma_wait3A_739 : memref<128xf32, #tpu.memory_space<vmem>>) dst(%dma_wait3A_744 : memref<10008xf32, #tpu.memory_space<vmem_shared>>)
        }
        %scan3A_731 = arith.constant 4 : i32
      } else {
      }
    }
    %scan3A_320 = arith.constant 9 : i32
    %dma_wait3A_321 = arith.constant 36 : i32
    %dma_wait3A_322 = arith.constant 0 : i32
    %dma_wait3A_323 = tpu.memref_slice %arg12[%dma_wait3A_321, %dma_wait3A_322] : memref<40x128xi32, #tpu.memory_space<vmem>> -> memref<1x128xi32, #tpu.memory_space<vmem>>
    %dma_wait3A_324 = tpu.memref_squeeze %dma_wait3A_323 : memref<1x128xi32, #tpu.memory_space<vmem>> -> memref<128xi32, #tpu.memory_space<vmem>>
    %dma_wait3A_325 = arith.constant 0 : i32
    %dma_wait3A_326 = arith.constant 0 : i32
    %dma_wait3A_327 = tpu.memref_slice %arg10[%dma_wait3A_325, %dma_wait3A_326] : memref<10000x64xf32, #tpu.memory_space<vmem_shared>> -> memref<10000x64xf32, #tpu.memory_space<vmem_shared>>
    tpu.wait_indirect_dma semaphore(%arg18 : memref<!tpu.dma_semaphore, #tpu.memory_space<semaphore_mem>>) src(%dma_wait3A_327 : memref<10000x64xf32, #tpu.memory_space<vmem_shared>>) dst(%arg14 : memref<128x64xf32, #tpu.memory_space<vmem>>)
    %dma_start3A_328 = arith.constant 36 : i32
    %dma_start3A_329 = arith.constant 0 : i32
    %dma_start3A_330 = tpu.memref_slice %arg13[%dma_start3A_328, %dma_start3A_329] : memref<40x128xi32, #tpu.memory_space<vmem>> -> memref<1x128xi32, #tpu.memory_space<vmem>>
    %dma_start3A_331 = tpu.memref_squeeze %dma_start3A_330 : memref<1x128xi32, #tpu.memory_space<vmem>> -> memref<128xi32, #tpu.memory_space<vmem>>
    %dma_start3A_332 = arith.constant 0 : i32
    %dma_start3A_333 = arith.constant 0 : i32
    %dma_start3A_334 = tpu.memref_slice %arg11[%dma_start3A_332, %dma_start3A_333] : memref<10008x64xf32, #tpu.memory_space<vmem_shared>> -> memref<10008x64xf32, #tpu.memory_space<vmem_shared>>
    tpu.enqueue_indirect_dma source(%arg14 : memref<128x64xf32, #tpu.memory_space<vmem>>) target(%dma_start3A_334 : memref<10008x64xf32, #tpu.memory_space<vmem_shared>>) offsets(%dma_start3A_331 : memref<128xi32, #tpu.memory_space<vmem>>) semaphore(%arg22 : memref<!tpu.dma_semaphore, #tpu.memory_space<semaphore_mem>>) {add = true}
    %convert_element_type3A_335 = arith.extui %eq3A_3 : i1 to i32
    %cond3A_336 = arith.constant 0 : i32
    %cond3A_337 = arith.cmpi ne, %convert_element_type3A_335, %cond3A_336 : i32
    scf.if %cond3A_337 {
      %dma_start3A_563 = arith.constant 36 : i32
      %dma_start3A_564 = arith.constant 0 : i32
      %dma_start3A_565 = tpu.memref_slice %arg27[%dma_start3A_564] : memref<128xf32, #tpu.memory_space<vmem>> -> memref<128xf32, #tpu.memory_space<vmem>>
      %dma_start3A_566 = arith.constant 0 : i32
      %dma_start3A_567 = tpu.memref_slice %arg13[%dma_start3A_563, %dma_start3A_566] : memref<40x128xi32, #tpu.memory_space<vmem>> -> memref<1x128xi32, #tpu.memory_space<vmem>>
      %dma_start3A_568 = tpu.memref_squeeze %dma_start3A_567 : memref<1x128xi32, #tpu.memory_space<vmem>> -> memref<128xi32, #tpu.memory_space<vmem>>
      %dma_start3A_569 = arith.constant 0 : i32
      %dma_start3A_570 = tpu.memref_slice %arg26[%dma_start3A_569] : memref<10008xf32, #tpu.memory_space<vmem_shared>> -> memref<10008xf32, #tpu.memory_space<vmem_shared>>
      tpu.enqueue_indirect_dma source(%dma_start3A_565 : memref<128xf32, #tpu.memory_space<vmem>>) target(%dma_start3A_570 : memref<10008xf32, #tpu.memory_space<vmem_shared>>) offsets(%dma_start3A_568 : memref<128xi32, #tpu.memory_space<vmem>>) semaphore(%arg29 : memref<!tpu.dma_semaphore, #tpu.memory_space<semaphore_mem>>) {add = true}
    } else {
    }
    %dma_wait3A_338 = arith.constant 37 : i32
    %dma_wait3A_339 = arith.constant 0 : i32
    %dma_wait3A_340 = tpu.memref_slice %arg12[%dma_wait3A_338, %dma_wait3A_339] : memref<40x128xi32, #tpu.memory_space<vmem>> -> memref<1x128xi32, #tpu.memory_space<vmem>>
    %dma_wait3A_341 = tpu.memref_squeeze %dma_wait3A_340 : memref<1x128xi32, #tpu.memory_space<vmem>> -> memref<128xi32, #tpu.memory_space<vmem>>
    %dma_wait3A_342 = arith.constant 0 : i32
    %dma_wait3A_343 = arith.constant 0 : i32
    %dma_wait3A_344 = tpu.memref_slice %arg10[%dma_wait3A_342, %dma_wait3A_343] : memref<10000x64xf32, #tpu.memory_space<vmem_shared>> -> memref<10000x64xf32, #tpu.memory_space<vmem_shared>>
    tpu.wait_indirect_dma semaphore(%arg19 : memref<!tpu.dma_semaphore, #tpu.memory_space<semaphore_mem>>) src(%dma_wait3A_344 : memref<10000x64xf32, #tpu.memory_space<vmem_shared>>) dst(%arg15 : memref<128x64xf32, #tpu.memory_space<vmem>>)
    %dma_start3A_345 = arith.constant 37 : i32
    %dma_start3A_346 = arith.constant 0 : i32
    %dma_start3A_347 = tpu.memref_slice %arg13[%dma_start3A_345, %dma_start3A_346] : memref<40x128xi32, #tpu.memory_space<vmem>> -> memref<1x128xi32, #tpu.memory_space<vmem>>
    %dma_start3A_348 = tpu.memref_squeeze %dma_start3A_347 : memref<1x128xi32, #tpu.memory_space<vmem>> -> memref<128xi32, #tpu.memory_space<vmem>>
    %dma_start3A_349 = arith.constant 0 : i32
    %dma_start3A_350 = arith.constant 0 : i32
    %dma_start3A_351 = tpu.memref_slice %arg11[%dma_start3A_349, %dma_start3A_350] : memref<10008x64xf32, #tpu.memory_space<vmem_shared>> -> memref<10008x64xf32, #tpu.memory_space<vmem_shared>>
    tpu.enqueue_indirect_dma source(%arg15 : memref<128x64xf32, #tpu.memory_space<vmem>>) target(%dma_start3A_351 : memref<10008x64xf32, #tpu.memory_space<vmem_shared>>) offsets(%dma_start3A_348 : memref<128xi32, #tpu.memory_space<vmem>>) semaphore(%arg23 : memref<!tpu.dma_semaphore, #tpu.memory_space<semaphore_mem>>) {add = true}
    %convert_element_type3A_352 = arith.extui %eq3A_3 : i1 to i32
    %cond3A_353 = arith.constant 0 : i32
    %cond3A_354 = arith.cmpi ne, %convert_element_type3A_352, %cond3A_353 : i32
    scf.if %cond3A_354 {
      %dma_start3A_563 = arith.constant 37 : i32
      %dma_start3A_564 = arith.constant 0 : i32
      %dma_start3A_565 = tpu.memref_slice %arg27[%dma_start3A_564] : memref<128xf32, #tpu.memory_space<vmem>> -> memref<128xf32, #tpu.memory_space<vmem>>
      %dma_start3A_566 = arith.constant 0 : i32
      %dma_start3A_567 = tpu.memref_slice %arg13[%dma_start3A_563, %dma_start3A_566] : memref<40x128xi32, #tpu.memory_space<vmem>> -> memref<1x128xi32, #tpu.memory_space<vmem>>
      %dma_start3A_568 = tpu.memref_squeeze %dma_start3A_567 : memref<1x128xi32, #tpu.memory_space<vmem>> -> memref<128xi32, #tpu.memory_space<vmem>>
      %dma_start3A_569 = arith.constant 0 : i32
      %dma_start3A_570 = tpu.memref_slice %arg26[%dma_start3A_569] : memref<10008xf32, #tpu.memory_space<vmem_shared>> -> memref<10008xf32, #tpu.memory_space<vmem_shared>>
      tpu.enqueue_indirect_dma source(%dma_start3A_565 : memref<128xf32, #tpu.memory_space<vmem>>) target(%dma_start3A_570 : memref<10008xf32, #tpu.memory_space<vmem_shared>>) offsets(%dma_start3A_568 : memref<128xi32, #tpu.memory_space<vmem>>) semaphore(%arg29 : memref<!tpu.dma_semaphore, #tpu.memory_space<semaphore_mem>>) {add = true}
    } else {
    }
    %dma_wait3A_355 = arith.constant 38 : i32
    %dma_wait3A_356 = arith.constant 0 : i32
    %dma_wait3A_357 = tpu.memref_slice %arg12[%dma_wait3A_355, %dma_wait3A_356] : memref<40x128xi32, #tpu.memory_space<vmem>> -> memref<1x128xi32, #tpu.memory_space<vmem>>
    %dma_wait3A_358 = tpu.memref_squeeze %dma_wait3A_357 : memref<1x128xi32, #tpu.memory_space<vmem>> -> memref<128xi32, #tpu.memory_space<vmem>>
    %dma_wait3A_359 = arith.constant 0 : i32
    %dma_wait3A_360 = arith.constant 0 : i32
    %dma_wait3A_361 = tpu.memref_slice %arg10[%dma_wait3A_359, %dma_wait3A_360] : memref<10000x64xf32, #tpu.memory_space<vmem_shared>> -> memref<10000x64xf32, #tpu.memory_space<vmem_shared>>
    tpu.wait_indirect_dma semaphore(%arg20 : memref<!tpu.dma_semaphore, #tpu.memory_space<semaphore_mem>>) src(%dma_wait3A_361 : memref<10000x64xf32, #tpu.memory_space<vmem_shared>>) dst(%arg16 : memref<128x64xf32, #tpu.memory_space<vmem>>)
    %dma_start3A_362 = arith.constant 38 : i32
    %dma_start3A_363 = arith.constant 0 : i32
    %dma_start3A_364 = tpu.memref_slice %arg13[%dma_start3A_362, %dma_start3A_363] : memref<40x128xi32, #tpu.memory_space<vmem>> -> memref<1x128xi32, #tpu.memory_space<vmem>>
    %dma_start3A_365 = tpu.memref_squeeze %dma_start3A_364 : memref<1x128xi32, #tpu.memory_space<vmem>> -> memref<128xi32, #tpu.memory_space<vmem>>
    %dma_start3A_366 = arith.constant 0 : i32
    %dma_start3A_367 = arith.constant 0 : i32
    %dma_start3A_368 = tpu.memref_slice %arg11[%dma_start3A_366, %dma_start3A_367] : memref<10008x64xf32, #tpu.memory_space<vmem_shared>> -> memref<10008x64xf32, #tpu.memory_space<vmem_shared>>
    tpu.enqueue_indirect_dma source(%arg16 : memref<128x64xf32, #tpu.memory_space<vmem>>) target(%dma_start3A_368 : memref<10008x64xf32, #tpu.memory_space<vmem_shared>>) offsets(%dma_start3A_365 : memref<128xi32, #tpu.memory_space<vmem>>) semaphore(%arg24 : memref<!tpu.dma_semaphore, #tpu.memory_space<semaphore_mem>>) {add = true}
    %convert_element_type3A_369 = arith.extui %eq3A_3 : i1 to i32
    %cond3A_370 = arith.constant 0 : i32
    %cond3A_371 = arith.cmpi ne, %convert_element_type3A_369, %cond3A_370 : i32
    scf.if %cond3A_371 {
      %dma_start3A_563 = arith.constant 38 : i32
      %dma_start3A_564 = arith.constant 0 : i32
      %dma_start3A_565 = tpu.memref_slice %arg27[%dma_start3A_564] : memref<128xf32, #tpu.memory_space<vmem>> -> memref<128xf32, #tpu.memory_space<vmem>>
      %dma_start3A_566 = arith.constant 0 : i32
      %dma_start3A_567 = tpu.memref_slice %arg13[%dma_start3A_563, %dma_start3A_566] : memref<40x128xi32, #tpu.memory_space<vmem>> -> memref<1x128xi32, #tpu.memory_space<vmem>>
      %dma_start3A_568 = tpu.memref_squeeze %dma_start3A_567 : memref<1x128xi32, #tpu.memory_space<vmem>> -> memref<128xi32, #tpu.memory_space<vmem>>
      %dma_start3A_569 = arith.constant 0 : i32
      %dma_start3A_570 = tpu.memref_slice %arg26[%dma_start3A_569] : memref<10008xf32, #tpu.memory_space<vmem_shared>> -> memref<10008xf32, #tpu.memory_space<vmem_shared>>
      tpu.enqueue_indirect_dma source(%dma_start3A_565 : memref<128xf32, #tpu.memory_space<vmem>>) target(%dma_start3A_570 : memref<10008xf32, #tpu.memory_space<vmem_shared>>) offsets(%dma_start3A_568 : memref<128xi32, #tpu.memory_space<vmem>>) semaphore(%arg29 : memref<!tpu.dma_semaphore, #tpu.memory_space<semaphore_mem>>) {add = true}
    } else {
    }
    %dma_wait3A_372 = arith.constant 39 : i32
    %dma_wait3A_373 = arith.constant 0 : i32
    %dma_wait3A_374 = tpu.memref_slice %arg12[%dma_wait3A_372, %dma_wait3A_373] : memref<40x128xi32, #tpu.memory_space<vmem>> -> memref<1x128xi32, #tpu.memory_space<vmem>>
    %dma_wait3A_375 = tpu.memref_squeeze %dma_wait3A_374 : memref<1x128xi32, #tpu.memory_space<vmem>> -> memref<128xi32, #tpu.memory_space<vmem>>
    %dma_wait3A_376 = arith.constant 0 : i32
    %dma_wait3A_377 = arith.constant 0 : i32
    %dma_wait3A_378 = tpu.memref_slice %arg10[%dma_wait3A_376, %dma_wait3A_377] : memref<10000x64xf32, #tpu.memory_space<vmem_shared>> -> memref<10000x64xf32, #tpu.memory_space<vmem_shared>>
    tpu.wait_indirect_dma semaphore(%arg21 : memref<!tpu.dma_semaphore, #tpu.memory_space<semaphore_mem>>) src(%dma_wait3A_378 : memref<10000x64xf32, #tpu.memory_space<vmem_shared>>) dst(%arg17 : memref<128x64xf32, #tpu.memory_space<vmem>>)
    %dma_start3A_379 = arith.constant 39 : i32
    %dma_start3A_380 = arith.constant 0 : i32
    %dma_start3A_381 = tpu.memref_slice %arg13[%dma_start3A_379, %dma_start3A_380] : memref<40x128xi32, #tpu.memory_space<vmem>> -> memref<1x128xi32, #tpu.memory_space<vmem>>
    %dma_start3A_382 = tpu.memref_squeeze %dma_start3A_381 : memref<1x128xi32, #tpu.memory_space<vmem>> -> memref<128xi32, #tpu.memory_space<vmem>>
    %dma_start3A_383 = arith.constant 0 : i32
    %dma_start3A_384 = arith.constant 0 : i32
    %dma_start3A_385 = tpu.memref_slice %arg11[%dma_start3A_383, %dma_start3A_384] : memref<10008x64xf32, #tpu.memory_space<vmem_shared>> -> memref<10008x64xf32, #tpu.memory_space<vmem_shared>>
    tpu.enqueue_indirect_dma source(%arg17 : memref<128x64xf32, #tpu.memory_space<vmem>>) target(%dma_start3A_385 : memref<10008x64xf32, #tpu.memory_space<vmem_shared>>) offsets(%dma_start3A_382 : memref<128xi32, #tpu.memory_space<vmem>>) semaphore(%arg25 : memref<!tpu.dma_semaphore, #tpu.memory_space<semaphore_mem>>) {add = true}
    %convert_element_type3A_386 = arith.extui %eq3A_3 : i1 to i32
    %cond3A_387 = arith.constant 0 : i32
    %cond3A_388 = arith.cmpi ne, %convert_element_type3A_386, %cond3A_387 : i32
    scf.if %cond3A_388 {
      %dma_start3A_563 = arith.constant 39 : i32
      %dma_start3A_564 = arith.constant 0 : i32
      %dma_start3A_565 = tpu.memref_slice %arg27[%dma_start3A_564] : memref<128xf32, #tpu.memory_space<vmem>> -> memref<128xf32, #tpu.memory_space<vmem>>
      %dma_start3A_566 = arith.constant 0 : i32
      %dma_start3A_567 = tpu.memref_slice %arg13[%dma_start3A_563, %dma_start3A_566] : memref<40x128xi32, #tpu.memory_space<vmem>> -> memref<1x128xi32, #tpu.memory_space<vmem>>
      %dma_start3A_568 = tpu.memref_squeeze %dma_start3A_567 : memref<1x128xi32, #tpu.memory_space<vmem>> -> memref<128xi32, #tpu.memory_space<vmem>>
      %dma_start3A_569 = arith.constant 0 : i32
      %dma_start3A_570 = tpu.memref_slice %arg26[%dma_start3A_569] : memref<10008xf32, #tpu.memory_space<vmem_shared>> -> memref<10008xf32, #tpu.memory_space<vmem_shared>>
      tpu.enqueue_indirect_dma source(%dma_start3A_565 : memref<128xf32, #tpu.memory_space<vmem>>) target(%dma_start3A_570 : memref<10008xf32, #tpu.memory_space<vmem_shared>>) offsets(%dma_start3A_568 : memref<128xi32, #tpu.memory_space<vmem>>) semaphore(%arg29 : memref<!tpu.dma_semaphore, #tpu.memory_space<semaphore_mem>>) {add = true}
    } else {
    }
    %dma_wait3A_389 = arith.constant 36 : i32
    %dma_wait3A_390 = arith.constant 0 : i32
    %dma_wait3A_391 = tpu.memref_slice %arg13[%dma_wait3A_389, %dma_wait3A_390] : memref<40x128xi32, #tpu.memory_space<vmem>> -> memref<1x128xi32, #tpu.memory_space<vmem>>
    %dma_wait3A_392 = tpu.memref_squeeze %dma_wait3A_391 : memref<1x128xi32, #tpu.memory_space<vmem>> -> memref<128xi32, #tpu.memory_space<vmem>>
    %dma_wait3A_393 = arith.constant 0 : i32
    %dma_wait3A_394 = arith.constant 0 : i32
    %dma_wait3A_395 = tpu.memref_slice %arg11[%dma_wait3A_393, %dma_wait3A_394] : memref<10008x64xf32, #tpu.memory_space<vmem_shared>> -> memref<10008x64xf32, #tpu.memory_space<vmem_shared>>
    tpu.wait_indirect_dma semaphore(%arg22 : memref<!tpu.dma_semaphore, #tpu.memory_space<semaphore_mem>>) src(%arg14 : memref<128x64xf32, #tpu.memory_space<vmem>>) dst(%dma_wait3A_395 : memref<10008x64xf32, #tpu.memory_space<vmem_shared>>)
    %dma_wait3A_396 = arith.constant 37 : i32
    %dma_wait3A_397 = arith.constant 0 : i32
    %dma_wait3A_398 = tpu.memref_slice %arg13[%dma_wait3A_396, %dma_wait3A_397] : memref<40x128xi32, #tpu.memory_space<vmem>> -> memref<1x128xi32, #tpu.memory_space<vmem>>
    %dma_wait3A_399 = tpu.memref_squeeze %dma_wait3A_398 : memref<1x128xi32, #tpu.memory_space<vmem>> -> memref<128xi32, #tpu.memory_space<vmem>>
    %dma_wait3A_400 = arith.constant 0 : i32
    %dma_wait3A_401 = arith.constant 0 : i32
    %dma_wait3A_402 = tpu.memref_slice %arg11[%dma_wait3A_400, %dma_wait3A_401] : memref<10008x64xf32, #tpu.memory_space<vmem_shared>> -> memref<10008x64xf32, #tpu.memory_space<vmem_shared>>
    tpu.wait_indirect_dma semaphore(%arg23 : memref<!tpu.dma_semaphore, #tpu.memory_space<semaphore_mem>>) src(%arg15 : memref<128x64xf32, #tpu.memory_space<vmem>>) dst(%dma_wait3A_402 : memref<10008x64xf32, #tpu.memory_space<vmem_shared>>)
    %dma_wait3A_403 = arith.constant 38 : i32
    %dma_wait3A_404 = arith.constant 0 : i32
    %dma_wait3A_405 = tpu.memref_slice %arg13[%dma_wait3A_403, %dma_wait3A_404] : memref<40x128xi32, #tpu.memory_space<vmem>> -> memref<1x128xi32, #tpu.memory_space<vmem>>
    %dma_wait3A_406 = tpu.memref_squeeze %dma_wait3A_405 : memref<1x128xi32, #tpu.memory_space<vmem>> -> memref<128xi32, #tpu.memory_space<vmem>>
    %dma_wait3A_407 = arith.constant 0 : i32
    %dma_wait3A_408 = arith.constant 0 : i32
    %dma_wait3A_409 = tpu.memref_slice %arg11[%dma_wait3A_407, %dma_wait3A_408] : memref<10008x64xf32, #tpu.memory_space<vmem_shared>> -> memref<10008x64xf32, #tpu.memory_space<vmem_shared>>
    tpu.wait_indirect_dma semaphore(%arg24 : memref<!tpu.dma_semaphore, #tpu.memory_space<semaphore_mem>>) src(%arg16 : memref<128x64xf32, #tpu.memory_space<vmem>>) dst(%dma_wait3A_409 : memref<10008x64xf32, #tpu.memory_space<vmem_shared>>)
    %dma_wait3A_410 = arith.constant 39 : i32
    %dma_wait3A_411 = arith.constant 0 : i32
    %dma_wait3A_412 = tpu.memref_slice %arg13[%dma_wait3A_410, %dma_wait3A_411] : memref<40x128xi32, #tpu.memory_space<vmem>> -> memref<1x128xi32, #tpu.memory_space<vmem>>
    %dma_wait3A_413 = tpu.memref_squeeze %dma_wait3A_412 : memref<1x128xi32, #tpu.memory_space<vmem>> -> memref<128xi32, #tpu.memory_space<vmem>>
    %dma_wait3A_414 = arith.constant 0 : i32
    %dma_wait3A_415 = arith.constant 0 : i32
    %dma_wait3A_416 = tpu.memref_slice %arg11[%dma_wait3A_414, %dma_wait3A_415] : memref<10008x64xf32, #tpu.memory_space<vmem_shared>> -> memref<10008x64xf32, #tpu.memory_space<vmem_shared>>
    tpu.wait_indirect_dma semaphore(%arg25 : memref<!tpu.dma_semaphore, #tpu.memory_space<semaphore_mem>>) src(%arg17 : memref<128x64xf32, #tpu.memory_space<vmem>>) dst(%dma_wait3A_416 : memref<10008x64xf32, #tpu.memory_space<vmem_shared>>)
    %convert_element_type3A_417 = arith.extui %eq3A_3 : i1 to i32
    %cond3A_418 = arith.constant 0 : i32
    %cond3A_419 = arith.cmpi ne, %convert_element_type3A_417, %cond3A_418 : i32
    scf.if %cond3A_419 {
      %scan3A_563 = arith.constant 0 : i32
      %scan3A_564 = arith.constant 4 : i32
      %scan3A_565 = arith.addi %scan3A_563, %scan3A_564 : i32
      %scan3A_566 = arith.constant 1 : i32
      scf.for %scan3A_568 = %scan3A_563 to %scan3A_565 step %scan3A_566  : i32 {
        %mul3A_569 = arith.constant 1 : i32
        %mul3A_570 = arith.muli %scan3A_568, %mul3A_569 : i32
        %add3A_571 = arith.constant 0 : i32
        %add3A_572 = arith.addi %add3A_571, %mul3A_570 : i32
        %dma_wait3A_573 = arith.constant 0 : i32
        %dma_wait3A_574 = arith.constant 0 : i32
        %dma_wait3A_575 = tpu.memref_slice %arg27[%dma_wait3A_574] : memref<128xf32, #tpu.memory_space<vmem>> -> memref<128xf32, #tpu.memory_space<vmem>>
        %dma_wait3A_576 = arith.constant 0 : i32
        %dma_wait3A_577 = tpu.memref_slice %arg13[%dma_wait3A_573, %dma_wait3A_576] : memref<40x128xi32, #tpu.memory_space<vmem>> -> memref<1x128xi32, #tpu.memory_space<vmem>>
        %dma_wait3A_578 = tpu.memref_squeeze %dma_wait3A_577 : memref<1x128xi32, #tpu.memory_space<vmem>> -> memref<128xi32, #tpu.memory_space<vmem>>
        %dma_wait3A_579 = arith.constant 0 : i32
        %dma_wait3A_580 = tpu.memref_slice %arg26[%dma_wait3A_579] : memref<10008xf32, #tpu.memory_space<vmem_shared>> -> memref<10008xf32, #tpu.memory_space<vmem_shared>>
        tpu.wait_indirect_dma semaphore(%arg29 : memref<!tpu.dma_semaphore, #tpu.memory_space<semaphore_mem>>) src(%dma_wait3A_575 : memref<128xf32, #tpu.memory_space<vmem>>) dst(%dma_wait3A_580 : memref<10008xf32, #tpu.memory_space<vmem_shared>>)
      }
      %scan3A_567 = arith.constant 4 : i32
    } else {
    }
    %add3A_420 = arith.constant 120 : i32
    %add3A_421 = arith.addi %mul3A_20, %add3A_420 : i32
    "tpu.region"() ({
      %run_scoped3A = tpu.sem_alloc : memref<!tpu.dma_semaphore, #tpu.memory_space<semaphore_mem>>
      %dma_start3A_563 = arith.constant 0 : i32
      %dma_start3A_564 = tpu.memref_slice %arg4[%add3A_421, %dma_start3A_563] : memref<2560x128xi32, #tpu.memory_space<hbm>> -> memref<40x128xi32, #tpu.memory_space<hbm>>
      %dma_start3A_565 = arith.constant 0 : i32
      %dma_start3A_566 = tpu.memref_slice %arg4[%add3A_421, %dma_start3A_565] : memref<2560x128xi32, #tpu.memory_space<hbm>> -> memref<40x128xi32, #tpu.memory_space<hbm>>
      tpu.enqueue_dma source(%dma_start3A_566 : memref<40x128xi32, #tpu.memory_space<hbm>>) target(%arg12 : memref<40x128xi32, #tpu.memory_space<vmem>>) target_semaphore(%run_scoped3A : memref<!tpu.dma_semaphore, #tpu.memory_space<semaphore_mem>>)
      %dma_wait3A_567 = arith.constant 0 : i32
      %dma_wait3A_568 = tpu.memref_slice %arg4[%add3A_421, %dma_wait3A_567] : memref<2560x128xi32, #tpu.memory_space<hbm>> -> memref<40x128xi32, #tpu.memory_space<hbm>>
      %dma_wait3A_569 = arith.constant 0 : i32
      %dma_wait3A_570 = tpu.memref_slice %arg4[%add3A_421, %dma_wait3A_569] : memref<2560x128xi32, #tpu.memory_space<hbm>> -> memref<40x128xi32, #tpu.memory_space<hbm>>
      tpu.wait_dma2 semaphore(%run_scoped3A : memref<!tpu.dma_semaphore, #tpu.memory_space<semaphore_mem>>) src(%dma_wait3A_570 : memref<40x128xi32, #tpu.memory_space<hbm>>) dst(%arg12 : memref<40x128xi32, #tpu.memory_space<vmem>>)
      tpu.yield
    }) : () -> ()
    "tpu.region"() ({
      %run_scoped3A = tpu.sem_alloc : memref<!tpu.dma_semaphore, #tpu.memory_space<semaphore_mem>>
      %dma_start3A_563 = arith.constant 0 : i32
      %dma_start3A_564 = tpu.memref_slice %arg5[%add3A_421, %dma_start3A_563] : memref<2560x128xi32, #tpu.memory_space<hbm>> -> memref<40x128xi32, #tpu.memory_space<hbm>>
      %dma_start3A_565 = arith.constant 0 : i32
      %dma_start3A_566 = tpu.memref_slice %arg5[%add3A_421, %dma_start3A_565] : memref<2560x128xi32, #tpu.memory_space<hbm>> -> memref<40x128xi32, #tpu.memory_space<hbm>>
      tpu.enqueue_dma source(%dma_start3A_566 : memref<40x128xi32, #tpu.memory_space<hbm>>) target(%arg13 : memref<40x128xi32, #tpu.memory_space<vmem>>) target_semaphore(%run_scoped3A : memref<!tpu.dma_semaphore, #tpu.memory_space<semaphore_mem>>)
      %dma_wait3A_567 = arith.constant 0 : i32
      %dma_wait3A_568 = tpu.memref_slice %arg5[%add3A_421, %dma_wait3A_567] : memref<2560x128xi32, #tpu.memory_space<hbm>> -> memref<40x128xi32, #tpu.memory_space<hbm>>
      %dma_wait3A_569 = arith.constant 0 : i32
      %dma_wait3A_570 = tpu.memref_slice %arg5[%add3A_421, %dma_wait3A_569] : memref<2560x128xi32, #tpu.memory_space<hbm>> -> memref<40x128xi32, #tpu.memory_space<hbm>>
      tpu.wait_dma2 semaphore(%run_scoped3A : memref<!tpu.dma_semaphore, #tpu.memory_space<semaphore_mem>>) src(%dma_wait3A_570 : memref<40x128xi32, #tpu.memory_space<hbm>>) dst(%arg13 : memref<40x128xi32, #tpu.memory_space<vmem>>)
      tpu.yield
    }) : () -> ()
    %dma_start3A_422 = arith.constant 0 : i32
    %dma_start3A_423 = arith.constant 0 : i32
    %dma_start3A_424 = tpu.memref_slice %arg12[%dma_start3A_422, %dma_start3A_423] : memref<40x128xi32, #tpu.memory_space<vmem>> -> memref<1x128xi32, #tpu.memory_space<vmem>>
    %dma_start3A_425 = tpu.memref_squeeze %dma_start3A_424 : memref<1x128xi32, #tpu.memory_space<vmem>> -> memref<128xi32, #tpu.memory_space<vmem>>
    %dma_start3A_426 = arith.constant 0 : i32
    %dma_start3A_427 = arith.constant 0 : i32
    %dma_start3A_428 = tpu.memref_slice %arg10[%dma_start3A_426, %dma_start3A_427] : memref<10000x64xf32, #tpu.memory_space<vmem_shared>> -> memref<10000x64xf32, #tpu.memory_space<vmem_shared>>
    tpu.enqueue_indirect_dma source(%dma_start3A_428 : memref<10000x64xf32, #tpu.memory_space<vmem_shared>>) target(%arg14 : memref<128x64xf32, #tpu.memory_space<vmem>>) offsets(%dma_start3A_425 : memref<128xi32, #tpu.memory_space<vmem>>) semaphore(%arg18 : memref<!tpu.dma_semaphore, #tpu.memory_space<semaphore_mem>>)
    %dma_start3A_429 = arith.constant 1 : i32
    %dma_start3A_430 = arith.constant 0 : i32
    %dma_start3A_431 = tpu.memref_slice %arg12[%dma_start3A_429, %dma_start3A_430] : memref<40x128xi32, #tpu.memory_space<vmem>> -> memref<1x128xi32, #tpu.memory_space<vmem>>
    %dma_start3A_432 = tpu.memref_squeeze %dma_start3A_431 : memref<1x128xi32, #tpu.memory_space<vmem>> -> memref<128xi32, #tpu.memory_space<vmem>>
    %dma_start3A_433 = arith.constant 0 : i32
    %dma_start3A_434 = arith.constant 0 : i32
    %dma_start3A_435 = tpu.memref_slice %arg10[%dma_start3A_433, %dma_start3A_434] : memref<10000x64xf32, #tpu.memory_space<vmem_shared>> -> memref<10000x64xf32, #tpu.memory_space<vmem_shared>>
    tpu.enqueue_indirect_dma source(%dma_start3A_435 : memref<10000x64xf32, #tpu.memory_space<vmem_shared>>) target(%arg15 : memref<128x64xf32, #tpu.memory_space<vmem>>) offsets(%dma_start3A_432 : memref<128xi32, #tpu.memory_space<vmem>>) semaphore(%arg19 : memref<!tpu.dma_semaphore, #tpu.memory_space<semaphore_mem>>)
    %dma_start3A_436 = arith.constant 2 : i32
    %dma_start3A_437 = arith.constant 0 : i32
    %dma_start3A_438 = tpu.memref_slice %arg12[%dma_start3A_436, %dma_start3A_437] : memref<40x128xi32, #tpu.memory_space<vmem>> -> memref<1x128xi32, #tpu.memory_space<vmem>>
    %dma_start3A_439 = tpu.memref_squeeze %dma_start3A_438 : memref<1x128xi32, #tpu.memory_space<vmem>> -> memref<128xi32, #tpu.memory_space<vmem>>
    %dma_start3A_440 = arith.constant 0 : i32
    %dma_start3A_441 = arith.constant 0 : i32
    %dma_start3A_442 = tpu.memref_slice %arg10[%dma_start3A_440, %dma_start3A_441] : memref<10000x64xf32, #tpu.memory_space<vmem_shared>> -> memref<10000x64xf32, #tpu.memory_space<vmem_shared>>
    tpu.enqueue_indirect_dma source(%dma_start3A_442 : memref<10000x64xf32, #tpu.memory_space<vmem_shared>>) target(%arg16 : memref<128x64xf32, #tpu.memory_space<vmem>>) offsets(%dma_start3A_439 : memref<128xi32, #tpu.memory_space<vmem>>) semaphore(%arg20 : memref<!tpu.dma_semaphore, #tpu.memory_space<semaphore_mem>>)
    %dma_start3A_443 = arith.constant 3 : i32
    %dma_start3A_444 = arith.constant 0 : i32
    %dma_start3A_445 = tpu.memref_slice %arg12[%dma_start3A_443, %dma_start3A_444] : memref<40x128xi32, #tpu.memory_space<vmem>> -> memref<1x128xi32, #tpu.memory_space<vmem>>
    %dma_start3A_446 = tpu.memref_squeeze %dma_start3A_445 : memref<1x128xi32, #tpu.memory_space<vmem>> -> memref<128xi32, #tpu.memory_space<vmem>>
    %dma_start3A_447 = arith.constant 0 : i32
    %dma_start3A_448 = arith.constant 0 : i32
    %dma_start3A_449 = tpu.memref_slice %arg10[%dma_start3A_447, %dma_start3A_448] : memref<10000x64xf32, #tpu.memory_space<vmem_shared>> -> memref<10000x64xf32, #tpu.memory_space<vmem_shared>>
    tpu.enqueue_indirect_dma source(%dma_start3A_449 : memref<10000x64xf32, #tpu.memory_space<vmem_shared>>) target(%arg17 : memref<128x64xf32, #tpu.memory_space<vmem>>) offsets(%dma_start3A_446 : memref<128xi32, #tpu.memory_space<vmem>>) semaphore(%arg21 : memref<!tpu.dma_semaphore, #tpu.memory_space<semaphore_mem>>)
    %scan3A_450 = arith.constant 0 : i32
    %scan3A_451 = arith.constant 9 : i32
    %scan3A_452 = arith.addi %scan3A_450, %scan3A_451 : i32
    %scan3A_453 = arith.constant 1 : i32
    scf.for %scan3A_563 = %scan3A_450 to %scan3A_452 step %scan3A_453  : i32 {
      %mul3A_564 = arith.constant 4 : i32
      %mul3A_565 = arith.muli %scan3A_563, %mul3A_564 : i32
      %add3A_566 = arith.constant 0 : i32
      %add3A_567 = arith.addi %add3A_566, %mul3A_565 : i32
      %add3A_568 = arith.constant 0 : i32
      %add3A_569 = arith.addi %add3A_567, %add3A_568 : i32
      %dma_wait3A_570 = arith.constant 0 : i32
      %dma_wait3A_571 = tpu.memref_slice %arg12[%add3A_569, %dma_wait3A_570] : memref<40x128xi32, #tpu.memory_space<vmem>> -> memref<1x128xi32, #tpu.memory_space<vmem>>
      %dma_wait3A_572 = tpu.memref_squeeze %dma_wait3A_571 : memref<1x128xi32, #tpu.memory_space<vmem>> -> memref<128xi32, #tpu.memory_space<vmem>>
      %dma_wait3A_573 = arith.constant 0 : i32
      %dma_wait3A_574 = arith.constant 0 : i32
      %dma_wait3A_575 = tpu.memref_slice %arg10[%dma_wait3A_573, %dma_wait3A_574] : memref<10000x64xf32, #tpu.memory_space<vmem_shared>> -> memref<10000x64xf32, #tpu.memory_space<vmem_shared>>
      tpu.wait_indirect_dma semaphore(%arg18 : memref<!tpu.dma_semaphore, #tpu.memory_space<semaphore_mem>>) src(%dma_wait3A_575 : memref<10000x64xf32, #tpu.memory_space<vmem_shared>>) dst(%arg14 : memref<128x64xf32, #tpu.memory_space<vmem>>)
      %add3A_576 = arith.constant 0 : i32
      %add3A_577 = arith.addi %add3A_567, %add3A_576 : i32
      %dma_start3A_578 = arith.constant 0 : i32
      %dma_start3A_579 = tpu.memref_slice %arg13[%add3A_577, %dma_start3A_578] : memref<40x128xi32, #tpu.memory_space<vmem>> -> memref<1x128xi32, #tpu.memory_space<vmem>>
      %dma_start3A_580 = tpu.memref_squeeze %dma_start3A_579 : memref<1x128xi32, #tpu.memory_space<vmem>> -> memref<128xi32, #tpu.memory_space<vmem>>
      %dma_start3A_581 = arith.constant 0 : i32
      %dma_start3A_582 = arith.constant 0 : i32
      %dma_start3A_583 = tpu.memref_slice %arg11[%dma_start3A_581, %dma_start3A_582] : memref<10008x64xf32, #tpu.memory_space<vmem_shared>> -> memref<10008x64xf32, #tpu.memory_space<vmem_shared>>
      tpu.enqueue_indirect_dma source(%arg14 : memref<128x64xf32, #tpu.memory_space<vmem>>) target(%dma_start3A_583 : memref<10008x64xf32, #tpu.memory_space<vmem_shared>>) offsets(%dma_start3A_580 : memref<128xi32, #tpu.memory_space<vmem>>) semaphore(%arg22 : memref<!tpu.dma_semaphore, #tpu.memory_space<semaphore_mem>>) {add = true}
      %add3A_584 = arith.constant 0 : i32
      %add3A_585 = arith.addi %add3A_567, %add3A_584 : i32
      %convert_element_type3A_586 = arith.extui %eq3A_3 : i1 to i32
      %cond3A_587 = arith.constant 0 : i32
      %cond3A_588 = arith.cmpi ne, %convert_element_type3A_586, %cond3A_587 : i32
      scf.if %cond3A_588 {
        %dma_start3A_727 = arith.constant 0 : i32
        %dma_start3A_728 = tpu.memref_slice %arg27[%dma_start3A_727] : memref<128xf32, #tpu.memory_space<vmem>> -> memref<128xf32, #tpu.memory_space<vmem>>
        %dma_start3A_729 = arith.constant 0 : i32
        %dma_start3A_730 = tpu.memref_slice %arg13[%add3A_585, %dma_start3A_729] : memref<40x128xi32, #tpu.memory_space<vmem>> -> memref<1x128xi32, #tpu.memory_space<vmem>>
        %dma_start3A_731 = tpu.memref_squeeze %dma_start3A_730 : memref<1x128xi32, #tpu.memory_space<vmem>> -> memref<128xi32, #tpu.memory_space<vmem>>
        %dma_start3A_732 = arith.constant 0 : i32
        %dma_start3A_733 = tpu.memref_slice %arg26[%dma_start3A_732] : memref<10008xf32, #tpu.memory_space<vmem_shared>> -> memref<10008xf32, #tpu.memory_space<vmem_shared>>
        tpu.enqueue_indirect_dma source(%dma_start3A_728 : memref<128xf32, #tpu.memory_space<vmem>>) target(%dma_start3A_733 : memref<10008xf32, #tpu.memory_space<vmem_shared>>) offsets(%dma_start3A_731 : memref<128xi32, #tpu.memory_space<vmem>>) semaphore(%arg29 : memref<!tpu.dma_semaphore, #tpu.memory_space<semaphore_mem>>) {add = true}
      } else {
      }
      %add3A_589 = arith.constant 1 : i32
      %add3A_590 = arith.addi %add3A_567, %add3A_589 : i32
      %dma_wait3A_591 = arith.constant 0 : i32
      %dma_wait3A_592 = tpu.memref_slice %arg12[%add3A_590, %dma_wait3A_591] : memref<40x128xi32, #tpu.memory_space<vmem>> -> memref<1x128xi32, #tpu.memory_space<vmem>>
      %dma_wait3A_593 = tpu.memref_squeeze %dma_wait3A_592 : memref<1x128xi32, #tpu.memory_space<vmem>> -> memref<128xi32, #tpu.memory_space<vmem>>
      %dma_wait3A_594 = arith.constant 0 : i32
      %dma_wait3A_595 = arith.constant 0 : i32
      %dma_wait3A_596 = tpu.memref_slice %arg10[%dma_wait3A_594, %dma_wait3A_595] : memref<10000x64xf32, #tpu.memory_space<vmem_shared>> -> memref<10000x64xf32, #tpu.memory_space<vmem_shared>>
      tpu.wait_indirect_dma semaphore(%arg19 : memref<!tpu.dma_semaphore, #tpu.memory_space<semaphore_mem>>) src(%dma_wait3A_596 : memref<10000x64xf32, #tpu.memory_space<vmem_shared>>) dst(%arg15 : memref<128x64xf32, #tpu.memory_space<vmem>>)
      %add3A_597 = arith.constant 1 : i32
      %add3A_598 = arith.addi %add3A_567, %add3A_597 : i32
      %dma_start3A_599 = arith.constant 0 : i32
      %dma_start3A_600 = tpu.memref_slice %arg13[%add3A_598, %dma_start3A_599] : memref<40x128xi32, #tpu.memory_space<vmem>> -> memref<1x128xi32, #tpu.memory_space<vmem>>
      %dma_start3A_601 = tpu.memref_squeeze %dma_start3A_600 : memref<1x128xi32, #tpu.memory_space<vmem>> -> memref<128xi32, #tpu.memory_space<vmem>>
      %dma_start3A_602 = arith.constant 0 : i32
      %dma_start3A_603 = arith.constant 0 : i32
      %dma_start3A_604 = tpu.memref_slice %arg11[%dma_start3A_602, %dma_start3A_603] : memref<10008x64xf32, #tpu.memory_space<vmem_shared>> -> memref<10008x64xf32, #tpu.memory_space<vmem_shared>>
      tpu.enqueue_indirect_dma source(%arg15 : memref<128x64xf32, #tpu.memory_space<vmem>>) target(%dma_start3A_604 : memref<10008x64xf32, #tpu.memory_space<vmem_shared>>) offsets(%dma_start3A_601 : memref<128xi32, #tpu.memory_space<vmem>>) semaphore(%arg23 : memref<!tpu.dma_semaphore, #tpu.memory_space<semaphore_mem>>) {add = true}
      %add3A_605 = arith.constant 1 : i32
      %add3A_606 = arith.addi %add3A_567, %add3A_605 : i32
      %convert_element_type3A_607 = arith.extui %eq3A_3 : i1 to i32
      %cond3A_608 = arith.constant 0 : i32
      %cond3A_609 = arith.cmpi ne, %convert_element_type3A_607, %cond3A_608 : i32
      scf.if %cond3A_609 {
        %dma_start3A_727 = arith.constant 0 : i32
        %dma_start3A_728 = tpu.memref_slice %arg27[%dma_start3A_727] : memref<128xf32, #tpu.memory_space<vmem>> -> memref<128xf32, #tpu.memory_space<vmem>>
        %dma_start3A_729 = arith.constant 0 : i32
        %dma_start3A_730 = tpu.memref_slice %arg13[%add3A_606, %dma_start3A_729] : memref<40x128xi32, #tpu.memory_space<vmem>> -> memref<1x128xi32, #tpu.memory_space<vmem>>
        %dma_start3A_731 = tpu.memref_squeeze %dma_start3A_730 : memref<1x128xi32, #tpu.memory_space<vmem>> -> memref<128xi32, #tpu.memory_space<vmem>>
        %dma_start3A_732 = arith.constant 0 : i32
        %dma_start3A_733 = tpu.memref_slice %arg26[%dma_start3A_732] : memref<10008xf32, #tpu.memory_space<vmem_shared>> -> memref<10008xf32, #tpu.memory_space<vmem_shared>>
        tpu.enqueue_indirect_dma source(%dma_start3A_728 : memref<128xf32, #tpu.memory_space<vmem>>) target(%dma_start3A_733 : memref<10008xf32, #tpu.memory_space<vmem_shared>>) offsets(%dma_start3A_731 : memref<128xi32, #tpu.memory_space<vmem>>) semaphore(%arg29 : memref<!tpu.dma_semaphore, #tpu.memory_space<semaphore_mem>>) {add = true}
      } else {
      }
      %add3A_610 = arith.constant 2 : i32
      %add3A_611 = arith.addi %add3A_567, %add3A_610 : i32
      %dma_wait3A_612 = arith.constant 0 : i32
      %dma_wait3A_613 = tpu.memref_slice %arg12[%add3A_611, %dma_wait3A_612] : memref<40x128xi32, #tpu.memory_space<vmem>> -> memref<1x128xi32, #tpu.memory_space<vmem>>
      %dma_wait3A_614 = tpu.memref_squeeze %dma_wait3A_613 : memref<1x128xi32, #tpu.memory_space<vmem>> -> memref<128xi32, #tpu.memory_space<vmem>>
      %dma_wait3A_615 = arith.constant 0 : i32
      %dma_wait3A_616 = arith.constant 0 : i32
      %dma_wait3A_617 = tpu.memref_slice %arg10[%dma_wait3A_615, %dma_wait3A_616] : memref<10000x64xf32, #tpu.memory_space<vmem_shared>> -> memref<10000x64xf32, #tpu.memory_space<vmem_shared>>
      tpu.wait_indirect_dma semaphore(%arg20 : memref<!tpu.dma_semaphore, #tpu.memory_space<semaphore_mem>>) src(%dma_wait3A_617 : memref<10000x64xf32, #tpu.memory_space<vmem_shared>>) dst(%arg16 : memref<128x64xf32, #tpu.memory_space<vmem>>)
      %add3A_618 = arith.constant 2 : i32
      %add3A_619 = arith.addi %add3A_567, %add3A_618 : i32
      %dma_start3A_620 = arith.constant 0 : i32
      %dma_start3A_621 = tpu.memref_slice %arg13[%add3A_619, %dma_start3A_620] : memref<40x128xi32, #tpu.memory_space<vmem>> -> memref<1x128xi32, #tpu.memory_space<vmem>>
      %dma_start3A_622 = tpu.memref_squeeze %dma_start3A_621 : memref<1x128xi32, #tpu.memory_space<vmem>> -> memref<128xi32, #tpu.memory_space<vmem>>
      %dma_start3A_623 = arith.constant 0 : i32
      %dma_start3A_624 = arith.constant 0 : i32
      %dma_start3A_625 = tpu.memref_slice %arg11[%dma_start3A_623, %dma_start3A_624] : memref<10008x64xf32, #tpu.memory_space<vmem_shared>> -> memref<10008x64xf32, #tpu.memory_space<vmem_shared>>
      tpu.enqueue_indirect_dma source(%arg16 : memref<128x64xf32, #tpu.memory_space<vmem>>) target(%dma_start3A_625 : memref<10008x64xf32, #tpu.memory_space<vmem_shared>>) offsets(%dma_start3A_622 : memref<128xi32, #tpu.memory_space<vmem>>) semaphore(%arg24 : memref<!tpu.dma_semaphore, #tpu.memory_space<semaphore_mem>>) {add = true}
      %add3A_626 = arith.constant 2 : i32
      %add3A_627 = arith.addi %add3A_567, %add3A_626 : i32
      %convert_element_type3A_628 = arith.extui %eq3A_3 : i1 to i32
      %cond3A_629 = arith.constant 0 : i32
      %cond3A_630 = arith.cmpi ne, %convert_element_type3A_628, %cond3A_629 : i32
      scf.if %cond3A_630 {
        %dma_start3A_727 = arith.constant 0 : i32
        %dma_start3A_728 = tpu.memref_slice %arg27[%dma_start3A_727] : memref<128xf32, #tpu.memory_space<vmem>> -> memref<128xf32, #tpu.memory_space<vmem>>
        %dma_start3A_729 = arith.constant 0 : i32
        %dma_start3A_730 = tpu.memref_slice %arg13[%add3A_627, %dma_start3A_729] : memref<40x128xi32, #tpu.memory_space<vmem>> -> memref<1x128xi32, #tpu.memory_space<vmem>>
        %dma_start3A_731 = tpu.memref_squeeze %dma_start3A_730 : memref<1x128xi32, #tpu.memory_space<vmem>> -> memref<128xi32, #tpu.memory_space<vmem>>
        %dma_start3A_732 = arith.constant 0 : i32
        %dma_start3A_733 = tpu.memref_slice %arg26[%dma_start3A_732] : memref<10008xf32, #tpu.memory_space<vmem_shared>> -> memref<10008xf32, #tpu.memory_space<vmem_shared>>
        tpu.enqueue_indirect_dma source(%dma_start3A_728 : memref<128xf32, #tpu.memory_space<vmem>>) target(%dma_start3A_733 : memref<10008xf32, #tpu.memory_space<vmem_shared>>) offsets(%dma_start3A_731 : memref<128xi32, #tpu.memory_space<vmem>>) semaphore(%arg29 : memref<!tpu.dma_semaphore, #tpu.memory_space<semaphore_mem>>) {add = true}
      } else {
      }
      %add3A_631 = arith.constant 3 : i32
      %add3A_632 = arith.addi %add3A_567, %add3A_631 : i32
      %dma_wait3A_633 = arith.constant 0 : i32
      %dma_wait3A_634 = tpu.memref_slice %arg12[%add3A_632, %dma_wait3A_633] : memref<40x128xi32, #tpu.memory_space<vmem>> -> memref<1x128xi32, #tpu.memory_space<vmem>>
      %dma_wait3A_635 = tpu.memref_squeeze %dma_wait3A_634 : memref<1x128xi32, #tpu.memory_space<vmem>> -> memref<128xi32, #tpu.memory_space<vmem>>
      %dma_wait3A_636 = arith.constant 0 : i32
      %dma_wait3A_637 = arith.constant 0 : i32
      %dma_wait3A_638 = tpu.memref_slice %arg10[%dma_wait3A_636, %dma_wait3A_637] : memref<10000x64xf32, #tpu.memory_space<vmem_shared>> -> memref<10000x64xf32, #tpu.memory_space<vmem_shared>>
      tpu.wait_indirect_dma semaphore(%arg21 : memref<!tpu.dma_semaphore, #tpu.memory_space<semaphore_mem>>) src(%dma_wait3A_638 : memref<10000x64xf32, #tpu.memory_space<vmem_shared>>) dst(%arg17 : memref<128x64xf32, #tpu.memory_space<vmem>>)
      %add3A_639 = arith.constant 3 : i32
      %add3A_640 = arith.addi %add3A_567, %add3A_639 : i32
      %dma_start3A_641 = arith.constant 0 : i32
      %dma_start3A_642 = tpu.memref_slice %arg13[%add3A_640, %dma_start3A_641] : memref<40x128xi32, #tpu.memory_space<vmem>> -> memref<1x128xi32, #tpu.memory_space<vmem>>
      %dma_start3A_643 = tpu.memref_squeeze %dma_start3A_642 : memref<1x128xi32, #tpu.memory_space<vmem>> -> memref<128xi32, #tpu.memory_space<vmem>>
      %dma_start3A_644 = arith.constant 0 : i32
      %dma_start3A_645 = arith.constant 0 : i32
      %dma_start3A_646 = tpu.memref_slice %arg11[%dma_start3A_644, %dma_start3A_645] : memref<10008x64xf32, #tpu.memory_space<vmem_shared>> -> memref<10008x64xf32, #tpu.memory_space<vmem_shared>>
      tpu.enqueue_indirect_dma source(%arg17 : memref<128x64xf32, #tpu.memory_space<vmem>>) target(%dma_start3A_646 : memref<10008x64xf32, #tpu.memory_space<vmem_shared>>) offsets(%dma_start3A_643 : memref<128xi32, #tpu.memory_space<vmem>>) semaphore(%arg25 : memref<!tpu.dma_semaphore, #tpu.memory_space<semaphore_mem>>) {add = true}
      %add3A_647 = arith.constant 3 : i32
      %add3A_648 = arith.addi %add3A_567, %add3A_647 : i32
      %convert_element_type3A_649 = arith.extui %eq3A_3 : i1 to i32
      %cond3A_650 = arith.constant 0 : i32
      %cond3A_651 = arith.cmpi ne, %convert_element_type3A_649, %cond3A_650 : i32
      scf.if %cond3A_651 {
        %dma_start3A_727 = arith.constant 0 : i32
        %dma_start3A_728 = tpu.memref_slice %arg27[%dma_start3A_727] : memref<128xf32, #tpu.memory_space<vmem>> -> memref<128xf32, #tpu.memory_space<vmem>>
        %dma_start3A_729 = arith.constant 0 : i32
        %dma_start3A_730 = tpu.memref_slice %arg13[%add3A_648, %dma_start3A_729] : memref<40x128xi32, #tpu.memory_space<vmem>> -> memref<1x128xi32, #tpu.memory_space<vmem>>
        %dma_start3A_731 = tpu.memref_squeeze %dma_start3A_730 : memref<1x128xi32, #tpu.memory_space<vmem>> -> memref<128xi32, #tpu.memory_space<vmem>>
        %dma_start3A_732 = arith.constant 0 : i32
        %dma_start3A_733 = tpu.memref_slice %arg26[%dma_start3A_732] : memref<10008xf32, #tpu.memory_space<vmem_shared>> -> memref<10008xf32, #tpu.memory_space<vmem_shared>>
        tpu.enqueue_indirect_dma source(%dma_start3A_728 : memref<128xf32, #tpu.memory_space<vmem>>) target(%dma_start3A_733 : memref<10008xf32, #tpu.memory_space<vmem_shared>>) offsets(%dma_start3A_731 : memref<128xi32, #tpu.memory_space<vmem>>) semaphore(%arg29 : memref<!tpu.dma_semaphore, #tpu.memory_space<semaphore_mem>>) {add = true}
      } else {
      }
      %add3A_652 = arith.constant 0 : i32
      %add3A_653 = arith.addi %add3A_567, %add3A_652 : i32
      %dma_wait3A_654 = arith.constant 0 : i32
      %dma_wait3A_655 = tpu.memref_slice %arg13[%add3A_653, %dma_wait3A_654] : memref<40x128xi32, #tpu.memory_space<vmem>> -> memref<1x128xi32, #tpu.memory_space<vmem>>
      %dma_wait3A_656 = tpu.memref_squeeze %dma_wait3A_655 : memref<1x128xi32, #tpu.memory_space<vmem>> -> memref<128xi32, #tpu.memory_space<vmem>>
      %dma_wait3A_657 = arith.constant 0 : i32
      %dma_wait3A_658 = arith.constant 0 : i32
      %dma_wait3A_659 = tpu.memref_slice %arg11[%dma_wait3A_657, %dma_wait3A_658] : memref<10008x64xf32, #tpu.memory_space<vmem_shared>> -> memref<10008x64xf32, #tpu.memory_space<vmem_shared>>
      tpu.wait_indirect_dma semaphore(%arg22 : memref<!tpu.dma_semaphore, #tpu.memory_space<semaphore_mem>>) src(%arg14 : memref<128x64xf32, #tpu.memory_space<vmem>>) dst(%dma_wait3A_659 : memref<10008x64xf32, #tpu.memory_space<vmem_shared>>)
      %add3A_660 = arith.constant 0 : i32
      %add3A_661 = arith.addi %add3A_567, %add3A_660 : i32
      %add3A_662 = arith.constant 4 : i32
      %add3A_663 = arith.addi %add3A_661, %add3A_662 : i32
      %dma_start3A_664 = arith.constant 0 : i32
      %dma_start3A_665 = tpu.memref_slice %arg12[%add3A_663, %dma_start3A_664] : memref<40x128xi32, #tpu.memory_space<vmem>> -> memref<1x128xi32, #tpu.memory_space<vmem>>
      %dma_start3A_666 = tpu.memref_squeeze %dma_start3A_665 : memref<1x128xi32, #tpu.memory_space<vmem>> -> memref<128xi32, #tpu.memory_space<vmem>>
      %dma_start3A_667 = arith.constant 0 : i32
      %dma_start3A_668 = arith.constant 0 : i32
      %dma_start3A_669 = tpu.memref_slice %arg10[%dma_start3A_667, %dma_start3A_668] : memref<10000x64xf32, #tpu.memory_space<vmem_shared>> -> memref<10000x64xf32, #tpu.memory_space<vmem_shared>>
      tpu.enqueue_indirect_dma source(%dma_start3A_669 : memref<10000x64xf32, #tpu.memory_space<vmem_shared>>) target(%arg14 : memref<128x64xf32, #tpu.memory_space<vmem>>) offsets(%dma_start3A_666 : memref<128xi32, #tpu.memory_space<vmem>>) semaphore(%arg18 : memref<!tpu.dma_semaphore, #tpu.memory_space<semaphore_mem>>)
      %add3A_670 = arith.constant 1 : i32
      %add3A_671 = arith.addi %add3A_567, %add3A_670 : i32
      %dma_wait3A_672 = arith.constant 0 : i32
      %dma_wait3A_673 = tpu.memref_slice %arg13[%add3A_671, %dma_wait3A_672] : memref<40x128xi32, #tpu.memory_space<vmem>> -> memref<1x128xi32, #tpu.memory_space<vmem>>
      %dma_wait3A_674 = tpu.memref_squeeze %dma_wait3A_673 : memref<1x128xi32, #tpu.memory_space<vmem>> -> memref<128xi32, #tpu.memory_space<vmem>>
      %dma_wait3A_675 = arith.constant 0 : i32
      %dma_wait3A_676 = arith.constant 0 : i32
      %dma_wait3A_677 = tpu.memref_slice %arg11[%dma_wait3A_675, %dma_wait3A_676] : memref<10008x64xf32, #tpu.memory_space<vmem_shared>> -> memref<10008x64xf32, #tpu.memory_space<vmem_shared>>
      tpu.wait_indirect_dma semaphore(%arg23 : memref<!tpu.dma_semaphore, #tpu.memory_space<semaphore_mem>>) src(%arg15 : memref<128x64xf32, #tpu.memory_space<vmem>>) dst(%dma_wait3A_677 : memref<10008x64xf32, #tpu.memory_space<vmem_shared>>)
      %add3A_678 = arith.constant 1 : i32
      %add3A_679 = arith.addi %add3A_567, %add3A_678 : i32
      %add3A_680 = arith.constant 4 : i32
      %add3A_681 = arith.addi %add3A_679, %add3A_680 : i32
      %dma_start3A_682 = arith.constant 0 : i32
      %dma_start3A_683 = tpu.memref_slice %arg12[%add3A_681, %dma_start3A_682] : memref<40x128xi32, #tpu.memory_space<vmem>> -> memref<1x128xi32, #tpu.memory_space<vmem>>
      %dma_start3A_684 = tpu.memref_squeeze %dma_start3A_683 : memref<1x128xi32, #tpu.memory_space<vmem>> -> memref<128xi32, #tpu.memory_space<vmem>>
      %dma_start3A_685 = arith.constant 0 : i32
      %dma_start3A_686 = arith.constant 0 : i32
      %dma_start3A_687 = tpu.memref_slice %arg10[%dma_start3A_685, %dma_start3A_686] : memref<10000x64xf32, #tpu.memory_space<vmem_shared>> -> memref<10000x64xf32, #tpu.memory_space<vmem_shared>>
      tpu.enqueue_indirect_dma source(%dma_start3A_687 : memref<10000x64xf32, #tpu.memory_space<vmem_shared>>) target(%arg15 : memref<128x64xf32, #tpu.memory_space<vmem>>) offsets(%dma_start3A_684 : memref<128xi32, #tpu.memory_space<vmem>>) semaphore(%arg19 : memref<!tpu.dma_semaphore, #tpu.memory_space<semaphore_mem>>)
      %add3A_688 = arith.constant 2 : i32
      %add3A_689 = arith.addi %add3A_567, %add3A_688 : i32
      %dma_wait3A_690 = arith.constant 0 : i32
      %dma_wait3A_691 = tpu.memref_slice %arg13[%add3A_689, %dma_wait3A_690] : memref<40x128xi32, #tpu.memory_space<vmem>> -> memref<1x128xi32, #tpu.memory_space<vmem>>
      %dma_wait3A_692 = tpu.memref_squeeze %dma_wait3A_691 : memref<1x128xi32, #tpu.memory_space<vmem>> -> memref<128xi32, #tpu.memory_space<vmem>>
      %dma_wait3A_693 = arith.constant 0 : i32
      %dma_wait3A_694 = arith.constant 0 : i32
      %dma_wait3A_695 = tpu.memref_slice %arg11[%dma_wait3A_693, %dma_wait3A_694] : memref<10008x64xf32, #tpu.memory_space<vmem_shared>> -> memref<10008x64xf32, #tpu.memory_space<vmem_shared>>
      tpu.wait_indirect_dma semaphore(%arg24 : memref<!tpu.dma_semaphore, #tpu.memory_space<semaphore_mem>>) src(%arg16 : memref<128x64xf32, #tpu.memory_space<vmem>>) dst(%dma_wait3A_695 : memref<10008x64xf32, #tpu.memory_space<vmem_shared>>)
      %add3A_696 = arith.constant 2 : i32
      %add3A_697 = arith.addi %add3A_567, %add3A_696 : i32
      %add3A_698 = arith.constant 4 : i32
      %add3A_699 = arith.addi %add3A_697, %add3A_698 : i32
      %dma_start3A_700 = arith.constant 0 : i32
      %dma_start3A_701 = tpu.memref_slice %arg12[%add3A_699, %dma_start3A_700] : memref<40x128xi32, #tpu.memory_space<vmem>> -> memref<1x128xi32, #tpu.memory_space<vmem>>
      %dma_start3A_702 = tpu.memref_squeeze %dma_start3A_701 : memref<1x128xi32, #tpu.memory_space<vmem>> -> memref<128xi32, #tpu.memory_space<vmem>>
      %dma_start3A_703 = arith.constant 0 : i32
      %dma_start3A_704 = arith.constant 0 : i32
      %dma_start3A_705 = tpu.memref_slice %arg10[%dma_start3A_703, %dma_start3A_704] : memref<10000x64xf32, #tpu.memory_space<vmem_shared>> -> memref<10000x64xf32, #tpu.memory_space<vmem_shared>>
      tpu.enqueue_indirect_dma source(%dma_start3A_705 : memref<10000x64xf32, #tpu.memory_space<vmem_shared>>) target(%arg16 : memref<128x64xf32, #tpu.memory_space<vmem>>) offsets(%dma_start3A_702 : memref<128xi32, #tpu.memory_space<vmem>>) semaphore(%arg20 : memref<!tpu.dma_semaphore, #tpu.memory_space<semaphore_mem>>)
      %add3A_706 = arith.constant 3 : i32
      %add3A_707 = arith.addi %add3A_567, %add3A_706 : i32
      %dma_wait3A_708 = arith.constant 0 : i32
      %dma_wait3A_709 = tpu.memref_slice %arg13[%add3A_707, %dma_wait3A_708] : memref<40x128xi32, #tpu.memory_space<vmem>> -> memref<1x128xi32, #tpu.memory_space<vmem>>
      %dma_wait3A_710 = tpu.memref_squeeze %dma_wait3A_709 : memref<1x128xi32, #tpu.memory_space<vmem>> -> memref<128xi32, #tpu.memory_space<vmem>>
      %dma_wait3A_711 = arith.constant 0 : i32
      %dma_wait3A_712 = arith.constant 0 : i32
      %dma_wait3A_713 = tpu.memref_slice %arg11[%dma_wait3A_711, %dma_wait3A_712] : memref<10008x64xf32, #tpu.memory_space<vmem_shared>> -> memref<10008x64xf32, #tpu.memory_space<vmem_shared>>
      tpu.wait_indirect_dma semaphore(%arg25 : memref<!tpu.dma_semaphore, #tpu.memory_space<semaphore_mem>>) src(%arg17 : memref<128x64xf32, #tpu.memory_space<vmem>>) dst(%dma_wait3A_713 : memref<10008x64xf32, #tpu.memory_space<vmem_shared>>)
      %add3A_714 = arith.constant 3 : i32
      %add3A_715 = arith.addi %add3A_567, %add3A_714 : i32
      %add3A_716 = arith.constant 4 : i32
      %add3A_717 = arith.addi %add3A_715, %add3A_716 : i32
      %dma_start3A_718 = arith.constant 0 : i32
      %dma_start3A_719 = tpu.memref_slice %arg12[%add3A_717, %dma_start3A_718] : memref<40x128xi32, #tpu.memory_space<vmem>> -> memref<1x128xi32, #tpu.memory_space<vmem>>
      %dma_start3A_720 = tpu.memref_squeeze %dma_start3A_719 : memref<1x128xi32, #tpu.memory_space<vmem>> -> memref<128xi32, #tpu.memory_space<vmem>>
      %dma_start3A_721 = arith.constant 0 : i32
      %dma_start3A_722 = arith.constant 0 : i32
      %dma_start3A_723 = tpu.memref_slice %arg10[%dma_start3A_721, %dma_start3A_722] : memref<10000x64xf32, #tpu.memory_space<vmem_shared>> -> memref<10000x64xf32, #tpu.memory_space<vmem_shared>>
      tpu.enqueue_indirect_dma source(%dma_start3A_723 : memref<10000x64xf32, #tpu.memory_space<vmem_shared>>) target(%arg17 : memref<128x64xf32, #tpu.memory_space<vmem>>) offsets(%dma_start3A_720 : memref<128xi32, #tpu.memory_space<vmem>>) semaphore(%arg21 : memref<!tpu.dma_semaphore, #tpu.memory_space<semaphore_mem>>)
      %convert_element_type3A_724 = arith.extui %eq3A_3 : i1 to i32
      %cond3A_725 = arith.constant 0 : i32
      %cond3A_726 = arith.cmpi ne, %convert_element_type3A_724, %cond3A_725 : i32
      scf.if %cond3A_726 {
        %scan3A_727 = arith.constant 0 : i32
        %scan3A_728 = arith.constant 4 : i32
        %scan3A_729 = arith.addi %scan3A_727, %scan3A_728 : i32
        %scan3A_730 = arith.constant 1 : i32
        scf.for %scan3A_732 = %scan3A_727 to %scan3A_729 step %scan3A_730  : i32 {
          %mul3A_733 = arith.constant 1 : i32
          %mul3A_734 = arith.muli %scan3A_732, %mul3A_733 : i32
          %add3A_735 = arith.constant 0 : i32
          %add3A_736 = arith.addi %add3A_735, %mul3A_734 : i32
          %dma_wait3A_737 = arith.constant 0 : i32
          %dma_wait3A_738 = arith.constant 0 : i32
          %dma_wait3A_739 = tpu.memref_slice %arg27[%dma_wait3A_738] : memref<128xf32, #tpu.memory_space<vmem>> -> memref<128xf32, #tpu.memory_space<vmem>>
          %dma_wait3A_740 = arith.constant 0 : i32
          %dma_wait3A_741 = tpu.memref_slice %arg13[%dma_wait3A_737, %dma_wait3A_740] : memref<40x128xi32, #tpu.memory_space<vmem>> -> memref<1x128xi32, #tpu.memory_space<vmem>>
          %dma_wait3A_742 = tpu.memref_squeeze %dma_wait3A_741 : memref<1x128xi32, #tpu.memory_space<vmem>> -> memref<128xi32, #tpu.memory_space<vmem>>
          %dma_wait3A_743 = arith.constant 0 : i32
          %dma_wait3A_744 = tpu.memref_slice %arg26[%dma_wait3A_743] : memref<10008xf32, #tpu.memory_space<vmem_shared>> -> memref<10008xf32, #tpu.memory_space<vmem_shared>>
          tpu.wait_indirect_dma semaphore(%arg29 : memref<!tpu.dma_semaphore, #tpu.memory_space<semaphore_mem>>) src(%dma_wait3A_739 : memref<128xf32, #tpu.memory_space<vmem>>) dst(%dma_wait3A_744 : memref<10008xf32, #tpu.memory_space<vmem_shared>>)
        }
        %scan3A_731 = arith.constant 4 : i32
      } else {
      }
    }
    %scan3A_454 = arith.constant 9 : i32
    %dma_wait3A_455 = arith.constant 36 : i32
    %dma_wait3A_456 = arith.constant 0 : i32
    %dma_wait3A_457 = tpu.memref_slice %arg12[%dma_wait3A_455, %dma_wait3A_456] : memref<40x128xi32, #tpu.memory_space<vmem>> -> memref<1x128xi32, #tpu.memory_space<vmem>>
    %dma_wait3A_458 = tpu.memref_squeeze %dma_wait3A_457 : memref<1x128xi32, #tpu.memory_space<vmem>> -> memref<128xi32, #tpu.memory_space<vmem>>
    %dma_wait3A_459 = arith.constant 0 : i32
    %dma_wait3A_460 = arith.constant 0 : i32
    %dma_wait3A_461 = tpu.memref_slice %arg10[%dma_wait3A_459, %dma_wait3A_460] : memref<10000x64xf32, #tpu.memory_space<vmem_shared>> -> memref<10000x64xf32, #tpu.memory_space<vmem_shared>>
    tpu.wait_indirect_dma semaphore(%arg18 : memref<!tpu.dma_semaphore, #tpu.memory_space<semaphore_mem>>) src(%dma_wait3A_461 : memref<10000x64xf32, #tpu.memory_space<vmem_shared>>) dst(%arg14 : memref<128x64xf32, #tpu.memory_space<vmem>>)
    %dma_start3A_462 = arith.constant 36 : i32
    %dma_start3A_463 = arith.constant 0 : i32
    %dma_start3A_464 = tpu.memref_slice %arg13[%dma_start3A_462, %dma_start3A_463] : memref<40x128xi32, #tpu.memory_space<vmem>> -> memref<1x128xi32, #tpu.memory_space<vmem>>
    %dma_start3A_465 = tpu.memref_squeeze %dma_start3A_464 : memref<1x128xi32, #tpu.memory_space<vmem>> -> memref<128xi32, #tpu.memory_space<vmem>>
    %dma_start3A_466 = arith.constant 0 : i32
    %dma_start3A_467 = arith.constant 0 : i32
    %dma_start3A_468 = tpu.memref_slice %arg11[%dma_start3A_466, %dma_start3A_467] : memref<10008x64xf32, #tpu.memory_space<vmem_shared>> -> memref<10008x64xf32, #tpu.memory_space<vmem_shared>>
    tpu.enqueue_indirect_dma source(%arg14 : memref<128x64xf32, #tpu.memory_space<vmem>>) target(%dma_start3A_468 : memref<10008x64xf32, #tpu.memory_space<vmem_shared>>) offsets(%dma_start3A_465 : memref<128xi32, #tpu.memory_space<vmem>>) semaphore(%arg22 : memref<!tpu.dma_semaphore, #tpu.memory_space<semaphore_mem>>) {add = true}
    %convert_element_type3A_469 = arith.extui %eq3A_3 : i1 to i32
    %cond3A_470 = arith.constant 0 : i32
    %cond3A_471 = arith.cmpi ne, %convert_element_type3A_469, %cond3A_470 : i32
    scf.if %cond3A_471 {
      %dma_start3A_563 = arith.constant 36 : i32
      %dma_start3A_564 = arith.constant 0 : i32
      %dma_start3A_565 = tpu.memref_slice %arg27[%dma_start3A_564] : memref<128xf32, #tpu.memory_space<vmem>> -> memref<128xf32, #tpu.memory_space<vmem>>
      %dma_start3A_566 = arith.constant 0 : i32
      %dma_start3A_567 = tpu.memref_slice %arg13[%dma_start3A_563, %dma_start3A_566] : memref<40x128xi32, #tpu.memory_space<vmem>> -> memref<1x128xi32, #tpu.memory_space<vmem>>
      %dma_start3A_568 = tpu.memref_squeeze %dma_start3A_567 : memref<1x128xi32, #tpu.memory_space<vmem>> -> memref<128xi32, #tpu.memory_space<vmem>>
      %dma_start3A_569 = arith.constant 0 : i32
      %dma_start3A_570 = tpu.memref_slice %arg26[%dma_start3A_569] : memref<10008xf32, #tpu.memory_space<vmem_shared>> -> memref<10008xf32, #tpu.memory_space<vmem_shared>>
      tpu.enqueue_indirect_dma source(%dma_start3A_565 : memref<128xf32, #tpu.memory_space<vmem>>) target(%dma_start3A_570 : memref<10008xf32, #tpu.memory_space<vmem_shared>>) offsets(%dma_start3A_568 : memref<128xi32, #tpu.memory_space<vmem>>) semaphore(%arg29 : memref<!tpu.dma_semaphore, #tpu.memory_space<semaphore_mem>>) {add = true}
    } else {
    }
    %dma_wait3A_472 = arith.constant 37 : i32
    %dma_wait3A_473 = arith.constant 0 : i32
    %dma_wait3A_474 = tpu.memref_slice %arg12[%dma_wait3A_472, %dma_wait3A_473] : memref<40x128xi32, #tpu.memory_space<vmem>> -> memref<1x128xi32, #tpu.memory_space<vmem>>
    %dma_wait3A_475 = tpu.memref_squeeze %dma_wait3A_474 : memref<1x128xi32, #tpu.memory_space<vmem>> -> memref<128xi32, #tpu.memory_space<vmem>>
    %dma_wait3A_476 = arith.constant 0 : i32
    %dma_wait3A_477 = arith.constant 0 : i32
    %dma_wait3A_478 = tpu.memref_slice %arg10[%dma_wait3A_476, %dma_wait3A_477] : memref<10000x64xf32, #tpu.memory_space<vmem_shared>> -> memref<10000x64xf32, #tpu.memory_space<vmem_shared>>
    tpu.wait_indirect_dma semaphore(%arg19 : memref<!tpu.dma_semaphore, #tpu.memory_space<semaphore_mem>>) src(%dma_wait3A_478 : memref<10000x64xf32, #tpu.memory_space<vmem_shared>>) dst(%arg15 : memref<128x64xf32, #tpu.memory_space<vmem>>)
    %dma_start3A_479 = arith.constant 37 : i32
    %dma_start3A_480 = arith.constant 0 : i32
    %dma_start3A_481 = tpu.memref_slice %arg13[%dma_start3A_479, %dma_start3A_480] : memref<40x128xi32, #tpu.memory_space<vmem>> -> memref<1x128xi32, #tpu.memory_space<vmem>>
    %dma_start3A_482 = tpu.memref_squeeze %dma_start3A_481 : memref<1x128xi32, #tpu.memory_space<vmem>> -> memref<128xi32, #tpu.memory_space<vmem>>
    %dma_start3A_483 = arith.constant 0 : i32
    %dma_start3A_484 = arith.constant 0 : i32
    %dma_start3A_485 = tpu.memref_slice %arg11[%dma_start3A_483, %dma_start3A_484] : memref<10008x64xf32, #tpu.memory_space<vmem_shared>> -> memref<10008x64xf32, #tpu.memory_space<vmem_shared>>
    tpu.enqueue_indirect_dma source(%arg15 : memref<128x64xf32, #tpu.memory_space<vmem>>) target(%dma_start3A_485 : memref<10008x64xf32, #tpu.memory_space<vmem_shared>>) offsets(%dma_start3A_482 : memref<128xi32, #tpu.memory_space<vmem>>) semaphore(%arg23 : memref<!tpu.dma_semaphore, #tpu.memory_space<semaphore_mem>>) {add = true}
    %convert_element_type3A_486 = arith.extui %eq3A_3 : i1 to i32
    %cond3A_487 = arith.constant 0 : i32
    %cond3A_488 = arith.cmpi ne, %convert_element_type3A_486, %cond3A_487 : i32
    scf.if %cond3A_488 {
      %dma_start3A_563 = arith.constant 37 : i32
      %dma_start3A_564 = arith.constant 0 : i32
      %dma_start3A_565 = tpu.memref_slice %arg27[%dma_start3A_564] : memref<128xf32, #tpu.memory_space<vmem>> -> memref<128xf32, #tpu.memory_space<vmem>>
      %dma_start3A_566 = arith.constant 0 : i32
      %dma_start3A_567 = tpu.memref_slice %arg13[%dma_start3A_563, %dma_start3A_566] : memref<40x128xi32, #tpu.memory_space<vmem>> -> memref<1x128xi32, #tpu.memory_space<vmem>>
      %dma_start3A_568 = tpu.memref_squeeze %dma_start3A_567 : memref<1x128xi32, #tpu.memory_space<vmem>> -> memref<128xi32, #tpu.memory_space<vmem>>
      %dma_start3A_569 = arith.constant 0 : i32
      %dma_start3A_570 = tpu.memref_slice %arg26[%dma_start3A_569] : memref<10008xf32, #tpu.memory_space<vmem_shared>> -> memref<10008xf32, #tpu.memory_space<vmem_shared>>
      tpu.enqueue_indirect_dma source(%dma_start3A_565 : memref<128xf32, #tpu.memory_space<vmem>>) target(%dma_start3A_570 : memref<10008xf32, #tpu.memory_space<vmem_shared>>) offsets(%dma_start3A_568 : memref<128xi32, #tpu.memory_space<vmem>>) semaphore(%arg29 : memref<!tpu.dma_semaphore, #tpu.memory_space<semaphore_mem>>) {add = true}
    } else {
    }
    %dma_wait3A_489 = arith.constant 38 : i32
    %dma_wait3A_490 = arith.constant 0 : i32
    %dma_wait3A_491 = tpu.memref_slice %arg12[%dma_wait3A_489, %dma_wait3A_490] : memref<40x128xi32, #tpu.memory_space<vmem>> -> memref<1x128xi32, #tpu.memory_space<vmem>>
    %dma_wait3A_492 = tpu.memref_squeeze %dma_wait3A_491 : memref<1x128xi32, #tpu.memory_space<vmem>> -> memref<128xi32, #tpu.memory_space<vmem>>
    %dma_wait3A_493 = arith.constant 0 : i32
    %dma_wait3A_494 = arith.constant 0 : i32
    %dma_wait3A_495 = tpu.memref_slice %arg10[%dma_wait3A_493, %dma_wait3A_494] : memref<10000x64xf32, #tpu.memory_space<vmem_shared>> -> memref<10000x64xf32, #tpu.memory_space<vmem_shared>>
    tpu.wait_indirect_dma semaphore(%arg20 : memref<!tpu.dma_semaphore, #tpu.memory_space<semaphore_mem>>) src(%dma_wait3A_495 : memref<10000x64xf32, #tpu.memory_space<vmem_shared>>) dst(%arg16 : memref<128x64xf32, #tpu.memory_space<vmem>>)
    %dma_start3A_496 = arith.constant 38 : i32
    %dma_start3A_497 = arith.constant 0 : i32
    %dma_start3A_498 = tpu.memref_slice %arg13[%dma_start3A_496, %dma_start3A_497] : memref<40x128xi32, #tpu.memory_space<vmem>> -> memref<1x128xi32, #tpu.memory_space<vmem>>
    %dma_start3A_499 = tpu.memref_squeeze %dma_start3A_498 : memref<1x128xi32, #tpu.memory_space<vmem>> -> memref<128xi32, #tpu.memory_space<vmem>>
    %dma_start3A_500 = arith.constant 0 : i32
    %dma_start3A_501 = arith.constant 0 : i32
    %dma_start3A_502 = tpu.memref_slice %arg11[%dma_start3A_500, %dma_start3A_501] : memref<10008x64xf32, #tpu.memory_space<vmem_shared>> -> memref<10008x64xf32, #tpu.memory_space<vmem_shared>>
    tpu.enqueue_indirect_dma source(%arg16 : memref<128x64xf32, #tpu.memory_space<vmem>>) target(%dma_start3A_502 : memref<10008x64xf32, #tpu.memory_space<vmem_shared>>) offsets(%dma_start3A_499 : memref<128xi32, #tpu.memory_space<vmem>>) semaphore(%arg24 : memref<!tpu.dma_semaphore, #tpu.memory_space<semaphore_mem>>) {add = true}
    %convert_element_type3A_503 = arith.extui %eq3A_3 : i1 to i32
    %cond3A_504 = arith.constant 0 : i32
    %cond3A_505 = arith.cmpi ne, %convert_element_type3A_503, %cond3A_504 : i32
    scf.if %cond3A_505 {
      %dma_start3A_563 = arith.constant 38 : i32
      %dma_start3A_564 = arith.constant 0 : i32
      %dma_start3A_565 = tpu.memref_slice %arg27[%dma_start3A_564] : memref<128xf32, #tpu.memory_space<vmem>> -> memref<128xf32, #tpu.memory_space<vmem>>
      %dma_start3A_566 = arith.constant 0 : i32
      %dma_start3A_567 = tpu.memref_slice %arg13[%dma_start3A_563, %dma_start3A_566] : memref<40x128xi32, #tpu.memory_space<vmem>> -> memref<1x128xi32, #tpu.memory_space<vmem>>
      %dma_start3A_568 = tpu.memref_squeeze %dma_start3A_567 : memref<1x128xi32, #tpu.memory_space<vmem>> -> memref<128xi32, #tpu.memory_space<vmem>>
      %dma_start3A_569 = arith.constant 0 : i32
      %dma_start3A_570 = tpu.memref_slice %arg26[%dma_start3A_569] : memref<10008xf32, #tpu.memory_space<vmem_shared>> -> memref<10008xf32, #tpu.memory_space<vmem_shared>>
      tpu.enqueue_indirect_dma source(%dma_start3A_565 : memref<128xf32, #tpu.memory_space<vmem>>) target(%dma_start3A_570 : memref<10008xf32, #tpu.memory_space<vmem_shared>>) offsets(%dma_start3A_568 : memref<128xi32, #tpu.memory_space<vmem>>) semaphore(%arg29 : memref<!tpu.dma_semaphore, #tpu.memory_space<semaphore_mem>>) {add = true}
    } else {
    }
    %dma_wait3A_506 = arith.constant 39 : i32
    %dma_wait3A_507 = arith.constant 0 : i32
    %dma_wait3A_508 = tpu.memref_slice %arg12[%dma_wait3A_506, %dma_wait3A_507] : memref<40x128xi32, #tpu.memory_space<vmem>> -> memref<1x128xi32, #tpu.memory_space<vmem>>
    %dma_wait3A_509 = tpu.memref_squeeze %dma_wait3A_508 : memref<1x128xi32, #tpu.memory_space<vmem>> -> memref<128xi32, #tpu.memory_space<vmem>>
    %dma_wait3A_510 = arith.constant 0 : i32
    %dma_wait3A_511 = arith.constant 0 : i32
    %dma_wait3A_512 = tpu.memref_slice %arg10[%dma_wait3A_510, %dma_wait3A_511] : memref<10000x64xf32, #tpu.memory_space<vmem_shared>> -> memref<10000x64xf32, #tpu.memory_space<vmem_shared>>
    tpu.wait_indirect_dma semaphore(%arg21 : memref<!tpu.dma_semaphore, #tpu.memory_space<semaphore_mem>>) src(%dma_wait3A_512 : memref<10000x64xf32, #tpu.memory_space<vmem_shared>>) dst(%arg17 : memref<128x64xf32, #tpu.memory_space<vmem>>)
    %dma_start3A_513 = arith.constant 39 : i32
    %dma_start3A_514 = arith.constant 0 : i32
    %dma_start3A_515 = tpu.memref_slice %arg13[%dma_start3A_513, %dma_start3A_514] : memref<40x128xi32, #tpu.memory_space<vmem>> -> memref<1x128xi32, #tpu.memory_space<vmem>>
    %dma_start3A_516 = tpu.memref_squeeze %dma_start3A_515 : memref<1x128xi32, #tpu.memory_space<vmem>> -> memref<128xi32, #tpu.memory_space<vmem>>
    %dma_start3A_517 = arith.constant 0 : i32
    %dma_start3A_518 = arith.constant 0 : i32
    %dma_start3A_519 = tpu.memref_slice %arg11[%dma_start3A_517, %dma_start3A_518] : memref<10008x64xf32, #tpu.memory_space<vmem_shared>> -> memref<10008x64xf32, #tpu.memory_space<vmem_shared>>
    tpu.enqueue_indirect_dma source(%arg17 : memref<128x64xf32, #tpu.memory_space<vmem>>) target(%dma_start3A_519 : memref<10008x64xf32, #tpu.memory_space<vmem_shared>>) offsets(%dma_start3A_516 : memref<128xi32, #tpu.memory_space<vmem>>) semaphore(%arg25 : memref<!tpu.dma_semaphore, #tpu.memory_space<semaphore_mem>>) {add = true}
    %convert_element_type3A_520 = arith.extui %eq3A_3 : i1 to i32
    %cond3A_521 = arith.constant 0 : i32
    %cond3A_522 = arith.cmpi ne, %convert_element_type3A_520, %cond3A_521 : i32
    scf.if %cond3A_522 {
      %dma_start3A_563 = arith.constant 39 : i32
      %dma_start3A_564 = arith.constant 0 : i32
      %dma_start3A_565 = tpu.memref_slice %arg27[%dma_start3A_564] : memref<128xf32, #tpu.memory_space<vmem>> -> memref<128xf32, #tpu.memory_space<vmem>>
      %dma_start3A_566 = arith.constant 0 : i32
      %dma_start3A_567 = tpu.memref_slice %arg13[%dma_start3A_563, %dma_start3A_566] : memref<40x128xi32, #tpu.memory_space<vmem>> -> memref<1x128xi32, #tpu.memory_space<vmem>>
      %dma_start3A_568 = tpu.memref_squeeze %dma_start3A_567 : memref<1x128xi32, #tpu.memory_space<vmem>> -> memref<128xi32, #tpu.memory_space<vmem>>
      %dma_start3A_569 = arith.constant 0 : i32
      %dma_start3A_570 = tpu.memref_slice %arg26[%dma_start3A_569] : memref<10008xf32, #tpu.memory_space<vmem_shared>> -> memref<10008xf32, #tpu.memory_space<vmem_shared>>
      tpu.enqueue_indirect_dma source(%dma_start3A_565 : memref<128xf32, #tpu.memory_space<vmem>>) target(%dma_start3A_570 : memref<10008xf32, #tpu.memory_space<vmem_shared>>) offsets(%dma_start3A_568 : memref<128xi32, #tpu.memory_space<vmem>>) semaphore(%arg29 : memref<!tpu.dma_semaphore, #tpu.memory_space<semaphore_mem>>) {add = true}
    } else {
    }
    %dma_wait3A_523 = arith.constant 36 : i32
    %dma_wait3A_524 = arith.constant 0 : i32
    %dma_wait3A_525 = tpu.memref_slice %arg13[%dma_wait3A_523, %dma_wait3A_524] : memref<40x128xi32, #tpu.memory_space<vmem>> -> memref<1x128xi32, #tpu.memory_space<vmem>>
    %dma_wait3A_526 = tpu.memref_squeeze %dma_wait3A_525 : memref<1x128xi32, #tpu.memory_space<vmem>> -> memref<128xi32, #tpu.memory_space<vmem>>
    %dma_wait3A_527 = arith.constant 0 : i32
    %dma_wait3A_528 = arith.constant 0 : i32
    %dma_wait3A_529 = tpu.memref_slice %arg11[%dma_wait3A_527, %dma_wait3A_528] : memref<10008x64xf32, #tpu.memory_space<vmem_shared>> -> memref<10008x64xf32, #tpu.memory_space<vmem_shared>>
    tpu.wait_indirect_dma semaphore(%arg22 : memref<!tpu.dma_semaphore, #tpu.memory_space<semaphore_mem>>) src(%arg14 : memref<128x64xf32, #tpu.memory_space<vmem>>) dst(%dma_wait3A_529 : memref<10008x64xf32, #tpu.memory_space<vmem_shared>>)
    %dma_wait3A_530 = arith.constant 37 : i32
    %dma_wait3A_531 = arith.constant 0 : i32
    %dma_wait3A_532 = tpu.memref_slice %arg13[%dma_wait3A_530, %dma_wait3A_531] : memref<40x128xi32, #tpu.memory_space<vmem>> -> memref<1x128xi32, #tpu.memory_space<vmem>>
    %dma_wait3A_533 = tpu.memref_squeeze %dma_wait3A_532 : memref<1x128xi32, #tpu.memory_space<vmem>> -> memref<128xi32, #tpu.memory_space<vmem>>
    %dma_wait3A_534 = arith.constant 0 : i32
    %dma_wait3A_535 = arith.constant 0 : i32
    %dma_wait3A_536 = tpu.memref_slice %arg11[%dma_wait3A_534, %dma_wait3A_535] : memref<10008x64xf32, #tpu.memory_space<vmem_shared>> -> memref<10008x64xf32, #tpu.memory_space<vmem_shared>>
    tpu.wait_indirect_dma semaphore(%arg23 : memref<!tpu.dma_semaphore, #tpu.memory_space<semaphore_mem>>) src(%arg15 : memref<128x64xf32, #tpu.memory_space<vmem>>) dst(%dma_wait3A_536 : memref<10008x64xf32, #tpu.memory_space<vmem_shared>>)
    %dma_wait3A_537 = arith.constant 38 : i32
    %dma_wait3A_538 = arith.constant 0 : i32
    %dma_wait3A_539 = tpu.memref_slice %arg13[%dma_wait3A_537, %dma_wait3A_538] : memref<40x128xi32, #tpu.memory_space<vmem>> -> memref<1x128xi32, #tpu.memory_space<vmem>>
    %dma_wait3A_540 = tpu.memref_squeeze %dma_wait3A_539 : memref<1x128xi32, #tpu.memory_space<vmem>> -> memref<128xi32, #tpu.memory_space<vmem>>
    %dma_wait3A_541 = arith.constant 0 : i32
    %dma_wait3A_542 = arith.constant 0 : i32
    %dma_wait3A_543 = tpu.memref_slice %arg11[%dma_wait3A_541, %dma_wait3A_542] : memref<10008x64xf32, #tpu.memory_space<vmem_shared>> -> memref<10008x64xf32, #tpu.memory_space<vmem_shared>>
    tpu.wait_indirect_dma semaphore(%arg24 : memref<!tpu.dma_semaphore, #tpu.memory_space<semaphore_mem>>) src(%arg16 : memref<128x64xf32, #tpu.memory_space<vmem>>) dst(%dma_wait3A_543 : memref<10008x64xf32, #tpu.memory_space<vmem_shared>>)
    %dma_wait3A_544 = arith.constant 39 : i32
    %dma_wait3A_545 = arith.constant 0 : i32
    %dma_wait3A_546 = tpu.memref_slice %arg13[%dma_wait3A_544, %dma_wait3A_545] : memref<40x128xi32, #tpu.memory_space<vmem>> -> memref<1x128xi32, #tpu.memory_space<vmem>>
    %dma_wait3A_547 = tpu.memref_squeeze %dma_wait3A_546 : memref<1x128xi32, #tpu.memory_space<vmem>> -> memref<128xi32, #tpu.memory_space<vmem>>
    %dma_wait3A_548 = arith.constant 0 : i32
    %dma_wait3A_549 = arith.constant 0 : i32
    %dma_wait3A_550 = tpu.memref_slice %arg11[%dma_wait3A_548, %dma_wait3A_549] : memref<10008x64xf32, #tpu.memory_space<vmem_shared>> -> memref<10008x64xf32, #tpu.memory_space<vmem_shared>>
    tpu.wait_indirect_dma semaphore(%arg25 : memref<!tpu.dma_semaphore, #tpu.memory_space<semaphore_mem>>) src(%arg17 : memref<128x64xf32, #tpu.memory_space<vmem>>) dst(%dma_wait3A_550 : memref<10008x64xf32, #tpu.memory_space<vmem_shared>>)
    %convert_element_type3A_551 = arith.extui %eq3A_3 : i1 to i32
    %cond3A_552 = arith.constant 0 : i32
    %cond3A_553 = arith.cmpi ne, %convert_element_type3A_551, %cond3A_552 : i32
    scf.if %cond3A_553 {
      %scan3A_563 = arith.constant 0 : i32
      %scan3A_564 = arith.constant 4 : i32
      %scan3A_565 = arith.addi %scan3A_563, %scan3A_564 : i32
      %scan3A_566 = arith.constant 1 : i32
      scf.for %scan3A_568 = %scan3A_563 to %scan3A_565 step %scan3A_566  : i32 {
        %mul3A_569 = arith.constant 1 : i32
        %mul3A_570 = arith.muli %scan3A_568, %mul3A_569 : i32
        %add3A_571 = arith.constant 0 : i32
        %add3A_572 = arith.addi %add3A_571, %mul3A_570 : i32
        %dma_wait3A_573 = arith.constant 0 : i32
        %dma_wait3A_574 = arith.constant 0 : i32
        %dma_wait3A_575 = tpu.memref_slice %arg27[%dma_wait3A_574] : memref<128xf32, #tpu.memory_space<vmem>> -> memref<128xf32, #tpu.memory_space<vmem>>
        %dma_wait3A_576 = arith.constant 0 : i32
        %dma_wait3A_577 = tpu.memref_slice %arg13[%dma_wait3A_573, %dma_wait3A_576] : memref<40x128xi32, #tpu.memory_space<vmem>> -> memref<1x128xi32, #tpu.memory_space<vmem>>
        %dma_wait3A_578 = tpu.memref_squeeze %dma_wait3A_577 : memref<1x128xi32, #tpu.memory_space<vmem>> -> memref<128xi32, #tpu.memory_space<vmem>>
        %dma_wait3A_579 = arith.constant 0 : i32
        %dma_wait3A_580 = tpu.memref_slice %arg26[%dma_wait3A_579] : memref<10008xf32, #tpu.memory_space<vmem_shared>> -> memref<10008xf32, #tpu.memory_space<vmem_shared>>
        tpu.wait_indirect_dma semaphore(%arg29 : memref<!tpu.dma_semaphore, #tpu.memory_space<semaphore_mem>>) src(%dma_wait3A_575 : memref<128xf32, #tpu.memory_space<vmem>>) dst(%dma_wait3A_580 : memref<10008xf32, #tpu.memory_space<vmem_shared>>)
      }
      %scan3A_567 = arith.constant 4 : i32
    } else {
    }
    %barrier3A_554 = arith.constant 0 : index
    tpu.barrier barrier_id(%barrier3A_554)
    %convert_element_type3A_555 = arith.extui %eq3A_3 : i1 to i32
    %cond3A_556 = arith.constant 0 : i32
    %cond3A_557 = arith.cmpi ne, %convert_element_type3A_555, %cond3A_556 : i32
    scf.if %cond3A_557 {
      "tpu.region"() ({
        %run_scoped3A = tpu.sem_alloc : memref<!tpu.dma_semaphore, #tpu.memory_space<semaphore_mem>>
        %dma_start3A_567 = arith.constant 0 : i32
        %dma_start3A_568 = tpu.memref_slice %arg7[%mul3A_0, %dma_start3A_567] : memref<10000x64xf32, #tpu.memory_space<hbm>> -> memref<625x64xf32, #tpu.memory_space<hbm>>
        %dma_start3A_569 = arith.constant 0 : i32
        %dma_start3A_570 = tpu.memref_slice %arg11[%mul3A_0, %dma_start3A_569] : memref<10008x64xf32, #tpu.memory_space<vmem_shared>> -> memref<625x64xf32, #tpu.memory_space<vmem_shared>>
        tpu.enqueue_dma source(%dma_start3A_570 : memref<625x64xf32, #tpu.memory_space<vmem_shared>>) target(%dma_start3A_568 : memref<625x64xf32, #tpu.memory_space<hbm>>) target_semaphore(%run_scoped3A : memref<!tpu.dma_semaphore, #tpu.memory_space<semaphore_mem>>)
        %dma_wait3A_571 = arith.constant 0 : i32
        %dma_wait3A_572 = tpu.memref_slice %arg7[%mul3A_0, %dma_wait3A_571] : memref<10000x64xf32, #tpu.memory_space<hbm>> -> memref<625x64xf32, #tpu.memory_space<hbm>>
        %dma_wait3A_573 = arith.constant 0 : i32
        %dma_wait3A_574 = tpu.memref_slice %arg11[%mul3A_0, %dma_wait3A_573] : memref<10008x64xf32, #tpu.memory_space<vmem_shared>> -> memref<625x64xf32, #tpu.memory_space<vmem_shared>>
        tpu.wait_dma2 semaphore(%run_scoped3A : memref<!tpu.dma_semaphore, #tpu.memory_space<semaphore_mem>>) src(%dma_wait3A_574 : memref<625x64xf32, #tpu.memory_space<vmem_shared>>) dst(%dma_wait3A_572 : memref<625x64xf32, #tpu.memory_space<hbm>>)
        tpu.yield
      }) : () -> ()
      %lt3A = arith.constant 10 : i32
      %lt3A_563 = arith.cmpi slt, %arg1, %lt3A : i32
      %convert_element_type3A_564 = arith.extui %lt3A_563 : i1 to i32
      %cond3A_565 = arith.constant 0 : i32
      %cond3A_566 = arith.cmpi ne, %convert_element_type3A_564, %cond3A_565 : i32
      scf.if %cond3A_566 {
        "tpu.region"() ({
          %run_scoped3A_567 = tpu.sem_alloc : memref<!tpu.dma_semaphore, #tpu.memory_space<semaphore_mem>>
          %dma_start3A_568 = arith.constant 0 : i32
          %dma_start3A_569 = tpu.memref_slice %arg28[%dma_start3A_568] : memref<1008xf32, #tpu.memory_space<vmem>> -> memref<1000xf32, #tpu.memory_space<vmem>>
          %dma_start3A_570 = tpu.memref_slice %arg26[%mul3A_2] : memref<10008xf32, #tpu.memory_space<vmem_shared>> -> memref<1000xf32, #tpu.memory_space<vmem_shared>>
          %dma_start3A_571 = arith.constant 0 : i32
          %dma_start3A_572 = tpu.memref_slice %arg28[%dma_start3A_571] : memref<1008xf32, #tpu.memory_space<vmem>> -> memref<1000xf32, #tpu.memory_space<vmem>>
          %dma_start3A_573 = tpu.memref_slice %arg26[%mul3A_2] : memref<10008xf32, #tpu.memory_space<vmem_shared>> -> memref<1000xf32, #tpu.memory_space<vmem_shared>>
          tpu.enqueue_dma source(%dma_start3A_573 : memref<1000xf32, #tpu.memory_space<vmem_shared>>) target(%dma_start3A_572 : memref<1000xf32, #tpu.memory_space<vmem>>) target_semaphore(%run_scoped3A_567 : memref<!tpu.dma_semaphore, #tpu.memory_space<semaphore_mem>>)
          %dma_wait3A_574 = arith.constant 0 : i32
          %dma_wait3A_575 = tpu.memref_slice %arg28[%dma_wait3A_574] : memref<1008xf32, #tpu.memory_space<vmem>> -> memref<1000xf32, #tpu.memory_space<vmem>>
          %dma_wait3A_576 = tpu.memref_slice %arg26[%mul3A_2] : memref<10008xf32, #tpu.memory_space<vmem_shared>> -> memref<1000xf32, #tpu.memory_space<vmem_shared>>
          %dma_wait3A_577 = arith.constant 0 : i32
          %dma_wait3A_578 = tpu.memref_slice %arg28[%dma_wait3A_577] : memref<1008xf32, #tpu.memory_space<vmem>> -> memref<1000xf32, #tpu.memory_space<vmem>>
          %dma_wait3A_579 = tpu.memref_slice %arg26[%mul3A_2] : memref<10008xf32, #tpu.memory_space<vmem_shared>> -> memref<1000xf32, #tpu.memory_space<vmem_shared>>
          tpu.wait_dma2 semaphore(%run_scoped3A_567 : memref<!tpu.dma_semaphore, #tpu.memory_space<semaphore_mem>>) src(%dma_wait3A_579 : memref<1000xf32, #tpu.memory_space<vmem_shared>>) dst(%dma_wait3A_578 : memref<1000xf32, #tpu.memory_space<vmem>>)
          tpu.yield
        }) : () -> ()
        %run_scoped3A = arith.constant 0 : i32
        "tpu.region"() ({
          %run_scoped3A_567 = tpu.sem_alloc : memref<!tpu.dma_semaphore, #tpu.memory_space<semaphore_mem>>
          %dma_start3A_568 = arith.constant 0 : i32
          %dma_start3A_569 = tpu.memref_slice %arg28[%dma_start3A_568] : memref<1008xf32, #tpu.memory_space<vmem>> -> memref<1000xf32, #tpu.memory_space<vmem>>
          %dma_start3A_570 = arith.constant 0 : i32
          %dma_start3A_571 = tpu.memref_slice %arg9[%arg1, %run_scoped3A, %dma_start3A_570] : memref<10x1x1000xf32, #tpu.memory_space<hbm>> -> memref<1x1x1000xf32, #tpu.memory_space<hbm>>
          %dma_start3A_572 = tpu.memref_squeeze %dma_start3A_571 : memref<1x1x1000xf32, #tpu.memory_space<hbm>> -> memref<1000xf32, #tpu.memory_space<hbm>>
          %dma_start3A_573 = arith.constant 0 : i32
          %dma_start3A_574 = tpu.memref_slice %arg9[%arg1, %run_scoped3A, %dma_start3A_573] : memref<10x1x1000xf32, #tpu.memory_space<hbm>> -> memref<1x1x1000xf32, #tpu.memory_space<hbm>>
          %dma_start3A_575 = tpu.memref_squeeze %dma_start3A_574 : memref<1x1x1000xf32, #tpu.memory_space<hbm>> -> memref<1000xf32, #tpu.memory_space<hbm>>
          %dma_start3A_576 = arith.constant 0 : i32
          %dma_start3A_577 = tpu.memref_slice %arg28[%dma_start3A_576] : memref<1008xf32, #tpu.memory_space<vmem>> -> memref<1000xf32, #tpu.memory_space<vmem>>
          tpu.enqueue_dma source(%dma_start3A_577 : memref<1000xf32, #tpu.memory_space<vmem>>) target(%dma_start3A_575 : memref<1000xf32, #tpu.memory_space<hbm>>) target_semaphore(%run_scoped3A_567 : memref<!tpu.dma_semaphore, #tpu.memory_space<semaphore_mem>>)
          %dma_wait3A_578 = arith.constant 0 : i32
          %dma_wait3A_579 = tpu.memref_slice %arg28[%dma_wait3A_578] : memref<1008xf32, #tpu.memory_space<vmem>> -> memref<1000xf32, #tpu.memory_space<vmem>>
          %dma_wait3A_580 = arith.constant 0 : i32
          %dma_wait3A_581 = tpu.memref_slice %arg9[%arg1, %run_scoped3A, %dma_wait3A_580] : memref<10x1x1000xf32, #tpu.memory_space<hbm>> -> memref<1x1x1000xf32, #tpu.memory_space<hbm>>
          %dma_wait3A_582 = tpu.memref_squeeze %dma_wait3A_581 : memref<1x1x1000xf32, #tpu.memory_space<hbm>> -> memref<1000xf32, #tpu.memory_space<hbm>>
          %dma_wait3A_583 = arith.constant 0 : i32
          %dma_wait3A_584 = tpu.memref_slice %arg9[%arg1, %run_scoped3A, %dma_wait3A_583] : memref<10x1x1000xf32, #tpu.memory_space<hbm>> -> memref<1x1x1000xf32, #tpu.memory_space<hbm>>
          %dma_wait3A_585 = tpu.memref_squeeze %dma_wait3A_584 : memref<1x1x1000xf32, #tpu.memory_space<hbm>> -> memref<1000xf32, #tpu.memory_space<hbm>>
          %dma_wait3A_586 = arith.constant 0 : i32
          %dma_wait3A_587 = tpu.memref_slice %arg28[%dma_wait3A_586] : memref<1008xf32, #tpu.memory_space<vmem>> -> memref<1000xf32, #tpu.memory_space<vmem>>
          tpu.wait_dma2 semaphore(%run_scoped3A_567 : memref<!tpu.dma_semaphore, #tpu.memory_space<semaphore_mem>>) src(%dma_wait3A_587 : memref<1000xf32, #tpu.memory_space<vmem>>) dst(%dma_wait3A_585 : memref<1000xf32, #tpu.memory_space<hbm>>)
          tpu.yield
        }) : () -> ()
      } else {
      }
    } else {
    }
    %eq3A_558 = arith.constant 1 : i32
    %eq3A_559 = arith.cmpi eq, %arg0, %eq3A_558 : i32
    %convert_element_type3A_560 = arith.extui %eq3A_559 : i1 to i32
    %cond3A_561 = arith.constant 0 : i32
    %cond3A_562 = arith.cmpi ne, %convert_element_type3A_560, %cond3A_561 : i32
    scf.if %cond3A_562 {
      "tpu.region"() ({
        %run_scoped3A = tpu.sem_alloc : memref<!tpu.dma_semaphore, #tpu.memory_space<semaphore_mem>>
        %dma_start3A_563 = arith.constant 0 : i32
        %dma_start3A_564 = tpu.memref_slice %arg8[%mul3A_0, %dma_start3A_563] : memref<10000x64xf32, #tpu.memory_space<hbm>> -> memref<625x64xf32, #tpu.memory_space<hbm>>
        %dma_start3A_565 = arith.constant 0 : i32
        %dma_start3A_566 = tpu.memref_slice %arg11[%mul3A_0, %dma_start3A_565] : memref<10008x64xf32, #tpu.memory_space<vmem_shared>> -> memref<625x64xf32, #tpu.memory_space<vmem_shared>>
        tpu.enqueue_dma source(%dma_start3A_566 : memref<625x64xf32, #tpu.memory_space<vmem_shared>>) target(%dma_start3A_564 : memref<625x64xf32, #tpu.memory_space<hbm>>) target_semaphore(%run_scoped3A : memref<!tpu.dma_semaphore, #tpu.memory_space<semaphore_mem>>)
        %dma_wait3A_567 = arith.constant 0 : i32
        %dma_wait3A_568 = tpu.memref_slice %arg8[%mul3A_0, %dma_wait3A_567] : memref<10000x64xf32, #tpu.memory_space<hbm>> -> memref<625x64xf32, #tpu.memory_space<hbm>>
        %dma_wait3A_569 = arith.constant 0 : i32
        %dma_wait3A_570 = tpu.memref_slice %arg11[%mul3A_0, %dma_wait3A_569] : memref<10008x64xf32, #tpu.memory_space<vmem_shared>> -> memref<625x64xf32, #tpu.memory_space<vmem_shared>>
        tpu.wait_dma2 semaphore(%run_scoped3A : memref<!tpu.dma_semaphore, #tpu.memory_space<semaphore_mem>>) src(%dma_wait3A_570 : memref<625x64xf32, #tpu.memory_space<vmem_shared>>) dst(%dma_wait3A_568 : memref<625x64xf32, #tpu.memory_space<hbm>>)
        tpu.yield
      }) : () -> ()
    } else {
    }
    return
  }
}

#map = affine_map<(d0, d1) -> (0, 0)>
module attributes {stable_mosaic.version = 14 : i64} {
  func.func @_sc_agg_h(%arg0: i32, %arg1: i32, %arg2: memref<10000x64xf32, #tpu.memory_space<hbm>>, %arg3: memref<2560x128xi32, #tpu.memory_space<hbm>>, %arg4: memref<2560x128xi32, #tpu.memory_space<hbm>>, %arg5: memref<10000x64xf32, #tpu.memory_space<hbm>>, %arg6: memref<10000x64xf32, #tpu.memory_space<hbm>>, %arg7: memref<10000x64xf32, #tpu.memory_space<hbm>>, %arg8: memref<10000x64xf32, #tpu.memory_space<vmem_shared>>, %arg9: memref<10008x64xf32, #tpu.memory_space<vmem_shared>>, %arg10: memref<40x128xi32, #tpu.memory_space<vmem>>, %arg11: memref<40x128xi32, #tpu.memory_space<vmem>>, %arg12: memref<128x64xf32, #tpu.memory_space<vmem>>, %arg13: memref<128x64xf32, #tpu.memory_space<vmem>>, %arg14: memref<128x64xf32, #tpu.memory_space<vmem>>, %arg15: memref<128x64xf32, #tpu.memory_space<vmem>>, %arg16: memref<!tpu.dma_semaphore, #tpu.memory_space<semaphore_mem>>, %arg17: memref<!tpu.dma_semaphore, #tpu.memory_space<semaphore_mem>>, %arg18: memref<!tpu.dma_semaphore, #tpu.memory_space<semaphore_mem>>, %arg19: memref<!tpu.dma_semaphore, #tpu.memory_space<semaphore_mem>>, %arg20: memref<!tpu.dma_semaphore, #tpu.memory_space<semaphore_mem>>, %arg21: memref<!tpu.dma_semaphore, #tpu.memory_space<semaphore_mem>>, %arg22: memref<!tpu.dma_semaphore, #tpu.memory_space<semaphore_mem>>, %arg23: memref<!tpu.dma_semaphore, #tpu.memory_space<semaphore_mem>>) attributes {dimension_semantics = [#tpu.dimension_semantics<core_parallel>, #tpu.dimension_semantics<subcore_parallel>], iteration_bounds = array<i64: 2, 16>, scalar_prefetch = 0 : i64, scratch_operands = 16 : i64, tpu.core_type = #tpu.core_type<sc_vector_subcore>, window_params = [{transform_indices = #map}, {transform_indices = #map}, {transform_indices = #map}, {transform_indices = #map}, {transform_indices = #map}, {transform_indices = #map}]} {
    %mul3A = arith.constant 625 : i32
    %mul3A_0 = arith.muli %arg1, %mul3A : i32
    "tpu.region"() ({
      %run_scoped3A = tpu.sem_alloc : memref<!tpu.dma_semaphore, #tpu.memory_space<semaphore_mem>>
      %dma_start3A_248 = arith.constant 0 : i32
      %dma_start3A_249 = tpu.memref_slice %arg8[%mul3A_0, %dma_start3A_248] : memref<10000x64xf32, #tpu.memory_space<vmem_shared>> -> memref<625x64xf32, #tpu.memory_space<vmem_shared>>
      %dma_start3A_250 = arith.constant 0 : i32
      %dma_start3A_251 = tpu.memref_slice %arg2[%mul3A_0, %dma_start3A_250] : memref<10000x64xf32, #tpu.memory_space<hbm>> -> memref<625x64xf32, #tpu.memory_space<hbm>>
      tpu.enqueue_dma source(%dma_start3A_251 : memref<625x64xf32, #tpu.memory_space<hbm>>) target(%dma_start3A_249 : memref<625x64xf32, #tpu.memory_space<vmem_shared>>) target_semaphore(%run_scoped3A : memref<!tpu.dma_semaphore, #tpu.memory_space<semaphore_mem>>)
      %dma_wait3A_252 = arith.constant 0 : i32
      %dma_wait3A_253 = tpu.memref_slice %arg8[%mul3A_0, %dma_wait3A_252] : memref<10000x64xf32, #tpu.memory_space<vmem_shared>> -> memref<625x64xf32, #tpu.memory_space<vmem_shared>>
      %dma_wait3A_254 = arith.constant 0 : i32
      %dma_wait3A_255 = tpu.memref_slice %arg2[%mul3A_0, %dma_wait3A_254] : memref<10000x64xf32, #tpu.memory_space<hbm>> -> memref<625x64xf32, #tpu.memory_space<hbm>>
      tpu.wait_dma2 semaphore(%run_scoped3A : memref<!tpu.dma_semaphore, #tpu.memory_space<semaphore_mem>>) src(%dma_wait3A_255 : memref<625x64xf32, #tpu.memory_space<hbm>>) dst(%dma_wait3A_253 : memref<625x64xf32, #tpu.memory_space<vmem_shared>>)
      tpu.yield
    }) : () -> ()
    "tpu.region"() ({
      %run_scoped3A = tpu.sem_alloc : memref<!tpu.dma_semaphore, #tpu.memory_space<semaphore_mem>>
      %dma_start3A_248 = arith.constant 0 : i32
      %dma_start3A_249 = tpu.memref_slice %arg9[%mul3A_0, %dma_start3A_248] : memref<10008x64xf32, #tpu.memory_space<vmem_shared>> -> memref<625x64xf32, #tpu.memory_space<vmem_shared>>
      %dma_start3A_250 = arith.constant 0 : i32
      %dma_start3A_251 = tpu.memref_slice %arg5[%mul3A_0, %dma_start3A_250] : memref<10000x64xf32, #tpu.memory_space<hbm>> -> memref<625x64xf32, #tpu.memory_space<hbm>>
      tpu.enqueue_dma source(%dma_start3A_251 : memref<625x64xf32, #tpu.memory_space<hbm>>) target(%dma_start3A_249 : memref<625x64xf32, #tpu.memory_space<vmem_shared>>) target_semaphore(%run_scoped3A : memref<!tpu.dma_semaphore, #tpu.memory_space<semaphore_mem>>)
      %dma_wait3A_252 = arith.constant 0 : i32
      %dma_wait3A_253 = tpu.memref_slice %arg9[%mul3A_0, %dma_wait3A_252] : memref<10008x64xf32, #tpu.memory_space<vmem_shared>> -> memref<625x64xf32, #tpu.memory_space<vmem_shared>>
      %dma_wait3A_254 = arith.constant 0 : i32
      %dma_wait3A_255 = tpu.memref_slice %arg5[%mul3A_0, %dma_wait3A_254] : memref<10000x64xf32, #tpu.memory_space<hbm>> -> memref<625x64xf32, #tpu.memory_space<hbm>>
      tpu.wait_dma2 semaphore(%run_scoped3A : memref<!tpu.dma_semaphore, #tpu.memory_space<semaphore_mem>>) src(%dma_wait3A_255 : memref<625x64xf32, #tpu.memory_space<hbm>>) dst(%dma_wait3A_253 : memref<625x64xf32, #tpu.memory_space<vmem_shared>>)
      tpu.yield
    }) : () -> ()
    %barrier3A = arith.constant 0 : index
    tpu.barrier barrier_id(%barrier3A)
    %mul3A_1 = arith.constant 16 : i32
    %mul3A_2 = arith.muli %arg0, %mul3A_1 : i32
    %add3A = arith.addi %mul3A_2, %arg1 : i32
    %mul3A_3 = arith.constant 80 : i32
    %mul3A_4 = arith.muli %add3A, %mul3A_3 : i32
    %add3A_5 = arith.constant 0 : i32
    %add3A_6 = arith.addi %mul3A_4, %add3A_5 : i32
    "tpu.region"() ({
      %run_scoped3A = tpu.sem_alloc : memref<!tpu.dma_semaphore, #tpu.memory_space<semaphore_mem>>
      %dma_start3A_248 = arith.constant 0 : i32
      %dma_start3A_249 = tpu.memref_slice %arg3[%add3A_6, %dma_start3A_248] : memref<2560x128xi32, #tpu.memory_space<hbm>> -> memref<40x128xi32, #tpu.memory_space<hbm>>
      %dma_start3A_250 = arith.constant 0 : i32
      %dma_start3A_251 = tpu.memref_slice %arg3[%add3A_6, %dma_start3A_250] : memref<2560x128xi32, #tpu.memory_space<hbm>> -> memref<40x128xi32, #tpu.memory_space<hbm>>
      tpu.enqueue_dma source(%dma_start3A_251 : memref<40x128xi32, #tpu.memory_space<hbm>>) target(%arg10 : memref<40x128xi32, #tpu.memory_space<vmem>>) target_semaphore(%run_scoped3A : memref<!tpu.dma_semaphore, #tpu.memory_space<semaphore_mem>>)
      %dma_wait3A_252 = arith.constant 0 : i32
      %dma_wait3A_253 = tpu.memref_slice %arg3[%add3A_6, %dma_wait3A_252] : memref<2560x128xi32, #tpu.memory_space<hbm>> -> memref<40x128xi32, #tpu.memory_space<hbm>>
      %dma_wait3A_254 = arith.constant 0 : i32
      %dma_wait3A_255 = tpu.memref_slice %arg3[%add3A_6, %dma_wait3A_254] : memref<2560x128xi32, #tpu.memory_space<hbm>> -> memref<40x128xi32, #tpu.memory_space<hbm>>
      tpu.wait_dma2 semaphore(%run_scoped3A : memref<!tpu.dma_semaphore, #tpu.memory_space<semaphore_mem>>) src(%dma_wait3A_255 : memref<40x128xi32, #tpu.memory_space<hbm>>) dst(%arg10 : memref<40x128xi32, #tpu.memory_space<vmem>>)
      tpu.yield
    }) : () -> ()
    "tpu.region"() ({
      %run_scoped3A = tpu.sem_alloc : memref<!tpu.dma_semaphore, #tpu.memory_space<semaphore_mem>>
      %dma_start3A_248 = arith.constant 0 : i32
      %dma_start3A_249 = tpu.memref_slice %arg4[%add3A_6, %dma_start3A_248] : memref<2560x128xi32, #tpu.memory_space<hbm>> -> memref<40x128xi32, #tpu.memory_space<hbm>>
      %dma_start3A_250 = arith.constant 0 : i32
      %dma_start3A_251 = tpu.memref_slice %arg4[%add3A_6, %dma_start3A_250] : memref<2560x128xi32, #tpu.memory_space<hbm>> -> memref<40x128xi32, #tpu.memory_space<hbm>>
      tpu.enqueue_dma source(%dma_start3A_251 : memref<40x128xi32, #tpu.memory_space<hbm>>) target(%arg11 : memref<40x128xi32, #tpu.memory_space<vmem>>) target_semaphore(%run_scoped3A : memref<!tpu.dma_semaphore, #tpu.memory_space<semaphore_mem>>)
      %dma_wait3A_252 = arith.constant 0 : i32
      %dma_wait3A_253 = tpu.memref_slice %arg4[%add3A_6, %dma_wait3A_252] : memref<2560x128xi32, #tpu.memory_space<hbm>> -> memref<40x128xi32, #tpu.memory_space<hbm>>
      %dma_wait3A_254 = arith.constant 0 : i32
      %dma_wait3A_255 = tpu.memref_slice %arg4[%add3A_6, %dma_wait3A_254] : memref<2560x128xi32, #tpu.memory_space<hbm>> -> memref<40x128xi32, #tpu.memory_space<hbm>>
      tpu.wait_dma2 semaphore(%run_scoped3A : memref<!tpu.dma_semaphore, #tpu.memory_space<semaphore_mem>>) src(%dma_wait3A_255 : memref<40x128xi32, #tpu.memory_space<hbm>>) dst(%arg11 : memref<40x128xi32, #tpu.memory_space<vmem>>)
      tpu.yield
    }) : () -> ()
    %dma_start3A = arith.constant 0 : i32
    %dma_start3A_7 = arith.constant 0 : i32
    %dma_start3A_8 = tpu.memref_slice %arg10[%dma_start3A, %dma_start3A_7] : memref<40x128xi32, #tpu.memory_space<vmem>> -> memref<1x128xi32, #tpu.memory_space<vmem>>
    %dma_start3A_9 = tpu.memref_squeeze %dma_start3A_8 : memref<1x128xi32, #tpu.memory_space<vmem>> -> memref<128xi32, #tpu.memory_space<vmem>>
    %dma_start3A_10 = arith.constant 0 : i32
    %dma_start3A_11 = arith.constant 0 : i32
    %dma_start3A_12 = tpu.memref_slice %arg8[%dma_start3A_10, %dma_start3A_11] : memref<10000x64xf32, #tpu.memory_space<vmem_shared>> -> memref<10000x64xf32, #tpu.memory_space<vmem_shared>>
    tpu.enqueue_indirect_dma source(%dma_start3A_12 : memref<10000x64xf32, #tpu.memory_space<vmem_shared>>) target(%arg12 : memref<128x64xf32, #tpu.memory_space<vmem>>) offsets(%dma_start3A_9 : memref<128xi32, #tpu.memory_space<vmem>>) semaphore(%arg16 : memref<!tpu.dma_semaphore, #tpu.memory_space<semaphore_mem>>)
    %dma_start3A_13 = arith.constant 1 : i32
    %dma_start3A_14 = arith.constant 0 : i32
    %dma_start3A_15 = tpu.memref_slice %arg10[%dma_start3A_13, %dma_start3A_14] : memref<40x128xi32, #tpu.memory_space<vmem>> -> memref<1x128xi32, #tpu.memory_space<vmem>>
    %dma_start3A_16 = tpu.memref_squeeze %dma_start3A_15 : memref<1x128xi32, #tpu.memory_space<vmem>> -> memref<128xi32, #tpu.memory_space<vmem>>
    %dma_start3A_17 = arith.constant 0 : i32
    %dma_start3A_18 = arith.constant 0 : i32
    %dma_start3A_19 = tpu.memref_slice %arg8[%dma_start3A_17, %dma_start3A_18] : memref<10000x64xf32, #tpu.memory_space<vmem_shared>> -> memref<10000x64xf32, #tpu.memory_space<vmem_shared>>
    tpu.enqueue_indirect_dma source(%dma_start3A_19 : memref<10000x64xf32, #tpu.memory_space<vmem_shared>>) target(%arg13 : memref<128x64xf32, #tpu.memory_space<vmem>>) offsets(%dma_start3A_16 : memref<128xi32, #tpu.memory_space<vmem>>) semaphore(%arg17 : memref<!tpu.dma_semaphore, #tpu.memory_space<semaphore_mem>>)
    %dma_start3A_20 = arith.constant 2 : i32
    %dma_start3A_21 = arith.constant 0 : i32
    %dma_start3A_22 = tpu.memref_slice %arg10[%dma_start3A_20, %dma_start3A_21] : memref<40x128xi32, #tpu.memory_space<vmem>> -> memref<1x128xi32, #tpu.memory_space<vmem>>
    %dma_start3A_23 = tpu.memref_squeeze %dma_start3A_22 : memref<1x128xi32, #tpu.memory_space<vmem>> -> memref<128xi32, #tpu.memory_space<vmem>>
    %dma_start3A_24 = arith.constant 0 : i32
    %dma_start3A_25 = arith.constant 0 : i32
    %dma_start3A_26 = tpu.memref_slice %arg8[%dma_start3A_24, %dma_start3A_25] : memref<10000x64xf32, #tpu.memory_space<vmem_shared>> -> memref<10000x64xf32, #tpu.memory_space<vmem_shared>>
    tpu.enqueue_indirect_dma source(%dma_start3A_26 : memref<10000x64xf32, #tpu.memory_space<vmem_shared>>) target(%arg14 : memref<128x64xf32, #tpu.memory_space<vmem>>) offsets(%dma_start3A_23 : memref<128xi32, #tpu.memory_space<vmem>>) semaphore(%arg18 : memref<!tpu.dma_semaphore, #tpu.memory_space<semaphore_mem>>)
    %dma_start3A_27 = arith.constant 3 : i32
    %dma_start3A_28 = arith.constant 0 : i32
    %dma_start3A_29 = tpu.memref_slice %arg10[%dma_start3A_27, %dma_start3A_28] : memref<40x128xi32, #tpu.memory_space<vmem>> -> memref<1x128xi32, #tpu.memory_space<vmem>>
    %dma_start3A_30 = tpu.memref_squeeze %dma_start3A_29 : memref<1x128xi32, #tpu.memory_space<vmem>> -> memref<128xi32, #tpu.memory_space<vmem>>
    %dma_start3A_31 = arith.constant 0 : i32
    %dma_start3A_32 = arith.constant 0 : i32
    %dma_start3A_33 = tpu.memref_slice %arg8[%dma_start3A_31, %dma_start3A_32] : memref<10000x64xf32, #tpu.memory_space<vmem_shared>> -> memref<10000x64xf32, #tpu.memory_space<vmem_shared>>
    tpu.enqueue_indirect_dma source(%dma_start3A_33 : memref<10000x64xf32, #tpu.memory_space<vmem_shared>>) target(%arg15 : memref<128x64xf32, #tpu.memory_space<vmem>>) offsets(%dma_start3A_30 : memref<128xi32, #tpu.memory_space<vmem>>) semaphore(%arg19 : memref<!tpu.dma_semaphore, #tpu.memory_space<semaphore_mem>>)
    %scan3A = arith.constant 0 : i32
    %scan3A_34 = arith.constant 9 : i32
    %scan3A_35 = arith.addi %scan3A, %scan3A_34 : i32
    %scan3A_36 = arith.constant 1 : i32
    scf.for %scan3A_248 = %scan3A to %scan3A_35 step %scan3A_36  : i32 {
      %mul3A_249 = arith.constant 4 : i32
      %mul3A_250 = arith.muli %scan3A_248, %mul3A_249 : i32
      %add3A_251 = arith.constant 0 : i32
      %add3A_252 = arith.addi %add3A_251, %mul3A_250 : i32
      %add3A_253 = arith.constant 0 : i32
      %add3A_254 = arith.addi %add3A_252, %add3A_253 : i32
      %dma_wait3A_255 = arith.constant 0 : i32
      %dma_wait3A_256 = tpu.memref_slice %arg10[%add3A_254, %dma_wait3A_255] : memref<40x128xi32, #tpu.memory_space<vmem>> -> memref<1x128xi32, #tpu.memory_space<vmem>>
      %dma_wait3A_257 = tpu.memref_squeeze %dma_wait3A_256 : memref<1x128xi32, #tpu.memory_space<vmem>> -> memref<128xi32, #tpu.memory_space<vmem>>
      %dma_wait3A_258 = arith.constant 0 : i32
      %dma_wait3A_259 = arith.constant 0 : i32
      %dma_wait3A_260 = tpu.memref_slice %arg8[%dma_wait3A_258, %dma_wait3A_259] : memref<10000x64xf32, #tpu.memory_space<vmem_shared>> -> memref<10000x64xf32, #tpu.memory_space<vmem_shared>>
      tpu.wait_indirect_dma semaphore(%arg16 : memref<!tpu.dma_semaphore, #tpu.memory_space<semaphore_mem>>) src(%dma_wait3A_260 : memref<10000x64xf32, #tpu.memory_space<vmem_shared>>) dst(%arg12 : memref<128x64xf32, #tpu.memory_space<vmem>>)
      %add3A_261 = arith.constant 0 : i32
      %add3A_262 = arith.addi %add3A_252, %add3A_261 : i32
      %dma_start3A_263 = arith.constant 0 : i32
      %dma_start3A_264 = tpu.memref_slice %arg11[%add3A_262, %dma_start3A_263] : memref<40x128xi32, #tpu.memory_space<vmem>> -> memref<1x128xi32, #tpu.memory_space<vmem>>
      %dma_start3A_265 = tpu.memref_squeeze %dma_start3A_264 : memref<1x128xi32, #tpu.memory_space<vmem>> -> memref<128xi32, #tpu.memory_space<vmem>>
      %dma_start3A_266 = arith.constant 0 : i32
      %dma_start3A_267 = arith.constant 0 : i32
      %dma_start3A_268 = tpu.memref_slice %arg9[%dma_start3A_266, %dma_start3A_267] : memref<10008x64xf32, #tpu.memory_space<vmem_shared>> -> memref<10008x64xf32, #tpu.memory_space<vmem_shared>>
      tpu.enqueue_indirect_dma source(%arg12 : memref<128x64xf32, #tpu.memory_space<vmem>>) target(%dma_start3A_268 : memref<10008x64xf32, #tpu.memory_space<vmem_shared>>) offsets(%dma_start3A_265 : memref<128xi32, #tpu.memory_space<vmem>>) semaphore(%arg20 : memref<!tpu.dma_semaphore, #tpu.memory_space<semaphore_mem>>) {add = true}
      %add3A_269 = arith.constant 0 : i32
      %add3A_270 = arith.addi %add3A_252, %add3A_269 : i32
      %add3A_271 = arith.constant 1 : i32
      %add3A_272 = arith.addi %add3A_252, %add3A_271 : i32
      %dma_wait3A_273 = arith.constant 0 : i32
      %dma_wait3A_274 = tpu.memref_slice %arg10[%add3A_272, %dma_wait3A_273] : memref<40x128xi32, #tpu.memory_space<vmem>> -> memref<1x128xi32, #tpu.memory_space<vmem>>
      %dma_wait3A_275 = tpu.memref_squeeze %dma_wait3A_274 : memref<1x128xi32, #tpu.memory_space<vmem>> -> memref<128xi32, #tpu.memory_space<vmem>>
      %dma_wait3A_276 = arith.constant 0 : i32
      %dma_wait3A_277 = arith.constant 0 : i32
      %dma_wait3A_278 = tpu.memref_slice %arg8[%dma_wait3A_276, %dma_wait3A_277] : memref<10000x64xf32, #tpu.memory_space<vmem_shared>> -> memref<10000x64xf32, #tpu.memory_space<vmem_shared>>
      tpu.wait_indirect_dma semaphore(%arg17 : memref<!tpu.dma_semaphore, #tpu.memory_space<semaphore_mem>>) src(%dma_wait3A_278 : memref<10000x64xf32, #tpu.memory_space<vmem_shared>>) dst(%arg13 : memref<128x64xf32, #tpu.memory_space<vmem>>)
      %add3A_279 = arith.constant 1 : i32
      %add3A_280 = arith.addi %add3A_252, %add3A_279 : i32
      %dma_start3A_281 = arith.constant 0 : i32
      %dma_start3A_282 = tpu.memref_slice %arg11[%add3A_280, %dma_start3A_281] : memref<40x128xi32, #tpu.memory_space<vmem>> -> memref<1x128xi32, #tpu.memory_space<vmem>>
      %dma_start3A_283 = tpu.memref_squeeze %dma_start3A_282 : memref<1x128xi32, #tpu.memory_space<vmem>> -> memref<128xi32, #tpu.memory_space<vmem>>
      %dma_start3A_284 = arith.constant 0 : i32
      %dma_start3A_285 = arith.constant 0 : i32
      %dma_start3A_286 = tpu.memref_slice %arg9[%dma_start3A_284, %dma_start3A_285] : memref<10008x64xf32, #tpu.memory_space<vmem_shared>> -> memref<10008x64xf32, #tpu.memory_space<vmem_shared>>
      tpu.enqueue_indirect_dma source(%arg13 : memref<128x64xf32, #tpu.memory_space<vmem>>) target(%dma_start3A_286 : memref<10008x64xf32, #tpu.memory_space<vmem_shared>>) offsets(%dma_start3A_283 : memref<128xi32, #tpu.memory_space<vmem>>) semaphore(%arg21 : memref<!tpu.dma_semaphore, #tpu.memory_space<semaphore_mem>>) {add = true}
      %add3A_287 = arith.constant 1 : i32
      %add3A_288 = arith.addi %add3A_252, %add3A_287 : i32
      %add3A_289 = arith.constant 2 : i32
      %add3A_290 = arith.addi %add3A_252, %add3A_289 : i32
      %dma_wait3A_291 = arith.constant 0 : i32
      %dma_wait3A_292 = tpu.memref_slice %arg10[%add3A_290, %dma_wait3A_291] : memref<40x128xi32, #tpu.memory_space<vmem>> -> memref<1x128xi32, #tpu.memory_space<vmem>>
      %dma_wait3A_293 = tpu.memref_squeeze %dma_wait3A_292 : memref<1x128xi32, #tpu.memory_space<vmem>> -> memref<128xi32, #tpu.memory_space<vmem>>
      %dma_wait3A_294 = arith.constant 0 : i32
      %dma_wait3A_295 = arith.constant 0 : i32
      %dma_wait3A_296 = tpu.memref_slice %arg8[%dma_wait3A_294, %dma_wait3A_295] : memref<10000x64xf32, #tpu.memory_space<vmem_shared>> -> memref<10000x64xf32, #tpu.memory_space<vmem_shared>>
      tpu.wait_indirect_dma semaphore(%arg18 : memref<!tpu.dma_semaphore, #tpu.memory_space<semaphore_mem>>) src(%dma_wait3A_296 : memref<10000x64xf32, #tpu.memory_space<vmem_shared>>) dst(%arg14 : memref<128x64xf32, #tpu.memory_space<vmem>>)
      %add3A_297 = arith.constant 2 : i32
      %add3A_298 = arith.addi %add3A_252, %add3A_297 : i32
      %dma_start3A_299 = arith.constant 0 : i32
      %dma_start3A_300 = tpu.memref_slice %arg11[%add3A_298, %dma_start3A_299] : memref<40x128xi32, #tpu.memory_space<vmem>> -> memref<1x128xi32, #tpu.memory_space<vmem>>
      %dma_start3A_301 = tpu.memref_squeeze %dma_start3A_300 : memref<1x128xi32, #tpu.memory_space<vmem>> -> memref<128xi32, #tpu.memory_space<vmem>>
      %dma_start3A_302 = arith.constant 0 : i32
      %dma_start3A_303 = arith.constant 0 : i32
      %dma_start3A_304 = tpu.memref_slice %arg9[%dma_start3A_302, %dma_start3A_303] : memref<10008x64xf32, #tpu.memory_space<vmem_shared>> -> memref<10008x64xf32, #tpu.memory_space<vmem_shared>>
      tpu.enqueue_indirect_dma source(%arg14 : memref<128x64xf32, #tpu.memory_space<vmem>>) target(%dma_start3A_304 : memref<10008x64xf32, #tpu.memory_space<vmem_shared>>) offsets(%dma_start3A_301 : memref<128xi32, #tpu.memory_space<vmem>>) semaphore(%arg22 : memref<!tpu.dma_semaphore, #tpu.memory_space<semaphore_mem>>) {add = true}
      %add3A_305 = arith.constant 2 : i32
      %add3A_306 = arith.addi %add3A_252, %add3A_305 : i32
      %add3A_307 = arith.constant 3 : i32
      %add3A_308 = arith.addi %add3A_252, %add3A_307 : i32
      %dma_wait3A_309 = arith.constant 0 : i32
      %dma_wait3A_310 = tpu.memref_slice %arg10[%add3A_308, %dma_wait3A_309] : memref<40x128xi32, #tpu.memory_space<vmem>> -> memref<1x128xi32, #tpu.memory_space<vmem>>
      %dma_wait3A_311 = tpu.memref_squeeze %dma_wait3A_310 : memref<1x128xi32, #tpu.memory_space<vmem>> -> memref<128xi32, #tpu.memory_space<vmem>>
      %dma_wait3A_312 = arith.constant 0 : i32
      %dma_wait3A_313 = arith.constant 0 : i32
      %dma_wait3A_314 = tpu.memref_slice %arg8[%dma_wait3A_312, %dma_wait3A_313] : memref<10000x64xf32, #tpu.memory_space<vmem_shared>> -> memref<10000x64xf32, #tpu.memory_space<vmem_shared>>
      tpu.wait_indirect_dma semaphore(%arg19 : memref<!tpu.dma_semaphore, #tpu.memory_space<semaphore_mem>>) src(%dma_wait3A_314 : memref<10000x64xf32, #tpu.memory_space<vmem_shared>>) dst(%arg15 : memref<128x64xf32, #tpu.memory_space<vmem>>)
      %add3A_315 = arith.constant 3 : i32
      %add3A_316 = arith.addi %add3A_252, %add3A_315 : i32
      %dma_start3A_317 = arith.constant 0 : i32
      %dma_start3A_318 = tpu.memref_slice %arg11[%add3A_316, %dma_start3A_317] : memref<40x128xi32, #tpu.memory_space<vmem>> -> memref<1x128xi32, #tpu.memory_space<vmem>>
      %dma_start3A_319 = tpu.memref_squeeze %dma_start3A_318 : memref<1x128xi32, #tpu.memory_space<vmem>> -> memref<128xi32, #tpu.memory_space<vmem>>
      %dma_start3A_320 = arith.constant 0 : i32
      %dma_start3A_321 = arith.constant 0 : i32
      %dma_start3A_322 = tpu.memref_slice %arg9[%dma_start3A_320, %dma_start3A_321] : memref<10008x64xf32, #tpu.memory_space<vmem_shared>> -> memref<10008x64xf32, #tpu.memory_space<vmem_shared>>
      tpu.enqueue_indirect_dma source(%arg15 : memref<128x64xf32, #tpu.memory_space<vmem>>) target(%dma_start3A_322 : memref<10008x64xf32, #tpu.memory_space<vmem_shared>>) offsets(%dma_start3A_319 : memref<128xi32, #tpu.memory_space<vmem>>) semaphore(%arg23 : memref<!tpu.dma_semaphore, #tpu.memory_space<semaphore_mem>>) {add = true}
      %add3A_323 = arith.constant 3 : i32
      %add3A_324 = arith.addi %add3A_252, %add3A_323 : i32
      %add3A_325 = arith.constant 0 : i32
      %add3A_326 = arith.addi %add3A_252, %add3A_325 : i32
      %dma_wait3A_327 = arith.constant 0 : i32
      %dma_wait3A_328 = tpu.memref_slice %arg11[%add3A_326, %dma_wait3A_327] : memref<40x128xi32, #tpu.memory_space<vmem>> -> memref<1x128xi32, #tpu.memory_space<vmem>>
      %dma_wait3A_329 = tpu.memref_squeeze %dma_wait3A_328 : memref<1x128xi32, #tpu.memory_space<vmem>> -> memref<128xi32, #tpu.memory_space<vmem>>
      %dma_wait3A_330 = arith.constant 0 : i32
      %dma_wait3A_331 = arith.constant 0 : i32
      %dma_wait3A_332 = tpu.memref_slice %arg9[%dma_wait3A_330, %dma_wait3A_331] : memref<10008x64xf32, #tpu.memory_space<vmem_shared>> -> memref<10008x64xf32, #tpu.memory_space<vmem_shared>>
      tpu.wait_indirect_dma semaphore(%arg20 : memref<!tpu.dma_semaphore, #tpu.memory_space<semaphore_mem>>) src(%arg12 : memref<128x64xf32, #tpu.memory_space<vmem>>) dst(%dma_wait3A_332 : memref<10008x64xf32, #tpu.memory_space<vmem_shared>>)
      %add3A_333 = arith.constant 0 : i32
      %add3A_334 = arith.addi %add3A_252, %add3A_333 : i32
      %add3A_335 = arith.constant 4 : i32
      %add3A_336 = arith.addi %add3A_334, %add3A_335 : i32
      %dma_start3A_337 = arith.constant 0 : i32
      %dma_start3A_338 = tpu.memref_slice %arg10[%add3A_336, %dma_start3A_337] : memref<40x128xi32, #tpu.memory_space<vmem>> -> memref<1x128xi32, #tpu.memory_space<vmem>>
      %dma_start3A_339 = tpu.memref_squeeze %dma_start3A_338 : memref<1x128xi32, #tpu.memory_space<vmem>> -> memref<128xi32, #tpu.memory_space<vmem>>
      %dma_start3A_340 = arith.constant 0 : i32
      %dma_start3A_341 = arith.constant 0 : i32
      %dma_start3A_342 = tpu.memref_slice %arg8[%dma_start3A_340, %dma_start3A_341] : memref<10000x64xf32, #tpu.memory_space<vmem_shared>> -> memref<10000x64xf32, #tpu.memory_space<vmem_shared>>
      tpu.enqueue_indirect_dma source(%dma_start3A_342 : memref<10000x64xf32, #tpu.memory_space<vmem_shared>>) target(%arg12 : memref<128x64xf32, #tpu.memory_space<vmem>>) offsets(%dma_start3A_339 : memref<128xi32, #tpu.memory_space<vmem>>) semaphore(%arg16 : memref<!tpu.dma_semaphore, #tpu.memory_space<semaphore_mem>>)
      %add3A_343 = arith.constant 1 : i32
      %add3A_344 = arith.addi %add3A_252, %add3A_343 : i32
      %dma_wait3A_345 = arith.constant 0 : i32
      %dma_wait3A_346 = tpu.memref_slice %arg11[%add3A_344, %dma_wait3A_345] : memref<40x128xi32, #tpu.memory_space<vmem>> -> memref<1x128xi32, #tpu.memory_space<vmem>>
      %dma_wait3A_347 = tpu.memref_squeeze %dma_wait3A_346 : memref<1x128xi32, #tpu.memory_space<vmem>> -> memref<128xi32, #tpu.memory_space<vmem>>
      %dma_wait3A_348 = arith.constant 0 : i32
      %dma_wait3A_349 = arith.constant 0 : i32
      %dma_wait3A_350 = tpu.memref_slice %arg9[%dma_wait3A_348, %dma_wait3A_349] : memref<10008x64xf32, #tpu.memory_space<vmem_shared>> -> memref<10008x64xf32, #tpu.memory_space<vmem_shared>>
      tpu.wait_indirect_dma semaphore(%arg21 : memref<!tpu.dma_semaphore, #tpu.memory_space<semaphore_mem>>) src(%arg13 : memref<128x64xf32, #tpu.memory_space<vmem>>) dst(%dma_wait3A_350 : memref<10008x64xf32, #tpu.memory_space<vmem_shared>>)
      %add3A_351 = arith.constant 1 : i32
      %add3A_352 = arith.addi %add3A_252, %add3A_351 : i32
      %add3A_353 = arith.constant 4 : i32
      %add3A_354 = arith.addi %add3A_352, %add3A_353 : i32
      %dma_start3A_355 = arith.constant 0 : i32
      %dma_start3A_356 = tpu.memref_slice %arg10[%add3A_354, %dma_start3A_355] : memref<40x128xi32, #tpu.memory_space<vmem>> -> memref<1x128xi32, #tpu.memory_space<vmem>>
      %dma_start3A_357 = tpu.memref_squeeze %dma_start3A_356 : memref<1x128xi32, #tpu.memory_space<vmem>> -> memref<128xi32, #tpu.memory_space<vmem>>
      %dma_start3A_358 = arith.constant 0 : i32
      %dma_start3A_359 = arith.constant 0 : i32
      %dma_start3A_360 = tpu.memref_slice %arg8[%dma_start3A_358, %dma_start3A_359] : memref<10000x64xf32, #tpu.memory_space<vmem_shared>> -> memref<10000x64xf32, #tpu.memory_space<vmem_shared>>
      tpu.enqueue_indirect_dma source(%dma_start3A_360 : memref<10000x64xf32, #tpu.memory_space<vmem_shared>>) target(%arg13 : memref<128x64xf32, #tpu.memory_space<vmem>>) offsets(%dma_start3A_357 : memref<128xi32, #tpu.memory_space<vmem>>) semaphore(%arg17 : memref<!tpu.dma_semaphore, #tpu.memory_space<semaphore_mem>>)
      %add3A_361 = arith.constant 2 : i32
      %add3A_362 = arith.addi %add3A_252, %add3A_361 : i32
      %dma_wait3A_363 = arith.constant 0 : i32
      %dma_wait3A_364 = tpu.memref_slice %arg11[%add3A_362, %dma_wait3A_363] : memref<40x128xi32, #tpu.memory_space<vmem>> -> memref<1x128xi32, #tpu.memory_space<vmem>>
      %dma_wait3A_365 = tpu.memref_squeeze %dma_wait3A_364 : memref<1x128xi32, #tpu.memory_space<vmem>> -> memref<128xi32, #tpu.memory_space<vmem>>
      %dma_wait3A_366 = arith.constant 0 : i32
      %dma_wait3A_367 = arith.constant 0 : i32
      %dma_wait3A_368 = tpu.memref_slice %arg9[%dma_wait3A_366, %dma_wait3A_367] : memref<10008x64xf32, #tpu.memory_space<vmem_shared>> -> memref<10008x64xf32, #tpu.memory_space<vmem_shared>>
      tpu.wait_indirect_dma semaphore(%arg22 : memref<!tpu.dma_semaphore, #tpu.memory_space<semaphore_mem>>) src(%arg14 : memref<128x64xf32, #tpu.memory_space<vmem>>) dst(%dma_wait3A_368 : memref<10008x64xf32, #tpu.memory_space<vmem_shared>>)
      %add3A_369 = arith.constant 2 : i32
      %add3A_370 = arith.addi %add3A_252, %add3A_369 : i32
      %add3A_371 = arith.constant 4 : i32
      %add3A_372 = arith.addi %add3A_370, %add3A_371 : i32
      %dma_start3A_373 = arith.constant 0 : i32
      %dma_start3A_374 = tpu.memref_slice %arg10[%add3A_372, %dma_start3A_373] : memref<40x128xi32, #tpu.memory_space<vmem>> -> memref<1x128xi32, #tpu.memory_space<vmem>>
      %dma_start3A_375 = tpu.memref_squeeze %dma_start3A_374 : memref<1x128xi32, #tpu.memory_space<vmem>> -> memref<128xi32, #tpu.memory_space<vmem>>
      %dma_start3A_376 = arith.constant 0 : i32
      %dma_start3A_377 = arith.constant 0 : i32
      %dma_start3A_378 = tpu.memref_slice %arg8[%dma_start3A_376, %dma_start3A_377] : memref<10000x64xf32, #tpu.memory_space<vmem_shared>> -> memref<10000x64xf32, #tpu.memory_space<vmem_shared>>
      tpu.enqueue_indirect_dma source(%dma_start3A_378 : memref<10000x64xf32, #tpu.memory_space<vmem_shared>>) target(%arg14 : memref<128x64xf32, #tpu.memory_space<vmem>>) offsets(%dma_start3A_375 : memref<128xi32, #tpu.memory_space<vmem>>) semaphore(%arg18 : memref<!tpu.dma_semaphore, #tpu.memory_space<semaphore_mem>>)
      %add3A_379 = arith.constant 3 : i32
      %add3A_380 = arith.addi %add3A_252, %add3A_379 : i32
      %dma_wait3A_381 = arith.constant 0 : i32
      %dma_wait3A_382 = tpu.memref_slice %arg11[%add3A_380, %dma_wait3A_381] : memref<40x128xi32, #tpu.memory_space<vmem>> -> memref<1x128xi32, #tpu.memory_space<vmem>>
      %dma_wait3A_383 = tpu.memref_squeeze %dma_wait3A_382 : memref<1x128xi32, #tpu.memory_space<vmem>> -> memref<128xi32, #tpu.memory_space<vmem>>
      %dma_wait3A_384 = arith.constant 0 : i32
      %dma_wait3A_385 = arith.constant 0 : i32
      %dma_wait3A_386 = tpu.memref_slice %arg9[%dma_wait3A_384, %dma_wait3A_385] : memref<10008x64xf32, #tpu.memory_space<vmem_shared>> -> memref<10008x64xf32, #tpu.memory_space<vmem_shared>>
      tpu.wait_indirect_dma semaphore(%arg23 : memref<!tpu.dma_semaphore, #tpu.memory_space<semaphore_mem>>) src(%arg15 : memref<128x64xf32, #tpu.memory_space<vmem>>) dst(%dma_wait3A_386 : memref<10008x64xf32, #tpu.memory_space<vmem_shared>>)
      %add3A_387 = arith.constant 3 : i32
      %add3A_388 = arith.addi %add3A_252, %add3A_387 : i32
      %add3A_389 = arith.constant 4 : i32
      %add3A_390 = arith.addi %add3A_388, %add3A_389 : i32
      %dma_start3A_391 = arith.constant 0 : i32
      %dma_start3A_392 = tpu.memref_slice %arg10[%add3A_390, %dma_start3A_391] : memref<40x128xi32, #tpu.memory_space<vmem>> -> memref<1x128xi32, #tpu.memory_space<vmem>>
      %dma_start3A_393 = tpu.memref_squeeze %dma_start3A_392 : memref<1x128xi32, #tpu.memory_space<vmem>> -> memref<128xi32, #tpu.memory_space<vmem>>
      %dma_start3A_394 = arith.constant 0 : i32
      %dma_start3A_395 = arith.constant 0 : i32
      %dma_start3A_396 = tpu.memref_slice %arg8[%dma_start3A_394, %dma_start3A_395] : memref<10000x64xf32, #tpu.memory_space<vmem_shared>> -> memref<10000x64xf32, #tpu.memory_space<vmem_shared>>
      tpu.enqueue_indirect_dma source(%dma_start3A_396 : memref<10000x64xf32, #tpu.memory_space<vmem_shared>>) target(%arg15 : memref<128x64xf32, #tpu.memory_space<vmem>>) offsets(%dma_start3A_393 : memref<128xi32, #tpu.memory_space<vmem>>) semaphore(%arg19 : memref<!tpu.dma_semaphore, #tpu.memory_space<semaphore_mem>>)
    }
    %scan3A_37 = arith.constant 9 : i32
    %dma_wait3A = arith.constant 36 : i32
    %dma_wait3A_38 = arith.constant 0 : i32
    %dma_wait3A_39 = tpu.memref_slice %arg10[%dma_wait3A, %dma_wait3A_38] : memref<40x128xi32, #tpu.memory_space<vmem>> -> memref<1x128xi32, #tpu.memory_space<vmem>>
    %dma_wait3A_40 = tpu.memref_squeeze %dma_wait3A_39 : memref<1x128xi32, #tpu.memory_space<vmem>> -> memref<128xi32, #tpu.memory_space<vmem>>
    %dma_wait3A_41 = arith.constant 0 : i32
    %dma_wait3A_42 = arith.constant 0 : i32
    %dma_wait3A_43 = tpu.memref_slice %arg8[%dma_wait3A_41, %dma_wait3A_42] : memref<10000x64xf32, #tpu.memory_space<vmem_shared>> -> memref<10000x64xf32, #tpu.memory_space<vmem_shared>>
    tpu.wait_indirect_dma semaphore(%arg16 : memref<!tpu.dma_semaphore, #tpu.memory_space<semaphore_mem>>) src(%dma_wait3A_43 : memref<10000x64xf32, #tpu.memory_space<vmem_shared>>) dst(%arg12 : memref<128x64xf32, #tpu.memory_space<vmem>>)
    %dma_start3A_44 = arith.constant 36 : i32
    %dma_start3A_45 = arith.constant 0 : i32
    %dma_start3A_46 = tpu.memref_slice %arg11[%dma_start3A_44, %dma_start3A_45] : memref<40x128xi32, #tpu.memory_space<vmem>> -> memref<1x128xi32, #tpu.memory_space<vmem>>
    %dma_start3A_47 = tpu.memref_squeeze %dma_start3A_46 : memref<1x128xi32, #tpu.memory_space<vmem>> -> memref<128xi32, #tpu.memory_space<vmem>>
    %dma_start3A_48 = arith.constant 0 : i32
    %dma_start3A_49 = arith.constant 0 : i32
    %dma_start3A_50 = tpu.memref_slice %arg9[%dma_start3A_48, %dma_start3A_49] : memref<10008x64xf32, #tpu.memory_space<vmem_shared>> -> memref<10008x64xf32, #tpu.memory_space<vmem_shared>>
    tpu.enqueue_indirect_dma source(%arg12 : memref<128x64xf32, #tpu.memory_space<vmem>>) target(%dma_start3A_50 : memref<10008x64xf32, #tpu.memory_space<vmem_shared>>) offsets(%dma_start3A_47 : memref<128xi32, #tpu.memory_space<vmem>>) semaphore(%arg20 : memref<!tpu.dma_semaphore, #tpu.memory_space<semaphore_mem>>) {add = true}
    %dma_wait3A_51 = arith.constant 37 : i32
    %dma_wait3A_52 = arith.constant 0 : i32
    %dma_wait3A_53 = tpu.memref_slice %arg10[%dma_wait3A_51, %dma_wait3A_52] : memref<40x128xi32, #tpu.memory_space<vmem>> -> memref<1x128xi32, #tpu.memory_space<vmem>>
    %dma_wait3A_54 = tpu.memref_squeeze %dma_wait3A_53 : memref<1x128xi32, #tpu.memory_space<vmem>> -> memref<128xi32, #tpu.memory_space<vmem>>
    %dma_wait3A_55 = arith.constant 0 : i32
    %dma_wait3A_56 = arith.constant 0 : i32
    %dma_wait3A_57 = tpu.memref_slice %arg8[%dma_wait3A_55, %dma_wait3A_56] : memref<10000x64xf32, #tpu.memory_space<vmem_shared>> -> memref<10000x64xf32, #tpu.memory_space<vmem_shared>>
    tpu.wait_indirect_dma semaphore(%arg17 : memref<!tpu.dma_semaphore, #tpu.memory_space<semaphore_mem>>) src(%dma_wait3A_57 : memref<10000x64xf32, #tpu.memory_space<vmem_shared>>) dst(%arg13 : memref<128x64xf32, #tpu.memory_space<vmem>>)
    %dma_start3A_58 = arith.constant 37 : i32
    %dma_start3A_59 = arith.constant 0 : i32
    %dma_start3A_60 = tpu.memref_slice %arg11[%dma_start3A_58, %dma_start3A_59] : memref<40x128xi32, #tpu.memory_space<vmem>> -> memref<1x128xi32, #tpu.memory_space<vmem>>
    %dma_start3A_61 = tpu.memref_squeeze %dma_start3A_60 : memref<1x128xi32, #tpu.memory_space<vmem>> -> memref<128xi32, #tpu.memory_space<vmem>>
    %dma_start3A_62 = arith.constant 0 : i32
    %dma_start3A_63 = arith.constant 0 : i32
    %dma_start3A_64 = tpu.memref_slice %arg9[%dma_start3A_62, %dma_start3A_63] : memref<10008x64xf32, #tpu.memory_space<vmem_shared>> -> memref<10008x64xf32, #tpu.memory_space<vmem_shared>>
    tpu.enqueue_indirect_dma source(%arg13 : memref<128x64xf32, #tpu.memory_space<vmem>>) target(%dma_start3A_64 : memref<10008x64xf32, #tpu.memory_space<vmem_shared>>) offsets(%dma_start3A_61 : memref<128xi32, #tpu.memory_space<vmem>>) semaphore(%arg21 : memref<!tpu.dma_semaphore, #tpu.memory_space<semaphore_mem>>) {add = true}
    %dma_wait3A_65 = arith.constant 38 : i32
    %dma_wait3A_66 = arith.constant 0 : i32
    %dma_wait3A_67 = tpu.memref_slice %arg10[%dma_wait3A_65, %dma_wait3A_66] : memref<40x128xi32, #tpu.memory_space<vmem>> -> memref<1x128xi32, #tpu.memory_space<vmem>>
    %dma_wait3A_68 = tpu.memref_squeeze %dma_wait3A_67 : memref<1x128xi32, #tpu.memory_space<vmem>> -> memref<128xi32, #tpu.memory_space<vmem>>
    %dma_wait3A_69 = arith.constant 0 : i32
    %dma_wait3A_70 = arith.constant 0 : i32
    %dma_wait3A_71 = tpu.memref_slice %arg8[%dma_wait3A_69, %dma_wait3A_70] : memref<10000x64xf32, #tpu.memory_space<vmem_shared>> -> memref<10000x64xf32, #tpu.memory_space<vmem_shared>>
    tpu.wait_indirect_dma semaphore(%arg18 : memref<!tpu.dma_semaphore, #tpu.memory_space<semaphore_mem>>) src(%dma_wait3A_71 : memref<10000x64xf32, #tpu.memory_space<vmem_shared>>) dst(%arg14 : memref<128x64xf32, #tpu.memory_space<vmem>>)
    %dma_start3A_72 = arith.constant 38 : i32
    %dma_start3A_73 = arith.constant 0 : i32
    %dma_start3A_74 = tpu.memref_slice %arg11[%dma_start3A_72, %dma_start3A_73] : memref<40x128xi32, #tpu.memory_space<vmem>> -> memref<1x128xi32, #tpu.memory_space<vmem>>
    %dma_start3A_75 = tpu.memref_squeeze %dma_start3A_74 : memref<1x128xi32, #tpu.memory_space<vmem>> -> memref<128xi32, #tpu.memory_space<vmem>>
    %dma_start3A_76 = arith.constant 0 : i32
    %dma_start3A_77 = arith.constant 0 : i32
    %dma_start3A_78 = tpu.memref_slice %arg9[%dma_start3A_76, %dma_start3A_77] : memref<10008x64xf32, #tpu.memory_space<vmem_shared>> -> memref<10008x64xf32, #tpu.memory_space<vmem_shared>>
    tpu.enqueue_indirect_dma source(%arg14 : memref<128x64xf32, #tpu.memory_space<vmem>>) target(%dma_start3A_78 : memref<10008x64xf32, #tpu.memory_space<vmem_shared>>) offsets(%dma_start3A_75 : memref<128xi32, #tpu.memory_space<vmem>>) semaphore(%arg22 : memref<!tpu.dma_semaphore, #tpu.memory_space<semaphore_mem>>) {add = true}
    %dma_wait3A_79 = arith.constant 39 : i32
    %dma_wait3A_80 = arith.constant 0 : i32
    %dma_wait3A_81 = tpu.memref_slice %arg10[%dma_wait3A_79, %dma_wait3A_80] : memref<40x128xi32, #tpu.memory_space<vmem>> -> memref<1x128xi32, #tpu.memory_space<vmem>>
    %dma_wait3A_82 = tpu.memref_squeeze %dma_wait3A_81 : memref<1x128xi32, #tpu.memory_space<vmem>> -> memref<128xi32, #tpu.memory_space<vmem>>
    %dma_wait3A_83 = arith.constant 0 : i32
    %dma_wait3A_84 = arith.constant 0 : i32
    %dma_wait3A_85 = tpu.memref_slice %arg8[%dma_wait3A_83, %dma_wait3A_84] : memref<10000x64xf32, #tpu.memory_space<vmem_shared>> -> memref<10000x64xf32, #tpu.memory_space<vmem_shared>>
    tpu.wait_indirect_dma semaphore(%arg19 : memref<!tpu.dma_semaphore, #tpu.memory_space<semaphore_mem>>) src(%dma_wait3A_85 : memref<10000x64xf32, #tpu.memory_space<vmem_shared>>) dst(%arg15 : memref<128x64xf32, #tpu.memory_space<vmem>>)
    %dma_start3A_86 = arith.constant 39 : i32
    %dma_start3A_87 = arith.constant 0 : i32
    %dma_start3A_88 = tpu.memref_slice %arg11[%dma_start3A_86, %dma_start3A_87] : memref<40x128xi32, #tpu.memory_space<vmem>> -> memref<1x128xi32, #tpu.memory_space<vmem>>
    %dma_start3A_89 = tpu.memref_squeeze %dma_start3A_88 : memref<1x128xi32, #tpu.memory_space<vmem>> -> memref<128xi32, #tpu.memory_space<vmem>>
    %dma_start3A_90 = arith.constant 0 : i32
    %dma_start3A_91 = arith.constant 0 : i32
    %dma_start3A_92 = tpu.memref_slice %arg9[%dma_start3A_90, %dma_start3A_91] : memref<10008x64xf32, #tpu.memory_space<vmem_shared>> -> memref<10008x64xf32, #tpu.memory_space<vmem_shared>>
    tpu.enqueue_indirect_dma source(%arg15 : memref<128x64xf32, #tpu.memory_space<vmem>>) target(%dma_start3A_92 : memref<10008x64xf32, #tpu.memory_space<vmem_shared>>) offsets(%dma_start3A_89 : memref<128xi32, #tpu.memory_space<vmem>>) semaphore(%arg23 : memref<!tpu.dma_semaphore, #tpu.memory_space<semaphore_mem>>) {add = true}
    %dma_wait3A_93 = arith.constant 36 : i32
    %dma_wait3A_94 = arith.constant 0 : i32
    %dma_wait3A_95 = tpu.memref_slice %arg11[%dma_wait3A_93, %dma_wait3A_94] : memref<40x128xi32, #tpu.memory_space<vmem>> -> memref<1x128xi32, #tpu.memory_space<vmem>>
    %dma_wait3A_96 = tpu.memref_squeeze %dma_wait3A_95 : memref<1x128xi32, #tpu.memory_space<vmem>> -> memref<128xi32, #tpu.memory_space<vmem>>
    %dma_wait3A_97 = arith.constant 0 : i32
    %dma_wait3A_98 = arith.constant 0 : i32
    %dma_wait3A_99 = tpu.memref_slice %arg9[%dma_wait3A_97, %dma_wait3A_98] : memref<10008x64xf32, #tpu.memory_space<vmem_shared>> -> memref<10008x64xf32, #tpu.memory_space<vmem_shared>>
    tpu.wait_indirect_dma semaphore(%arg20 : memref<!tpu.dma_semaphore, #tpu.memory_space<semaphore_mem>>) src(%arg12 : memref<128x64xf32, #tpu.memory_space<vmem>>) dst(%dma_wait3A_99 : memref<10008x64xf32, #tpu.memory_space<vmem_shared>>)
    %dma_wait3A_100 = arith.constant 37 : i32
    %dma_wait3A_101 = arith.constant 0 : i32
    %dma_wait3A_102 = tpu.memref_slice %arg11[%dma_wait3A_100, %dma_wait3A_101] : memref<40x128xi32, #tpu.memory_space<vmem>> -> memref<1x128xi32, #tpu.memory_space<vmem>>
    %dma_wait3A_103 = tpu.memref_squeeze %dma_wait3A_102 : memref<1x128xi32, #tpu.memory_space<vmem>> -> memref<128xi32, #tpu.memory_space<vmem>>
    %dma_wait3A_104 = arith.constant 0 : i32
    %dma_wait3A_105 = arith.constant 0 : i32
    %dma_wait3A_106 = tpu.memref_slice %arg9[%dma_wait3A_104, %dma_wait3A_105] : memref<10008x64xf32, #tpu.memory_space<vmem_shared>> -> memref<10008x64xf32, #tpu.memory_space<vmem_shared>>
    tpu.wait_indirect_dma semaphore(%arg21 : memref<!tpu.dma_semaphore, #tpu.memory_space<semaphore_mem>>) src(%arg13 : memref<128x64xf32, #tpu.memory_space<vmem>>) dst(%dma_wait3A_106 : memref<10008x64xf32, #tpu.memory_space<vmem_shared>>)
    %dma_wait3A_107 = arith.constant 38 : i32
    %dma_wait3A_108 = arith.constant 0 : i32
    %dma_wait3A_109 = tpu.memref_slice %arg11[%dma_wait3A_107, %dma_wait3A_108] : memref<40x128xi32, #tpu.memory_space<vmem>> -> memref<1x128xi32, #tpu.memory_space<vmem>>
    %dma_wait3A_110 = tpu.memref_squeeze %dma_wait3A_109 : memref<1x128xi32, #tpu.memory_space<vmem>> -> memref<128xi32, #tpu.memory_space<vmem>>
    %dma_wait3A_111 = arith.constant 0 : i32
    %dma_wait3A_112 = arith.constant 0 : i32
    %dma_wait3A_113 = tpu.memref_slice %arg9[%dma_wait3A_111, %dma_wait3A_112] : memref<10008x64xf32, #tpu.memory_space<vmem_shared>> -> memref<10008x64xf32, #tpu.memory_space<vmem_shared>>
    tpu.wait_indirect_dma semaphore(%arg22 : memref<!tpu.dma_semaphore, #tpu.memory_space<semaphore_mem>>) src(%arg14 : memref<128x64xf32, #tpu.memory_space<vmem>>) dst(%dma_wait3A_113 : memref<10008x64xf32, #tpu.memory_space<vmem_shared>>)
    %dma_wait3A_114 = arith.constant 39 : i32
    %dma_wait3A_115 = arith.constant 0 : i32
    %dma_wait3A_116 = tpu.memref_slice %arg11[%dma_wait3A_114, %dma_wait3A_115] : memref<40x128xi32, #tpu.memory_space<vmem>> -> memref<1x128xi32, #tpu.memory_space<vmem>>
    %dma_wait3A_117 = tpu.memref_squeeze %dma_wait3A_116 : memref<1x128xi32, #tpu.memory_space<vmem>> -> memref<128xi32, #tpu.memory_space<vmem>>
    %dma_wait3A_118 = arith.constant 0 : i32
    %dma_wait3A_119 = arith.constant 0 : i32
    %dma_wait3A_120 = tpu.memref_slice %arg9[%dma_wait3A_118, %dma_wait3A_119] : memref<10008x64xf32, #tpu.memory_space<vmem_shared>> -> memref<10008x64xf32, #tpu.memory_space<vmem_shared>>
    tpu.wait_indirect_dma semaphore(%arg23 : memref<!tpu.dma_semaphore, #tpu.memory_space<semaphore_mem>>) src(%arg15 : memref<128x64xf32, #tpu.memory_space<vmem>>) dst(%dma_wait3A_120 : memref<10008x64xf32, #tpu.memory_space<vmem_shared>>)
    %add3A_121 = arith.constant 40 : i32
    %add3A_122 = arith.addi %mul3A_4, %add3A_121 : i32
    "tpu.region"() ({
      %run_scoped3A = tpu.sem_alloc : memref<!tpu.dma_semaphore, #tpu.memory_space<semaphore_mem>>
      %dma_start3A_248 = arith.constant 0 : i32
      %dma_start3A_249 = tpu.memref_slice %arg3[%add3A_122, %dma_start3A_248] : memref<2560x128xi32, #tpu.memory_space<hbm>> -> memref<40x128xi32, #tpu.memory_space<hbm>>
      %dma_start3A_250 = arith.constant 0 : i32
      %dma_start3A_251 = tpu.memref_slice %arg3[%add3A_122, %dma_start3A_250] : memref<2560x128xi32, #tpu.memory_space<hbm>> -> memref<40x128xi32, #tpu.memory_space<hbm>>
      tpu.enqueue_dma source(%dma_start3A_251 : memref<40x128xi32, #tpu.memory_space<hbm>>) target(%arg10 : memref<40x128xi32, #tpu.memory_space<vmem>>) target_semaphore(%run_scoped3A : memref<!tpu.dma_semaphore, #tpu.memory_space<semaphore_mem>>)
      %dma_wait3A_252 = arith.constant 0 : i32
      %dma_wait3A_253 = tpu.memref_slice %arg3[%add3A_122, %dma_wait3A_252] : memref<2560x128xi32, #tpu.memory_space<hbm>> -> memref<40x128xi32, #tpu.memory_space<hbm>>
      %dma_wait3A_254 = arith.constant 0 : i32
      %dma_wait3A_255 = tpu.memref_slice %arg3[%add3A_122, %dma_wait3A_254] : memref<2560x128xi32, #tpu.memory_space<hbm>> -> memref<40x128xi32, #tpu.memory_space<hbm>>
      tpu.wait_dma2 semaphore(%run_scoped3A : memref<!tpu.dma_semaphore, #tpu.memory_space<semaphore_mem>>) src(%dma_wait3A_255 : memref<40x128xi32, #tpu.memory_space<hbm>>) dst(%arg10 : memref<40x128xi32, #tpu.memory_space<vmem>>)
      tpu.yield
    }) : () -> ()
    "tpu.region"() ({
      %run_scoped3A = tpu.sem_alloc : memref<!tpu.dma_semaphore, #tpu.memory_space<semaphore_mem>>
      %dma_start3A_248 = arith.constant 0 : i32
      %dma_start3A_249 = tpu.memref_slice %arg4[%add3A_122, %dma_start3A_248] : memref<2560x128xi32, #tpu.memory_space<hbm>> -> memref<40x128xi32, #tpu.memory_space<hbm>>
      %dma_start3A_250 = arith.constant 0 : i32
      %dma_start3A_251 = tpu.memref_slice %arg4[%add3A_122, %dma_start3A_250] : memref<2560x128xi32, #tpu.memory_space<hbm>> -> memref<40x128xi32, #tpu.memory_space<hbm>>
      tpu.enqueue_dma source(%dma_start3A_251 : memref<40x128xi32, #tpu.memory_space<hbm>>) target(%arg11 : memref<40x128xi32, #tpu.memory_space<vmem>>) target_semaphore(%run_scoped3A : memref<!tpu.dma_semaphore, #tpu.memory_space<semaphore_mem>>)
      %dma_wait3A_252 = arith.constant 0 : i32
      %dma_wait3A_253 = tpu.memref_slice %arg4[%add3A_122, %dma_wait3A_252] : memref<2560x128xi32, #tpu.memory_space<hbm>> -> memref<40x128xi32, #tpu.memory_space<hbm>>
      %dma_wait3A_254 = arith.constant 0 : i32
      %dma_wait3A_255 = tpu.memref_slice %arg4[%add3A_122, %dma_wait3A_254] : memref<2560x128xi32, #tpu.memory_space<hbm>> -> memref<40x128xi32, #tpu.memory_space<hbm>>
      tpu.wait_dma2 semaphore(%run_scoped3A : memref<!tpu.dma_semaphore, #tpu.memory_space<semaphore_mem>>) src(%dma_wait3A_255 : memref<40x128xi32, #tpu.memory_space<hbm>>) dst(%arg11 : memref<40x128xi32, #tpu.memory_space<vmem>>)
      tpu.yield
    }) : () -> ()
    %dma_start3A_123 = arith.constant 0 : i32
    %dma_start3A_124 = arith.constant 0 : i32
    %dma_start3A_125 = tpu.memref_slice %arg10[%dma_start3A_123, %dma_start3A_124] : memref<40x128xi32, #tpu.memory_space<vmem>> -> memref<1x128xi32, #tpu.memory_space<vmem>>
    %dma_start3A_126 = tpu.memref_squeeze %dma_start3A_125 : memref<1x128xi32, #tpu.memory_space<vmem>> -> memref<128xi32, #tpu.memory_space<vmem>>
    %dma_start3A_127 = arith.constant 0 : i32
    %dma_start3A_128 = arith.constant 0 : i32
    %dma_start3A_129 = tpu.memref_slice %arg8[%dma_start3A_127, %dma_start3A_128] : memref<10000x64xf32, #tpu.memory_space<vmem_shared>> -> memref<10000x64xf32, #tpu.memory_space<vmem_shared>>
    tpu.enqueue_indirect_dma source(%dma_start3A_129 : memref<10000x64xf32, #tpu.memory_space<vmem_shared>>) target(%arg12 : memref<128x64xf32, #tpu.memory_space<vmem>>) offsets(%dma_start3A_126 : memref<128xi32, #tpu.memory_space<vmem>>) semaphore(%arg16 : memref<!tpu.dma_semaphore, #tpu.memory_space<semaphore_mem>>)
    %dma_start3A_130 = arith.constant 1 : i32
    %dma_start3A_131 = arith.constant 0 : i32
    %dma_start3A_132 = tpu.memref_slice %arg10[%dma_start3A_130, %dma_start3A_131] : memref<40x128xi32, #tpu.memory_space<vmem>> -> memref<1x128xi32, #tpu.memory_space<vmem>>
    %dma_start3A_133 = tpu.memref_squeeze %dma_start3A_132 : memref<1x128xi32, #tpu.memory_space<vmem>> -> memref<128xi32, #tpu.memory_space<vmem>>
    %dma_start3A_134 = arith.constant 0 : i32
    %dma_start3A_135 = arith.constant 0 : i32
    %dma_start3A_136 = tpu.memref_slice %arg8[%dma_start3A_134, %dma_start3A_135] : memref<10000x64xf32, #tpu.memory_space<vmem_shared>> -> memref<10000x64xf32, #tpu.memory_space<vmem_shared>>
    tpu.enqueue_indirect_dma source(%dma_start3A_136 : memref<10000x64xf32, #tpu.memory_space<vmem_shared>>) target(%arg13 : memref<128x64xf32, #tpu.memory_space<vmem>>) offsets(%dma_start3A_133 : memref<128xi32, #tpu.memory_space<vmem>>) semaphore(%arg17 : memref<!tpu.dma_semaphore, #tpu.memory_space<semaphore_mem>>)
    %dma_start3A_137 = arith.constant 2 : i32
    %dma_start3A_138 = arith.constant 0 : i32
    %dma_start3A_139 = tpu.memref_slice %arg10[%dma_start3A_137, %dma_start3A_138] : memref<40x128xi32, #tpu.memory_space<vmem>> -> memref<1x128xi32, #tpu.memory_space<vmem>>
    %dma_start3A_140 = tpu.memref_squeeze %dma_start3A_139 : memref<1x128xi32, #tpu.memory_space<vmem>> -> memref<128xi32, #tpu.memory_space<vmem>>
    %dma_start3A_141 = arith.constant 0 : i32
    %dma_start3A_142 = arith.constant 0 : i32
    %dma_start3A_143 = tpu.memref_slice %arg8[%dma_start3A_141, %dma_start3A_142] : memref<10000x64xf32, #tpu.memory_space<vmem_shared>> -> memref<10000x64xf32, #tpu.memory_space<vmem_shared>>
    tpu.enqueue_indirect_dma source(%dma_start3A_143 : memref<10000x64xf32, #tpu.memory_space<vmem_shared>>) target(%arg14 : memref<128x64xf32, #tpu.memory_space<vmem>>) offsets(%dma_start3A_140 : memref<128xi32, #tpu.memory_space<vmem>>) semaphore(%arg18 : memref<!tpu.dma_semaphore, #tpu.memory_space<semaphore_mem>>)
    %dma_start3A_144 = arith.constant 3 : i32
    %dma_start3A_145 = arith.constant 0 : i32
    %dma_start3A_146 = tpu.memref_slice %arg10[%dma_start3A_144, %dma_start3A_145] : memref<40x128xi32, #tpu.memory_space<vmem>> -> memref<1x128xi32, #tpu.memory_space<vmem>>
    %dma_start3A_147 = tpu.memref_squeeze %dma_start3A_146 : memref<1x128xi32, #tpu.memory_space<vmem>> -> memref<128xi32, #tpu.memory_space<vmem>>
    %dma_start3A_148 = arith.constant 0 : i32
    %dma_start3A_149 = arith.constant 0 : i32
    %dma_start3A_150 = tpu.memref_slice %arg8[%dma_start3A_148, %dma_start3A_149] : memref<10000x64xf32, #tpu.memory_space<vmem_shared>> -> memref<10000x64xf32, #tpu.memory_space<vmem_shared>>
    tpu.enqueue_indirect_dma source(%dma_start3A_150 : memref<10000x64xf32, #tpu.memory_space<vmem_shared>>) target(%arg15 : memref<128x64xf32, #tpu.memory_space<vmem>>) offsets(%dma_start3A_147 : memref<128xi32, #tpu.memory_space<vmem>>) semaphore(%arg19 : memref<!tpu.dma_semaphore, #tpu.memory_space<semaphore_mem>>)
    %scan3A_151 = arith.constant 0 : i32
    %scan3A_152 = arith.constant 9 : i32
    %scan3A_153 = arith.addi %scan3A_151, %scan3A_152 : i32
    %scan3A_154 = arith.constant 1 : i32
    scf.for %scan3A_248 = %scan3A_151 to %scan3A_153 step %scan3A_154  : i32 {
      %mul3A_249 = arith.constant 4 : i32
      %mul3A_250 = arith.muli %scan3A_248, %mul3A_249 : i32
      %add3A_251 = arith.constant 0 : i32
      %add3A_252 = arith.addi %add3A_251, %mul3A_250 : i32
      %add3A_253 = arith.constant 0 : i32
      %add3A_254 = arith.addi %add3A_252, %add3A_253 : i32
      %dma_wait3A_255 = arith.constant 0 : i32
      %dma_wait3A_256 = tpu.memref_slice %arg10[%add3A_254, %dma_wait3A_255] : memref<40x128xi32, #tpu.memory_space<vmem>> -> memref<1x128xi32, #tpu.memory_space<vmem>>
      %dma_wait3A_257 = tpu.memref_squeeze %dma_wait3A_256 : memref<1x128xi32, #tpu.memory_space<vmem>> -> memref<128xi32, #tpu.memory_space<vmem>>
      %dma_wait3A_258 = arith.constant 0 : i32
      %dma_wait3A_259 = arith.constant 0 : i32
      %dma_wait3A_260 = tpu.memref_slice %arg8[%dma_wait3A_258, %dma_wait3A_259] : memref<10000x64xf32, #tpu.memory_space<vmem_shared>> -> memref<10000x64xf32, #tpu.memory_space<vmem_shared>>
      tpu.wait_indirect_dma semaphore(%arg16 : memref<!tpu.dma_semaphore, #tpu.memory_space<semaphore_mem>>) src(%dma_wait3A_260 : memref<10000x64xf32, #tpu.memory_space<vmem_shared>>) dst(%arg12 : memref<128x64xf32, #tpu.memory_space<vmem>>)
      %add3A_261 = arith.constant 0 : i32
      %add3A_262 = arith.addi %add3A_252, %add3A_261 : i32
      %dma_start3A_263 = arith.constant 0 : i32
      %dma_start3A_264 = tpu.memref_slice %arg11[%add3A_262, %dma_start3A_263] : memref<40x128xi32, #tpu.memory_space<vmem>> -> memref<1x128xi32, #tpu.memory_space<vmem>>
      %dma_start3A_265 = tpu.memref_squeeze %dma_start3A_264 : memref<1x128xi32, #tpu.memory_space<vmem>> -> memref<128xi32, #tpu.memory_space<vmem>>
      %dma_start3A_266 = arith.constant 0 : i32
      %dma_start3A_267 = arith.constant 0 : i32
      %dma_start3A_268 = tpu.memref_slice %arg9[%dma_start3A_266, %dma_start3A_267] : memref<10008x64xf32, #tpu.memory_space<vmem_shared>> -> memref<10008x64xf32, #tpu.memory_space<vmem_shared>>
      tpu.enqueue_indirect_dma source(%arg12 : memref<128x64xf32, #tpu.memory_space<vmem>>) target(%dma_start3A_268 : memref<10008x64xf32, #tpu.memory_space<vmem_shared>>) offsets(%dma_start3A_265 : memref<128xi32, #tpu.memory_space<vmem>>) semaphore(%arg20 : memref<!tpu.dma_semaphore, #tpu.memory_space<semaphore_mem>>) {add = true}
      %add3A_269 = arith.constant 0 : i32
      %add3A_270 = arith.addi %add3A_252, %add3A_269 : i32
      %add3A_271 = arith.constant 1 : i32
      %add3A_272 = arith.addi %add3A_252, %add3A_271 : i32
      %dma_wait3A_273 = arith.constant 0 : i32
      %dma_wait3A_274 = tpu.memref_slice %arg10[%add3A_272, %dma_wait3A_273] : memref<40x128xi32, #tpu.memory_space<vmem>> -> memref<1x128xi32, #tpu.memory_space<vmem>>
      %dma_wait3A_275 = tpu.memref_squeeze %dma_wait3A_274 : memref<1x128xi32, #tpu.memory_space<vmem>> -> memref<128xi32, #tpu.memory_space<vmem>>
      %dma_wait3A_276 = arith.constant 0 : i32
      %dma_wait3A_277 = arith.constant 0 : i32
      %dma_wait3A_278 = tpu.memref_slice %arg8[%dma_wait3A_276, %dma_wait3A_277] : memref<10000x64xf32, #tpu.memory_space<vmem_shared>> -> memref<10000x64xf32, #tpu.memory_space<vmem_shared>>
      tpu.wait_indirect_dma semaphore(%arg17 : memref<!tpu.dma_semaphore, #tpu.memory_space<semaphore_mem>>) src(%dma_wait3A_278 : memref<10000x64xf32, #tpu.memory_space<vmem_shared>>) dst(%arg13 : memref<128x64xf32, #tpu.memory_space<vmem>>)
      %add3A_279 = arith.constant 1 : i32
      %add3A_280 = arith.addi %add3A_252, %add3A_279 : i32
      %dma_start3A_281 = arith.constant 0 : i32
      %dma_start3A_282 = tpu.memref_slice %arg11[%add3A_280, %dma_start3A_281] : memref<40x128xi32, #tpu.memory_space<vmem>> -> memref<1x128xi32, #tpu.memory_space<vmem>>
      %dma_start3A_283 = tpu.memref_squeeze %dma_start3A_282 : memref<1x128xi32, #tpu.memory_space<vmem>> -> memref<128xi32, #tpu.memory_space<vmem>>
      %dma_start3A_284 = arith.constant 0 : i32
      %dma_start3A_285 = arith.constant 0 : i32
      %dma_start3A_286 = tpu.memref_slice %arg9[%dma_start3A_284, %dma_start3A_285] : memref<10008x64xf32, #tpu.memory_space<vmem_shared>> -> memref<10008x64xf32, #tpu.memory_space<vmem_shared>>
      tpu.enqueue_indirect_dma source(%arg13 : memref<128x64xf32, #tpu.memory_space<vmem>>) target(%dma_start3A_286 : memref<10008x64xf32, #tpu.memory_space<vmem_shared>>) offsets(%dma_start3A_283 : memref<128xi32, #tpu.memory_space<vmem>>) semaphore(%arg21 : memref<!tpu.dma_semaphore, #tpu.memory_space<semaphore_mem>>) {add = true}
      %add3A_287 = arith.constant 1 : i32
      %add3A_288 = arith.addi %add3A_252, %add3A_287 : i32
      %add3A_289 = arith.constant 2 : i32
      %add3A_290 = arith.addi %add3A_252, %add3A_289 : i32
      %dma_wait3A_291 = arith.constant 0 : i32
      %dma_wait3A_292 = tpu.memref_slice %arg10[%add3A_290, %dma_wait3A_291] : memref<40x128xi32, #tpu.memory_space<vmem>> -> memref<1x128xi32, #tpu.memory_space<vmem>>
      %dma_wait3A_293 = tpu.memref_squeeze %dma_wait3A_292 : memref<1x128xi32, #tpu.memory_space<vmem>> -> memref<128xi32, #tpu.memory_space<vmem>>
      %dma_wait3A_294 = arith.constant 0 : i32
      %dma_wait3A_295 = arith.constant 0 : i32
      %dma_wait3A_296 = tpu.memref_slice %arg8[%dma_wait3A_294, %dma_wait3A_295] : memref<10000x64xf32, #tpu.memory_space<vmem_shared>> -> memref<10000x64xf32, #tpu.memory_space<vmem_shared>>
      tpu.wait_indirect_dma semaphore(%arg18 : memref<!tpu.dma_semaphore, #tpu.memory_space<semaphore_mem>>) src(%dma_wait3A_296 : memref<10000x64xf32, #tpu.memory_space<vmem_shared>>) dst(%arg14 : memref<128x64xf32, #tpu.memory_space<vmem>>)
      %add3A_297 = arith.constant 2 : i32
      %add3A_298 = arith.addi %add3A_252, %add3A_297 : i32
      %dma_start3A_299 = arith.constant 0 : i32
      %dma_start3A_300 = tpu.memref_slice %arg11[%add3A_298, %dma_start3A_299] : memref<40x128xi32, #tpu.memory_space<vmem>> -> memref<1x128xi32, #tpu.memory_space<vmem>>
      %dma_start3A_301 = tpu.memref_squeeze %dma_start3A_300 : memref<1x128xi32, #tpu.memory_space<vmem>> -> memref<128xi32, #tpu.memory_space<vmem>>
      %dma_start3A_302 = arith.constant 0 : i32
      %dma_start3A_303 = arith.constant 0 : i32
      %dma_start3A_304 = tpu.memref_slice %arg9[%dma_start3A_302, %dma_start3A_303] : memref<10008x64xf32, #tpu.memory_space<vmem_shared>> -> memref<10008x64xf32, #tpu.memory_space<vmem_shared>>
      tpu.enqueue_indirect_dma source(%arg14 : memref<128x64xf32, #tpu.memory_space<vmem>>) target(%dma_start3A_304 : memref<10008x64xf32, #tpu.memory_space<vmem_shared>>) offsets(%dma_start3A_301 : memref<128xi32, #tpu.memory_space<vmem>>) semaphore(%arg22 : memref<!tpu.dma_semaphore, #tpu.memory_space<semaphore_mem>>) {add = true}
      %add3A_305 = arith.constant 2 : i32
      %add3A_306 = arith.addi %add3A_252, %add3A_305 : i32
      %add3A_307 = arith.constant 3 : i32
      %add3A_308 = arith.addi %add3A_252, %add3A_307 : i32
      %dma_wait3A_309 = arith.constant 0 : i32
      %dma_wait3A_310 = tpu.memref_slice %arg10[%add3A_308, %dma_wait3A_309] : memref<40x128xi32, #tpu.memory_space<vmem>> -> memref<1x128xi32, #tpu.memory_space<vmem>>
      %dma_wait3A_311 = tpu.memref_squeeze %dma_wait3A_310 : memref<1x128xi32, #tpu.memory_space<vmem>> -> memref<128xi32, #tpu.memory_space<vmem>>
      %dma_wait3A_312 = arith.constant 0 : i32
      %dma_wait3A_313 = arith.constant 0 : i32
      %dma_wait3A_314 = tpu.memref_slice %arg8[%dma_wait3A_312, %dma_wait3A_313] : memref<10000x64xf32, #tpu.memory_space<vmem_shared>> -> memref<10000x64xf32, #tpu.memory_space<vmem_shared>>
      tpu.wait_indirect_dma semaphore(%arg19 : memref<!tpu.dma_semaphore, #tpu.memory_space<semaphore_mem>>) src(%dma_wait3A_314 : memref<10000x64xf32, #tpu.memory_space<vmem_shared>>) dst(%arg15 : memref<128x64xf32, #tpu.memory_space<vmem>>)
      %add3A_315 = arith.constant 3 : i32
      %add3A_316 = arith.addi %add3A_252, %add3A_315 : i32
      %dma_start3A_317 = arith.constant 0 : i32
      %dma_start3A_318 = tpu.memref_slice %arg11[%add3A_316, %dma_start3A_317] : memref<40x128xi32, #tpu.memory_space<vmem>> -> memref<1x128xi32, #tpu.memory_space<vmem>>
      %dma_start3A_319 = tpu.memref_squeeze %dma_start3A_318 : memref<1x128xi32, #tpu.memory_space<vmem>> -> memref<128xi32, #tpu.memory_space<vmem>>
      %dma_start3A_320 = arith.constant 0 : i32
      %dma_start3A_321 = arith.constant 0 : i32
      %dma_start3A_322 = tpu.memref_slice %arg9[%dma_start3A_320, %dma_start3A_321] : memref<10008x64xf32, #tpu.memory_space<vmem_shared>> -> memref<10008x64xf32, #tpu.memory_space<vmem_shared>>
      tpu.enqueue_indirect_dma source(%arg15 : memref<128x64xf32, #tpu.memory_space<vmem>>) target(%dma_start3A_322 : memref<10008x64xf32, #tpu.memory_space<vmem_shared>>) offsets(%dma_start3A_319 : memref<128xi32, #tpu.memory_space<vmem>>) semaphore(%arg23 : memref<!tpu.dma_semaphore, #tpu.memory_space<semaphore_mem>>) {add = true}
      %add3A_323 = arith.constant 3 : i32
      %add3A_324 = arith.addi %add3A_252, %add3A_323 : i32
      %add3A_325 = arith.constant 0 : i32
      %add3A_326 = arith.addi %add3A_252, %add3A_325 : i32
      %dma_wait3A_327 = arith.constant 0 : i32
      %dma_wait3A_328 = tpu.memref_slice %arg11[%add3A_326, %dma_wait3A_327] : memref<40x128xi32, #tpu.memory_space<vmem>> -> memref<1x128xi32, #tpu.memory_space<vmem>>
      %dma_wait3A_329 = tpu.memref_squeeze %dma_wait3A_328 : memref<1x128xi32, #tpu.memory_space<vmem>> -> memref<128xi32, #tpu.memory_space<vmem>>
      %dma_wait3A_330 = arith.constant 0 : i32
      %dma_wait3A_331 = arith.constant 0 : i32
      %dma_wait3A_332 = tpu.memref_slice %arg9[%dma_wait3A_330, %dma_wait3A_331] : memref<10008x64xf32, #tpu.memory_space<vmem_shared>> -> memref<10008x64xf32, #tpu.memory_space<vmem_shared>>
      tpu.wait_indirect_dma semaphore(%arg20 : memref<!tpu.dma_semaphore, #tpu.memory_space<semaphore_mem>>) src(%arg12 : memref<128x64xf32, #tpu.memory_space<vmem>>) dst(%dma_wait3A_332 : memref<10008x64xf32, #tpu.memory_space<vmem_shared>>)
      %add3A_333 = arith.constant 0 : i32
      %add3A_334 = arith.addi %add3A_252, %add3A_333 : i32
      %add3A_335 = arith.constant 4 : i32
      %add3A_336 = arith.addi %add3A_334, %add3A_335 : i32
      %dma_start3A_337 = arith.constant 0 : i32
      %dma_start3A_338 = tpu.memref_slice %arg10[%add3A_336, %dma_start3A_337] : memref<40x128xi32, #tpu.memory_space<vmem>> -> memref<1x128xi32, #tpu.memory_space<vmem>>
      %dma_start3A_339 = tpu.memref_squeeze %dma_start3A_338 : memref<1x128xi32, #tpu.memory_space<vmem>> -> memref<128xi32, #tpu.memory_space<vmem>>
      %dma_start3A_340 = arith.constant 0 : i32
      %dma_start3A_341 = arith.constant 0 : i32
      %dma_start3A_342 = tpu.memref_slice %arg8[%dma_start3A_340, %dma_start3A_341] : memref<10000x64xf32, #tpu.memory_space<vmem_shared>> -> memref<10000x64xf32, #tpu.memory_space<vmem_shared>>
      tpu.enqueue_indirect_dma source(%dma_start3A_342 : memref<10000x64xf32, #tpu.memory_space<vmem_shared>>) target(%arg12 : memref<128x64xf32, #tpu.memory_space<vmem>>) offsets(%dma_start3A_339 : memref<128xi32, #tpu.memory_space<vmem>>) semaphore(%arg16 : memref<!tpu.dma_semaphore, #tpu.memory_space<semaphore_mem>>)
      %add3A_343 = arith.constant 1 : i32
      %add3A_344 = arith.addi %add3A_252, %add3A_343 : i32
      %dma_wait3A_345 = arith.constant 0 : i32
      %dma_wait3A_346 = tpu.memref_slice %arg11[%add3A_344, %dma_wait3A_345] : memref<40x128xi32, #tpu.memory_space<vmem>> -> memref<1x128xi32, #tpu.memory_space<vmem>>
      %dma_wait3A_347 = tpu.memref_squeeze %dma_wait3A_346 : memref<1x128xi32, #tpu.memory_space<vmem>> -> memref<128xi32, #tpu.memory_space<vmem>>
      %dma_wait3A_348 = arith.constant 0 : i32
      %dma_wait3A_349 = arith.constant 0 : i32
      %dma_wait3A_350 = tpu.memref_slice %arg9[%dma_wait3A_348, %dma_wait3A_349] : memref<10008x64xf32, #tpu.memory_space<vmem_shared>> -> memref<10008x64xf32, #tpu.memory_space<vmem_shared>>
      tpu.wait_indirect_dma semaphore(%arg21 : memref<!tpu.dma_semaphore, #tpu.memory_space<semaphore_mem>>) src(%arg13 : memref<128x64xf32, #tpu.memory_space<vmem>>) dst(%dma_wait3A_350 : memref<10008x64xf32, #tpu.memory_space<vmem_shared>>)
      %add3A_351 = arith.constant 1 : i32
      %add3A_352 = arith.addi %add3A_252, %add3A_351 : i32
      %add3A_353 = arith.constant 4 : i32
      %add3A_354 = arith.addi %add3A_352, %add3A_353 : i32
      %dma_start3A_355 = arith.constant 0 : i32
      %dma_start3A_356 = tpu.memref_slice %arg10[%add3A_354, %dma_start3A_355] : memref<40x128xi32, #tpu.memory_space<vmem>> -> memref<1x128xi32, #tpu.memory_space<vmem>>
      %dma_start3A_357 = tpu.memref_squeeze %dma_start3A_356 : memref<1x128xi32, #tpu.memory_space<vmem>> -> memref<128xi32, #tpu.memory_space<vmem>>
      %dma_start3A_358 = arith.constant 0 : i32
      %dma_start3A_359 = arith.constant 0 : i32
      %dma_start3A_360 = tpu.memref_slice %arg8[%dma_start3A_358, %dma_start3A_359] : memref<10000x64xf32, #tpu.memory_space<vmem_shared>> -> memref<10000x64xf32, #tpu.memory_space<vmem_shared>>
      tpu.enqueue_indirect_dma source(%dma_start3A_360 : memref<10000x64xf32, #tpu.memory_space<vmem_shared>>) target(%arg13 : memref<128x64xf32, #tpu.memory_space<vmem>>) offsets(%dma_start3A_357 : memref<128xi32, #tpu.memory_space<vmem>>) semaphore(%arg17 : memref<!tpu.dma_semaphore, #tpu.memory_space<semaphore_mem>>)
      %add3A_361 = arith.constant 2 : i32
      %add3A_362 = arith.addi %add3A_252, %add3A_361 : i32
      %dma_wait3A_363 = arith.constant 0 : i32
      %dma_wait3A_364 = tpu.memref_slice %arg11[%add3A_362, %dma_wait3A_363] : memref<40x128xi32, #tpu.memory_space<vmem>> -> memref<1x128xi32, #tpu.memory_space<vmem>>
      %dma_wait3A_365 = tpu.memref_squeeze %dma_wait3A_364 : memref<1x128xi32, #tpu.memory_space<vmem>> -> memref<128xi32, #tpu.memory_space<vmem>>
      %dma_wait3A_366 = arith.constant 0 : i32
      %dma_wait3A_367 = arith.constant 0 : i32
      %dma_wait3A_368 = tpu.memref_slice %arg9[%dma_wait3A_366, %dma_wait3A_367] : memref<10008x64xf32, #tpu.memory_space<vmem_shared>> -> memref<10008x64xf32, #tpu.memory_space<vmem_shared>>
      tpu.wait_indirect_dma semaphore(%arg22 : memref<!tpu.dma_semaphore, #tpu.memory_space<semaphore_mem>>) src(%arg14 : memref<128x64xf32, #tpu.memory_space<vmem>>) dst(%dma_wait3A_368 : memref<10008x64xf32, #tpu.memory_space<vmem_shared>>)
      %add3A_369 = arith.constant 2 : i32
      %add3A_370 = arith.addi %add3A_252, %add3A_369 : i32
      %add3A_371 = arith.constant 4 : i32
      %add3A_372 = arith.addi %add3A_370, %add3A_371 : i32
      %dma_start3A_373 = arith.constant 0 : i32
      %dma_start3A_374 = tpu.memref_slice %arg10[%add3A_372, %dma_start3A_373] : memref<40x128xi32, #tpu.memory_space<vmem>> -> memref<1x128xi32, #tpu.memory_space<vmem>>
      %dma_start3A_375 = tpu.memref_squeeze %dma_start3A_374 : memref<1x128xi32, #tpu.memory_space<vmem>> -> memref<128xi32, #tpu.memory_space<vmem>>
      %dma_start3A_376 = arith.constant 0 : i32
      %dma_start3A_377 = arith.constant 0 : i32
      %dma_start3A_378 = tpu.memref_slice %arg8[%dma_start3A_376, %dma_start3A_377] : memref<10000x64xf32, #tpu.memory_space<vmem_shared>> -> memref<10000x64xf32, #tpu.memory_space<vmem_shared>>
      tpu.enqueue_indirect_dma source(%dma_start3A_378 : memref<10000x64xf32, #tpu.memory_space<vmem_shared>>) target(%arg14 : memref<128x64xf32, #tpu.memory_space<vmem>>) offsets(%dma_start3A_375 : memref<128xi32, #tpu.memory_space<vmem>>) semaphore(%arg18 : memref<!tpu.dma_semaphore, #tpu.memory_space<semaphore_mem>>)
      %add3A_379 = arith.constant 3 : i32
      %add3A_380 = arith.addi %add3A_252, %add3A_379 : i32
      %dma_wait3A_381 = arith.constant 0 : i32
      %dma_wait3A_382 = tpu.memref_slice %arg11[%add3A_380, %dma_wait3A_381] : memref<40x128xi32, #tpu.memory_space<vmem>> -> memref<1x128xi32, #tpu.memory_space<vmem>>
      %dma_wait3A_383 = tpu.memref_squeeze %dma_wait3A_382 : memref<1x128xi32, #tpu.memory_space<vmem>> -> memref<128xi32, #tpu.memory_space<vmem>>
      %dma_wait3A_384 = arith.constant 0 : i32
      %dma_wait3A_385 = arith.constant 0 : i32
      %dma_wait3A_386 = tpu.memref_slice %arg9[%dma_wait3A_384, %dma_wait3A_385] : memref<10008x64xf32, #tpu.memory_space<vmem_shared>> -> memref<10008x64xf32, #tpu.memory_space<vmem_shared>>
      tpu.wait_indirect_dma semaphore(%arg23 : memref<!tpu.dma_semaphore, #tpu.memory_space<semaphore_mem>>) src(%arg15 : memref<128x64xf32, #tpu.memory_space<vmem>>) dst(%dma_wait3A_386 : memref<10008x64xf32, #tpu.memory_space<vmem_shared>>)
      %add3A_387 = arith.constant 3 : i32
      %add3A_388 = arith.addi %add3A_252, %add3A_387 : i32
      %add3A_389 = arith.constant 4 : i32
      %add3A_390 = arith.addi %add3A_388, %add3A_389 : i32
      %dma_start3A_391 = arith.constant 0 : i32
      %dma_start3A_392 = tpu.memref_slice %arg10[%add3A_390, %dma_start3A_391] : memref<40x128xi32, #tpu.memory_space<vmem>> -> memref<1x128xi32, #tpu.memory_space<vmem>>
      %dma_start3A_393 = tpu.memref_squeeze %dma_start3A_392 : memref<1x128xi32, #tpu.memory_space<vmem>> -> memref<128xi32, #tpu.memory_space<vmem>>
      %dma_start3A_394 = arith.constant 0 : i32
      %dma_start3A_395 = arith.constant 0 : i32
      %dma_start3A_396 = tpu.memref_slice %arg8[%dma_start3A_394, %dma_start3A_395] : memref<10000x64xf32, #tpu.memory_space<vmem_shared>> -> memref<10000x64xf32, #tpu.memory_space<vmem_shared>>
      tpu.enqueue_indirect_dma source(%dma_start3A_396 : memref<10000x64xf32, #tpu.memory_space<vmem_shared>>) target(%arg15 : memref<128x64xf32, #tpu.memory_space<vmem>>) offsets(%dma_start3A_393 : memref<128xi32, #tpu.memory_space<vmem>>) semaphore(%arg19 : memref<!tpu.dma_semaphore, #tpu.memory_space<semaphore_mem>>)
    }
    %scan3A_155 = arith.constant 9 : i32
    %dma_wait3A_156 = arith.constant 36 : i32
    %dma_wait3A_157 = arith.constant 0 : i32
    %dma_wait3A_158 = tpu.memref_slice %arg10[%dma_wait3A_156, %dma_wait3A_157] : memref<40x128xi32, #tpu.memory_space<vmem>> -> memref<1x128xi32, #tpu.memory_space<vmem>>
    %dma_wait3A_159 = tpu.memref_squeeze %dma_wait3A_158 : memref<1x128xi32, #tpu.memory_space<vmem>> -> memref<128xi32, #tpu.memory_space<vmem>>
    %dma_wait3A_160 = arith.constant 0 : i32
    %dma_wait3A_161 = arith.constant 0 : i32
    %dma_wait3A_162 = tpu.memref_slice %arg8[%dma_wait3A_160, %dma_wait3A_161] : memref<10000x64xf32, #tpu.memory_space<vmem_shared>> -> memref<10000x64xf32, #tpu.memory_space<vmem_shared>>
    tpu.wait_indirect_dma semaphore(%arg16 : memref<!tpu.dma_semaphore, #tpu.memory_space<semaphore_mem>>) src(%dma_wait3A_162 : memref<10000x64xf32, #tpu.memory_space<vmem_shared>>) dst(%arg12 : memref<128x64xf32, #tpu.memory_space<vmem>>)
    %dma_start3A_163 = arith.constant 36 : i32
    %dma_start3A_164 = arith.constant 0 : i32
    %dma_start3A_165 = tpu.memref_slice %arg11[%dma_start3A_163, %dma_start3A_164] : memref<40x128xi32, #tpu.memory_space<vmem>> -> memref<1x128xi32, #tpu.memory_space<vmem>>
    %dma_start3A_166 = tpu.memref_squeeze %dma_start3A_165 : memref<1x128xi32, #tpu.memory_space<vmem>> -> memref<128xi32, #tpu.memory_space<vmem>>
    %dma_start3A_167 = arith.constant 0 : i32
    %dma_start3A_168 = arith.constant 0 : i32
    %dma_start3A_169 = tpu.memref_slice %arg9[%dma_start3A_167, %dma_start3A_168] : memref<10008x64xf32, #tpu.memory_space<vmem_shared>> -> memref<10008x64xf32, #tpu.memory_space<vmem_shared>>
    tpu.enqueue_indirect_dma source(%arg12 : memref<128x64xf32, #tpu.memory_space<vmem>>) target(%dma_start3A_169 : memref<10008x64xf32, #tpu.memory_space<vmem_shared>>) offsets(%dma_start3A_166 : memref<128xi32, #tpu.memory_space<vmem>>) semaphore(%arg20 : memref<!tpu.dma_semaphore, #tpu.memory_space<semaphore_mem>>) {add = true}
    %dma_wait3A_170 = arith.constant 37 : i32
    %dma_wait3A_171 = arith.constant 0 : i32
    %dma_wait3A_172 = tpu.memref_slice %arg10[%dma_wait3A_170, %dma_wait3A_171] : memref<40x128xi32, #tpu.memory_space<vmem>> -> memref<1x128xi32, #tpu.memory_space<vmem>>
    %dma_wait3A_173 = tpu.memref_squeeze %dma_wait3A_172 : memref<1x128xi32, #tpu.memory_space<vmem>> -> memref<128xi32, #tpu.memory_space<vmem>>
    %dma_wait3A_174 = arith.constant 0 : i32
    %dma_wait3A_175 = arith.constant 0 : i32
    %dma_wait3A_176 = tpu.memref_slice %arg8[%dma_wait3A_174, %dma_wait3A_175] : memref<10000x64xf32, #tpu.memory_space<vmem_shared>> -> memref<10000x64xf32, #tpu.memory_space<vmem_shared>>
    tpu.wait_indirect_dma semaphore(%arg17 : memref<!tpu.dma_semaphore, #tpu.memory_space<semaphore_mem>>) src(%dma_wait3A_176 : memref<10000x64xf32, #tpu.memory_space<vmem_shared>>) dst(%arg13 : memref<128x64xf32, #tpu.memory_space<vmem>>)
    %dma_start3A_177 = arith.constant 37 : i32
    %dma_start3A_178 = arith.constant 0 : i32
    %dma_start3A_179 = tpu.memref_slice %arg11[%dma_start3A_177, %dma_start3A_178] : memref<40x128xi32, #tpu.memory_space<vmem>> -> memref<1x128xi32, #tpu.memory_space<vmem>>
    %dma_start3A_180 = tpu.memref_squeeze %dma_start3A_179 : memref<1x128xi32, #tpu.memory_space<vmem>> -> memref<128xi32, #tpu.memory_space<vmem>>
    %dma_start3A_181 = arith.constant 0 : i32
    %dma_start3A_182 = arith.constant 0 : i32
    %dma_start3A_183 = tpu.memref_slice %arg9[%dma_start3A_181, %dma_start3A_182] : memref<10008x64xf32, #tpu.memory_space<vmem_shared>> -> memref<10008x64xf32, #tpu.memory_space<vmem_shared>>
    tpu.enqueue_indirect_dma source(%arg13 : memref<128x64xf32, #tpu.memory_space<vmem>>) target(%dma_start3A_183 : memref<10008x64xf32, #tpu.memory_space<vmem_shared>>) offsets(%dma_start3A_180 : memref<128xi32, #tpu.memory_space<vmem>>) semaphore(%arg21 : memref<!tpu.dma_semaphore, #tpu.memory_space<semaphore_mem>>) {add = true}
    %dma_wait3A_184 = arith.constant 38 : i32
    %dma_wait3A_185 = arith.constant 0 : i32
    %dma_wait3A_186 = tpu.memref_slice %arg10[%dma_wait3A_184, %dma_wait3A_185] : memref<40x128xi32, #tpu.memory_space<vmem>> -> memref<1x128xi32, #tpu.memory_space<vmem>>
    %dma_wait3A_187 = tpu.memref_squeeze %dma_wait3A_186 : memref<1x128xi32, #tpu.memory_space<vmem>> -> memref<128xi32, #tpu.memory_space<vmem>>
    %dma_wait3A_188 = arith.constant 0 : i32
    %dma_wait3A_189 = arith.constant 0 : i32
    %dma_wait3A_190 = tpu.memref_slice %arg8[%dma_wait3A_188, %dma_wait3A_189] : memref<10000x64xf32, #tpu.memory_space<vmem_shared>> -> memref<10000x64xf32, #tpu.memory_space<vmem_shared>>
    tpu.wait_indirect_dma semaphore(%arg18 : memref<!tpu.dma_semaphore, #tpu.memory_space<semaphore_mem>>) src(%dma_wait3A_190 : memref<10000x64xf32, #tpu.memory_space<vmem_shared>>) dst(%arg14 : memref<128x64xf32, #tpu.memory_space<vmem>>)
    %dma_start3A_191 = arith.constant 38 : i32
    %dma_start3A_192 = arith.constant 0 : i32
    %dma_start3A_193 = tpu.memref_slice %arg11[%dma_start3A_191, %dma_start3A_192] : memref<40x128xi32, #tpu.memory_space<vmem>> -> memref<1x128xi32, #tpu.memory_space<vmem>>
    %dma_start3A_194 = tpu.memref_squeeze %dma_start3A_193 : memref<1x128xi32, #tpu.memory_space<vmem>> -> memref<128xi32, #tpu.memory_space<vmem>>
    %dma_start3A_195 = arith.constant 0 : i32
    %dma_start3A_196 = arith.constant 0 : i32
    %dma_start3A_197 = tpu.memref_slice %arg9[%dma_start3A_195, %dma_start3A_196] : memref<10008x64xf32, #tpu.memory_space<vmem_shared>> -> memref<10008x64xf32, #tpu.memory_space<vmem_shared>>
    tpu.enqueue_indirect_dma source(%arg14 : memref<128x64xf32, #tpu.memory_space<vmem>>) target(%dma_start3A_197 : memref<10008x64xf32, #tpu.memory_space<vmem_shared>>) offsets(%dma_start3A_194 : memref<128xi32, #tpu.memory_space<vmem>>) semaphore(%arg22 : memref<!tpu.dma_semaphore, #tpu.memory_space<semaphore_mem>>) {add = true}
    %dma_wait3A_198 = arith.constant 39 : i32
    %dma_wait3A_199 = arith.constant 0 : i32
    %dma_wait3A_200 = tpu.memref_slice %arg10[%dma_wait3A_198, %dma_wait3A_199] : memref<40x128xi32, #tpu.memory_space<vmem>> -> memref<1x128xi32, #tpu.memory_space<vmem>>
    %dma_wait3A_201 = tpu.memref_squeeze %dma_wait3A_200 : memref<1x128xi32, #tpu.memory_space<vmem>> -> memref<128xi32, #tpu.memory_space<vmem>>
    %dma_wait3A_202 = arith.constant 0 : i32
    %dma_wait3A_203 = arith.constant 0 : i32
    %dma_wait3A_204 = tpu.memref_slice %arg8[%dma_wait3A_202, %dma_wait3A_203] : memref<10000x64xf32, #tpu.memory_space<vmem_shared>> -> memref<10000x64xf32, #tpu.memory_space<vmem_shared>>
    tpu.wait_indirect_dma semaphore(%arg19 : memref<!tpu.dma_semaphore, #tpu.memory_space<semaphore_mem>>) src(%dma_wait3A_204 : memref<10000x64xf32, #tpu.memory_space<vmem_shared>>) dst(%arg15 : memref<128x64xf32, #tpu.memory_space<vmem>>)
    %dma_start3A_205 = arith.constant 39 : i32
    %dma_start3A_206 = arith.constant 0 : i32
    %dma_start3A_207 = tpu.memref_slice %arg11[%dma_start3A_205, %dma_start3A_206] : memref<40x128xi32, #tpu.memory_space<vmem>> -> memref<1x128xi32, #tpu.memory_space<vmem>>
    %dma_start3A_208 = tpu.memref_squeeze %dma_start3A_207 : memref<1x128xi32, #tpu.memory_space<vmem>> -> memref<128xi32, #tpu.memory_space<vmem>>
    %dma_start3A_209 = arith.constant 0 : i32
    %dma_start3A_210 = arith.constant 0 : i32
    %dma_start3A_211 = tpu.memref_slice %arg9[%dma_start3A_209, %dma_start3A_210] : memref<10008x64xf32, #tpu.memory_space<vmem_shared>> -> memref<10008x64xf32, #tpu.memory_space<vmem_shared>>
    tpu.enqueue_indirect_dma source(%arg15 : memref<128x64xf32, #tpu.memory_space<vmem>>) target(%dma_start3A_211 : memref<10008x64xf32, #tpu.memory_space<vmem_shared>>) offsets(%dma_start3A_208 : memref<128xi32, #tpu.memory_space<vmem>>) semaphore(%arg23 : memref<!tpu.dma_semaphore, #tpu.memory_space<semaphore_mem>>) {add = true}
    %dma_wait3A_212 = arith.constant 36 : i32
    %dma_wait3A_213 = arith.constant 0 : i32
    %dma_wait3A_214 = tpu.memref_slice %arg11[%dma_wait3A_212, %dma_wait3A_213] : memref<40x128xi32, #tpu.memory_space<vmem>> -> memref<1x128xi32, #tpu.memory_space<vmem>>
    %dma_wait3A_215 = tpu.memref_squeeze %dma_wait3A_214 : memref<1x128xi32, #tpu.memory_space<vmem>> -> memref<128xi32, #tpu.memory_space<vmem>>
    %dma_wait3A_216 = arith.constant 0 : i32
    %dma_wait3A_217 = arith.constant 0 : i32
    %dma_wait3A_218 = tpu.memref_slice %arg9[%dma_wait3A_216, %dma_wait3A_217] : memref<10008x64xf32, #tpu.memory_space<vmem_shared>> -> memref<10008x64xf32, #tpu.memory_space<vmem_shared>>
    tpu.wait_indirect_dma semaphore(%arg20 : memref<!tpu.dma_semaphore, #tpu.memory_space<semaphore_mem>>) src(%arg12 : memref<128x64xf32, #tpu.memory_space<vmem>>) dst(%dma_wait3A_218 : memref<10008x64xf32, #tpu.memory_space<vmem_shared>>)
    %dma_wait3A_219 = arith.constant 37 : i32
    %dma_wait3A_220 = arith.constant 0 : i32
    %dma_wait3A_221 = tpu.memref_slice %arg11[%dma_wait3A_219, %dma_wait3A_220] : memref<40x128xi32, #tpu.memory_space<vmem>> -> memref<1x128xi32, #tpu.memory_space<vmem>>
    %dma_wait3A_222 = tpu.memref_squeeze %dma_wait3A_221 : memref<1x128xi32, #tpu.memory_space<vmem>> -> memref<128xi32, #tpu.memory_space<vmem>>
    %dma_wait3A_223 = arith.constant 0 : i32
    %dma_wait3A_224 = arith.constant 0 : i32
    %dma_wait3A_225 = tpu.memref_slice %arg9[%dma_wait3A_223, %dma_wait3A_224] : memref<10008x64xf32, #tpu.memory_space<vmem_shared>> -> memref<10008x64xf32, #tpu.memory_space<vmem_shared>>
    tpu.wait_indirect_dma semaphore(%arg21 : memref<!tpu.dma_semaphore, #tpu.memory_space<semaphore_mem>>) src(%arg13 : memref<128x64xf32, #tpu.memory_space<vmem>>) dst(%dma_wait3A_225 : memref<10008x64xf32, #tpu.memory_space<vmem_shared>>)
    %dma_wait3A_226 = arith.constant 38 : i32
    %dma_wait3A_227 = arith.constant 0 : i32
    %dma_wait3A_228 = tpu.memref_slice %arg11[%dma_wait3A_226, %dma_wait3A_227] : memref<40x128xi32, #tpu.memory_space<vmem>> -> memref<1x128xi32, #tpu.memory_space<vmem>>
    %dma_wait3A_229 = tpu.memref_squeeze %dma_wait3A_228 : memref<1x128xi32, #tpu.memory_space<vmem>> -> memref<128xi32, #tpu.memory_space<vmem>>
    %dma_wait3A_230 = arith.constant 0 : i32
    %dma_wait3A_231 = arith.constant 0 : i32
    %dma_wait3A_232 = tpu.memref_slice %arg9[%dma_wait3A_230, %dma_wait3A_231] : memref<10008x64xf32, #tpu.memory_space<vmem_shared>> -> memref<10008x64xf32, #tpu.memory_space<vmem_shared>>
    tpu.wait_indirect_dma semaphore(%arg22 : memref<!tpu.dma_semaphore, #tpu.memory_space<semaphore_mem>>) src(%arg14 : memref<128x64xf32, #tpu.memory_space<vmem>>) dst(%dma_wait3A_232 : memref<10008x64xf32, #tpu.memory_space<vmem_shared>>)
    %dma_wait3A_233 = arith.constant 39 : i32
    %dma_wait3A_234 = arith.constant 0 : i32
    %dma_wait3A_235 = tpu.memref_slice %arg11[%dma_wait3A_233, %dma_wait3A_234] : memref<40x128xi32, #tpu.memory_space<vmem>> -> memref<1x128xi32, #tpu.memory_space<vmem>>
    %dma_wait3A_236 = tpu.memref_squeeze %dma_wait3A_235 : memref<1x128xi32, #tpu.memory_space<vmem>> -> memref<128xi32, #tpu.memory_space<vmem>>
    %dma_wait3A_237 = arith.constant 0 : i32
    %dma_wait3A_238 = arith.constant 0 : i32
    %dma_wait3A_239 = tpu.memref_slice %arg9[%dma_wait3A_237, %dma_wait3A_238] : memref<10008x64xf32, #tpu.memory_space<vmem_shared>> -> memref<10008x64xf32, #tpu.memory_space<vmem_shared>>
    tpu.wait_indirect_dma semaphore(%arg23 : memref<!tpu.dma_semaphore, #tpu.memory_space<semaphore_mem>>) src(%arg15 : memref<128x64xf32, #tpu.memory_space<vmem>>) dst(%dma_wait3A_239 : memref<10008x64xf32, #tpu.memory_space<vmem_shared>>)
    %barrier3A_240 = arith.constant 0 : index
    tpu.barrier barrier_id(%barrier3A_240)
    %eq3A = arith.constant 0 : i32
    %eq3A_241 = arith.cmpi eq, %arg0, %eq3A : i32
    %convert_element_type3A = arith.extui %eq3A_241 : i1 to i32
    %cond3A = arith.constant 0 : i32
    %cond3A_242 = arith.cmpi ne, %convert_element_type3A, %cond3A : i32
    scf.if %cond3A_242 {
      "tpu.region"() ({
        %run_scoped3A = tpu.sem_alloc : memref<!tpu.dma_semaphore, #tpu.memory_space<semaphore_mem>>
        %dma_start3A_248 = arith.constant 0 : i32
        %dma_start3A_249 = tpu.memref_slice %arg6[%mul3A_0, %dma_start3A_248] : memref<10000x64xf32, #tpu.memory_space<hbm>> -> memref<625x64xf32, #tpu.memory_space<hbm>>
        %dma_start3A_250 = arith.constant 0 : i32
        %dma_start3A_251 = tpu.memref_slice %arg9[%mul3A_0, %dma_start3A_250] : memref<10008x64xf32, #tpu.memory_space<vmem_shared>> -> memref<625x64xf32, #tpu.memory_space<vmem_shared>>
        tpu.enqueue_dma source(%dma_start3A_251 : memref<625x64xf32, #tpu.memory_space<vmem_shared>>) target(%dma_start3A_249 : memref<625x64xf32, #tpu.memory_space<hbm>>) target_semaphore(%run_scoped3A : memref<!tpu.dma_semaphore, #tpu.memory_space<semaphore_mem>>)
        %dma_wait3A_252 = arith.constant 0 : i32
        %dma_wait3A_253 = tpu.memref_slice %arg6[%mul3A_0, %dma_wait3A_252] : memref<10000x64xf32, #tpu.memory_space<hbm>> -> memref<625x64xf32, #tpu.memory_space<hbm>>
        %dma_wait3A_254 = arith.constant 0 : i32
        %dma_wait3A_255 = tpu.memref_slice %arg9[%mul3A_0, %dma_wait3A_254] : memref<10008x64xf32, #tpu.memory_space<vmem_shared>> -> memref<625x64xf32, #tpu.memory_space<vmem_shared>>
        tpu.wait_dma2 semaphore(%run_scoped3A : memref<!tpu.dma_semaphore, #tpu.memory_space<semaphore_mem>>) src(%dma_wait3A_255 : memref<625x64xf32, #tpu.memory_space<vmem_shared>>) dst(%dma_wait3A_253 : memref<625x64xf32, #tpu.memory_space<hbm>>)
        tpu.yield
      }) : () -> ()
    } else {
    }
    %eq3A_243 = arith.constant 1 : i32
    %eq3A_244 = arith.cmpi eq, %arg0, %eq3A_243 : i32
    %convert_element_type3A_245 = arith.extui %eq3A_244 : i1 to i32
    %cond3A_246 = arith.constant 0 : i32
    %cond3A_247 = arith.cmpi ne, %convert_element_type3A_245, %cond3A_246 : i32
    scf.if %cond3A_247 {
      "tpu.region"() ({
        %run_scoped3A = tpu.sem_alloc : memref<!tpu.dma_semaphore, #tpu.memory_space<semaphore_mem>>
        %dma_start3A_248 = arith.constant 0 : i32
        %dma_start3A_249 = tpu.memref_slice %arg7[%mul3A_0, %dma_start3A_248] : memref<10000x64xf32, #tpu.memory_space<hbm>> -> memref<625x64xf32, #tpu.memory_space<hbm>>
        %dma_start3A_250 = arith.constant 0 : i32
        %dma_start3A_251 = tpu.memref_slice %arg9[%mul3A_0, %dma_start3A_250] : memref<10008x64xf32, #tpu.memory_space<vmem_shared>> -> memref<625x64xf32, #tpu.memory_space<vmem_shared>>
        tpu.enqueue_dma source(%dma_start3A_251 : memref<625x64xf32, #tpu.memory_space<vmem_shared>>) target(%dma_start3A_249 : memref<625x64xf32, #tpu.memory_space<hbm>>) target_semaphore(%run_scoped3A : memref<!tpu.dma_semaphore, #tpu.memory_space<semaphore_mem>>)
        %dma_wait3A_252 = arith.constant 0 : i32
        %dma_wait3A_253 = tpu.memref_slice %arg7[%mul3A_0, %dma_wait3A_252] : memref<10000x64xf32, #tpu.memory_space<hbm>> -> memref<625x64xf32, #tpu.memory_space<hbm>>
        %dma_wait3A_254 = arith.constant 0 : i32
        %dma_wait3A_255 = tpu.memref_slice %arg9[%mul3A_0, %dma_wait3A_254] : memref<10008x64xf32, #tpu.memory_space<vmem_shared>> -> memref<625x64xf32, #tpu.memory_space<vmem_shared>>
        tpu.wait_dma2 semaphore(%run_scoped3A : memref<!tpu.dma_semaphore, #tpu.memory_space<semaphore_mem>>) src(%dma_wait3A_255 : memref<625x64xf32, #tpu.memory_space<vmem_shared>>) dst(%dma_wait3A_253 : memref<625x64xf32, #tpu.memory_space<hbm>>)
        tpu.yield
      }) : () -> ()
    } else {
    }
    return
  }
}

module attributes {stable_mosaic.version = 14 : i64} {
  func.func @body(%arg0: i32, %arg1: memref<1000x64xf32, #tpu.memory_space<vmem>>, %arg2: memref<1000x64xf32, #tpu.memory_space<vmem>>, %arg3: memref<1x1x1000xf32, #tpu.memory_space<vmem>>, %arg4: memref<1000x128xf32, #tpu.memory_space<vmem>>, %arg5: memref<1x64xf32, #tpu.memory_space<vmem>>, %arg6: memref<64x64xf32, #tpu.memory_space<vmem>>, %arg7: memref<64x64xf32, #tpu.memory_space<vmem>>, %arg8: memref<128x64xf32, #tpu.memory_space<vmem>>, %arg9: memref<1000x64xf32, #tpu.memory_space<vmem>>) attributes {dimension_semantics = [#tpu.dimension_semantics<arbitrary>], iteration_bounds = array<i64: 10>, scalar_prefetch = 0 : i64, scratch_operands = 0 : i64, tpu.core_type = #tpu.core_type<tc>, window_params = [{transform_indices = @transform_0, window_bounds = array<i64: 1000, 64>}, {transform_indices = @transform_1, window_bounds = array<i64: 1000, 64>}, {transform_indices = @transform_2, window_bounds = array<i64: 1, 1, 1000>}, {transform_indices = @transform_3, window_bounds = array<i64: 1000, 128>}, {pipeline_mode = #tpu.pipeline_mode<synchronous>, transform_indices = @transform_4, window_bounds = array<i64: 1, 64>}, {pipeline_mode = #tpu.pipeline_mode<synchronous>, transform_indices = @transform_5, window_bounds = array<i64: 64, 64>}, {pipeline_mode = #tpu.pipeline_mode<synchronous>, transform_indices = @transform_6, window_bounds = array<i64: 64, 64>}, {pipeline_mode = #tpu.pipeline_mode<synchronous>, transform_indices = @transform_7, window_bounds = array<i64: 128, 64>}, {transform_indices = @transform_8, window_bounds = array<i64: 1000, 64>}]} {
    %get3A = arith.constant 0 : index
    %get3A_0 = arith.constant 0 : index
    %get3A_1 = arith.constant 0 : index
    %get3A_2 = vector.load %arg3[%get3A, %get3A_0, %get3A_1] : memref<1x1x1000xf32, #tpu.memory_space<vmem>>, vector<1x1x1000xf32>
    %get3A_3 = vector.shape_cast %get3A_2 : vector<1x1x1000xf32> to vector<1000xf32>
    %max3A = arith.constant 1.000000e+00 : f32
    %max3A_4 = vector.broadcast %max3A : f32 to vector<1000xf32>
    %max3A_5 = arith.maximumf %get3A_3, %max3A_4 : vector<1000xf32>
    %broadcast_in_dim3A = vector.shape_cast %max3A_5 : vector<1000xf32> to vector<1000x1xf32>
    %get3A_6 = arith.constant 0 : index
    %get3A_7 = arith.constant 0 : index
    %get3A_8 = vector.load %arg1[%get3A_6, %get3A_7] : memref<1000x64xf32, #tpu.memory_space<vmem>>, vector<1000x64xf32>
    %div3A = vector.broadcast %broadcast_in_dim3A : vector<1000x1xf32> to vector<1000x64xf32>
    %div3A_9 = arith.divf %get3A_8, %div3A : vector<1000x64xf32>
    %get3A_10 = arith.constant 0 : index
    %get3A_11 = arith.constant 0 : index
    %get3A_12 = vector.load %arg6[%get3A_10, %get3A_11] : memref<64x64xf32, #tpu.memory_space<vmem>>, vector<64x64xf32>
    %convert_element_type3A = arith.truncf %div3A_9 : vector<1000x64xf32> to vector<1000x64xbf16>
    %convert_element_type3A_13 = arith.extf %convert_element_type3A : vector<1000x64xbf16> to vector<1000x64xf32>
    %convert_element_type3A_14 = arith.truncf %get3A_12 : vector<64x64xf32> to vector<64x64xbf16>
    %convert_element_type3A_15 = arith.extf %convert_element_type3A_14 : vector<64x64xbf16> to vector<64x64xf32>
    %dot_general3A = arith.constant dense<0.000000e+00> : vector<1000x64xf32>
    %dot_general3A_16 = tpu.matmul %convert_element_type3A_13, %convert_element_type3A_15, %dot_general3A {dimension_numbers = #tpu.dot_dimension_numbers<[1], [0], [0], [1], [0, 0, 1, 1], [], []>, transpose_lhs_hint = false} : vector<1000x64xf32>, vector<64x64xf32>, vector<1000x64xf32> -> vector<1000x64xf32>
    %get3A_17 = arith.constant 0 : index
    %get3A_18 = arith.constant 0 : index
    %get3A_19 = vector.load %arg2[%get3A_17, %get3A_18] : memref<1000x64xf32, #tpu.memory_space<vmem>>, vector<1000x64xf32>
    %div3A_20 = vector.broadcast %broadcast_in_dim3A : vector<1000x1xf32> to vector<1000x64xf32>
    %div3A_21 = arith.divf %get3A_19, %div3A_20 : vector<1000x64xf32>
    %get3A_22 = arith.constant 0 : index
    %get3A_23 = arith.constant 0 : index
    %get3A_24 = vector.load %arg7[%get3A_22, %get3A_23] : memref<64x64xf32, #tpu.memory_space<vmem>>, vector<64x64xf32>
    %convert_element_type3A_25 = arith.truncf %div3A_21 : vector<1000x64xf32> to vector<1000x64xbf16>
    %convert_element_type3A_26 = arith.extf %convert_element_type3A_25 : vector<1000x64xbf16> to vector<1000x64xf32>
    %convert_element_type3A_27 = arith.truncf %get3A_24 : vector<64x64xf32> to vector<64x64xbf16>
    %convert_element_type3A_28 = arith.extf %convert_element_type3A_27 : vector<64x64xbf16> to vector<64x64xf32>
    %dot_general3A_29 = arith.constant dense<0.000000e+00> : vector<1000x64xf32>
    %dot_general3A_30 = tpu.matmul %convert_element_type3A_26, %convert_element_type3A_28, %dot_general3A_29 {dimension_numbers = #tpu.dot_dimension_numbers<[1], [0], [0], [1], [0, 0, 1, 1], [], []>, transpose_lhs_hint = false} : vector<1000x64xf32>, vector<64x64xf32>, vector<1000x64xf32> -> vector<1000x64xf32>
    %add3A = arith.addf %dot_general3A_16, %dot_general3A_30 : vector<1000x64xf32>
    %get3A_31 = arith.constant 0 : index
    %get3A_32 = arith.constant 0 : index
    %get3A_33 = vector.load %arg5[%get3A_31, %get3A_32] : memref<1x64xf32, #tpu.memory_space<vmem>>, vector<1x64xf32>
    %add3A_34 = vector.broadcast %get3A_33 : vector<1x64xf32> to vector<1000x64xf32>
    %add3A_35 = arith.addf %add3A, %add3A_34 : vector<1000x64xf32>
    %get3A_36 = arith.constant 0 : index
    %get3A_37 = arith.constant 0 : index
    %get3A_38 = vector.load %arg4[%get3A_36, %get3A_37] : memref<1000x128xf32, #tpu.memory_space<vmem>>, vector<1000x128xf32>
    %get3A_39 = arith.constant 0 : index
    %get3A_40 = arith.constant 0 : index
    %get3A_41 = vector.load %arg8[%get3A_39, %get3A_40] : memref<128x64xf32, #tpu.memory_space<vmem>>, vector<128x64xf32>
    %convert_element_type3A_42 = arith.truncf %get3A_38 : vector<1000x128xf32> to vector<1000x128xbf16>
    %convert_element_type3A_43 = arith.extf %convert_element_type3A_42 : vector<1000x128xbf16> to vector<1000x128xf32>
    %convert_element_type3A_44 = arith.truncf %get3A_41 : vector<128x64xf32> to vector<128x64xbf16>
    %convert_element_type3A_45 = arith.extf %convert_element_type3A_44 : vector<128x64xbf16> to vector<128x64xf32>
    %dot_general3A_46 = arith.constant dense<0.000000e+00> : vector<1000x64xf32>
    %dot_general3A_47 = tpu.matmul %convert_element_type3A_43, %convert_element_type3A_45, %dot_general3A_46 {dimension_numbers = #tpu.dot_dimension_numbers<[1], [0], [0], [1], [0, 0, 1, 1], [], []>, transpose_lhs_hint = false} : vector<1000x128xf32>, vector<128x64xf32>, vector<1000x64xf32> -> vector<1000x64xf32>
    %add3A_48 = arith.addf %add3A_35, %dot_general3A_47 : vector<1000x64xf32>
    %max3A_49 = arith.constant 0.000000e+00 : f32
    %max3A_50 = vector.broadcast %max3A_49 : f32 to vector<1000x64xf32>
    %max3A_51 = arith.maximumf %add3A_48, %max3A_50 : vector<1000x64xf32>
    %swap3A = arith.constant 0 : index
    %swap3A_52 = arith.constant 0 : index
    %swap3A_53 = vector.load %arg9[%swap3A, %swap3A_52] : memref<1000x64xf32, #tpu.memory_space<vmem>>, vector<1000x64xf32>
    tpu.vector_store %arg9[%swap3A, %swap3A_52], %max3A_51 {strides = array<i32>} : memref<1000x64xf32, #tpu.memory_space<vmem>>, vector<1000x64xf32>,
    return
  }
  func.func @transform_0(%arg0: i32) -> (i32, i32) {
    %c0_i32 = arith.constant 0 : i32
    %c0_i32_0 = arith.constant 0 : i32
    return %arg0, %c0_i32 : i32, i32
  }
  func.func @transform_1(%arg0: i32) -> (i32, i32) {
    %c0_i32 = arith.constant 0 : i32
    %c0_i32_0 = arith.constant 0 : i32
    return %arg0, %c0_i32 : i32, i32
  }
  func.func @transform_2(%arg0: i32) -> (i32, i32, i32) {
    %c0_i32 = arith.constant 0 : i32
    %c0_i32_0 = arith.constant 0 : i32
    %c0_i32_1 = arith.constant 0 : i32
    return %arg0, %c0_i32, %c0_i32_0 : i32, i32, i32
  }
  func.func @transform_3(%arg0: i32) -> (i32, i32) {
    %c0_i32 = arith.constant 0 : i32
    %c0_i32_0 = arith.constant 0 : i32
    return %arg0, %c0_i32 : i32, i32
  }
  func.func @transform_4(%arg0: i32) -> (i32, i32) {
    %c0_i32 = arith.constant 0 : i32
    %c0_i32_0 = arith.constant 0 : i32
    %c0_i32_1 = arith.constant 0 : i32
    return %c0_i32, %c0_i32_0 : i32, i32
  }
  func.func @transform_5(%arg0: i32) -> (i32, i32) {
    %c0_i32 = arith.constant 0 : i32
    %c0_i32_0 = arith.constant 0 : i32
    %c0_i32_1 = arith.constant 0 : i32
    return %c0_i32, %c0_i32_0 : i32, i32
  }
  func.func @transform_6(%arg0: i32) -> (i32, i32) {
    %c0_i32 = arith.constant 0 : i32
    %c0_i32_0 = arith.constant 0 : i32
    %c0_i32_1 = arith.constant 0 : i32
    return %c0_i32, %c0_i32_0 : i32, i32
  }
  func.func @transform_7(%arg0: i32) -> (i32, i32) {
    %c0_i32 = arith.constant 0 : i32
    %c0_i32_0 = arith.constant 0 : i32
    %c0_i32_1 = arith.constant 0 : i32
    return %c0_i32, %c0_i32_0 : i32, i32
  }
  func.func @transform_8(%arg0: i32) -> (i32, i32) {
    %c0_i32 = arith.constant 0 : i32
    %c0_i32_0 = arith.constant 0 : i32
    return %arg0, %c0_i32 : i32, i32
  }
}

module attributes {stable_mosaic.version = 14 : i64} {
  func.func @body(%arg0: i32, %arg1: memref<1000x64xf32, #tpu.memory_space<vmem>>, %arg2: memref<1000x64xf32, #tpu.memory_space<vmem>>, %arg3: memref<1x1x1000xf32, #tpu.memory_space<vmem>>, %arg4: memref<1000x64xf32, #tpu.memory_space<vmem>>, %arg5: memref<1x64xf32, #tpu.memory_space<vmem>>, %arg6: memref<64x64xf32, #tpu.memory_space<vmem>>, %arg7: memref<64x64xf32, #tpu.memory_space<vmem>>, %arg8: memref<1x1x1000xi32, #tpu.memory_space<vmem>>, %arg9: memref<1x64xf32, #tpu.memory_space<vmem>>, %arg10: memref<1x64xf32, #tpu.memory_space<vmem>>, %arg11: memref<64xf32, #tpu.memory_space<vmem>>, %arg12: memref<64x128xf32, #tpu.memory_space<vmem>>) attributes {dimension_semantics = [#tpu.dimension_semantics<arbitrary>], iteration_bounds = array<i64: 10>, scalar_prefetch = 0 : i64, scratch_operands = 1 : i64, tpu.core_type = #tpu.core_type<tc>, window_params = [{transform_indices = @transform_0, window_bounds = array<i64: 1000, 64>}, {transform_indices = @transform_1, window_bounds = array<i64: 1000, 64>}, {transform_indices = @transform_2, window_bounds = array<i64: 1, 1, 1000>}, {transform_indices = @transform_3, window_bounds = array<i64: 1000, 64>}, {pipeline_mode = #tpu.pipeline_mode<synchronous>, transform_indices = @transform_4, window_bounds = array<i64: 1, 64>}, {pipeline_mode = #tpu.pipeline_mode<synchronous>, transform_indices = @transform_5, window_bounds = array<i64: 64, 64>}, {pipeline_mode = #tpu.pipeline_mode<synchronous>, transform_indices = @transform_6, window_bounds = array<i64: 64, 64>}, {transform_indices = @transform_7, window_bounds = array<i64: 1, 1, 1000>}, {pipeline_mode = #tpu.pipeline_mode<synchronous>, transform_indices = @transform_8, window_bounds = array<i64: 1, 64>}, {pipeline_mode = #tpu.pipeline_mode<synchronous>, transform_indices = @transform_9, window_bounds = array<i64: 1, 64>}, {pipeline_mode = #tpu.pipeline_mode<synchronous>, transform_indices = @transform_10, window_bounds = array<i64: 64>}]} {
    %eq3A = arith.constant 0 : i32
    %eq3A_0 = arith.cmpi eq, %arg0, %eq3A : i32
    %convert_element_type3A = arith.extui %eq3A_0 : i1 to i32
    %cond3A = arith.constant 0 : i32
    %cond3A_1 = arith.cmpi ne, %convert_element_type3A, %cond3A : i32
    scf.if %cond3A_1 {
      %broadcast_in_dim3A_79 = arith.constant 0.000000e+00 : f32
      %broadcast_in_dim3A_80 = vector.broadcast %broadcast_in_dim3A_79 : f32 to vector<64x128xf32>
      %swap3A_81 = arith.constant 0 : index
      %swap3A_82 = arith.constant 0 : index
      %swap3A_83 = vector.load %arg12[%swap3A_81, %swap3A_82] : memref<64x128xf32, #tpu.memory_space<vmem>>, vector<64x128xf32>
      tpu.vector_store %arg12[%swap3A_81, %swap3A_82], %broadcast_in_dim3A_80 {strides = array<i32>} : memref<64x128xf32, #tpu.memory_space<vmem>>, vector<64x128xf32>,
    } else {
    }
    %get3A = arith.constant 0 : index
    %get3A_2 = arith.constant 0 : index
    %get3A_3 = arith.constant 0 : index
    %get3A_4 = vector.load %arg3[%get3A, %get3A_2, %get3A_3] : memref<1x1x1000xf32, #tpu.memory_space<vmem>>, vector<1x1x1000xf32>
    %get3A_5 = vector.shape_cast %get3A_4 : vector<1x1x1000xf32> to vector<1000xf32>
    %max3A = arith.constant 1.000000e+00 : f32
    %max3A_6 = vector.broadcast %max3A : f32 to vector<1000xf32>
    %max3A_7 = arith.maximumf %get3A_5, %max3A_6 : vector<1000xf32>
    %broadcast_in_dim3A = vector.shape_cast %max3A_7 : vector<1000xf32> to vector<1000x1xf32>
    %get3A_8 = arith.constant 0 : index
    %get3A_9 = arith.constant 0 : index
    %get3A_10 = vector.load %arg1[%get3A_8, %get3A_9] : memref<1000x64xf32, #tpu.memory_space<vmem>>, vector<1000x64xf32>
    %get3A_11 = arith.constant 0 : index
    %get3A_12 = arith.constant 0 : index
    %get3A_13 = vector.load %arg2[%get3A_11, %get3A_12] : memref<1000x64xf32, #tpu.memory_space<vmem>>, vector<1000x64xf32>
    %add3A = arith.addf %get3A_10, %get3A_13 : vector<1000x64xf32>
    %div3A = vector.broadcast %broadcast_in_dim3A : vector<1000x1xf32> to vector<1000x64xf32>
    %div3A_14 = arith.divf %add3A, %div3A : vector<1000x64xf32>
    %get3A_15 = arith.constant 0 : index
    %get3A_16 = arith.constant 0 : index
    %get3A_17 = vector.load %arg6[%get3A_15, %get3A_16] : memref<64x64xf32, #tpu.memory_space<vmem>>, vector<64x64xf32>
    %convert_element_type3A_18 = arith.truncf %div3A_14 : vector<1000x64xf32> to vector<1000x64xbf16>
    %convert_element_type3A_19 = arith.extf %convert_element_type3A_18 : vector<1000x64xbf16> to vector<1000x64xf32>
    %convert_element_type3A_20 = arith.truncf %get3A_17 : vector<64x64xf32> to vector<64x64xbf16>
    %convert_element_type3A_21 = arith.extf %convert_element_type3A_20 : vector<64x64xbf16> to vector<64x64xf32>
    %dot_general3A = arith.constant dense<0.000000e+00> : vector<1000x64xf32>
    %dot_general3A_22 = tpu.matmul %convert_element_type3A_19, %convert_element_type3A_21, %dot_general3A {dimension_numbers = #tpu.dot_dimension_numbers<[1], [0], [0], [1], [0, 0, 1, 1], [], []>, transpose_lhs_hint = false} : vector<1000x64xf32>, vector<64x64xf32>, vector<1000x64xf32> -> vector<1000x64xf32>
    %get3A_23 = arith.constant 0 : index
    %get3A_24 = arith.constant 0 : index
    %get3A_25 = vector.load %arg5[%get3A_23, %get3A_24] : memref<1x64xf32, #tpu.memory_space<vmem>>, vector<1x64xf32>
    %add3A_26 = vector.broadcast %get3A_25 : vector<1x64xf32> to vector<1000x64xf32>
    %add3A_27 = arith.addf %dot_general3A_22, %add3A_26 : vector<1000x64xf32>
    %get3A_28 = arith.constant 0 : index
    %get3A_29 = arith.constant 0 : index
    %get3A_30 = vector.load %arg4[%get3A_28, %get3A_29] : memref<1000x64xf32, #tpu.memory_space<vmem>>, vector<1000x64xf32>
    %get3A_31 = arith.constant 0 : index
    %get3A_32 = arith.constant 0 : index
    %get3A_33 = vector.load %arg7[%get3A_31, %get3A_32] : memref<64x64xf32, #tpu.memory_space<vmem>>, vector<64x64xf32>
    %convert_element_type3A_34 = arith.truncf %get3A_30 : vector<1000x64xf32> to vector<1000x64xbf16>
    %convert_element_type3A_35 = arith.extf %convert_element_type3A_34 : vector<1000x64xbf16> to vector<1000x64xf32>
    %convert_element_type3A_36 = arith.truncf %get3A_33 : vector<64x64xf32> to vector<64x64xbf16>
    %convert_element_type3A_37 = arith.extf %convert_element_type3A_36 : vector<64x64xbf16> to vector<64x64xf32>
    %dot_general3A_38 = arith.constant dense<0.000000e+00> : vector<1000x64xf32>
    %dot_general3A_39 = tpu.matmul %convert_element_type3A_35, %convert_element_type3A_37, %dot_general3A_38 {dimension_numbers = #tpu.dot_dimension_numbers<[1], [0], [0], [1], [0, 0, 1, 1], [], []>, transpose_lhs_hint = false} : vector<1000x64xf32>, vector<64x64xf32>, vector<1000x64xf32> -> vector<1000x64xf32>
    %add3A_40 = arith.addf %add3A_27, %dot_general3A_39 : vector<1000x64xf32>
    %max3A_41 = arith.constant 0.000000e+00 : f32
    %max3A_42 = vector.broadcast %max3A_41 : f32 to vector<1000x64xf32>
    %max3A_43 = arith.maximumf %add3A_40, %max3A_42 : vector<1000x64xf32>
    %convert_element_type3A_44 = arith.truncf %max3A_43 : vector<1000x64xf32> to vector<1000x64xbf16>
    %convert_element_type3A_45 = arith.extf %convert_element_type3A_44 : vector<1000x64xbf16> to vector<1000x64xf32>
    %sub3A = arith.subf %max3A_43, %convert_element_type3A_45 : vector<1000x64xf32>
    %broadcast_in_dim3A_46 = arith.constant 1.000000e+00 : f32
    %broadcast_in_dim3A_47 = vector.broadcast %broadcast_in_dim3A_46 : f32 to vector<1000x1xf32>
    %broadcast_in_dim3A_48 = arith.constant 0.000000e+00 : f32
    %broadcast_in_dim3A_49 = vector.broadcast %broadcast_in_dim3A_48 : f32 to vector<1000x63xf32>
    %concatenate3A = tpu.concatenate %convert_element_type3A_45, %broadcast_in_dim3A_47, %broadcast_in_dim3A_49 in 1 : vector<1000x64xf32>, vector<1000x1xf32>, vector<1000x63xf32> -> vector<1000x128xf32>
    %broadcast_in_dim3A_50 = arith.constant 0.000000e+00 : f32
    %broadcast_in_dim3A_51 = vector.broadcast %broadcast_in_dim3A_50 : f32 to vector<1000x64xf32>
    %concatenate3A_52 = tpu.concatenate %sub3A, %broadcast_in_dim3A_51 in 1 : vector<1000x64xf32>, vector<1000x64xf32> -> vector<1000x128xf32>
    %get3A_53 = arith.constant 0 : index
    %get3A_54 = arith.constant 0 : index
    %get3A_55 = arith.constant 0 : index
    %get3A_56 = vector.load %arg8[%get3A_53, %get3A_54, %get3A_55] : memref<1x1x1000xi32, #tpu.memory_space<vmem>>, vector<1x1x1000xi32>
    %get3A_57 = vector.shape_cast %get3A_56 : vector<1x1x1000xi32> to vector<1000xi32>
    %iota3A = tpu.iota {dimensions = array<i32: 0>} : vector<64x1000xi32>
    %broadcast_in_dim3A_58 = vector.shape_cast %get3A_57 : vector<1000xi32> to vector<1x1000xi32>
    %eq3A_59 = vector.broadcast %broadcast_in_dim3A_58 : vector<1x1000xi32> to vector<64x1000xi32>
    %eq3A_60 = arith.cmpi eq, %iota3A, %eq3A_59 : vector<64x1000xi32>
    %convert_element_type3A_61 = arith.extui %eq3A_60 : vector<64x1000xi1> to vector<64x1000xi32>
    %convert_element_type3A_62 = arith.sitofp %convert_element_type3A_61 : vector<64x1000xi32> to vector<64x1000xf32>
    %get3A_63 = arith.constant 0 : index
    %get3A_64 = arith.constant 0 : index
    %get3A_65 = vector.load %arg12[%get3A_63, %get3A_64] : memref<64x128xf32, #tpu.memory_space<vmem>>, vector<64x128xf32>
    %dot_general3A_66 = arith.constant dense<0.000000e+00> : vector<64x128xf32>
    %dot_general3A_67 = tpu.matmul %convert_element_type3A_62, %concatenate3A, %dot_general3A_66 {dimension_numbers = #tpu.dot_dimension_numbers<[1], [0], [0], [1], [0, 0, 1, 1], [], []>, transpose_lhs_hint = false} : vector<64x1000xf32>, vector<1000x128xf32>, vector<64x128xf32> -> vector<64x128xf32>
    %dot_general3A_68 = arith.constant dense<0.000000e+00> : vector<64x128xf32>
    %dot_general3A_69 = tpu.matmul %convert_element_type3A_62, %concatenate3A_52, %dot_general3A_68 {dimension_numbers = #tpu.dot_dimension_numbers<[1], [0], [0], [1], [0, 0, 1, 1], [], []>, transpose_lhs_hint = false} : vector<64x1000xf32>, vector<1000x128xf32>, vector<64x128xf32> -> vector<64x128xf32>
    %add3A_70 = arith.addf %dot_general3A_67, %dot_general3A_69 : vector<64x128xf32>
    %add3A_71 = arith.addf %get3A_65, %add3A_70 : vector<64x128xf32>
    %swap3A = arith.constant 0 : index
    %swap3A_72 = arith.constant 0 : index
    %swap3A_73 = vector.load %arg12[%swap3A, %swap3A_72] : memref<64x128xf32, #tpu.memory_space<vmem>>, vector<64x128xf32>
    tpu.vector_store %arg12[%swap3A, %swap3A_72], %add3A_71 {strides = array<i32>} : memref<64x128xf32, #tpu.memory_space<vmem>>, vector<64x128xf32>,
    %eq3A_74 = arith.constant 9 : i32
    %eq3A_75 = arith.cmpi eq, %arg0, %eq3A_74 : i32
    %convert_element_type3A_76 = arith.extui %eq3A_75 : i1 to i32
    %cond3A_77 = arith.constant 0 : i32
    %cond3A_78 = arith.cmpi ne, %convert_element_type3A_76, %cond3A_77 : i32
    scf.if %cond3A_78 {
      %get3A_79 = arith.constant 0 : index
      %get3A_80 = arith.constant 0 : index
      %get3A_81 = vector.load %arg12[%get3A_79, %get3A_80] : memref<64x128xf32, #tpu.memory_space<vmem>>, vector<64x64xf32>
      %get3A_82 = arith.constant 0 : index
      %get3A_83 = arith.constant 64 : index
      %get3A_84 = vector.load %arg12[%get3A_82, %get3A_83] : memref<64x128xf32, #tpu.memory_space<vmem>>, vector<64x1xf32>
      %max3A_85 = arith.constant 1.000000e+00 : f32
      %max3A_86 = vector.broadcast %max3A_85 : f32 to vector<64x1xf32>
      %max3A_87 = arith.maximumf %get3A_84, %max3A_86 : vector<64x1xf32>
      %div3A_88 = vector.broadcast %max3A_87 : vector<64x1xf32> to vector<64x64xf32>
      %div3A_89 = arith.divf %get3A_81, %div3A_88 : vector<64x64xf32>
      %convert_element_type3A_90 = arith.truncf %div3A_89 : vector<64x64xf32> to vector<64x64xbf16>
      %convert_element_type3A_91 = arith.extf %convert_element_type3A_90 : vector<64x64xbf16> to vector<64x64xf32>
      %get3A_92 = arith.constant 0 : index
      %get3A_93 = arith.constant 0 : index
      %get3A_94 = vector.load %arg9[%get3A_92, %get3A_93] : memref<1x64xf32, #tpu.memory_space<vmem>>, vector<1x64xf32>
      %convert_element_type3A_95 = arith.truncf %get3A_94 : vector<1x64xf32> to vector<1x64xbf16>
      %convert_element_type3A_96 = arith.extf %convert_element_type3A_95 : vector<1x64xbf16> to vector<1x64xf32>
      %mul3A = vector.broadcast %convert_element_type3A_96 : vector<1x64xf32> to vector<64x64xf32>
      %mul3A_97 = arith.mulf %convert_element_type3A_91, %mul3A : vector<64x64xf32>
      %reduce_sum3A = arith.constant dense<0.000000e+00> : vector<64xf32>
      %reduce_sum3A_98 = vector.multi_reduction <add>, %mul3A_97, %reduce_sum3A [1] : vector<64x64xf32> to vector<64xf32>
      %get3A_99 = arith.constant 0 : index
      %get3A_100 = arith.constant 0 : index
      %get3A_101 = vector.load %arg10[%get3A_99, %get3A_100] : memref<1x64xf32, #tpu.memory_space<vmem>>, vector<1x64xf32>
      %get3A_102 = vector.shape_cast %get3A_101 : vector<1x64xf32> to vector<64xf32>
      %add3A_103 = arith.addf %reduce_sum3A_98, %get3A_102 : vector<64xf32>
      %swap3A_104 = arith.constant 0 : index
      %swap3A_105 = vector.load %arg11[%swap3A_104] : memref<64xf32, #tpu.memory_space<vmem>>, vector<64xf32>
      tpu.vector_store %arg11[%swap3A_104], %add3A_103 {strides = array<i32>} : memref<64xf32, #tpu.memory_space<vmem>>, vector<64xf32>,
    } else {
    }
    return
  }
  func.func @transform_0(%arg0: i32) -> (i32, i32) {
    %c0_i32 = arith.constant 0 : i32
    %c0_i32_0 = arith.constant 0 : i32
    return %arg0, %c0_i32 : i32, i32
  }
  func.func @transform_1(%arg0: i32) -> (i32, i32) {
    %c0_i32 = arith.constant 0 : i32
    %c0_i32_0 = arith.constant 0 : i32
    return %arg0, %c0_i32 : i32, i32
  }
  func.func @transform_2(%arg0: i32) -> (i32, i32, i32) {
    %c0_i32 = arith.constant 0 : i32
    %c0_i32_0 = arith.constant 0 : i32
    %c0_i32_1 = arith.constant 0 : i32
    return %arg0, %c0_i32, %c0_i32_0 : i32, i32, i32
  }
  func.func @transform_3(%arg0: i32) -> (i32, i32) {
    %c0_i32 = arith.constant 0 : i32
    %c0_i32_0 = arith.constant 0 : i32
    return %arg0, %c0_i32 : i32, i32
  }
  func.func @transform_4(%arg0: i32) -> (i32, i32) {
    %c0_i32 = arith.constant 0 : i32
    %c0_i32_0 = arith.constant 0 : i32
    %c0_i32_1 = arith.constant 0 : i32
    return %c0_i32, %c0_i32_0 : i32, i32
  }
  func.func @transform_5(%arg0: i32) -> (i32, i32) {
    %c0_i32 = arith.constant 0 : i32
    %c0_i32_0 = arith.constant 0 : i32
    %c0_i32_1 = arith.constant 0 : i32
    return %c0_i32, %c0_i32_0 : i32, i32
  }
  func.func @transform_6(%arg0: i32) -> (i32, i32) {
    %c0_i32 = arith.constant 0 : i32
    %c0_i32_0 = arith.constant 0 : i32
    %c0_i32_1 = arith.constant 0 : i32
    return %c0_i32, %c0_i32_0 : i32, i32
  }
  func.func @transform_7(%arg0: i32) -> (i32, i32, i32) {
    %c0_i32 = arith.constant 0 : i32
    %c0_i32_0 = arith.constant 0 : i32
    %c0_i32_1 = arith.constant 0 : i32
    return %arg0, %c0_i32, %c0_i32_0 : i32, i32, i32
  }
  func.func @transform_8(%arg0: i32) -> (i32, i32) {
    %c0_i32 = arith.constant 0 : i32
    %c0_i32_0 = arith.constant 0 : i32
    %c0_i32_1 = arith.constant 0 : i32
    return %c0_i32, %c0_i32_0 : i32, i32
  }
  func.func @transform_9(%arg0: i32) -> (i32, i32) {
    %c0_i32 = arith.constant 0 : i32
    %c0_i32_0 = arith.constant 0 : i32
    %c0_i32_1 = arith.constant 0 : i32
    return %c0_i32, %c0_i32_0 : i32, i32
  }
  func.func @transform_10(%arg0: i32) -> i32 {
    %c0_i32 = arith.constant 0 : i32
    %c0_i32_0 = arith.constant 0 : i32
    return %c0_i32 : i32
  }
}

</mosaic_0001>

<sc_bundles>
// kernel: kernel.6.cloned.1.call-start
scs
__scs_entry_jumppad:
0x0: {  	(pc) =	sbr.rel $0x88, $3  }
0x1: {  	(tag) =	ssettag $0x0;
	lr =	simm.s32 $0x1  }
0x2: {  	[smem:$0x3F96] =	sst lr;
	_ =	strace $0xD0000000  }
0x3: {  	_ = 	snop  }
0x4: {  	_ = 	snop  }
0x5: {  	_ = 	snop  }
0x6: {  	_ = 	snop  }
0x7: {  	_ = 	snop  }
__scs_overlays_trampoline_lowered:
0x8: {  	[smem:$0x3FA5] =	sst s0  }
0x9: {  	[smem:$0x3FA6] =	sst s1  }
0xa: {  	[smem:$0x3FA7] =	sst s2  }
0xb: {  	[smem:$0x3FA8] =	sst s3  }
0xc: {  	[smem:$0x3FA9] =	sst s4  }
0xd: {  	[smem:$0x3FAA] =	sst s5  }
0xe: {  	[smem:$0x3FAB] =	sst s6  }
0xf: {  	[smem:$0x3FAC] =	sst s7  }
0x10: {  	[smem:$0x3FAD] =	sst s8  }
0x11: {  	[smem:$0x3FAE] =	sst s9;
	s0 =	simm.s32 @!p0 $0x0  }
0x12: {  	s1 =	sld [smem:$0x3F94];
	s0 =	simm.s32 @p0 $0x1  }
0x13: {  	[smem:$0x3FAF] =	sst s0;
	s0 =	simm.s32 @!p1 $0x0  }
0x14: {  	s2 =	sld [smem:$0x3F93];
	s0 =	simm.s32 @p1 $0x1  }
0x15: {  	[smem:$0x3FB0] =	sst s0;
	s0 =	simm.s32 @!p2 $0x0  }
0x16: {  	s3 =	sld [smem:$0x3FDB];
	s0 =	simm.s32 @p2 $0x1  }
0x17: {  	s4 =	simm.s32 $0x1BF5;
	[smem:$0x3FB2] =	sst s0  }
0x18: {  	s0 =	sld [smem:$0x3F95];
	_ =	swait.ge [sflag:s4], $0x0  }
0x19: {  	s7 =	sld [smem:$0x3F96]  }
0x1a: {  	s8 =	sadd.s32 $0xFFFFE003, lr  }
0x1b: {  	s9 =	sadd.s32 $0xFFFFFEF7, lr;
	s5 =	simm.s32 $0xFFFFFFFF;
	p2 =	slt.u32 s8, $0xFFFFF086  }
0x1c: {  	p1 =	slt.u32 s9, $0xF7A;
	s5 =	simm.s32 @!p2 $0x0  }
0x1d: {  	s5 =	simm.s32 @p1 $0x1;
	p0 =	seq.s32 s7, s2  }
0x1e: {  	s7 =	smul.u32 @!p0 $0xF7A, s2;
	p2 =	seq.s32 @!p0 s5, $0x0  }
0x1f: {  	s9 =	smul.u32 $0xF7A, s1;
	s8 =	simm.s32 @!p0 $0x1BF5;
	p2 =	por !p2, p0  }
0x20: {  	[sflag:s8] =	ssyncset.s32 @!p0 $0xFFFFF086;
	s6 =	sadd.s32 @!p0 s3, s7;
	s7 =	simm.s32 @!p0 $0x108  }
0x21: {  	s3 =	sadd.s32 s3, s9;
	s6 =	sadd.s32 @!p0 $0x88, s6;
	s7 =	simm.s32 @p2 $0x1082  }
0x22: {  	[simem:s7], [sflag:s8] =	dma.local @!p0 [hbm:s6], $0xF7A  }
0x23: {  	s9 =	sor.u32 $0xD0000000, s2;
	s6 =	simm.s32 $0x108;
	_ =	swait.ge @!p0 [sflag:s8], $0x0  }
0x24: {  	s3 =	sadd.s32 $0x88, s3;
	s6 =	simm.s32 @!p1 $0x1082;
	[sflag:s4] =	ssyncset.s32 $0xFFFFF086  }
0x25: {  	[simem:s6], [sflag:s4] =	dma.local [hbm:s3], $0xF7A  }
0x26: {  	[smem:$0x3F96] =	sst s1;
	(tag) =	ssettag s2;
	_ =	strace s9  }
0x27: {  	s1 =	sld [smem:$0x3FA6]  }
0x28: {  	s2 =	sld [smem:$0x3FA7]  }
0x29: {  	s4 =	sld [smem:$0x3FA9]  }
0x2a: {  	p0 =	seq.s32 s5, $0x0;
	s5 =	sld [smem:$0x3FAA]  }
0x2b: {  	s6 =	sld [smem:$0x3FAB]  }
0x2c: {  	s7 =	sld [smem:$0x3FAC]  }
0x2d: {  	s3 =	simm.s32 $0x108;
	s8 =	sld [smem:$0x3FAD]  }
0x2e: {  	s3 =	simm.s32 @!p0 $0x1082;
	s9 =	sld [smem:$0x3FAE]  }
0x2f: {  	lr =	sadd.s32 s0, s3;
	s0 =	sld [smem:$0x3FA5]  }
0x30: {  	s3 =	sld [smem:$0x3FA8]  }
0x31: {  	[smem:$0x3FB1] =	sst s10  }
0x32: {  	s10 =	sld [smem:$0x3FAF];
	_ =	sdelay $0x3  }
0x33: {  	p0 =	seq.s32 s10, $0x1;
	s10 =	sld [smem:$0x3FB1];
	_ =	sdelay $0x3  }
0x34: {  	[smem:$0x3FB1] =	sst s10  }
0x35: {  	s10 =	sld [smem:$0x3FB0];
	_ =	sdelay $0x3  }
0x36: {  	p1 =	seq.s32 s10, $0x1;
	s10 =	sld [smem:$0x3FB1];
	_ =	sdelay $0x3  }
0x37: {  	[smem:$0x3FB1] =	sst s10  }
0x38: {  	s10 =	sld [smem:$0x3FB2]  }
0x39: {  	_ = 	snop;
	(pc) =	sbr.ind lr, $3  }
0x3a: {  	_ = 	snop  }
0x3b: {  	_ = 	snop  }
0x3c: {  	p2 =	seq.s32 s10, $0x1;
	s10 =	sld [smem:$0x3FB1]  }
0x3d: {  	_ =	shalt  }
0x3e: {  	_ =	shalt  }
0x3f: {  	_ =	shalt  }
0x40: {  	_ =	shalt  }
0x41: {  	_ =	shalt  }
0x42: {  	_ =	shalt  }
0x43: {  	_ =	shalt  }
0x44: {  	_ =	shalt  }
0x45: {  	_ =	shalt  }
0x46: {  	_ =	shalt  }
0x47: {  	_ =	shalt  }
0x48: {  	_ =	shalt  }
0x49: {  	_ =	shalt  }
0x4a: {  	_ =	shalt  }
0x4b: {  	_ =	shalt  }
0x4c: {  	_ =	shalt  }
0x4d: {  	_ =	shalt  }
0x4e: {  	_ =	shalt  }
0x4f: {  	_ =	shalt  }
0x50: {  	_ =	shalt  }
0x51: {  	_ =	shalt  }
0x52: {  	_ =	shalt  }
0x53: {  	_ =	shalt  }
0x54: {  	_ =	shalt  }
0x55: {  	_ =	shalt  }
0x56: {  	_ =	shalt  }
0x57: {  	_ =	shalt  }
0x58: {  	_ =	shalt  }
0x59: {  	_ =	shalt  }
0x5a: {  	_ =	shalt  }
0x5b: {  	_ =	shalt  }
0x5c: {  	_ =	shalt  }
0x5d: {  	_ =	shalt  }
0x5e: {  	_ =	shalt  }
0x5f: {  	_ =	shalt  }
0x60: {  	_ =	shalt  }
0x61: {  	_ =	shalt  }
0x62: {  	_ =	shalt  }
0x63: {  	_ =	shalt  }
0x64: {  	_ =	shalt  }
0x65: {  	_ =	shalt  }
0x66: {  	_ =	shalt  }
0x67: {  	_ =	shalt  }
0x68: {  	_ =	shalt  }
0x69: {  	_ =	shalt  }
0x6a: {  	_ =	shalt  }
0x6b: {  	_ =	shalt  }
0x6c: {  	_ =	shalt  }
0x6d: {  	_ =	shalt  }
0x6e: {  	_ =	shalt  }
0x6f: {  	_ =	shalt  }
0x70: {  	_ =	shalt  }
0x71: {  	_ =	shalt  }
0x72: {  	_ =	shalt  }
0x73: {  	_ =	shalt  }
0x74: {  	_ =	shalt  }
0x75: {  	_ =	shalt  }
0x76: {  	_ =	shalt  }
0x77: {  	_ =	shalt  }
0x78: {  	_ =	shalt  }
0x79: {  	_ =	shalt  }
0x7a: {  	_ =	shalt  }
0x7b: {  	_ =	shalt  }
0x7c: {  	_ =	shalt  }
0x7d: {  	_ =	shalt  }
0x7e: {  	_ =	shalt  }
0x7f: {  	_ =	shalt  }
0x80: {  	_ =	shalt  }
0x81: {  	_ =	shalt  }
0x82: {  	_ =	shalt  }
0x83: {  	_ =	shalt  }
0x84: {  	_ =	shalt  }
0x85: {  	_ =	shalt  }
0x86: {  	_ =	shalt  }
0x87: {  	_ =	shalt  }
.Lfunc_end0:
.L_simem_size_0:
called_computation_lowered:
.L_overlay_start_0:
0x88: {  	s2 =	sld [smem:$0x3FD9]  }
0x89: {  	s3 =	sld [smem:$0x3FFE];
	_ =	sdelay $0x1  }
0x8a: {  	s1 =	srdreg.scid  }
0x8b: {  	s0 =	sand.u32 $0x1, s1  }
0x8c: {  	s16 =	sshll.u32 s0, $0xA;
	s2 =	sadd.s32 s3, s2  }
0x8d: {  	s2 =	sadd.s32 s2, s16  }
0x8e: {  	[smem:$0x3FBD] =	sst s2  }
0x8f: {  	_ = 	snop  }
0x90: {  	(tm) =	ssettm $0x1  }
0x91: {  	s17 =	sld [smem:$0x3FFB];
	_ =	sdelay $0x3  }
0x92: {  	_ =	strace s17  }
0x93: {  	s2 =	sld [smem:$0x3FFC];
	_ =	sdelay $0x3  }
0x94: {  	_ =	strace s2  }
0x95: {  	s2 =	sld [smem:$0x3FFD];
	_ =	sdelay $0x3  }
0x96: {  	_ =	strace s2  }
0x97: {  	_ =	strace $0x8FFFFFFF  }
0x98: {  	s18 =	sld [smem:$0x3FDB];
	_ =	sdelay $0x1  }
0x99: {  	s19 =	simm.s32 $_scs_section_size  }
0x9a: {  	s4 =	simm.s32 $_size__tile_overlayer_lowered;
	s5 =	simm.s32 $_tile_overlayer_lowered  }
0x9b: {  	s22 =	simm.s32 $0x1BFF;
	s21 =	sshll.u32 s5, $0x1;
	s2 =	sadd.s32 s19, s18  }
0x9c: {  	s6 =	simm.s32 $0x0;
	s20 =	sshll.u32 s4, $0x1;
	s4 =	sadd.s32 s21, s2  }
0x9d: {  	[timem:s6], [sflag:s22] =	dma.local [hbm:s4], s20  }
0x9e: {  	_ =	swait.ge [sflag:s22], s20  }
0x9f: {  	s3 =	ssub.s32 $0x0, s20;
	[sflag:s22] =	ssyncset.done $0x0  }
0xa0: {  	[sflag:s22] =	ssyncadd.s32 s3;
	_ =	sdelay $0x1  }
0xa1: {  	s23 =	simm.s32 $0x1B8B  }
0xa2: {  	_ =	swait.ge [sflag:s23], $0x1  }
0xa3: {  	[sflag:s23] =	ssyncset.done $0x0  }
0xa4: {  	s25 =	simm.s32 $0x1B8E;
	s24 =	sld [smem:$0x3FFE];
	[sflag:s23] =	ssyncadd.s32 $0xFFFFFFFF  }
0xa5: {  	s26 =	simm.s32 $execute0_lowered;
	[smem:$0x3FD2] =	sst s25  }
0xa6: {  	s4 =	sshll.u32 s26, $0x1;
	_ =	strace $0x80000046;
	[dreg:$0x1] =	wrdreg $0xFFFFFFFF  }
0xa7: {  	s28 =	simm.s32 $_size_execute0_lowered;
	s2 =	sadd.s32 s2, s4;
	[dreg:$0x0] =	wrdreg $0x0  }
0xa8: {  	s4 =	sshll.u32 s28, $0x1;
	[dreg:$0x2] =	wrdreg s2  }
0xa9: {  	[dreg:$0x3] =	wrdreg s4  }
0xaa: {  	[dreg:$0x4] =	wrdreg $0xC0  }
0xab: {  	_ =	task [dreg:s6], $0x5FFFF  }
0xac: {  	[dreg:$0x1] =	wrdreg $0xFFFFFFFF  }
0xad: {  	[dreg:$0x0] =	wrdreg $0x60  }
0xae: {  	[dreg:$0x2] =	wrdreg s24  }
0xaf: {  	[dreg:$0x3] =	wrdreg $0x0  }
0xb0: {  	[dreg:$0x4] =	wrdreg $0x1E0A00  }
0xb1: {  	[dreg:$0x5] =	wrdreg $0x9C400  }
0xb2: {  	[dreg:$0x6] =	wrdreg $0x9  }
0xb3: {  	_ =	task.clear_ibuf [dreg:s6], $0x7FFFF;
	_ =	strace $0x90000046  }
0xb4: {  	s29 =	simm.s32 $0x9;
	_ =	strace $0x80000048  }
0xb5: {  	_ =	swait.ge [sflag:s29], $0x1  }
0xb6: {  	[sflag:s29] =	ssyncadd.s32 $0xFFFFFFFF  }
0xb7: {  	_ =	strace $0x90000048  }
0xb8: {  	_ =	sfence  }
0xb9: {  	s30 =	sld [smem:$0x0];
	_ =	sdelay $0x2  }
0xba: {  	s31 =	sshll.u32 s1, $0xD;
	s1 =	sshrl.u32 s1, $0x2  }
0xbb: {  	s3 =	sand.u32 $0x4000, s31;
	s1 =	sadd.s32 s1, s30  }
0xbc: {  	s0 =	sor.u32 s3, s0;
	s1 =	sshll.u32 s1, $0x11  }
0xbd: {  	s0 =	sor.u32 s1, s0  }
0xbe: {  	s0 =	sadd.s32 $0x8F2B, s0  }
0xbf: {  	[sflag:s0] =	ssyncadd.remote.s32 $0x1  }
0xc0: {  	_ =	sfence.sel $0xFFFF  }
0xc1: {  	[dreg:$0x0] =	wrdreg $0xFFFFFFFF;
	(pc) =	sbr.abs _section_cstart, $3  }
0xc2: {  	[dreg:$0x1] =	wrdreg $0xFFFFFFFF  }
0xc3: {  	_ =	task.clear_ibuf [dreg:s6], $0x2FFFF;
	_ =	strace $0x9FFFFFFF  }
0xc4: {  	(tm) =	ssettm $0x7FFFFFFF  }
0xc5: {  	_ =	shalt  }
tec
execute0_lowered:
.L_overlay_start_1:
0x0: {  	(tag) =	ssettag $0x1  }
0x1: {  	s0 =	rddreg [dreg:$0x0]  }
0x2: {  	s1 =	rddreg [dreg:$0x1]  }
0x3: {  	s2 =	rddreg [dreg:$0x2]  }
0x4: {  	s4 =	rddreg [dreg:$0x3];
	s5 =	stileid.u32  }
0x5: {  	s18 =	simm.s32 $0x0;
	s6 =	srdreg.scid;
	s3 =	smul.u32 $0x9C40, s5  }
0x6: {  	s28 =	simm.s32 $0x80;
	s29 =	simm.s32 $0x160A0;
	s8 =	smul.u32 $0x3E8, s5  }
0x7: {  	[smem:$0x7FF] =	sst s18;
	s7 =	sadd.s32 $0x33600, s0;
	s24 =	smul.u32 $0x5000, s5  }
0x8: {  	s6 =	sand.u32 $0x1, s6;
	s9 =	sadd.s32 $0x29600, s0;
	s31 =	smul.u32 $0xA00, s5  }
0x9: {  	_ =	strace $0x80000047;
	s11 =	ssub.s32 $0x2, s6;
	p0 =	sne.s32 s6, $0x0  }
0xa: {  	s10 =	sshrl.u32 s3, $0x3;
	s12 =	sshrl.u32 s8, $0x3;
	s25 =	sadd.s32 s3, s1  }
0xb: {  	s13 =	sshrl.u32 s11, $0x1;
	s16 =	sadd.s32 s7, s31;
	[dreg:$0x6] =	wrdreg s25  }
0xc: {  	s19 =	sadd.s32 s8, s2;
	s8 =	sadd.s32 s9, s31;
	[dreg:$0xc] =	wrdreg s16  }
0xd: {  	s20 =	sadd.s32 s3, s4;
	p1 =	sgt.u32 @!p0 s5, $0x9;
	[dreg:$0xd] =	wrdreg s8  }
0xe: {  	s10 =	sadd.s32 s10, s0;
	s0 =	sadd.s32 s12, s0;
	[dreg:$0x9] =	wrdreg s19  }
0xf: {  	s11 =	ssub.s32 s11, s13;
	[dreg:$0xa] =	wrdreg s20;
	s26 =	sadd.s32 $0x2200, s10  }
0x10: {  	s12 =	sshrl.u32 s24, $0x3;
	s30 =	sadd.s32 $0x15C00, s10;
	[dreg:$0x7] =	wrdreg s26  }
0x11: {  	p1 =	por p1, p0;
	s14 =	sadd.s32 $0x3D600, s10;
	[dreg:$0x8] =	wrdreg s30  }
0x12: {  	s13 =	simm.s32 $0x3;
	s0 =	sadd.s32 $0x51000, s0;
	[dreg:$0xb] =	wrdreg s14  }
0x13: {  	s15 =	sadd.s32 $0x280, s12;
	s31 =	smax.u32 s11, $0x1;
	[dreg:$0x16] =	wrdreg s0  }
0x14: {  	s16 =	simm.s32 $0x7;
	s17 =	sadd.s32 s7, s15;
	[dreg:$0x17] =	wrdreg s31  }
0x15: {  	s21 =	sadd.s32 $0x500, s12;
	s3 =	sadd.s32 s9, s15;
	[dreg:$0xe] =	wrdreg s17  }
0x16: {  	s22 =	sadd.s32 $0x780, s12;
	s23 =	sadd.s32 s7, s21;
	[dreg:$0xf] =	wrdreg s3  }
0x17: {  	s11 =	simm.s32 $0x1C0A0;
	s24 =	sadd.s32 s7, s22;
	[dreg:$0x10] =	wrdreg s23  }
0x18: {  	s12 =	simm.s32 $0x1;
	s25 =	sadd.s32 s9, s22;
	[dreg:$0x12] =	wrdreg s24  }
0x19: {  	s26 =	sadd.s32 $0x51600, s10;
	s30 =	sadd.s32 $0x65000, s10;
	[dreg:$0x13] =	wrdreg s25  }
0x1a: {  	s7 =	simm.s32 $0x1A0A0;
	s14 =	simm.s32 $0x5;
	[dreg:$0x14] =	wrdreg s26  }
0x1b: {  	s15 =	simm.s32 $0x6;
	s3 =	sadd.s32 s9, s21;
	[dreg:$0x15] =	wrdreg s30  }
0x1c: {  	v0 =	vimm.f32 $1.000000000e+00;
	v1 =	vimm.f32 $0.0e+00;
	s24 =	simm.s32 $0x180A0;
	s17 =	simm.s32 $0x8;
	[dreg:$0x11] =	wrdreg s3  }
.LBB2_1:
0x1d: {  	[tilespmem:$0x1E318] =	vst v0  }
0x1e: {  	[tilespmem:$0x1E328] =	vst v0  }
0x1f: {  	[tilespmem:$0x1E338] =	vst v0  }
0x20: {  	[tilespmem:$0x1E348] =	vst v0  }
0x21: {  	[tilespmem:$0x1E358] =	vst v0  }
0x22: {  	[tilespmem:$0x1E368] =	vst v0  }
0x23: {  	[tilespmem:$0x1E378] =	vst v0  }
0x24: {  	[dreg:$0x5] =	wrdreg s18;
	[tilespmem:$0x1E388] =	vst v0;
	s0 =	simm.s32 $0x40;
	s3 =	simm.s32 $0x0  }
.LBB2_2:
0x25: {  	p2 =	sne.s32 s0, $0xF80;
	[tilespmem:s3+$0x1E398] =	vst v1;
	s3 =	smov.u32 s0;
	s0 =	sadd.s32 $0x40, s0  }
.Ltmp0:
0x26: {  	(pc) =	sbr.rel @p2 .LBB2_2-.Ltmp0, $2  }
0x27: {  	_ =	sdelay $0x2  }
0x28: {  	s3 =	sshra.s32 s3, $0x2  }
0x29: {  	s5 =	stileid.u32  }
0x2a: {  	s6 =	rddreg [dreg:$0x6];
	s0 =	sshll.u32 @p0 s5, $0x6  }
0x2b: {  	[tilespmem:s3+$0x1E398] =	vst v1;
	s8 =	rddreg [dreg:$0x7];
	s3 =	sshrl.u32 @p0 s6, $0x3;
	s0 =	sor.u32 @p0 $0x1C0A, s0  }
0x2c: {  	[spmem:s3], [sflag:s0] =	dma.local @p0 [hbm:s8], $0x1388  }
0x2d: {  	s0 =	simm.s32 @p0 $0xA  }
0x2e: {  	_ =	swait.ge @p0 [sflag:s0], $0x1388  }
0x2f: {  	[sflag:s0] =	ssyncset.done @p0 $0x0  }
0x30: {  	s3 =	sshll.u32 @!p0 s5, $0x6;
	[sflag:s0] =	ssyncadd.s32 @p0 $0xFFFFEC78  }
0x31: {  	s0 =	sor.u32 @!p0 $0x1C0A, s3;
	s3 =	sshrl.u32 @!p0 s6, $0x3;
	s6 =	rddreg [dreg:$0x8]  }
0x32: {  	[spmem:s3], [sflag:s0] =	dma.local @!p0 [hbm:s6], $0x1388  }
0x33: {  	s0 =	simm.s32 @!p0 $0xA  }
0x34: {  	_ =	swait.ge @!p0 [sflag:s0], $0x1388  }
0x35: {  	[sflag:s0] =	ssyncset.done @!p0 $0x0  }
0x36: {  	[sflag:s0] =	ssyncadd.s32 @!p0 $0xFFFFEC78;
	s0 =	simm.s32 @!p1 $0x1E398  }
0x37: {  	[spmem:s19] =	stream.linear.scatter @!p1 [tilespmem:s0], [sflag:$0xA], $0x3E8, $0x38;
	[tilespmem:$0x1E788] =	vst v63  }
0x38: {  	s0 =	simm.s32 @!p1 $0xA  }
0x39: {  	s21 =	sshrl.u32 s20, $0x3;
	s19 =	sshll.u32 s5, $0x6;
	_ =	swait.ge @!p1 [sflag:s0], $0x3E8  }
0x3a: {  	s5 =	sor.u32 $0x1C0A, s19;
	[sflag:s0] =	ssyncset.done @!p1 $0x0;
	s22 =	rddreg [dreg:$0xb]  }
0x3b: {  	s23 =	simm.s32 $0xA;
	[dreg:$0x18] =	wrdreg s5;
	[sflag:s0] =	ssyncadd.s32 @!p1 $0xFFFFFC18  }
0x3c: {  	[spmem:s21], [sflag:s5] =	dma.local [hbm:s22], $0x1388  }
0x3d: {  	_ =	swait.ge [sflag:s23], $0x1388  }
0x3e: {  	[sflag:s23] =	ssyncset.done $0x0  }
0x3f: {  	[sflag:s23] =	ssyncadd.s32 $0xFFFFEC78  }
0x40: {  	[bflag:$0x0] =	sbarrier.arrive $0xFFFF  }
0x41: {  	s25 =	simm.s32 $0x0;
	s31 =	simm.s32 $0x138A0;
	s26 =	rddreg [dreg:$0xc]  }
0x42: {  	[tilespmem:s31], [sflag:$0xA] =	stream.linear.gather [hbm4b:s26+s25], $0x1400, $0x38;
	[tilespmem:$0x1E788] =	vst v63  }
0x43: {  	_ =	swait.ge [sflag:s23], $0x1400  }
0x44: {  	[sflag:s23] =	ssyncset.done $0x0  }
0x45: {  	s9 =	simm.s32 $0x14CA0;
	s8 =	rddreg [dreg:$0xd];
	[sflag:s23] =	ssyncadd.s32 $0xFFFFEC00  }
0x46: {  	[tilespmem:s9], [sflag:$0xA] =	stream.linear.gather [hbm4b:s8+s25], $0x1400, $0x38;
	[tilespmem:$0x1E788] =	vst v63  }
0x47: {  	_ =	swait.ge [sflag:s23], $0x1400  }
0x48: {  	[sflag:s23] =	ssyncset.done $0x0  }
0x49: {  	[sflag:s23] =	ssyncadd.s32 $0xFFFFEC00  }
0x4a: {  	[tilespmem:s29], [sflag:$0x1] =	stream.indirect.gather [spmem:s1], $0x40, s31, s28, $0xb8;
	[tilespmem:$0x1E788] =	vst v63  }
0x4b: {  	s10 =	simm.s32 $0x13920  }
0x4c: {  	[tilespmem:s24], [sflag:$0x2] =	stream.indirect.gather [spmem:s1], $0x40, s10, s28, $0xb8;
	[tilespmem:$0x1E788] =	vst v63  }
0x4d: {  	s18 =	simm.s32 $0x139A0  }
0x4e: {  	[tilespmem:s7], [sflag:$0x3] =	stream.indirect.gather [spmem:s1], $0x40, s18, s28, $0xb8;
	[tilespmem:$0x1E788] =	vst v63  }
0x4f: {  	s19 =	simm.s32 $0x13A20  }
0x50: {  	[tilespmem:s11], [sflag:$0x4] =	stream.indirect.gather [spmem:s1], $0x40, s19, s28, $0xb8;
	[tilespmem:$0x1E788] =	vst v63  }
0x51: {  	_ =	swait.ge [sflag:s12], $0x2000  }
0x52: {  	[sflag:s12] =	ssyncset.done $0x0  }
0x53: {  	s3 =	simm.s32 @p0 $0x2;
	s0 =	simm.s32 $0x14CA0;
	[sflag:s12] =	ssyncadd.s32 $0xFFFFE000  }
0x54: {  	[spmem:s4] =	stream.indirect.scatter.add.f32 [tilespmem:s29], [sflag:$0x5], $0x40, s0, s28, $0xb8;
	[tilespmem:$0x1E788] =	vst v63  }
0x55: {  	_ =	swait.ge @p0 [sflag:s3], $0x2000  }
0x56: {  	s6 =	simm.s32 @p0 $0x180A0;
	[sflag:s3] =	ssyncset.done @p0 $0x0  }
0x57: {  	s8 =	simm.s32 @p0 $0x14D20;
	s23 =	simm.s32 @p0 $0x80;
	[sflag:s3] =	ssyncadd.s32 @p0 $0xFFFFE000  }
0x58: {  	[spmem:s4] =	stream.indirect.scatter.add.f32 @p0 [tilespmem:s6], [sflag:$0x6], $0x40, s8, s23, $0xb8;
	[tilespmem:$0x1E788] =	vst v63  }
0x59: {  	s21 =	simm.s32 @!p0 $0x80;
	s22 =	simm.s32 @!p0 $0x1E318;
	s9 =	simm.s32 @!p0 $0x2  }
0x5a: {  	[spmem:s2] =	stream.indirect.scatter.add.f32 @!p0 [tilespmem:s22], [sflag:$0x9], $0x1, s0, s21, $0xb8;
	[tilespmem:$0x1E788] =	vst v63  }
0x5b: {  	_ =	swait.ge @!p0 [sflag:s9], $0x2000  }
0x5c: {  	[sflag:s9] =	ssyncset.done @!p0 $0x0  }
0x5d: {  	s30 =	simm.s32 @!p0 $0x180A0;
	s0 =	simm.s32 @!p0 $0x14D20;
	[sflag:s9] =	ssyncadd.s32 @!p0 $0xFFFFE000  }
0x5e: {  	[spmem:s4] =	stream.indirect.scatter.add.f32 @!p0 [tilespmem:s30], [sflag:$0x6], $0x40, s0, s21, $0xb8;
	[tilespmem:$0x1E788] =	vst v63  }
0x5f: {  	_ = 	snop  }
0x60: {  	[spmem:s2] =	stream.indirect.scatter.add.f32 @!p0 [tilespmem:s22], [sflag:$0x9], $0x1, s0, s21, $0xb8;
	[tilespmem:$0x1E788] =	vst v63  }
0x61: {  	_ =	swait.ge [sflag:s13], $0x2000  }
0x62: {  	[sflag:s13] =	ssyncset.done $0x0  }
0x63: {  	s26 =	simm.s32 @p0 $0x4;
	s8 =	simm.s32 $0x14DA0;
	[sflag:s13] =	ssyncadd.s32 $0xFFFFE000  }
0x64: {  	[spmem:s4] =	stream.indirect.scatter.add.f32 [tilespmem:s7], [sflag:$0x7], $0x40, s8, s28, $0xb8;
	[tilespmem:$0x1E788] =	vst v63  }
0x65: {  	_ =	swait.ge @p0 [sflag:s26], $0x2000  }
0x66: {  	[sflag:s26] =	ssyncset.done @p0 $0x0  }
0x67: {  	s18 =	simm.s32 @p0 $0x1C0A0;
	s0 =	simm.s32 @p0 $0x14E20;
	[sflag:s26] =	ssyncadd.s32 @p0 $0xFFFFE000  }
0x68: {  	[spmem:s4] =	stream.indirect.scatter.add.f32 @p0 [tilespmem:s18], [sflag:$0x8], $0x40, s0, s23, $0xb8;
	[tilespmem:$0x1E788] =	vst v63  }
0x69: {  	s0 =	simm.s32 @!p0 $0x4  }
0x6a: {  	[spmem:s2] =	stream.indirect.scatter.add.f32 @!p0 [tilespmem:s22], [sflag:$0x9], $0x1, s8, s21, $0xb8;
	[tilespmem:$0x1E788] =	vst v63  }
0x6b: {  	_ =	swait.ge @!p0 [sflag:s0], $0x2000  }
0x6c: {  	[sflag:s0] =	ssyncset.done @!p0 $0x0  }
0x6d: {  	s19 =	simm.s32 @!p0 $0x1C0A0;
	s8 =	simm.s32 @!p0 $0x14E20;
	[sflag:s0] =	ssyncadd.s32 @!p0 $0xFFFFE000  }
0x6e: {  	[spmem:s4] =	stream.indirect.scatter.add.f32 @!p0 [tilespmem:s19], [sflag:$0x8], $0x40, s8, s21, $0xb8;
	[tilespmem:$0x1E788] =	vst v63  }
0x6f: {  	_ = 	snop  }
0x70: {  	[spmem:s2] =	stream.indirect.scatter.add.f32 @!p0 [tilespmem:s22], [sflag:$0x9], $0x1, s8, s21, $0xb8;
	[tilespmem:$0x1E788] =	vst v63  }
0x71: {  	_ =	swait.ge [sflag:s14], $0x2000  }
0x72: {  	[sflag:s14] =	ssyncset.done $0x0  }
0x73: {  	s20 =	simm.s32 $0x13AA0;
	[sflag:s14] =	ssyncadd.s32 $0xFFFFE000  }
0x74: {  	[tilespmem:s29], [sflag:$0x1] =	stream.indirect.gather [spmem:s1], $0x40, s20, s28, $0xb8;
	[tilespmem:$0x1E788] =	vst v63  }
0x75: {  	_ =	swait.ge [sflag:s15], $0x2000  }
0x76: {  	[sflag:s15] =	ssyncset.done $0x0  }
0x77: {  	s25 =	simm.s32 $0x13B20;
	[sflag:s15] =	ssyncadd.s32 $0xFFFFE000  }
0x78: {  	[tilespmem:s24], [sflag:$0x2] =	stream.indirect.gather [spmem:s1], $0x40, s25, s28, $0xb8;
	[tilespmem:$0x1E788] =	vst v63  }
0x79: {  	_ =	swait.ge [sflag:s16], $0x2000  }
0x7a: {  	[sflag:s16] =	ssyncset.done $0x0  }
0x7b: {  	s31 =	simm.s32 $0x13BA0;
	[sflag:s16] =	ssyncadd.s32 $0xFFFFE000  }
0x7c: {  	[tilespmem:s7], [sflag:$0x3] =	stream.indirect.gather [spmem:s1], $0x40, s31, s28, $0xb8;
	[tilespmem:$0x1E788] =	vst v63  }
0x7d: {  	_ =	swait.ge [sflag:s17], $0x2000  }
0x7e: {  	[sflag:s17] =	ssyncset.done $0x0  }
0x7f: {  	s10 =	simm.s32 $0x13C20;
	s8 =	simm.s32 @!p0 $0x9;
	[sflag:s17] =	ssyncadd.s32 $0xFFFFE000  }
0x80: {  	[tilespmem:s11], [sflag:$0x4] =	stream.indirect.gather [spmem:s1], $0x40, s10, s28, $0xb8;
	[tilespmem:$0x1E788] =	vst v63  }
0x81: {  	_ =	swait.ge @!p0 [sflag:s8], $0x80  }
0x82: {  	[sflag:s8] =	ssyncset.done @!p0 $0x0  }
0x83: {  	[sflag:s8] =	ssyncadd.s32 @!p0 $0xFFFFFF80  }
0x84: {  	_ =	swait.ge @!p0 [sflag:s8], $0x80  }
0x85: {  	[sflag:s8] =	ssyncset.done @!p0 $0x0  }
0x86: {  	[sflag:s8] =	ssyncadd.s32 @!p0 $0xFFFFFF80  }
0x87: {  	_ =	swait.ge @!p0 [sflag:s8], $0x80  }
0x88: {  	[sflag:s8] =	ssyncset.done @!p0 $0x0  }
0x89: {  	[sflag:s8] =	ssyncadd.s32 @!p0 $0xFFFFFF80  }
0x8a: {  	_ =	swait.ge @!p0 [sflag:s8], $0x80  }
0x8b: {  	s10 =	simm.s32 $0x800;
	[sflag:s8] =	ssyncset.done @!p0 $0x0  }
.LBB2_4:
0x8c: {  	[sflag:s8] =	ssyncadd.s32 @!p0 $0xFFFFFF80;
	s20 =	smov.u32 s10;
	s10 =	sadd.s32 $0x800, s10  }
0x8d: {  	_ =	swait.ge [sflag:s12], $0x2000;
	p2 =	sne.s32 s10, $0x4800  }
0x8e: {  	s25 =	sshra.s32 s20, $0x2;
	[sflag:s12] =	ssyncset.done $0x0  }
0x8f: {  	s5 =	sadd.s32 $0x14CA0, s25;
	[sflag:s12] =	ssyncadd.s32 $0xFFFFE000  }
0x90: {  	[spmem:s4] =	stream.indirect.scatter.add.f32 [tilespmem:s29], [sflag:$0x5], $0x40, s5, s28, $0xb8;
	[tilespmem:$0x1E788] =	vst v63  }
0x91: {  	_ =	swait.ge @p0 [sflag:s3], $0x2000  }
0x92: {  	s24 =	sshra.s32 @p0 s20, $0x2;
	[sflag:s3] =	ssyncset.done @p0 $0x0  }
0x93: {  	s31 =	sadd.s32 @p0 $0x14D20, s24;
	[sflag:s3] =	ssyncadd.s32 @p0 $0xFFFFE000  }
0x94: {  	[spmem:s4] =	stream.indirect.scatter.add.f32 @p0 [tilespmem:s6], [sflag:$0x6], $0x40, s31, s23, $0xb8;
	[tilespmem:$0x1E788] =	vst v63  }
0x95: {  	_ = 	snop  }
0x96: {  	[spmem:s2] =	stream.indirect.scatter.add.f32 @!p0 [tilespmem:s22], [sflag:$0x9], $0x1, s5, s21, $0xb8;
	[tilespmem:$0x1E788] =	vst v63  }
0x97: {  	_ =	swait.ge @!p0 [sflag:s9], $0x2000  }
0x98: {  	s5 =	sshra.s32 @!p0 s20, $0x2;
	[sflag:s9] =	ssyncset.done @!p0 $0x0  }
0x99: {  	s20 =	sadd.s32 @!p0 $0x14D20, s5;
	[sflag:s9] =	ssyncadd.s32 @!p0 $0xFFFFE000  }
0x9a: {  	[spmem:s4] =	stream.indirect.scatter.add.f32 @!p0 [tilespmem:s30], [sflag:$0x6], $0x40, s20, s21, $0xb8;
	[tilespmem:$0x1E788] =	vst v63  }
0x9b: {  	_ = 	snop  }
0x9c: {  	[spmem:s2] =	stream.indirect.scatter.add.f32 @!p0 [tilespmem:s22], [sflag:$0x9], $0x1, s20, s21, $0xb8;
	[tilespmem:$0x1E788] =	vst v63  }
0x9d: {  	_ =	swait.ge [sflag:s13], $0x2000  }
0x9e: {  	[sflag:s13] =	ssyncset.done $0x0  }
0x9f: {  	s20 =	sadd.s32 $0x14DA0, s25;
	[sflag:s13] =	ssyncadd.s32 $0xFFFFE000  }
0xa0: {  	[spmem:s4] =	stream.indirect.scatter.add.f32 [tilespmem:s7], [sflag:$0x7], $0x40, s20, s28, $0xb8;
	[tilespmem:$0x1E788] =	vst v63  }
0xa1: {  	_ =	swait.ge @p0 [sflag:s26], $0x2000  }
0xa2: {  	[sflag:s26] =	ssyncset.done @p0 $0x0  }
0xa3: {  	s24 =	sadd.s32 @p0 $0x14E20, s24;
	[sflag:s26] =	ssyncadd.s32 @p0 $0xFFFFE000  }
0xa4: {  	[spmem:s4] =	stream.indirect.scatter.add.f32 @p0 [tilespmem:s18], [sflag:$0x8], $0x40, s24, s23, $0xb8;
	[tilespmem:$0x1E788] =	vst v63  }
0xa5: {  	s24 =	simm.s32 $0x180A0;
	_ =	sdelay $0x1  }
0xa6: {  	[spmem:s2] =	stream.indirect.scatter.add.f32 @!p0 [tilespmem:s22], [sflag:$0x9], $0x1, s20, s21, $0xb8;
	[tilespmem:$0x1E788] =	vst v63  }
0xa7: {  	_ =	swait.ge @!p0 [sflag:s0], $0x2000  }
0xa8: {  	[sflag:s0] =	ssyncset.done @!p0 $0x0  }
0xa9: {  	s5 =	sadd.s32 @!p0 $0x14E20, s5;
	[sflag:s0] =	ssyncadd.s32 @!p0 $0xFFFFE000  }
0xaa: {  	[spmem:s4] =	stream.indirect.scatter.add.f32 @!p0 [tilespmem:s19], [sflag:$0x8], $0x40, s5, s21, $0xb8;
	[tilespmem:$0x1E788] =	vst v63  }
0xab: {  	_ = 	snop  }
0xac: {  	[spmem:s2] =	stream.indirect.scatter.add.f32 @!p0 [tilespmem:s22], [sflag:$0x9], $0x1, s5, s21, $0xb8;
	[tilespmem:$0x1E788] =	vst v63  }
0xad: {  	_ =	swait.ge [sflag:s14], $0x2000  }
0xae: {  	[sflag:s14] =	ssyncset.done $0x0  }
0xaf: {  	s5 =	sadd.s32 $0x13AA0, s25;
	[sflag:s14] =	ssyncadd.s32 $0xFFFFE000  }
0xb0: {  	[tilespmem:s29], [sflag:$0x1] =	stream.indirect.gather [spmem:s1], $0x40, s5, s28, $0xb8;
	[tilespmem:$0x1E788] =	vst v63  }
0xb1: {  	_ =	swait.ge [sflag:s15], $0x2000  }
0xb2: {  	[sflag:s15] =	ssyncset.done $0x0  }
0xb3: {  	s5 =	sadd.s32 $0x13B20, s25;
	[sflag:s15] =	ssyncadd.s32 $0xFFFFE000  }
0xb4: {  	[tilespmem:s24], [sflag:$0x2] =	stream.indirect.gather [spmem:s1], $0x40, s5, s28, $0xb8;
	[tilespmem:$0x1E788] =	vst v63  }
0xb5: {  	_ =	swait.ge [sflag:s16], $0x2000  }
0xb6: {  	[sflag:s16] =	ssyncset.done $0x0  }
0xb7: {  	s5 =	sadd.s32 $0x13BA0, s25;
	[sflag:s16] =	ssyncadd.s32 $0xFFFFE000  }
0xb8: {  	[tilespmem:s7], [sflag:$0x3] =	stream.indirect.gather [spmem:s1], $0x40, s5, s28, $0xb8;
	[tilespmem:$0x1E788] =	vst v63  }
0xb9: {  	_ =	swait.ge [sflag:s17], $0x2000  }
0xba: {  	[sflag:s17] =	ssyncset.done $0x0  }
0xbb: {  	s5 =	sadd.s32 $0x13C20, s25;
	[sflag:s17] =	ssyncadd.s32 $0xFFFFE000  }
0xbc: {  	[tilespmem:s11], [sflag:$0x4] =	stream.indirect.gather [spmem:s1], $0x40, s5, s28, $0xb8;
	[tilespmem:$0x1E788] =	vst v63  }
0xbd: {  	_ =	swait.ge @!p0 [sflag:s8], $0x80  }
0xbe: {  	[sflag:s8] =	ssyncset.done @!p0 $0x0  }
0xbf: {  	[sflag:s8] =	ssyncadd.s32 @!p0 $0xFFFFFF80  }
0xc0: {  	_ =	swait.ge @!p0 [sflag:s8], $0x80  }
0xc1: {  	[sflag:s8] =	ssyncset.done @!p0 $0x0  }
0xc2: {  	[sflag:s8] =	ssyncadd.s32 @!p0 $0xFFFFFF80  }
.Ltmp1:
0xc3: {  	_ =	swait.ge @!p0 [sflag:s8], $0x80;
	(pc) =	sbr.rel @p2 .LBB2_4-.Ltmp1, $4  }
0xc4: {  	[sflag:s8] =	ssyncset.done @!p0 $0x0  }
0xc5: {  	[sflag:s8] =	ssyncadd.s32 @!p0 $0xFFFFFF80  }
0xc6: {  	_ =	swait.ge @!p0 [sflag:s8], $0x80  }
0xc7: {  	[sflag:s8] =	ssyncset.done @!p0 $0x0  }
0xc8: {  	[sflag:s8] =	ssyncadd.s32 @!p0 $0xFFFFFF80  }
0xc9: {  	_ =	swait.ge [sflag:s12], $0x2000  }
0xca: {  	[sflag:s12] =	ssyncset.done $0x0  }
0xcb: {  	s5 =	simm.s32 $0x15EA0;
	[sflag:s12] =	ssyncadd.s32 $0xFFFFE000  }
0xcc: {  	[spmem:s4] =	stream.indirect.scatter.add.f32 [tilespmem:s29], [sflag:$0x5], $0x40, s5, s28, $0xb8;
	[tilespmem:$0x1E788] =	vst v63  }
0xcd: {  	_ =	swait.ge @p0 [sflag:s3], $0x2000  }
0xce: {  	[sflag:s3] =	ssyncset.done @p0 $0x0  }
0xcf: {  	[sflag:s3] =	ssyncadd.s32 @p0 $0xFFFFE000;
	s3 =	simm.s32 @p0 $0x15F20  }
0xd0: {  	[spmem:s4] =	stream.indirect.scatter.add.f32 @p0 [tilespmem:s6], [sflag:$0x6], $0x40, s3, s23, $0xb8;
	[tilespmem:$0x1E788] =	vst v63  }
0xd1: {  	s3 =	simm.s32 @!p0 $0x15EA0  }
0xd2: {  	[spmem:s2] =	stream.indirect.scatter.add.f32 @!p0 [tilespmem:s22], [sflag:$0x9], $0x1, s3, s21, $0xb8;
	[tilespmem:$0x1E788] =	vst v63  }
0xd3: {  	_ =	swait.ge @!p0 [sflag:s9], $0x2000  }
0xd4: {  	[sflag:s9] =	ssyncset.done @!p0 $0x0  }
0xd5: {  	s3 =	simm.s32 @!p0 $0x15F20;
	[sflag:s9] =	ssyncadd.s32 @!p0 $0xFFFFE000  }
0xd6: {  	[spmem:s4] =	stream.indirect.scatter.add.f32 @!p0 [tilespmem:s30], [sflag:$0x6], $0x40, s3, s21, $0xb8;
	[tilespmem:$0x1E788] =	vst v63  }
0xd7: {  	_ = 	snop  }
0xd8: {  	[spmem:s2] =	stream.indirect.scatter.add.f32 @!p0 [tilespmem:s22], [sflag:$0x9], $0x1, s3, s21, $0xb8;
	[tilespmem:$0x1E788] =	vst v63  }
0xd9: {  	_ =	swait.ge [sflag:s13], $0x2000  }
0xda: {  	[sflag:s13] =	ssyncset.done $0x0  }
0xdb: {  	s20 =	simm.s32 $0x15FA0;
	[sflag:s13] =	ssyncadd.s32 $0xFFFFE000  }
0xdc: {  	[spmem:s4] =	stream.indirect.scatter.add.f32 [tilespmem:s7], [sflag:$0x7], $0x40, s20, s28, $0xb8;
	[tilespmem:$0x1E788] =	vst v63  }
0xdd: {  	_ =	swait.ge @p0 [sflag:s26], $0x2000  }
0xde: {  	[sflag:s26] =	ssyncset.done @p0 $0x0  }
0xdf: {  	s3 =	simm.s32 @p0 $0x16020;
	[sflag:s26] =	ssyncadd.s32 @p0 $0xFFFFE000  }
0xe0: {  	[spmem:s4] =	stream.indirect.scatter.add.f32 @p0 [tilespmem:s18], [sflag:$0x8], $0x40, s3, s23, $0xb8;
	[tilespmem:$0x1E788] =	vst v63  }
0xe1: {  	s3 =	simm.s32 @!p0 $0x15FA0  }
0xe2: {  	[spmem:s2] =	stream.indirect.scatter.add.f32 @!p0 [tilespmem:s22], [sflag:$0x9], $0x1, s3, s21, $0xb8;
	[tilespmem:$0x1E788] =	vst v63  }
0xe3: {  	_ =	swait.ge @!p0 [sflag:s0], $0x2000  }
0xe4: {  	[sflag:s0] =	ssyncset.done @!p0 $0x0  }
0xe5: {  	[sflag:s0] =	ssyncadd.s32 @!p0 $0xFFFFE000;
	s0 =	simm.s32 @!p0 $0x16020  }
0xe6: {  	[spmem:s4] =	stream.indirect.scatter.add.f32 @!p0 [tilespmem:s19], [sflag:$0x8], $0x40, s0, s21, $0xb8;
	[tilespmem:$0x1E788] =	vst v63  }
0xe7: {  	_ = 	snop  }
0xe8: {  	[spmem:s2] =	stream.indirect.scatter.add.f32 @!p0 [tilespmem:s22], [sflag:$0x9], $0x1, s0, s21, $0xb8;
	[tilespmem:$0x1E788] =	vst v63  }
0xe9: {  	_ =	swait.ge [sflag:s14], $0x2000  }
0xea: {  	[sflag:s14] =	ssyncset.done $0x0  }
0xeb: {  	[sflag:s14] =	ssyncadd.s32 $0xFFFFE000  }
0xec: {  	_ =	swait.ge [sflag:s15], $0x2000  }
0xed: {  	[sflag:s15] =	ssyncset.done $0x0  }
0xee: {  	[sflag:s15] =	ssyncadd.s32 $0xFFFFE000  }
0xef: {  	_ =	swait.ge [sflag:s16], $0x2000  }
0xf0: {  	[sflag:s16] =	ssyncset.done $0x0  }
0xf1: {  	[sflag:s16] =	ssyncadd.s32 $0xFFFFE000  }
0xf2: {  	_ =	swait.ge [sflag:s17], $0x2000  }
0xf3: {  	[sflag:s17] =	ssyncset.done $0x0  }
0xf4: {  	[sflag:s17] =	ssyncadd.s32 $0xFFFFE000  }
0xf5: {  	_ =	swait.ge @!p0 [sflag:s8], $0x80  }
0xf6: {  	[sflag:s8] =	ssyncset.done @!p0 $0x0  }
0xf7: {  	[sflag:s8] =	ssyncadd.s32 @!p0 $0xFFFFFF80  }
0xf8: {  	_ =	swait.ge @!p0 [sflag:s8], $0x80  }
0xf9: {  	[sflag:s8] =	ssyncset.done @!p0 $0x0  }
0xfa: {  	[sflag:s8] =	ssyncadd.s32 @!p0 $0xFFFFFF80  }
0xfb: {  	_ =	swait.ge @!p0 [sflag:s8], $0x80  }
0xfc: {  	[sflag:s8] =	ssyncset.done @!p0 $0x0  }
0xfd: {  	[sflag:s8] =	ssyncadd.s32 @!p0 $0xFFFFFF80  }
0xfe: {  	_ =	swait.ge @!p0 [sflag:s8], $0x80  }
0xff: {  	s25 =	simm.s32 $0xA;
	s23 =	simm.s32 $0x138A0;
	[sflag:s8] =	ssyncset.done @!p0 $0x0  }
0x100: {  	s21 =	simm.s32 $0x0;
	s22 =	rddreg [dreg:$0xe];
	[sflag:s8] =	ssyncadd.s32 @!p0 $0xFFFFFF80  }
0x101: {  	[tilespmem:s23], [sflag:$0xA] =	stream.linear.gather [hbm4b:s22+s21], $0x1400, $0x38;
	[tilespmem:$0x1E788] =	vst v63  }
0x102: {  	_ =	swait.ge [sflag:s25], $0x1400  }
0x103: {  	[sflag:s25] =	ssyncset.done $0x0  }
0x104: {  	s31 =	simm.s32 $0x14CA0;
	s26 =	rddreg [dreg:$0xf];
	[sflag:s25] =	ssyncadd.s32 $0xFFFFEC00  }
0x105: {  	[tilespmem:s31], [sflag:$0xA] =	stream.linear.gather [hbm4b:s26+s21], $0x1400, $0x38;
	[tilespmem:$0x1E788] =	vst v63  }
0x106: {  	_ =	swait.ge [sflag:s25], $0x1400  }
0x107: {  	[sflag:s25] =	ssyncset.done $0x0  }
0x108: {  	[sflag:s25] =	ssyncadd.s32 $0xFFFFEC00  }
0x109: {  	[tilespmem:s29], [sflag:$0x1] =	stream.indirect.gather [spmem:s1], $0x40, s23, s28, $0xb8;
	[tilespmem:$0x1E788] =	vst v63  }
0x10a: {  	s6 =	simm.s32 $0x13920  }
0x10b: {  	[tilespmem:s24], [sflag:$0x2] =	stream.indirect.gather [spmem:s1], $0x40, s6, s28, $0xb8;
	[tilespmem:$0x1E788] =	vst v63  }
0x10c: {  	s8 =	simm.s32 $0x139A0  }
0x10d: {  	[tilespmem:s7], [sflag:$0x3] =	stream.indirect.gather [spmem:s1], $0x40, s8, s28, $0xb8;
	[tilespmem:$0x1E788] =	vst v63  }
0x10e: {  	s9 =	simm.s32 $0x13A20  }
0x10f: {  	[tilespmem:s11], [sflag:$0x4] =	stream.indirect.gather [spmem:s1], $0x40, s9, s28, $0xb8;
	[tilespmem:$0x1E788] =	vst v63  }
0x110: {  	_ =	swait.ge [sflag:s12], $0x2000  }
0x111: {  	[sflag:s12] =	ssyncset.done $0x0  }
0x112: {  	s3 =	simm.s32 @p0 $0x2;
	s0 =	simm.s32 $0x14CA0;
	[sflag:s12] =	ssyncadd.s32 $0xFFFFE000  }
0x113: {  	[spmem:s4] =	stream.indirect.scatter.add.f32 [tilespmem:s29], [sflag:$0x5], $0x40, s0, s28, $0xb8;
	[tilespmem:$0x1E788] =	vst v63  }
0x114: {  	_ =	swait.ge @p0 [sflag:s3], $0x2000  }
0x115: {  	s5 =	simm.s32 @p0 $0x14D20;
	[sflag:s3] =	ssyncset.done @p0 $0x0  }
0x116: {  	s23 =	simm.s32 @p0 $0x80;
	s6 =	simm.s32 @p0 $0x180A0;
	[sflag:s3] =	ssyncadd.s32 @p0 $0xFFFFE000  }
0x117: {  	[spmem:s4] =	stream.indirect.scatter.add.f32 @p0 [tilespmem:s6], [sflag:$0x6], $0x40, s5, s23, $0xb8;
	[tilespmem:$0x1E788] =	vst v63  }
0x118: {  	s22 =	simm.s32 @!p0 $0x1E318;
	s21 =	simm.s32 @!p0 $0x80;
	s9 =	simm.s32 @!p0 $0x2  }
0x119: {  	[spmem:s2] =	stream.indirect.scatter.add.f32 @!p0 [tilespmem:s22], [sflag:$0x9], $0x1, s0, s21, $0xb8;
	[tilespmem:$0x1E788] =	vst v63  }
0x11a: {  	_ =	swait.ge @!p0 [sflag:s9], $0x2000  }
0x11b: {  	[sflag:s9] =	ssyncset.done @!p0 $0x0  }
0x11c: {  	s5 =	simm.s32 @!p0 $0x14D20;
	s0 =	simm.s32 @!p0 $0x180A0;
	[sflag:s9] =	ssyncadd.s32 @!p0 $0xFFFFE000  }
0x11d: {  	[spmem:s4] =	stream.indirect.scatter.add.f32 @!p0 [tilespmem:s0], [sflag:$0x6], $0x40, s5, s21, $0xb8;
	[tilespmem:$0x1E788] =	vst v63  }
0x11e: {  	_ = 	snop  }
0x11f: {  	[spmem:s2] =	stream.indirect.scatter.add.f32 @!p0 [tilespmem:s22], [sflag:$0x9], $0x1, s5, s21, $0xb8;
	[tilespmem:$0x1E788] =	vst v63  }
0x120: {  	_ =	swait.ge [sflag:s13], $0x2000  }
0x121: {  	[sflag:s13] =	ssyncset.done $0x0  }
0x122: {  	s26 =	simm.s32 @p0 $0x4;
	s5 =	simm.s32 $0x14DA0;
	[sflag:s13] =	ssyncadd.s32 $0xFFFFE000  }
0x123: {  	[spmem:s4] =	stream.indirect.scatter.add.f32 [tilespmem:s7], [sflag:$0x7], $0x40, s5, s28, $0xb8;
	[tilespmem:$0x1E788] =	vst v63  }
0x124: {  	_ =	swait.ge @p0 [sflag:s26], $0x2000  }
0x125: {  	[sflag:s26] =	ssyncset.done @p0 $0x0  }
0x126: {  	s18 =	simm.s32 @p0 $0x1C0A0;
	s8 =	simm.s32 @p0 $0x14E20;
	[sflag:s26] =	ssyncadd.s32 @p0 $0xFFFFE000  }
0x127: {  	[spmem:s4] =	stream.indirect.scatter.add.f32 @p0 [tilespmem:s18], [sflag:$0x8], $0x40, s8, s23, $0xb8;
	[tilespmem:$0x1E788] =	vst v63  }
0x128: {  	s30 =	simm.s32 @!p0 $0x4  }
0x129: {  	[spmem:s2] =	stream.indirect.scatter.add.f32 @!p0 [tilespmem:s22], [sflag:$0x9], $0x1, s5, s21, $0xb8;
	[tilespmem:$0x1E788] =	vst v63  }
0x12a: {  	_ =	swait.ge @!p0 [sflag:s30], $0x2000  }
0x12b: {  	[sflag:s30] =	ssyncset.done @!p0 $0x0  }
0x12c: {  	s19 =	simm.s32 @!p0 $0x1C0A0;
	s5 =	simm.s32 @!p0 $0x14E20;
	[sflag:s30] =	ssyncadd.s32 @!p0 $0xFFFFE000  }
0x12d: {  	[spmem:s4] =	stream.indirect.scatter.add.f32 @!p0 [tilespmem:s19], [sflag:$0x8], $0x40, s5, s21, $0xb8;
	[tilespmem:$0x1E788] =	vst v63  }
0x12e: {  	_ = 	snop  }
0x12f: {  	[spmem:s2] =	stream.indirect.scatter.add.f32 @!p0 [tilespmem:s22], [sflag:$0x9], $0x1, s5, s21, $0xb8;
	[tilespmem:$0x1E788] =	vst v63  }
0x130: {  	_ =	swait.ge [sflag:s14], $0x2000  }
0x131: {  	[sflag:s14] =	ssyncset.done $0x0  }
0x132: {  	s10 =	simm.s32 $0x13AA0;
	[sflag:s14] =	ssyncadd.s32 $0xFFFFE000  }
0x133: {  	[tilespmem:s29], [sflag:$0x1] =	stream.indirect.gather [spmem:s1], $0x40, s10, s28, $0xb8;
	[tilespmem:$0x1E788] =	vst v63  }
0x134: {  	_ =	swait.ge [sflag:s15], $0x2000  }
0x135: {  	[sflag:s15] =	ssyncset.done $0x0  }
0x136: {  	s20 =	simm.s32 $0x13B20;
	[sflag:s15] =	ssyncadd.s32 $0xFFFFE000  }
0x137: {  	[tilespmem:s24], [sflag:$0x2] =	stream.indirect.gather [spmem:s1], $0x40, s20, s28, $0xb8;
	[tilespmem:$0x1E788] =	vst v63  }
0x138: {  	_ =	swait.ge [sflag:s16], $0x2000  }
0x139: {  	[sflag:s16] =	ssyncset.done $0x0  }
0x13a: {  	s25 =	simm.s32 $0x13BA0;
	[sflag:s16] =	ssyncadd.s32 $0xFFFFE000  }
0x13b: {  	[tilespmem:s7], [sflag:$0x3] =	stream.indirect.gather [spmem:s1], $0x40, s25, s28, $0xb8;
	[tilespmem:$0x1E788] =	vst v63  }
0x13c: {  	_ =	swait.ge [sflag:s17], $0x2000  }
0x13d: {  	[sflag:s17] =	ssyncset.done $0x0  }
0x13e: {  	s31 =	simm.s32 $0x13C20;
	s8 =	simm.s32 @!p0 $0x9;
	[sflag:s17] =	ssyncadd.s32 $0xFFFFE000  }
0x13f: {  	[tilespmem:s11], [sflag:$0x4] =	stream.indirect.gather [spmem:s1], $0x40, s31, s28, $0xb8;
	[tilespmem:$0x1E788] =	vst v63  }
0x140: {  	_ =	swait.ge @!p0 [sflag:s8], $0x80  }
0x141: {  	[sflag:s8] =	ssyncset.done @!p0 $0x0  }
0x142: {  	[sflag:s8] =	ssyncadd.s32 @!p0 $0xFFFFFF80  }
0x143: {  	_ =	swait.ge @!p0 [sflag:s8], $0x80  }
0x144: {  	[sflag:s8] =	ssyncset.done @!p0 $0x0  }
0x145: {  	[sflag:s8] =	ssyncadd.s32 @!p0 $0xFFFFFF80  }
0x146: {  	_ =	swait.ge @!p0 [sflag:s8], $0x80  }
0x147: {  	[sflag:s8] =	ssyncset.done @!p0 $0x0  }
0x148: {  	[sflag:s8] =	ssyncadd.s32 @!p0 $0xFFFFFF80  }
0x149: {  	_ =	swait.ge @!p0 [sflag:s8], $0x80  }
0x14a: {  	s10 =	simm.s32 $0x800;
	[sflag:s8] =	ssyncset.done @!p0 $0x0  }
.LBB2_6:
0x14b: {  	[sflag:s8] =	ssyncadd.s32 @!p0 $0xFFFFFF80;
	s5 =	smov.u32 s10;
	s10 =	sadd.s32 $0x800, s10  }
0x14c: {  	_ =	swait.ge [sflag:s12], $0x2000;
	p2 =	sne.s32 s10, $0x4800  }
0x14d: {  	s25 =	sshra.s32 s5, $0x2;
	[sflag:s12] =	ssyncset.done $0x0  }
0x14e: {  	s20 =	sadd.s32 $0x14CA0, s25;
	[sflag:s12] =	ssyncadd.s32 $0xFFFFE000  }
0x14f: {  	[spmem:s4] =	stream.indirect.scatter.add.f32 [tilespmem:s29], [sflag:$0x5], $0x40, s20, s28, $0xb8;
	[tilespmem:$0x1E788] =	vst v63  }
0x150: {  	_ =	swait.ge @p0 [sflag:s3], $0x2000  }
0x151: {  	s24 =	sshra.s32 @p0 s5, $0x2;
	[sflag:s3] =	ssyncset.done @p0 $0x0  }
0x152: {  	s31 =	sadd.s32 @p0 $0x14D20, s24;
	[sflag:s3] =	ssyncadd.s32 @p0 $0xFFFFE000  }
0x153: {  	[spmem:s4] =	stream.indirect.scatter.add.f32 @p0 [tilespmem:s6], [sflag:$0x6], $0x40, s31, s23, $0xb8;
	[tilespmem:$0x1E788] =	vst v63  }
0x154: {  	_ = 	snop  }
0x155: {  	[spmem:s2] =	stream.indirect.scatter.add.f32 @!p0 [tilespmem:s22], [sflag:$0x9], $0x1, s20, s21, $0xb8;
	[tilespmem:$0x1E788] =	vst v63  }
0x156: {  	_ =	swait.ge @!p0 [sflag:s9], $0x2000  }
0x157: {  	s5 =	sshra.s32 @!p0 s5, $0x2;
	[sflag:s9] =	ssyncset.done @!p0 $0x0  }
0x158: {  	s20 =	sadd.s32 @!p0 $0x14D20, s5;
	[sflag:s9] =	ssyncadd.s32 @!p0 $0xFFFFE000  }
0x159: {  	[spmem:s4] =	stream.indirect.scatter.add.f32 @!p0 [tilespmem:s0], [sflag:$0x6], $0x40, s20, s21, $0xb8;
	[tilespmem:$0x1E788] =	vst v63  }
0x15a: {  	_ = 	snop  }
0x15b: {  	[spmem:s2] =	stream.indirect.scatter.add.f32 @!p0 [tilespmem:s22], [sflag:$0x9], $0x1, s20, s21, $0xb8;
	[tilespmem:$0x1E788] =	vst v63  }
0x15c: {  	_ =	swait.ge [sflag:s13], $0x2000  }
0x15d: {  	[sflag:s13] =	ssyncset.done $0x0  }
0x15e: {  	s20 =	sadd.s32 $0x14DA0, s25;
	[sflag:s13] =	ssyncadd.s32 $0xFFFFE000  }
0x15f: {  	[spmem:s4] =	stream.indirect.scatter.add.f32 [tilespmem:s7], [sflag:$0x7], $0x40, s20, s28, $0xb8;
	[tilespmem:$0x1E788] =	vst v63  }
0x160: {  	_ =	swait.ge @p0 [sflag:s26], $0x2000  }
0x161: {  	[sflag:s26] =	ssyncset.done @p0 $0x0  }
0x162: {  	s24 =	sadd.s32 @p0 $0x14E20, s24;
	[sflag:s26] =	ssyncadd.s32 @p0 $0xFFFFE000  }
0x163: {  	[spmem:s4] =	stream.indirect.scatter.add.f32 @p0 [tilespmem:s18], [sflag:$0x8], $0x40, s24, s23, $0xb8;
	[tilespmem:$0x1E788] =	vst v63  }
0x164: {  	s24 =	simm.s32 $0x180A0;
	_ =	sdelay $0x1  }
0x165: {  	[spmem:s2] =	stream.indirect.scatter.add.f32 @!p0 [tilespmem:s22], [sflag:$0x9], $0x1, s20, s21, $0xb8;
	[tilespmem:$0x1E788] =	vst v63  }
0x166: {  	_ =	swait.ge @!p0 [sflag:s30], $0x2000  }
0x167: {  	[sflag:s30] =	ssyncset.done @!p0 $0x0  }
0x168: {  	s5 =	sadd.s32 @!p0 $0x14E20, s5;
	[sflag:s30] =	ssyncadd.s32 @!p0 $0xFFFFE000  }
0x169: {  	[spmem:s4] =	stream.indirect.scatter.add.f32 @!p0 [tilespmem:s19], [sflag:$0x8], $0x40, s5, s21, $0xb8;
	[tilespmem:$0x1E788] =	vst v63  }
0x16a: {  	_ = 	snop  }
0x16b: {  	[spmem:s2] =	stream.indirect.scatter.add.f32 @!p0 [tilespmem:s22], [sflag:$0x9], $0x1, s5, s21, $0xb8;
	[tilespmem:$0x1E788] =	vst v63  }
0x16c: {  	_ =	swait.ge [sflag:s14], $0x2000  }
0x16d: {  	[sflag:s14] =	ssyncset.done $0x0  }
0x16e: {  	s5 =	sadd.s32 $0x13AA0, s25;
	[sflag:s14] =	ssyncadd.s32 $0xFFFFE000  }
0x16f: {  	[tilespmem:s29], [sflag:$0x1] =	stream.indirect.gather [spmem:s1], $0x40, s5, s28, $0xb8;
	[tilespmem:$0x1E788] =	vst v63  }
0x170: {  	_ =	swait.ge [sflag:s15], $0x2000  }
0x171: {  	[sflag:s15] =	ssyncset.done $0x0  }
0x172: {  	s5 =	sadd.s32 $0x13B20, s25;
	[sflag:s15] =	ssyncadd.s32 $0xFFFFE000  }
0x173: {  	[tilespmem:s24], [sflag:$0x2] =	stream.indirect.gather [spmem:s1], $0x40, s5, s28, $0xb8;
	[tilespmem:$0x1E788] =	vst v63  }
0x174: {  	_ =	swait.ge [sflag:s16], $0x2000  }
0x175: {  	[sflag:s16] =	ssyncset.done $0x0  }
0x176: {  	s5 =	sadd.s32 $0x13BA0, s25;
	[sflag:s16] =	ssyncadd.s32 $0xFFFFE000  }
0x177: {  	[tilespmem:s7], [sflag:$0x3] =	stream.indirect.gather [spmem:s1], $0x40, s5, s28, $0xb8;
	[tilespmem:$0x1E788] =	vst v63  }
0x178: {  	_ =	swait.ge [sflag:s17], $0x2000  }
0x179: {  	[sflag:s17] =	ssyncset.done $0x0  }
0x17a: {  	s5 =	sadd.s32 $0x13C20, s25;
	[sflag:s17] =	ssyncadd.s32 $0xFFFFE000  }
0x17b: {  	[tilespmem:s11], [sflag:$0x4] =	stream.indirect.gather [spmem:s1], $0x40, s5, s28, $0xb8;
	[tilespmem:$0x1E788] =	vst v63  }
0x17c: {  	_ =	swait.ge @!p0 [sflag:s8], $0x80  }
0x17d: {  	[sflag:s8] =	ssyncset.done @!p0 $0x0  }
0x17e: {  	[sflag:s8] =	ssyncadd.s32 @!p0 $0xFFFFFF80  }
0x17f: {  	_ =	swait.ge @!p0 [sflag:s8], $0x80  }
0x180: {  	[sflag:s8] =	ssyncset.done @!p0 $0x0  }
0x181: {  	[sflag:s8] =	ssyncadd.s32 @!p0 $0xFFFFFF80  }
.Ltmp2:
0x182: {  	_ =	swait.ge @!p0 [sflag:s8], $0x80;
	(pc) =	sbr.rel @p2 .LBB2_6-.Ltmp2, $4  }
0x183: {  	[sflag:s8] =	ssyncset.done @!p0 $0x0  }
0x184: {  	[sflag:s8] =	ssyncadd.s32 @!p0 $0xFFFFFF80  }
0x185: {  	_ =	swait.ge @!p0 [sflag:s8], $0x80  }
0x186: {  	[sflag:s8] =	ssyncset.done @!p0 $0x0  }
0x187: {  	[sflag:s8] =	ssyncadd.s32 @!p0 $0xFFFFFF80  }
0x188: {  	_ =	swait.ge [sflag:s12], $0x2000  }
0x189: {  	[sflag:s12] =	ssyncset.done $0x0  }
0x18a: {  	s5 =	simm.s32 $0x15EA0;
	[sflag:s12] =	ssyncadd.s32 $0xFFFFE000  }
0x18b: {  	[spmem:s4] =	stream.indirect.scatter.add.f32 [tilespmem:s29], [sflag:$0x5], $0x40, s5, s28, $0xb8;
	[tilespmem:$0x1E788] =	vst v63  }
0x18c: {  	_ =	swait.ge @p0 [sflag:s3], $0x2000  }
0x18d: {  	[sflag:s3] =	ssyncset.done @p0 $0x0  }
0x18e: {  	[sflag:s3] =	ssyncadd.s32 @p0 $0xFFFFE000;
	s3 =	simm.s32 @p0 $0x15F20  }
0x18f: {  	[spmem:s4] =	stream.indirect.scatter.add.f32 @p0 [tilespmem:s6], [sflag:$0x6], $0x40, s3, s23, $0xb8;
	[tilespmem:$0x1E788] =	vst v63  }
0x190: {  	s3 =	simm.s32 @!p0 $0x15EA0  }
0x191: {  	[spmem:s2] =	stream.indirect.scatter.add.f32 @!p0 [tilespmem:s22], [sflag:$0x9], $0x1, s3, s21, $0xb8;
	[tilespmem:$0x1E788] =	vst v63  }
0x192: {  	_ =	swait.ge @!p0 [sflag:s9], $0x2000  }
0x193: {  	[sflag:s9] =	ssyncset.done @!p0 $0x0  }
0x194: {  	s3 =	simm.s32 @!p0 $0x15F20;
	[sflag:s9] =	ssyncadd.s32 @!p0 $0xFFFFE000  }
0x195: {  	[spmem:s4] =	stream.indirect.scatter.add.f32 @!p0 [tilespmem:s0], [sflag:$0x6], $0x40, s3, s21, $0xb8;
	[tilespmem:$0x1E788] =	vst v63  }
0x196: {  	_ = 	snop  }
0x197: {  	[spmem:s2] =	stream.indirect.scatter.add.f32 @!p0 [tilespmem:s22], [sflag:$0x9], $0x1, s3, s21, $0xb8;
	[tilespmem:$0x1E788] =	vst v63  }
0x198: {  	_ =	swait.ge [sflag:s13], $0x2000  }
0x199: {  	[sflag:s13] =	ssyncset.done $0x0  }
0x19a: {  	s20 =	simm.s32 $0x15FA0;
	[sflag:s13] =	ssyncadd.s32 $0xFFFFE000  }
0x19b: {  	[spmem:s4] =	stream.indirect.scatter.add.f32 [tilespmem:s7], [sflag:$0x7], $0x40, s20, s28, $0xb8;
	[tilespmem:$0x1E788] =	vst v63  }
0x19c: {  	_ =	swait.ge @p0 [sflag:s26], $0x2000  }
0x19d: {  	[sflag:s26] =	ssyncset.done @p0 $0x0  }
0x19e: {  	s0 =	simm.s32 @p0 $0x16020;
	[sflag:s26] =	ssyncadd.s32 @p0 $0xFFFFE000  }
0x19f: {  	[spmem:s4] =	stream.indirect.scatter.add.f32 @p0 [tilespmem:s18], [sflag:$0x8], $0x40, s0, s23, $0xb8;
	[tilespmem:$0x1E788] =	vst v63  }
0x1a0: {  	s0 =	simm.s32 @!p0 $0x15FA0  }
0x1a1: {  	[spmem:s2] =	stream.indirect.scatter.add.f32 @!p0 [tilespmem:s22], [sflag:$0x9], $0x1, s0, s21, $0xb8;
	[tilespmem:$0x1E788] =	vst v63  }
0x1a2: {  	_ =	swait.ge @!p0 [sflag:s30], $0x2000  }
0x1a3: {  	[sflag:s30] =	ssyncset.done @!p0 $0x0  }
0x1a4: {  	s0 =	simm.s32 @!p0 $0x16020;
	[sflag:s30] =	ssyncadd.s32 @!p0 $0xFFFFE000  }
0x1a5: {  	[spmem:s4] =	stream.indirect.scatter.add.f32 @!p0 [tilespmem:s19], [sflag:$0x8], $0x40, s0, s21, $0xb8;
	[tilespmem:$0x1E788] =	vst v63  }
0x1a6: {  	_ = 	snop  }
0x1a7: {  	[spmem:s2] =	stream.indirect.scatter.add.f32 @!p0 [tilespmem:s22], [sflag:$0x9], $0x1, s0, s21, $0xb8;
	[tilespmem:$0x1E788] =	vst v63  }
0x1a8: {  	_ =	swait.ge [sflag:s14], $0x2000  }
0x1a9: {  	[sflag:s14] =	ssyncset.done $0x0  }
0x1aa: {  	[sflag:s14] =	ssyncadd.s32 $0xFFFFE000  }
0x1ab: {  	_ =	swait.ge [sflag:s15], $0x2000  }
0x1ac: {  	[sflag:s15] =	ssyncset.done $0x0  }
0x1ad: {  	[sflag:s15] =	ssyncadd.s32 $0xFFFFE000  }
0x1ae: {  	_ =	swait.ge [sflag:s16], $0x2000  }
0x1af: {  	[sflag:s16] =	ssyncset.done $0x0  }
0x1b0: {  	[sflag:s16] =	ssyncadd.s32 $0xFFFFE000  }
0x1b1: {  	_ =	swait.ge [sflag:s17], $0x2000  }
0x1b2: {  	[sflag:s17] =	ssyncset.done $0x0  }
0x1b3: {  	[sflag:s17] =	ssyncadd.s32 $0xFFFFE000  }
0x1b4: {  	_ =	swait.ge @!p0 [sflag:s8], $0x80  }
0x1b5: {  	[sflag:s8] =	ssyncset.done @!p0 $0x0  }
0x1b6: {  	[sflag:s8] =	ssyncadd.s32 @!p0 $0xFFFFFF80  }
0x1b7: {  	_ =	swait.ge @!p0 [sflag:s8], $0x80  }
0x1b8: {  	[sflag:s8] =	ssyncset.done @!p0 $0x0  }
0x1b9: {  	[sflag:s8] =	ssyncadd.s32 @!p0 $0xFFFFFF80  }
0x1ba: {  	_ =	swait.ge @!p0 [sflag:s8], $0x80  }
0x1bb: {  	[sflag:s8] =	ssyncset.done @!p0 $0x0  }
0x1bc: {  	[sflag:s8] =	ssyncadd.s32 @!p0 $0xFFFFFF80  }
0x1bd: {  	_ =	swait.ge @!p0 [sflag:s8], $0x80  }
0x1be: {  	s25 =	simm.s32 $0xA;
	s23 =	simm.s32 $0x138A0;
	[sflag:s8] =	ssyncset.done @!p0 $0x0  }
0x1bf: {  	s21 =	simm.s32 $0x0;
	s22 =	rddreg [dreg:$0x10];
	[sflag:s8] =	ssyncadd.s32 @!p0 $0xFFFFFF80  }
0x1c0: {  	[tilespmem:s23], [sflag:$0xA] =	stream.linear.gather [hbm4b:s22+s21], $0x1400, $0x38;
	[tilespmem:$0x1E788] =	vst v63  }
0x1c1: {  	_ =	swait.ge [sflag:s25], $0x1400  }
0x1c2: {  	[sflag:s25] =	ssyncset.done $0x0  }
0x1c3: {  	s31 =	simm.s32 $0x14CA0;
	s26 =	rddreg [dreg:$0x11];
	[sflag:s25] =	ssyncadd.s32 $0xFFFFEC00  }
0x1c4: {  	[tilespmem:s31], [sflag:$0xA] =	stream.linear.gather [hbm4b:s26+s21], $0x1400, $0x38;
	[tilespmem:$0x1E788] =	vst v63  }
0x1c5: {  	_ =	swait.ge [sflag:s25], $0x1400  }
0x1c6: {  	[sflag:s25] =	ssyncset.done $0x0  }
0x1c7: {  	[sflag:s25] =	ssyncadd.s32 $0xFFFFEC00  }
0x1c8: {  	[tilespmem:s29], [sflag:$0x1] =	stream.indirect.gather [spmem:s1], $0x40, s23, s28, $0xb8;
	[tilespmem:$0x1E788] =	vst v63  }
0x1c9: {  	s6 =	simm.s32 $0x13920  }
0x1ca: {  	[tilespmem:s24], [sflag:$0x2] =	stream.indirect.gather [spmem:s1], $0x40, s6, s28, $0xb8;
	[tilespmem:$0x1E788] =	vst v63  }
0x1cb: {  	s8 =	simm.s32 $0x139A0  }
0x1cc: {  	[tilespmem:s7], [sflag:$0x3] =	stream.indirect.gather [spmem:s1], $0x40, s8, s28, $0xb8;
	[tilespmem:$0x1E788] =	vst v63  }
0x1cd: {  	s9 =	simm.s32 $0x13A20  }
0x1ce: {  	[tilespmem:s11], [sflag:$0x4] =	stream.indirect.gather [spmem:s1], $0x40, s9, s28, $0xb8;
	[tilespmem:$0x1E788] =	vst v63  }
0x1cf: {  	_ =	swait.ge [sflag:s12], $0x2000  }
0x1d0: {  	[sflag:s12] =	ssyncset.done $0x0  }
0x1d1: {  	s3 =	simm.s32 @p0 $0x2;
	s0 =	simm.s32 $0x14CA0;
	[sflag:s12] =	ssyncadd.s32 $0xFFFFE000  }
0x1d2: {  	[spmem:s4] =	stream.indirect.scatter.add.f32 [tilespmem:s29], [sflag:$0x5], $0x40, s0, s28, $0xb8;
	[tilespmem:$0x1E788] =	vst v63  }
0x1d3: {  	_ =	swait.ge @p0 [sflag:s3], $0x2000  }
0x1d4: {  	s5 =	simm.s32 @p0 $0x14D20;
	[sflag:s3] =	ssyncset.done @p0 $0x0  }
0x1d5: {  	s23 =	simm.s32 @p0 $0x80;
	s6 =	simm.s32 @p0 $0x180A0;
	[sflag:s3] =	ssyncadd.s32 @p0 $0xFFFFE000  }
0x1d6: {  	[spmem:s4] =	stream.indirect.scatter.add.f32 @p0 [tilespmem:s6], [sflag:$0x6], $0x40, s5, s23, $0xb8;
	[tilespmem:$0x1E788] =	vst v63  }
0x1d7: {  	s22 =	simm.s32 @!p0 $0x1E318;
	s21 =	simm.s32 @!p0 $0x80;
	s9 =	simm.s32 @!p0 $0x2  }
0x1d8: {  	[spmem:s2] =	stream.indirect.scatter.add.f32 @!p0 [tilespmem:s22], [sflag:$0x9], $0x1, s0, s21, $0xb8;
	[tilespmem:$0x1E788] =	vst v63  }
0x1d9: {  	_ =	swait.ge @!p0 [sflag:s9], $0x2000  }
0x1da: {  	[sflag:s9] =	ssyncset.done @!p0 $0x0  }
0x1db: {  	s5 =	simm.s32 @!p0 $0x14D20;
	s0 =	simm.s32 @!p0 $0x180A0;
	[sflag:s9] =	ssyncadd.s32 @!p0 $0xFFFFE000  }
0x1dc: {  	[spmem:s4] =	stream.indirect.scatter.add.f32 @!p0 [tilespmem:s0], [sflag:$0x6], $0x40, s5, s21, $0xb8;
	[tilespmem:$0x1E788] =	vst v63  }
0x1dd: {  	_ = 	snop  }
0x1de: {  	[spmem:s2] =	stream.indirect.scatter.add.f32 @!p0 [tilespmem:s22], [sflag:$0x9], $0x1, s5, s21, $0xb8;
	[tilespmem:$0x1E788] =	vst v63  }
0x1df: {  	_ =	swait.ge [sflag:s13], $0x2000  }
0x1e0: {  	[sflag:s13] =	ssyncset.done $0x0  }
0x1e1: {  	s26 =	simm.s32 @p0 $0x4;
	s5 =	simm.s32 $0x14DA0;
	[sflag:s13] =	ssyncadd.s32 $0xFFFFE000  }
0x1e2: {  	[spmem:s4] =	stream.indirect.scatter.add.f32 [tilespmem:s7], [sflag:$0x7], $0x40, s5, s28, $0xb8;
	[tilespmem:$0x1E788] =	vst v63  }
0x1e3: {  	_ =	swait.ge @p0 [sflag:s26], $0x2000  }
0x1e4: {  	[sflag:s26] =	ssyncset.done @p0 $0x0  }
0x1e5: {  	s18 =	simm.s32 @p0 $0x1C0A0;
	s8 =	simm.s32 @p0 $0x14E20;
	[sflag:s26] =	ssyncadd.s32 @p0 $0xFFFFE000  }
0x1e6: {  	[spmem:s4] =	stream.indirect.scatter.add.f32 @p0 [tilespmem:s18], [sflag:$0x8], $0x40, s8, s23, $0xb8;
	[tilespmem:$0x1E788] =	vst v63  }
0x1e7: {  	s30 =	simm.s32 @!p0 $0x4  }
0x1e8: {  	[spmem:s2] =	stream.indirect.scatter.add.f32 @!p0 [tilespmem:s22], [sflag:$0x9], $0x1, s5, s21, $0xb8;
	[tilespmem:$0x1E788] =	vst v63  }
0x1e9: {  	_ =	swait.ge @!p0 [sflag:s30], $0x2000  }
0x1ea: {  	[sflag:s30] =	ssyncset.done @!p0 $0x0  }
0x1eb: {  	s19 =	simm.s32 @!p0 $0x1C0A0;
	s5 =	simm.s32 @!p0 $0x14E20;
	[sflag:s30] =	ssyncadd.s32 @!p0 $0xFFFFE000  }
0x1ec: {  	[spmem:s4] =	stream.indirect.scatter.add.f32 @!p0 [tilespmem:s19], [sflag:$0x8], $0x40, s5, s21, $0xb8;
	[tilespmem:$0x1E788] =	vst v63  }
0x1ed: {  	_ = 	snop  }
0x1ee: {  	[spmem:s2] =	stream.indirect.scatter.add.f32 @!p0 [tilespmem:s22], [sflag:$0x9], $0x1, s5, s21, $0xb8;
	[tilespmem:$0x1E788] =	vst v63  }
0x1ef: {  	_ =	swait.ge [sflag:s14], $0x2000  }
0x1f0: {  	[sflag:s14] =	ssyncset.done $0x0  }
0x1f1: {  	s10 =	simm.s32 $0x13AA0;
	[sflag:s14] =	ssyncadd.s32 $0xFFFFE000  }
0x1f2: {  	[tilespmem:s29], [sflag:$0x1] =	stream.indirect.gather [spmem:s1], $0x40, s10, s28, $0xb8;
	[tilespmem:$0x1E788] =	vst v63  }
0x1f3: {  	_ =	swait.ge [sflag:s15], $0x2000  }
0x1f4: {  	[sflag:s15] =	ssyncset.done $0x0  }
0x1f5: {  	s20 =	simm.s32 $0x13B20;
	[sflag:s15] =	ssyncadd.s32 $0xFFFFE000  }
0x1f6: {  	[tilespmem:s24], [sflag:$0x2] =	stream.indirect.gather [spmem:s1], $0x40, s20, s28, $0xb8;
	[tilespmem:$0x1E788] =	vst v63  }
0x1f7: {  	_ =	swait.ge [sflag:s16], $0x2000  }
0x1f8: {  	[sflag:s16] =	ssyncset.done $0x0  }
0x1f9: {  	s25 =	simm.s32 $0x13BA0;
	[sflag:s16] =	ssyncadd.s32 $0xFFFFE000  }
0x1fa: {  	[tilespmem:s7], [sflag:$0x3] =	stream.indirect.gather [spmem:s1], $0x40, s25, s28, $0xb8;
	[tilespmem:$0x1E788] =	vst v63  }
0x1fb: {  	_ =	swait.ge [sflag:s17], $0x2000  }
0x1fc: {  	[sflag:s17] =	ssyncset.done $0x0  }
0x1fd: {  	s31 =	simm.s32 $0x13C20;
	s8 =	simm.s32 @!p0 $0x9;
	[sflag:s17] =	ssyncadd.s32 $0xFFFFE000  }
0x1fe: {  	[tilespmem:s11], [sflag:$0x4] =	stream.indirect.gather [spmem:s1], $0x40, s31, s28, $0xb8;
	[tilespmem:$0x1E788] =	vst v63  }
0x1ff: {  	_ =	swait.ge @!p0 [sflag:s8], $0x80  }
0x200: {  	[sflag:s8] =	ssyncset.done @!p0 $0x0  }
0x201: {  	[sflag:s8] =	ssyncadd.s32 @!p0 $0xFFFFFF80  }
0x202: {  	_ =	swait.ge @!p0 [sflag:s8], $0x80  }
0x203: {  	[sflag:s8] =	ssyncset.done @!p0 $0x0  }
0x204: {  	[sflag:s8] =	ssyncadd.s32 @!p0 $0xFFFFFF80  }
0x205: {  	_ =	swait.ge @!p0 [sflag:s8], $0x80  }
0x206: {  	[sflag:s8] =	ssyncset.done @!p0 $0x0  }
0x207: {  	[sflag:s8] =	ssyncadd.s32 @!p0 $0xFFFFFF80  }
0x208: {  	_ =	swait.ge @!p0 [sflag:s8], $0x80  }
0x209: {  	s10 =	simm.s32 $0x800;
	[sflag:s8] =	ssyncset.done @!p0 $0x0  }
.LBB2_8:
0x20a: {  	[sflag:s8] =	ssyncadd.s32 @!p0 $0xFFFFFF80;
	s5 =	smov.u32 s10;
	s10 =	sadd.s32 $0x800, s10  }
0x20b: {  	_ =	swait.ge [sflag:s12], $0x2000;
	p2 =	sne.s32 s10, $0x4800  }
0x20c: {  	s25 =	sshra.s32 s5, $0x2;
	[sflag:s12] =	ssyncset.done $0x0  }
0x20d: {  	s20 =	sadd.s32 $0x14CA0, s25;
	[sflag:s12] =	ssyncadd.s32 $0xFFFFE000  }
0x20e: {  	[spmem:s4] =	stream.indirect.scatter.add.f32 [tilespmem:s29], [sflag:$0x5], $0x40, s20, s28, $0xb8;
	[tilespmem:$0x1E788] =	vst v63  }
0x20f: {  	_ =	swait.ge @p0 [sflag:s3], $0x2000  }
0x210: {  	s24 =	sshra.s32 @p0 s5, $0x2;
	[sflag:s3] =	ssyncset.done @p0 $0x0  }
0x211: {  	s31 =	sadd.s32 @p0 $0x14D20, s24;
	[sflag:s3] =	ssyncadd.s32 @p0 $0xFFFFE000  }
0x212: {  	[spmem:s4] =	stream.indirect.scatter.add.f32 @p0 [tilespmem:s6], [sflag:$0x6], $0x40, s31, s23, $0xb8;
	[tilespmem:$0x1E788] =	vst v63  }
0x213: {  	_ = 	snop  }
0x214: {  	[spmem:s2] =	stream.indirect.scatter.add.f32 @!p0 [tilespmem:s22], [sflag:$0x9], $0x1, s20, s21, $0xb8;
	[tilespmem:$0x1E788] =	vst v63  }
0x215: {  	_ =	swait.ge @!p0 [sflag:s9], $0x2000  }
0x216: {  	s5 =	sshra.s32 @!p0 s5, $0x2;
	[sflag:s9] =	ssyncset.done @!p0 $0x0  }
0x217: {  	s20 =	sadd.s32 @!p0 $0x14D20, s5;
	[sflag:s9] =	ssyncadd.s32 @!p0 $0xFFFFE000  }
0x218: {  	[spmem:s4] =	stream.indirect.scatter.add.f32 @!p0 [tilespmem:s0], [sflag:$0x6], $0x40, s20, s21, $0xb8;
	[tilespmem:$0x1E788] =	vst v63  }
0x219: {  	_ = 	snop  }
0x21a: {  	[spmem:s2] =	stream.indirect.scatter.add.f32 @!p0 [tilespmem:s22], [sflag:$0x9], $0x1, s20, s21, $0xb8;
	[tilespmem:$0x1E788] =	vst v63  }
0x21b: {  	_ =	swait.ge [sflag:s13], $0x2000  }
0x21c: {  	[sflag:s13] =	ssyncset.done $0x0  }
0x21d: {  	s20 =	sadd.s32 $0x14DA0, s25;
	[sflag:s13] =	ssyncadd.s32 $0xFFFFE000  }
0x21e: {  	[spmem:s4] =	stream.indirect.scatter.add.f32 [tilespmem:s7], [sflag:$0x7], $0x40, s20, s28, $0xb8;
	[tilespmem:$0x1E788] =	vst v63  }
0x21f: {  	_ =	swait.ge @p0 [sflag:s26], $0x2000  }
0x220: {  	[sflag:s26] =	ssyncset.done @p0 $0x0  }
0x221: {  	s24 =	sadd.s32 @p0 $0x14E20, s24;
	[sflag:s26] =	ssyncadd.s32 @p0 $0xFFFFE000  }
0x222: {  	[spmem:s4] =	stream.indirect.scatter.add.f32 @p0 [tilespmem:s18], [sflag:$0x8], $0x40, s24, s23, $0xb8;
	[tilespmem:$0x1E788] =	vst v63  }
0x223: {  	s24 =	simm.s32 $0x180A0;
	_ =	sdelay $0x1  }
0x224: {  	[spmem:s2] =	stream.indirect.scatter.add.f32 @!p0 [tilespmem:s22], [sflag:$0x9], $0x1, s20, s21, $0xb8;
	[tilespmem:$0x1E788] =	vst v63  }
0x225: {  	_ =	swait.ge @!p0 [sflag:s30], $0x2000  }
0x226: {  	[sflag:s30] =	ssyncset.done @!p0 $0x0  }
0x227: {  	s5 =	sadd.s32 @!p0 $0x14E20, s5;
	[sflag:s30] =	ssyncadd.s32 @!p0 $0xFFFFE000  }
0x228: {  	[spmem:s4] =	stream.indirect.scatter.add.f32 @!p0 [tilespmem:s19], [sflag:$0x8], $0x40, s5, s21, $0xb8;
	[tilespmem:$0x1E788] =	vst v63  }
0x229: {  	_ = 	snop  }
0x22a: {  	[spmem:s2] =	stream.indirect.scatter.add.f32 @!p0 [tilespmem:s22], [sflag:$0x9], $0x1, s5, s21, $0xb8;
	[tilespmem:$0x1E788] =	vst v63  }
0x22b: {  	_ =	swait.ge [sflag:s14], $0x2000  }
0x22c: {  	[sflag:s14] =	ssyncset.done $0x0  }
0x22d: {  	s5 =	sadd.s32 $0x13AA0, s25;
	[sflag:s14] =	ssyncadd.s32 $0xFFFFE000  }
0x22e: {  	[tilespmem:s29], [sflag:$0x1] =	stream.indirect.gather [spmem:s1], $0x40, s5, s28, $0xb8;
	[tilespmem:$0x1E788] =	vst v63  }
0x22f: {  	_ =	swait.ge [sflag:s15], $0x2000  }
0x230: {  	[sflag:s15] =	ssyncset.done $0x0  }
0x231: {  	s5 =	sadd.s32 $0x13B20, s25;
	[sflag:s15] =	ssyncadd.s32 $0xFFFFE000  }
0x232: {  	[tilespmem:s24], [sflag:$0x2] =	stream.indirect.gather [spmem:s1], $0x40, s5, s28, $0xb8;
	[tilespmem:$0x1E788] =	vst v63  }
0x233: {  	_ =	swait.ge [sflag:s16], $0x2000  }
0x234: {  	[sflag:s16] =	ssyncset.done $0x0  }
0x235: {  	s5 =	sadd.s32 $0x13BA0, s25;
	[sflag:s16] =	ssyncadd.s32 $0xFFFFE000  }
0x236: {  	[tilespmem:s7], [sflag:$0x3] =	stream.indirect.gather [spmem:s1], $0x40, s5, s28, $0xb8;
	[tilespmem:$0x1E788] =	vst v63  }
0x237: {  	_ =	swait.ge [sflag:s17], $0x2000  }
0x238: {  	[sflag:s17] =	ssyncset.done $0x0  }
0x239: {  	s5 =	sadd.s32 $0x13C20, s25;
	[sflag:s17] =	ssyncadd.s32 $0xFFFFE000  }
0x23a: {  	[tilespmem:s11], [sflag:$0x4] =	stream.indirect.gather [spmem:s1], $0x40, s5, s28, $0xb8;
	[tilespmem:$0x1E788] =	vst v63  }
0x23b: {  	_ =	swait.ge @!p0 [sflag:s8], $0x80  }
0x23c: {  	[sflag:s8] =	ssyncset.done @!p0 $0x0  }
0x23d: {  	[sflag:s8] =	ssyncadd.s32 @!p0 $0xFFFFFF80  }
0x23e: {  	_ =	swait.ge @!p0 [sflag:s8], $0x80  }
0x23f: {  	[sflag:s8] =	ssyncset.done @!p0 $0x0  }
0x240: {  	[sflag:s8] =	ssyncadd.s32 @!p0 $0xFFFFFF80  }
.Ltmp3:
0x241: {  	_ =	swait.ge @!p0 [sflag:s8], $0x80;
	(pc) =	sbr.rel @p2 .LBB2_8-.Ltmp3, $4  }
0x242: {  	[sflag:s8] =	ssyncset.done @!p0 $0x0  }
0x243: {  	[sflag:s8] =	ssyncadd.s32 @!p0 $0xFFFFFF80  }
0x244: {  	_ =	swait.ge @!p0 [sflag:s8], $0x80  }
0x245: {  	[sflag:s8] =	ssyncset.done @!p0 $0x0  }
0x246: {  	[sflag:s8] =	ssyncadd.s32 @!p0 $0xFFFFFF80  }
0x247: {  	_ =	swait.ge [sflag:s12], $0x2000  }
0x248: {  	[sflag:s12] =	ssyncset.done $0x0  }
0x249: {  	s5 =	simm.s32 $0x15EA0;
	[sflag:s12] =	ssyncadd.s32 $0xFFFFE000  }
0x24a: {  	[spmem:s4] =	stream.indirect.scatter.add.f32 [tilespmem:s29], [sflag:$0x5], $0x40, s5, s28, $0xb8;
	[tilespmem:$0x1E788] =	vst v63  }
0x24b: {  	_ =	swait.ge @p0 [sflag:s3], $0x2000  }
0x24c: {  	[sflag:s3] =	ssyncset.done @p0 $0x0  }
0x24d: {  	[sflag:s3] =	ssyncadd.s32 @p0 $0xFFFFE000;
	s3 =	simm.s32 @p0 $0x15F20  }
0x24e: {  	[spmem:s4] =	stream.indirect.scatter.add.f32 @p0 [tilespmem:s6], [sflag:$0x6], $0x40, s3, s23, $0xb8;
	[tilespmem:$0x1E788] =	vst v63  }
0x24f: {  	s3 =	simm.s32 @!p0 $0x15EA0  }
0x250: {  	[spmem:s2] =	stream.indirect.scatter.add.f32 @!p0 [tilespmem:s22], [sflag:$0x9], $0x1, s3, s21, $0xb8;
	[tilespmem:$0x1E788] =	vst v63  }
0x251: {  	_ =	swait.ge @!p0 [sflag:s9], $0x2000  }
0x252: {  	[sflag:s9] =	ssyncset.done @!p0 $0x0  }
0x253: {  	s3 =	simm.s32 @!p0 $0x15F20;
	[sflag:s9] =	ssyncadd.s32 @!p0 $0xFFFFE000  }
0x254: {  	[spmem:s4] =	stream.indirect.scatter.add.f32 @!p0 [tilespmem:s0], [sflag:$0x6], $0x40, s3, s21, $0xb8;
	[tilespmem:$0x1E788] =	vst v63  }
0x255: {  	_ = 	snop  }
0x256: {  	[spmem:s2] =	stream.indirect.scatter.add.f32 @!p0 [tilespmem:s22], [sflag:$0x9], $0x1, s3, s21, $0xb8;
	[tilespmem:$0x1E788] =	vst v63  }
0x257: {  	_ =	swait.ge [sflag:s13], $0x2000  }
0x258: {  	[sflag:s13] =	ssyncset.done $0x0  }
0x259: {  	s20 =	simm.s32 $0x15FA0;
	[sflag:s13] =	ssyncadd.s32 $0xFFFFE000  }
0x25a: {  	[spmem:s4] =	stream.indirect.scatter.add.f32 [tilespmem:s7], [sflag:$0x7], $0x40, s20, s28, $0xb8;
	[tilespmem:$0x1E788] =	vst v63  }
0x25b: {  	_ =	swait.ge @p0 [sflag:s26], $0x2000  }
0x25c: {  	[sflag:s26] =	ssyncset.done @p0 $0x0  }
0x25d: {  	s0 =	simm.s32 @p0 $0x16020;
	[sflag:s26] =	ssyncadd.s32 @p0 $0xFFFFE000  }
0x25e: {  	[spmem:s4] =	stream.indirect.scatter.add.f32 @p0 [tilespmem:s18], [sflag:$0x8], $0x40, s0, s23, $0xb8;
	[tilespmem:$0x1E788] =	vst v63  }
0x25f: {  	s0 =	simm.s32 @!p0 $0x15FA0  }
0x260: {  	[spmem:s2] =	stream.indirect.scatter.add.f32 @!p0 [tilespmem:s22], [sflag:$0x9], $0x1, s0, s21, $0xb8;
	[tilespmem:$0x1E788] =	vst v63  }
0x261: {  	_ =	swait.ge @!p0 [sflag:s30], $0x2000  }
0x262: {  	[sflag:s30] =	ssyncset.done @!p0 $0x0  }
0x263: {  	s0 =	simm.s32 @!p0 $0x16020;
	[sflag:s30] =	ssyncadd.s32 @!p0 $0xFFFFE000  }
0x264: {  	[spmem:s4] =	stream.indirect.scatter.add.f32 @!p0 [tilespmem:s19], [sflag:$0x8], $0x40, s0, s21, $0xb8;
	[tilespmem:$0x1E788] =	vst v63  }
0x265: {  	_ = 	snop  }
0x266: {  	[spmem:s2] =	stream.indirect.scatter.add.f32 @!p0 [tilespmem:s22], [sflag:$0x9], $0x1, s0, s21, $0xb8;
	[tilespmem:$0x1E788] =	vst v63  }
0x267: {  	_ =	swait.ge [sflag:s14], $0x2000  }
0x268: {  	[sflag:s14] =	ssyncset.done $0x0  }
0x269: {  	[sflag:s14] =	ssyncadd.s32 $0xFFFFE000  }
0x26a: {  	_ =	swait.ge [sflag:s15], $0x2000  }
0x26b: {  	[sflag:s15] =	ssyncset.done $0x0  }
0x26c: {  	[sflag:s15] =	ssyncadd.s32 $0xFFFFE000  }
0x26d: {  	_ =	swait.ge [sflag:s16], $0x2000  }
0x26e: {  	[sflag:s16] =	ssyncset.done $0x0  }
0x26f: {  	[sflag:s16] =	ssyncadd.s32 $0xFFFFE000  }
0x270: {  	_ =	swait.ge [sflag:s17], $0x2000  }
0x271: {  	[sflag:s17] =	ssyncset.done $0x0  }
0x272: {  	[sflag:s17] =	ssyncadd.s32 $0xFFFFE000  }
0x273: {  	_ =	swait.ge @!p0 [sflag:s8], $0x80  }
0x274: {  	[sflag:s8] =	ssyncset.done @!p0 $0x0  }
0x275: {  	[sflag:s8] =	ssyncadd.s32 @!p0 $0xFFFFFF80  }
0x276: {  	_ =	swait.ge @!p0 [sflag:s8], $0x80  }
0x277: {  	[sflag:s8] =	ssyncset.done @!p0 $0x0  }
0x278: {  	[sflag:s8] =	ssyncadd.s32 @!p0 $0xFFFFFF80  }
0x279: {  	_ =	swait.ge @!p0 [sflag:s8], $0x80  }
0x27a: {  	[sflag:s8] =	ssyncset.done @!p0 $0x0  }
0x27b: {  	[sflag:s8] =	ssyncadd.s32 @!p0 $0xFFFFFF80  }
0x27c: {  	_ =	swait.ge @!p0 [sflag:s8], $0x80  }
0x27d: {  	s25 =	simm.s32 $0xA;
	s23 =	simm.s32 $0x138A0;
	[sflag:s8] =	ssyncset.done @!p0 $0x0  }
0x27e: {  	s21 =	simm.s32 $0x0;
	s22 =	rddreg [dreg:$0x12];
	[sflag:s8] =	ssyncadd.s32 @!p0 $0xFFFFFF80  }
0x27f: {  	[tilespmem:s23], [sflag:$0xA] =	stream.linear.gather [hbm4b:s22+s21], $0x1400, $0x38;
	[tilespmem:$0x1E788] =	vst v63  }
0x280: {  	_ =	swait.ge [sflag:s25], $0x1400  }
0x281: {  	[sflag:s25] =	ssyncset.done $0x0  }
0x282: {  	s31 =	simm.s32 $0x14CA0;
	s26 =	rddreg [dreg:$0x13];
	[sflag:s25] =	ssyncadd.s32 $0xFFFFEC00  }
0x283: {  	[tilespmem:s31], [sflag:$0xA] =	stream.linear.gather [hbm4b:s26+s21], $0x1400, $0x38;
	[tilespmem:$0x1E788] =	vst v63  }
0x284: {  	_ =	swait.ge [sflag:s25], $0x1400  }
0x285: {  	[sflag:s25] =	ssyncset.done $0x0  }
0x286: {  	[sflag:s25] =	ssyncadd.s32 $0xFFFFEC00  }
0x287: {  	[tilespmem:s29], [sflag:$0x1] =	stream.indirect.gather [spmem:s1], $0x40, s23, s28, $0xb8;
	[tilespmem:$0x1E788] =	vst v63  }
0x288: {  	s6 =	simm.s32 $0x13920  }
0x289: {  	[tilespmem:s24], [sflag:$0x2] =	stream.indirect.gather [spmem:s1], $0x40, s6, s28, $0xb8;
	[tilespmem:$0x1E788] =	vst v63  }
0x28a: {  	s8 =	simm.s32 $0x139A0  }
0x28b: {  	[tilespmem:s7], [sflag:$0x3] =	stream.indirect.gather [spmem:s1], $0x40, s8, s28, $0xb8;
	[tilespmem:$0x1E788] =	vst v63  }
0x28c: {  	s9 =	simm.s32 $0x13A20  }
0x28d: {  	[tilespmem:s11], [sflag:$0x4] =	stream.indirect.gather [spmem:s1], $0x40, s9, s28, $0xb8;
	[tilespmem:$0x1E788] =	vst v63  }
0x28e: {  	_ =	swait.ge [sflag:s12], $0x2000  }
0x28f: {  	[sflag:s12] =	ssyncset.done $0x0  }
0x290: {  	s3 =	simm.s32 @p0 $0x2;
	s0 =	simm.s32 $0x14CA0;
	[sflag:s12] =	ssyncadd.s32 $0xFFFFE000  }
0x291: {  	[spmem:s4] =	stream.indirect.scatter.add.f32 [tilespmem:s29], [sflag:$0x5], $0x40, s0, s28, $0xb8;
	[tilespmem:$0x1E788] =	vst v63  }
0x292: {  	_ =	swait.ge @p0 [sflag:s3], $0x2000  }
0x293: {  	s5 =	simm.s32 @p0 $0x14D20;
	[sflag:s3] =	ssyncset.done @p0 $0x0  }
0x294: {  	s23 =	simm.s32 @p0 $0x80;
	s6 =	simm.s32 @p0 $0x180A0;
	[sflag:s3] =	ssyncadd.s32 @p0 $0xFFFFE000  }
0x295: {  	[spmem:s4] =	stream.indirect.scatter.add.f32 @p0 [tilespmem:s6], [sflag:$0x6], $0x40, s5, s23, $0xb8;
	[tilespmem:$0x1E788] =	vst v63  }
0x296: {  	s22 =	simm.s32 @!p0 $0x1E318;
	s21 =	simm.s32 @!p0 $0x80;
	s26 =	simm.s32 @!p0 $0x2  }
0x297: {  	[spmem:s2] =	stream.indirect.scatter.add.f32 @!p0 [tilespmem:s22], [sflag:$0x9], $0x1, s0, s21, $0xb8;
	[tilespmem:$0x1E788] =	vst v63  }
0x298: {  	_ =	swait.ge @!p0 [sflag:s26], $0x2000  }
0x299: {  	[sflag:s26] =	ssyncset.done @!p0 $0x0  }
0x29a: {  	s5 =	simm.s32 @!p0 $0x14D20;
	s0 =	simm.s32 @!p0 $0x180A0;
	[sflag:s26] =	ssyncadd.s32 @!p0 $0xFFFFE000  }
0x29b: {  	[spmem:s4] =	stream.indirect.scatter.add.f32 @!p0 [tilespmem:s0], [sflag:$0x6], $0x40, s5, s21, $0xb8;
	[tilespmem:$0x1E788] =	vst v63  }
0x29c: {  	_ = 	snop  }
0x29d: {  	[spmem:s2] =	stream.indirect.scatter.add.f32 @!p0 [tilespmem:s22], [sflag:$0x9], $0x1, s5, s21, $0xb8;
	[tilespmem:$0x1E788] =	vst v63  }
0x29e: {  	_ =	swait.ge [sflag:s13], $0x2000  }
0x29f: {  	[sflag:s13] =	ssyncset.done $0x0  }
0x2a0: {  	s30 =	simm.s32 @p0 $0x4;
	s5 =	simm.s32 $0x14DA0;
	[sflag:s13] =	ssyncadd.s32 $0xFFFFE000  }
0x2a1: {  	[spmem:s4] =	stream.indirect.scatter.add.f32 [tilespmem:s7], [sflag:$0x7], $0x40, s5, s28, $0xb8;
	[tilespmem:$0x1E788] =	vst v63  }
0x2a2: {  	_ =	swait.ge @p0 [sflag:s30], $0x2000  }
0x2a3: {  	[sflag:s30] =	ssyncset.done @p0 $0x0  }
0x2a4: {  	s18 =	simm.s32 @p0 $0x1C0A0;
	s8 =	simm.s32 @p0 $0x14E20;
	[sflag:s30] =	ssyncadd.s32 @p0 $0xFFFFE000  }
0x2a5: {  	[spmem:s4] =	stream.indirect.scatter.add.f32 @p0 [tilespmem:s18], [sflag:$0x8], $0x40, s8, s23, $0xb8;
	[tilespmem:$0x1E788] =	vst v63  }
0x2a6: {  	s8 =	simm.s32 @!p0 $0x4  }
0x2a7: {  	[spmem:s2] =	stream.indirect.scatter.add.f32 @!p0 [tilespmem:s22], [sflag:$0x9], $0x1, s5, s21, $0xb8;
	[tilespmem:$0x1E788] =	vst v63  }
0x2a8: {  	_ =	swait.ge @!p0 [sflag:s8], $0x2000  }
0x2a9: {  	[sflag:s8] =	ssyncset.done @!p0 $0x0  }
0x2aa: {  	s19 =	simm.s32 @!p0 $0x1C0A0;
	s5 =	simm.s32 @!p0 $0x14E20;
	[sflag:s8] =	ssyncadd.s32 @!p0 $0xFFFFE000  }
0x2ab: {  	[spmem:s4] =	stream.indirect.scatter.add.f32 @!p0 [tilespmem:s19], [sflag:$0x8], $0x40, s5, s21, $0xb8;
	[tilespmem:$0x1E788] =	vst v63  }
0x2ac: {  	_ = 	snop  }
0x2ad: {  	[spmem:s2] =	stream.indirect.scatter.add.f32 @!p0 [tilespmem:s22], [sflag:$0x9], $0x1, s5, s21, $0xb8;
	[tilespmem:$0x1E788] =	vst v63  }
0x2ae: {  	_ =	swait.ge [sflag:s14], $0x2000  }
0x2af: {  	[sflag:s14] =	ssyncset.done $0x0  }
0x2b0: {  	s10 =	simm.s32 $0x13AA0;
	[sflag:s14] =	ssyncadd.s32 $0xFFFFE000  }
0x2b1: {  	[tilespmem:s29], [sflag:$0x1] =	stream.indirect.gather [spmem:s1], $0x40, s10, s28, $0xb8;
	[tilespmem:$0x1E788] =	vst v63  }
0x2b2: {  	_ =	swait.ge [sflag:s15], $0x2000  }
0x2b3: {  	[sflag:s15] =	ssyncset.done $0x0  }
0x2b4: {  	s20 =	simm.s32 $0x13B20;
	[sflag:s15] =	ssyncadd.s32 $0xFFFFE000  }
0x2b5: {  	[tilespmem:s24], [sflag:$0x2] =	stream.indirect.gather [spmem:s1], $0x40, s20, s28, $0xb8;
	[tilespmem:$0x1E788] =	vst v63  }
0x2b6: {  	_ =	swait.ge [sflag:s16], $0x2000  }
0x2b7: {  	[sflag:s16] =	ssyncset.done $0x0  }
0x2b8: {  	s25 =	simm.s32 $0x13BA0;
	[sflag:s16] =	ssyncadd.s32 $0xFFFFE000  }
0x2b9: {  	[tilespmem:s7], [sflag:$0x3] =	stream.indirect.gather [spmem:s1], $0x40, s25, s28, $0xb8;
	[tilespmem:$0x1E788] =	vst v63  }
0x2ba: {  	_ =	swait.ge [sflag:s17], $0x2000  }
0x2bb: {  	[sflag:s17] =	ssyncset.done $0x0  }
0x2bc: {  	s31 =	simm.s32 $0x13C20;
	s9 =	simm.s32 @!p0 $0x9;
	[sflag:s17] =	ssyncadd.s32 $0xFFFFE000  }
0x2bd: {  	[tilespmem:s11], [sflag:$0x4] =	stream.indirect.gather [spmem:s1], $0x40, s31, s28, $0xb8;
	[tilespmem:$0x1E788] =	vst v63  }
0x2be: {  	_ =	swait.ge @!p0 [sflag:s9], $0x80  }
0x2bf: {  	[sflag:s9] =	ssyncset.done @!p0 $0x0  }
0x2c0: {  	[sflag:s9] =	ssyncadd.s32 @!p0 $0xFFFFFF80  }
0x2c1: {  	_ =	swait.ge @!p0 [sflag:s9], $0x80  }
0x2c2: {  	[sflag:s9] =	ssyncset.done @!p0 $0x0  }
0x2c3: {  	[sflag:s9] =	ssyncadd.s32 @!p0 $0xFFFFFF80  }
0x2c4: {  	_ =	swait.ge @!p0 [sflag:s9], $0x80  }
0x2c5: {  	[sflag:s9] =	ssyncset.done @!p0 $0x0  }
0x2c6: {  	[sflag:s9] =	ssyncadd.s32 @!p0 $0xFFFFFF80  }
0x2c7: {  	_ =	swait.ge @!p0 [sflag:s9], $0x80  }
0x2c8: {  	s10 =	simm.s32 $0x800;
	[sflag:s9] =	ssyncset.done @!p0 $0x0  }
.LBB2_10:
0x2c9: {  	[sflag:s9] =	ssyncadd.s32 @!p0 $0xFFFFFF80;
	s5 =	smov.u32 s10;
	s10 =	sadd.s32 $0x800, s10  }
0x2ca: {  	_ =	swait.ge [sflag:s12], $0x2000;
	p2 =	sne.s32 s10, $0x4800  }
0x2cb: {  	s25 =	sshra.s32 s5, $0x2;
	[sflag:s12] =	ssyncset.done $0x0  }
0x2cc: {  	s20 =	sadd.s32 $0x14CA0, s25;
	[sflag:s12] =	ssyncadd.s32 $0xFFFFE000  }
0x2cd: {  	[spmem:s4] =	stream.indirect.scatter.add.f32 [tilespmem:s29], [sflag:$0x5], $0x40, s20, s28, $0xb8;
	[tilespmem:$0x1E788] =	vst v63  }
0x2ce: {  	_ =	swait.ge @p0 [sflag:s3], $0x2000  }
0x2cf: {  	s24 =	sshra.s32 @p0 s5, $0x2;
	[sflag:s3] =	ssyncset.done @p0 $0x0  }
0x2d0: {  	s31 =	sadd.s32 @p0 $0x14D20, s24;
	[sflag:s3] =	ssyncadd.s32 @p0 $0xFFFFE000  }
0x2d1: {  	[spmem:s4] =	stream.indirect.scatter.add.f32 @p0 [tilespmem:s6], [sflag:$0x6], $0x40, s31, s23, $0xb8;
	[tilespmem:$0x1E788] =	vst v63  }
0x2d2: {  	_ = 	snop  }
0x2d3: {  	[spmem:s2] =	stream.indirect.scatter.add.f32 @!p0 [tilespmem:s22], [sflag:$0x9], $0x1, s20, s21, $0xb8;
	[tilespmem:$0x1E788] =	vst v63  }
0x2d4: {  	_ =	swait.ge @!p0 [sflag:s26], $0x2000  }
0x2d5: {  	s5 =	sshra.s32 @!p0 s5, $0x2;
	[sflag:s26] =	ssyncset.done @!p0 $0x0  }
0x2d6: {  	s20 =	sadd.s32 @!p0 $0x14D20, s5;
	[sflag:s26] =	ssyncadd.s32 @!p0 $0xFFFFE000  }
0x2d7: {  	[spmem:s4] =	stream.indirect.scatter.add.f32 @!p0 [tilespmem:s0], [sflag:$0x6], $0x40, s20, s21, $0xb8;
	[tilespmem:$0x1E788] =	vst v63  }
0x2d8: {  	_ = 	snop  }
0x2d9: {  	[spmem:s2] =	stream.indirect.scatter.add.f32 @!p0 [tilespmem:s22], [sflag:$0x9], $0x1, s20, s21, $0xb8;
	[tilespmem:$0x1E788] =	vst v63  }
0x2da: {  	_ =	swait.ge [sflag:s13], $0x2000  }
0x2db: {  	[sflag:s13] =	ssyncset.done $0x0  }
0x2dc: {  	s20 =	sadd.s32 $0x14DA0, s25;
	[sflag:s13] =	ssyncadd.s32 $0xFFFFE000  }
0x2dd: {  	[spmem:s4] =	stream.indirect.scatter.add.f32 [tilespmem:s7], [sflag:$0x7], $0x40, s20, s28, $0xb8;
	[tilespmem:$0x1E788] =	vst v63  }
0x2de: {  	_ =	swait.ge @p0 [sflag:s30], $0x2000  }
0x2df: {  	[sflag:s30] =	ssyncset.done @p0 $0x0  }
0x2e0: {  	s24 =	sadd.s32 @p0 $0x14E20, s24;
	[sflag:s30] =	ssyncadd.s32 @p0 $0xFFFFE000  }
0x2e1: {  	[spmem:s4] =	stream.indirect.scatter.add.f32 @p0 [tilespmem:s18], [sflag:$0x8], $0x40, s24, s23, $0xb8;
	[tilespmem:$0x1E788] =	vst v63  }
0x2e2: {  	s24 =	simm.s32 $0x180A0;
	_ =	sdelay $0x1  }
0x2e3: {  	[spmem:s2] =	stream.indirect.scatter.add.f32 @!p0 [tilespmem:s22], [sflag:$0x9], $0x1, s20, s21, $0xb8;
	[tilespmem:$0x1E788] =	vst v63  }
0x2e4: {  	_ =	swait.ge @!p0 [sflag:s8], $0x2000  }
0x2e5: {  	[sflag:s8] =	ssyncset.done @!p0 $0x0  }
0x2e6: {  	s5 =	sadd.s32 @!p0 $0x14E20, s5;
	[sflag:s8] =	ssyncadd.s32 @!p0 $0xFFFFE000  }
0x2e7: {  	[spmem:s4] =	stream.indirect.scatter.add.f32 @!p0 [tilespmem:s19], [sflag:$0x8], $0x40, s5, s21, $0xb8;
	[tilespmem:$0x1E788] =	vst v63  }
0x2e8: {  	_ = 	snop  }
0x2e9: {  	[spmem:s2] =	stream.indirect.scatter.add.f32 @!p0 [tilespmem:s22], [sflag:$0x9], $0x1, s5, s21, $0xb8;
	[tilespmem:$0x1E788] =	vst v63  }
0x2ea: {  	_ =	swait.ge [sflag:s14], $0x2000  }
0x2eb: {  	[sflag:s14] =	ssyncset.done $0x0  }
0x2ec: {  	s5 =	sadd.s32 $0x13AA0, s25;
	[sflag:s14] =	ssyncadd.s32 $0xFFFFE000  }
0x2ed: {  	[tilespmem:s29], [sflag:$0x1] =	stream.indirect.gather [spmem:s1], $0x40, s5, s28, $0xb8;
	[tilespmem:$0x1E788] =	vst v63  }
0x2ee: {  	_ =	swait.ge [sflag:s15], $0x2000  }
0x2ef: {  	[sflag:s15] =	ssyncset.done $0x0  }
0x2f0: {  	s5 =	sadd.s32 $0x13B20, s25;
	[sflag:s15] =	ssyncadd.s32 $0xFFFFE000  }
0x2f1: {  	[tilespmem:s24], [sflag:$0x2] =	stream.indirect.gather [spmem:s1], $0x40, s5, s28, $0xb8;
	[tilespmem:$0x1E788] =	vst v63  }
0x2f2: {  	_ =	swait.ge [sflag:s16], $0x2000  }
0x2f3: {  	[sflag:s16] =	ssyncset.done $0x0  }
0x2f4: {  	s5 =	sadd.s32 $0x13BA0, s25;
	[sflag:s16] =	ssyncadd.s32 $0xFFFFE000  }
0x2f5: {  	[tilespmem:s7], [sflag:$0x3] =	stream.indirect.gather [spmem:s1], $0x40, s5, s28, $0xb8;
	[tilespmem:$0x1E788] =	vst v63  }
0x2f6: {  	_ =	swait.ge [sflag:s17], $0x2000  }
0x2f7: {  	[sflag:s17] =	ssyncset.done $0x0  }
0x2f8: {  	s5 =	sadd.s32 $0x13C20, s25;
	[sflag:s17] =	ssyncadd.s32 $0xFFFFE000  }
0x2f9: {  	[tilespmem:s11], [sflag:$0x4] =	stream.indirect.gather [spmem:s1], $0x40, s5, s28, $0xb8;
	[tilespmem:$0x1E788] =	vst v63  }
0x2fa: {  	_ =	swait.ge @!p0 [sflag:s9], $0x80  }
0x2fb: {  	[sflag:s9] =	ssyncset.done @!p0 $0x0  }
0x2fc: {  	[sflag:s9] =	ssyncadd.s32 @!p0 $0xFFFFFF80  }
0x2fd: {  	_ =	swait.ge @!p0 [sflag:s9], $0x80  }
0x2fe: {  	[sflag:s9] =	ssyncset.done @!p0 $0x0  }
0x2ff: {  	[sflag:s9] =	ssyncadd.s32 @!p0 $0xFFFFFF80  }
.Ltmp4:
0x300: {  	_ =	swait.ge @!p0 [sflag:s9], $0x80;
	(pc) =	sbr.rel @p2 .LBB2_10-.Ltmp4, $4  }
0x301: {  	[sflag:s9] =	ssyncset.done @!p0 $0x0  }
0x302: {  	[sflag:s9] =	ssyncadd.s32 @!p0 $0xFFFFFF80  }
0x303: {  	_ =	swait.ge @!p0 [sflag:s9], $0x80  }
0x304: {  	[sflag:s9] =	ssyncset.done @!p0 $0x0  }
0x305: {  	[sflag:s9] =	ssyncadd.s32 @!p0 $0xFFFFFF80  }
0x306: {  	_ =	swait.ge [sflag:s12], $0x2000  }
0x307: {  	[sflag:s12] =	ssyncset.done $0x0  }
0x308: {  	s5 =	simm.s32 $0x15EA0;
	[sflag:s12] =	ssyncadd.s32 $0xFFFFE000  }
0x309: {  	[spmem:s4] =	stream.indirect.scatter.add.f32 [tilespmem:s29], [sflag:$0x5], $0x40, s5, s28, $0xb8;
	[tilespmem:$0x1E788] =	vst v63  }
0x30a: {  	_ =	swait.ge @p0 [sflag:s3], $0x2000  }
0x30b: {  	[sflag:s3] =	ssyncset.done @p0 $0x0  }
0x30c: {  	[sflag:s3] =	ssyncadd.s32 @p0 $0xFFFFE000;
	s3 =	simm.s32 @p0 $0x15F20  }
0x30d: {  	[spmem:s4] =	stream.indirect.scatter.add.f32 @p0 [tilespmem:s6], [sflag:$0x6], $0x40, s3, s23, $0xb8;
	[tilespmem:$0x1E788] =	vst v63  }
0x30e: {  	s3 =	simm.s32 @!p0 $0x15EA0  }
0x30f: {  	[spmem:s2] =	stream.indirect.scatter.add.f32 @!p0 [tilespmem:s22], [sflag:$0x9], $0x1, s3, s21, $0xb8;
	[tilespmem:$0x1E788] =	vst v63  }
0x310: {  	_ =	swait.ge @!p0 [sflag:s26], $0x2000  }
0x311: {  	[sflag:s26] =	ssyncset.done @!p0 $0x0  }
0x312: {  	s3 =	simm.s32 @!p0 $0x15F20;
	[sflag:s26] =	ssyncadd.s32 @!p0 $0xFFFFE000  }
0x313: {  	[spmem:s4] =	stream.indirect.scatter.add.f32 @!p0 [tilespmem:s0], [sflag:$0x6], $0x40, s3, s21, $0xb8;
	[tilespmem:$0x1E788] =	vst v63  }
0x314: {  	_ = 	snop  }
0x315: {  	[spmem:s2] =	stream.indirect.scatter.add.f32 @!p0 [tilespmem:s22], [sflag:$0x9], $0x1, s3, s21, $0xb8;
	[tilespmem:$0x1E788] =	vst v63  }
0x316: {  	_ =	swait.ge [sflag:s13], $0x2000  }
0x317: {  	[sflag:s13] =	ssyncset.done $0x0  }
0x318: {  	s26 =	simm.s32 $0x15FA0;
	[sflag:s13] =	ssyncadd.s32 $0xFFFFE000  }
0x319: {  	[spmem:s4] =	stream.indirect.scatter.add.f32 [tilespmem:s7], [sflag:$0x7], $0x40, s26, s28, $0xb8;
	[tilespmem:$0x1E788] =	vst v63  }
0x31a: {  	_ =	swait.ge @p0 [sflag:s30], $0x2000  }
0x31b: {  	[sflag:s30] =	ssyncset.done @p0 $0x0  }
0x31c: {  	s0 =	simm.s32 @p0 $0x16020;
	[sflag:s30] =	ssyncadd.s32 @p0 $0xFFFFE000  }
0x31d: {  	[spmem:s4] =	stream.indirect.scatter.add.f32 @p0 [tilespmem:s18], [sflag:$0x8], $0x40, s0, s23, $0xb8;
	[tilespmem:$0x1E788] =	vst v63  }
0x31e: {  	s0 =	simm.s32 @!p0 $0x15FA0  }
0x31f: {  	[spmem:s2] =	stream.indirect.scatter.add.f32 @!p0 [tilespmem:s22], [sflag:$0x9], $0x1, s0, s21, $0xb8;
	[tilespmem:$0x1E788] =	vst v63  }
0x320: {  	_ =	swait.ge @!p0 [sflag:s8], $0x2000  }
0x321: {  	[sflag:s8] =	ssyncset.done @!p0 $0x0  }
0x322: {  	s0 =	simm.s32 @!p0 $0x16020;
	[sflag:s8] =	ssyncadd.s32 @!p0 $0xFFFFE000  }
0x323: {  	[spmem:s4] =	stream.indirect.scatter.add.f32 @!p0 [tilespmem:s19], [sflag:$0x8], $0x40, s0, s21, $0xb8;
	[tilespmem:$0x1E788] =	vst v63  }
0x324: {  	_ = 	snop  }
0x325: {  	[spmem:s2] =	stream.indirect.scatter.add.f32 @!p0 [tilespmem:s22], [sflag:$0x9], $0x1, s0, s21, $0xb8;
	[tilespmem:$0x1E788] =	vst v63  }
0x326: {  	_ =	swait.ge [sflag:s14], $0x2000  }
0x327: {  	[sflag:s14] =	ssyncset.done $0x0  }
0x328: {  	[sflag:s14] =	ssyncadd.s32 $0xFFFFE000  }
0x329: {  	_ =	swait.ge [sflag:s15], $0x2000  }
0x32a: {  	[sflag:s15] =	ssyncset.done $0x0  }
0x32b: {  	[sflag:s15] =	ssyncadd.s32 $0xFFFFE000  }
0x32c: {  	_ =	swait.ge [sflag:s16], $0x2000  }
0x32d: {  	[sflag:s16] =	ssyncset.done $0x0  }
0x32e: {  	[sflag:s16] =	ssyncadd.s32 $0xFFFFE000  }
0x32f: {  	_ =	swait.ge [sflag:s17], $0x2000  }
0x330: {  	[sflag:s17] =	ssyncset.done $0x0  }
0x331: {  	[sflag:s17] =	ssyncadd.s32 $0xFFFFE000  }
0x332: {  	[bflag:$0x0] =	sbarrier.arrive @p0 $0xFFFF  }
0x333: {  	s20 =	rddreg [dreg:$0xa]  }
0x334: {  	s3 =	rddreg [dreg:$0x14]  }
0x335: {  	s5 =	rddreg [dreg:$0x18];
	s0 =	sshrl.u32 @p0 s20, $0x3  }
0x336: {  	[hbm:s3], [sflag:s5] =	dma.local @p0 [spmem:s0], $0x1388  }
0x337: {  	s0 =	simm.s32 @p0 $0xA  }
0x338: {  	_ =	swait.ge @p0 [sflag:s0], $0x1388  }
0x339: {  	[sflag:s0] =	ssyncset.done @p0 $0x0  }
0x33a: {  	[sflag:s0] =	ssyncadd.s32 @p0 $0xFFFFEC78  }
0x33b: {  	_ =	swait.ge @!p0 [sflag:s9], $0x80  }
0x33c: {  	[sflag:s9] =	ssyncset.done @!p0 $0x0  }
0x33d: {  	[sflag:s9] =	ssyncadd.s32 @!p0 $0xFFFFFF80  }
0x33e: {  	_ =	swait.ge @!p0 [sflag:s9], $0x80  }
0x33f: {  	[sflag:s9] =	ssyncset.done @!p0 $0x0  }
0x340: {  	[sflag:s9] =	ssyncadd.s32 @!p0 $0xFFFFFF80  }
0x341: {  	_ =	swait.ge @!p0 [sflag:s9], $0x80  }
0x342: {  	[sflag:s9] =	ssyncset.done @!p0 $0x0  }
0x343: {  	[sflag:s9] =	ssyncadd.s32 @!p0 $0xFFFFFF80  }
0x344: {  	_ =	swait.ge @!p0 [sflag:s9], $0x80  }
0x345: {  	[sflag:s9] =	ssyncset.done @!p0 $0x0  }
0x346: {  	[sflag:s9] =	ssyncadd.s32 @!p0 $0xFFFFFF80  }
0x347: {  	[bflag:$0x0] =	sbarrier.arrive @!p0 $0xFFFF  }
0x348: {  	s0 =	sshrl.u32 @!p0 s20, $0x3;
	s3 =	rddreg [dreg:$0x15]  }
0x349: {  	[hbm:s3], [sflag:s5] =	dma.local @!p0 [spmem:s0], $0x1388  }
0x34a: {  	s0 =	simm.s32 @!p0 $0xA  }
0x34b: {  	_ =	swait.ge @!p0 [sflag:s0], $0x1388  }
0x34c: {  	s3 =	simm.s32 @!p1 $0xA;
	[sflag:s0] =	ssyncset.done @!p0 $0x0  }
0x34d: {  	s19 =	rddreg [dreg:$0x9];
	[sflag:s0] =	ssyncadd.s32 @!p0 $0xFFFFEC78;
	s0 =	simm.s32 @!p1 $0x1E398  }
0x34e: {  	[tilespmem:s0], [sflag:$0xA] =	stream.linear.gather @!p1 [spmem:s19], $0x3E8, $0x38;
	[tilespmem:$0x1E788] =	vst v63  }
0x34f: {  	_ =	swait.ge @!p1 [sflag:s3], $0x3E8  }
0x350: {  	[sflag:s3] =	ssyncset.done @!p1 $0x0  }
0x351: {  	s5 =	simm.s32 @!p1 $0x0;
	s6 =	rddreg [dreg:$0x16];
	[sflag:s3] =	ssyncadd.s32 @!p1 $0xFFFFFC18  }
0x352: {  	[hbm4b:s6+s5] =	stream.linear.scatter @!p1 [tilespmem:s0], [sflag:$0xA], $0x3E8, $0x38;
	[tilespmem:$0x1E788] =	vst v63  }
0x353: {  	_ =	swait.ge @!p1 [sflag:s3], $0x3E8  }
0x354: {  	s30 =	rddreg [dreg:$0x5]  }
0x355: {  	s31 =	rddreg [dreg:$0x17];
	s18 =	sadd.s32 $0x1, s30  }
0x356: {  	p2 =	sne.s32 s18, s31  }
.Ltmp5:
0x357: {  	_ = 	snop;
	(pc) =	sbr.rel @p2 .LBB2_1-.Ltmp5, $3  }
0x358: {  	_ =	sdelay $0x1  }
0x359: {  	[sflag:s3] =	ssyncset.done @!p1 $0x0  }
0x35a: {  	[sflag:s3] =	ssyncadd.s32 @!p1 $0xFFFFFC18  }
0x35b: {  	_ =	sfence.sel $0x180000  }
0x35c: {  	[bflag:$0x0] =	sbarrier.arrive $0xFFFF  }
0x35d: {  	_ =	strace $0x90000047  }
0x35e: {  	s0 =	stileid.u32;
	[bflag:$0x2] =	sbarrier.arrive $0xFFFF  }
0x35f: {  	p0 =	sne.s32 s0, $0x0;
	s0 =	rddreg [dreg:$0x4]  }
0x360: {  	s0 =	sadd.s32 @!p0 $0x100000, s0  }
0x361: {  	[sflag:s0] =	ssyncadd.tile.s32 @!p0 $0x1;
	_ =	shalt  }
.Lfunc_end2:
_tile_overlayer_lowered:
.L_overlay_start_2:
0x362: {  	(tag) =	ssettag $0x2  }
0x363: {  	s0 =	rddreg [dreg:$0x0];
	s2 =	stileid.u32  }
0x364: {  	s1 =	rddreg [dreg:$0x1];
	p0 =	sne.s32 s2, $0x0  }
0x365: {  	s3 =	rddreg [dreg:$0x2];
	[bflag:$0x3] =	sbarrier.arrive $0xFFFF;
	s2 =	simm.s32 @!p0 $0x1C0A  }
0x366: {  	[timem:s3], [sflag:s2] =	dma.local @!p0 [hbm:s0], s1  }
0x367: {  	s0 =	simm.s32 @!p0 $0xA  }
0x368: {  	_ =	swait.ge @!p0 [sflag:s0], s1  }
0x369: {  	s1 =	ssub.s32 @!p0 $0x0, s1;
	[sflag:s0] =	ssyncset.done @!p0 $0x0  }
0x36a: {  	[sflag:s0] =	ssyncadd.s32 @!p0 s1  }
0x36b: {  	[bflag:$0x3] =	sbarrier.arrive $0xFFFF  }
0x36c: {  	_ =	shalt  }

// kernel: kernel.9.cloned.1.call-start
scs
__scs_entry_jumppad:
0x0: {  	(pc) =	sbr.rel $0x88, $3  }
0x1: {  	(tag) =	ssettag $0x0;
	lr =	simm.s32 $0x1  }
0x2: {  	[smem:$0x3F96] =	sst lr;
	_ =	strace $0xD0000000  }
0x3: {  	_ = 	snop  }
0x4: {  	_ = 	snop  }
0x5: {  	_ = 	snop  }
0x6: {  	_ = 	snop  }
0x7: {  	_ = 	snop  }
__scs_overlays_trampoline_lowered:
0x8: {  	[smem:$0x3FA5] =	sst s0  }
0x9: {  	[smem:$0x3FA6] =	sst s1  }
0xa: {  	[smem:$0x3FA7] =	sst s2  }
0xb: {  	[smem:$0x3FA8] =	sst s3  }
0xc: {  	[smem:$0x3FA9] =	sst s4  }
0xd: {  	[smem:$0x3FAA] =	sst s5  }
0xe: {  	[smem:$0x3FAB] =	sst s6  }
0xf: {  	[smem:$0x3FAC] =	sst s7  }
0x10: {  	[smem:$0x3FAD] =	sst s8  }
0x11: {  	[smem:$0x3FAE] =	sst s9;
	s0 =	simm.s32 @!p0 $0x0  }
0x12: {  	s1 =	sld [smem:$0x3F94];
	s0 =	simm.s32 @p0 $0x1  }
0x13: {  	[smem:$0x3FAF] =	sst s0;
	s0 =	simm.s32 @!p1 $0x0  }
0x14: {  	s2 =	sld [smem:$0x3F93];
	s0 =	simm.s32 @p1 $0x1  }
0x15: {  	[smem:$0x3FB0] =	sst s0;
	s0 =	simm.s32 @!p2 $0x0  }
0x16: {  	s3 =	sld [smem:$0x3FDB];
	s0 =	simm.s32 @p2 $0x1  }
0x17: {  	s4 =	simm.s32 $0x1BF5;
	[smem:$0x3FB2] =	sst s0  }
0x18: {  	s0 =	sld [smem:$0x3F95];
	_ =	swait.ge [sflag:s4], $0x0  }
0x19: {  	s7 =	sld [smem:$0x3F96]  }
0x1a: {  	s8 =	sadd.s32 $0xFFFFE003, lr  }
0x1b: {  	s9 =	sadd.s32 $0xFFFFFEF7, lr;
	s5 =	simm.s32 $0xFFFFFFFF;
	p2 =	slt.u32 s8, $0xFFFFF086  }
0x1c: {  	p1 =	slt.u32 s9, $0xF7A;
	s5 =	simm.s32 @!p2 $0x0  }
0x1d: {  	s5 =	simm.s32 @p1 $0x1;
	p0 =	seq.s32 s7, s2  }
0x1e: {  	s7 =	smul.u32 @!p0 $0xF7A, s2;
	p2 =	seq.s32 @!p0 s5, $0x0  }
0x1f: {  	s9 =	smul.u32 $0xF7A, s1;
	s8 =	simm.s32 @!p0 $0x1BF5;
	p2 =	por !p2, p0  }
0x20: {  	[sflag:s8] =	ssyncset.s32 @!p0 $0xFFFFF086;
	s6 =	sadd.s32 @!p0 s3, s7;
	s7 =	simm.s32 @!p0 $0x108  }
0x21: {  	s3 =	sadd.s32 s3, s9;
	s6 =	sadd.s32 @!p0 $0x88, s6;
	s7 =	simm.s32 @p2 $0x1082  }
0x22: {  	[simem:s7], [sflag:s8] =	dma.local @!p0 [hbm:s6], $0xF7A  }
0x23: {  	s9 =	sor.u32 $0xD0000000, s2;
	s6 =	simm.s32 $0x108;
	_ =	swait.ge @!p0 [sflag:s8], $0x0  }
0x24: {  	s3 =	sadd.s32 $0x88, s3;
	s6 =	simm.s32 @!p1 $0x1082;
	[sflag:s4] =	ssyncset.s32 $0xFFFFF086  }
0x25: {  	[simem:s6], [sflag:s4] =	dma.local [hbm:s3], $0xF7A  }
0x26: {  	[smem:$0x3F96] =	sst s1;
	(tag) =	ssettag s2;
	_ =	strace s9  }
0x27: {  	s1 =	sld [smem:$0x3FA6]  }
0x28: {  	s2 =	sld [smem:$0x3FA7]  }
0x29: {  	s4 =	sld [smem:$0x3FA9]  }
0x2a: {  	p0 =	seq.s32 s5, $0x0;
	s5 =	sld [smem:$0x3FAA]  }
0x2b: {  	s6 =	sld [smem:$0x3FAB]  }
0x2c: {  	s7 =	sld [smem:$0x3FAC]  }
0x2d: {  	s3 =	simm.s32 $0x108;
	s8 =	sld [smem:$0x3FAD]  }
0x2e: {  	s3 =	simm.s32 @!p0 $0x1082;
	s9 =	sld [smem:$0x3FAE]  }
0x2f: {  	lr =	sadd.s32 s0, s3;
	s0 =	sld [smem:$0x3FA5]  }
0x30: {  	s3 =	sld [smem:$0x3FA8]  }
0x31: {  	[smem:$0x3FB1] =	sst s10  }
0x32: {  	s10 =	sld [smem:$0x3FAF];
	_ =	sdelay $0x3  }
0x33: {  	p0 =	seq.s32 s10, $0x1;
	s10 =	sld [smem:$0x3FB1];
	_ =	sdelay $0x3  }
0x34: {  	[smem:$0x3FB1] =	sst s10  }
0x35: {  	s10 =	sld [smem:$0x3FB0];
	_ =	sdelay $0x3  }
0x36: {  	p1 =	seq.s32 s10, $0x1;
	s10 =	sld [smem:$0x3FB1];
	_ =	sdelay $0x3  }
0x37: {  	[smem:$0x3FB1] =	sst s10  }
0x38: {  	s10 =	sld [smem:$0x3FB2]  }
0x39: {  	_ = 	snop;
	(pc) =	sbr.ind lr, $3  }
0x3a: {  	_ = 	snop  }
0x3b: {  	_ = 	snop  }
0x3c: {  	p2 =	seq.s32 s10, $0x1;
	s10 =	sld [smem:$0x3FB1]  }
0x3d: {  	_ =	shalt  }
0x3e: {  	_ =	shalt  }
0x3f: {  	_ =	shalt  }
0x40: {  	_ =	shalt  }
0x41: {  	_ =	shalt  }
0x42: {  	_ =	shalt  }
0x43: {  	_ =	shalt  }
0x44: {  	_ =	shalt  }
0x45: {  	_ =	shalt  }
0x46: {  	_ =	shalt  }
0x47: {  	_ =	shalt  }
0x48: {  	_ =	shalt  }
0x49: {  	_ =	shalt  }
0x4a: {  	_ =	shalt  }
0x4b: {  	_ =	shalt  }
0x4c: {  	_ =	shalt  }
0x4d: {  	_ =	shalt  }
0x4e: {  	_ =	shalt  }
0x4f: {  	_ =	shalt  }
0x50: {  	_ =	shalt  }
0x51: {  	_ =	shalt  }
0x52: {  	_ =	shalt  }
0x53: {  	_ =	shalt  }
0x54: {  	_ =	shalt  }
0x55: {  	_ =	shalt  }
0x56: {  	_ =	shalt  }
0x57: {  	_ =	shalt  }
0x58: {  	_ =	shalt  }
0x59: {  	_ =	shalt  }
0x5a: {  	_ =	shalt  }
0x5b: {  	_ =	shalt  }
0x5c: {  	_ =	shalt  }
0x5d: {  	_ =	shalt  }
0x5e: {  	_ =	shalt  }
0x5f: {  	_ =	shalt  }
0x60: {  	_ =	shalt  }
0x61: {  	_ =	shalt  }
0x62: {  	_ =	shalt  }
0x63: {  	_ =	shalt  }
0x64: {  	_ =	shalt  }
0x65: {  	_ =	shalt  }
0x66: {  	_ =	shalt  }
0x67: {  	_ =	shalt  }
0x68: {  	_ =	shalt  }
0x69: {  	_ =	shalt  }
0x6a: {  	_ =	shalt  }
0x6b: {  	_ =	shalt  }
0x6c: {  	_ =	shalt  }
0x6d: {  	_ =	shalt  }
0x6e: {  	_ =	shalt  }
0x6f: {  	_ =	shalt  }
0x70: {  	_ =	shalt  }
0x71: {  	_ =	shalt  }
0x72: {  	_ =	shalt  }
0x73: {  	_ =	shalt  }
0x74: {  	_ =	shalt  }
0x75: {  	_ =	shalt  }
0x76: {  	_ =	shalt  }
0x77: {  	_ =	shalt  }
0x78: {  	_ =	shalt  }
0x79: {  	_ =	shalt  }
0x7a: {  	_ =	shalt  }
0x7b: {  	_ =	shalt  }
0x7c: {  	_ =	shalt  }
0x7d: {  	_ =	shalt  }
0x7e: {  	_ =	shalt  }
0x7f: {  	_ =	shalt  }
0x80: {  	_ =	shalt  }
0x81: {  	_ =	shalt  }
0x82: {  	_ =	shalt  }
0x83: {  	_ =	shalt  }
0x84: {  	_ =	shalt  }
0x85: {  	_ =	shalt  }
0x86: {  	_ =	shalt  }
0x87: {  	_ =	shalt  }
.Lfunc_end0:
.L_simem_size_0:
called_computation.1_lowered:
.L_overlay_start_0:
0x88: {  	s2 =	sld [smem:$0x3FD9]  }
0x89: {  	s3 =	sld [smem:$0x3FFE];
	_ =	sdelay $0x1  }
0x8a: {  	s1 =	srdreg.scid  }
0x8b: {  	s0 =	sand.u32 $0x1, s1  }
0x8c: {  	s16 =	sshll.u32 s0, $0xA;
	s2 =	sadd.s32 s3, s2  }
0x8d: {  	s2 =	sadd.s32 s2, s16  }
0x8e: {  	[smem:$0x3FBD] =	sst s2  }
0x8f: {  	_ = 	snop  }
0x90: {  	(tm) =	ssettm $0x1  }
0x91: {  	s17 =	sld [smem:$0x3FFB];
	_ =	sdelay $0x3  }
0x92: {  	_ =	strace s17  }
0x93: {  	s2 =	sld [smem:$0x3FFC];
	_ =	sdelay $0x3  }
0x94: {  	_ =	strace s2  }
0x95: {  	s2 =	sld [smem:$0x3FFD];
	_ =	sdelay $0x3  }
0x96: {  	_ =	strace s2  }
0x97: {  	_ =	strace $0x8FFFFFFF  }
0x98: {  	s18 =	sld [smem:$0x3FDB];
	_ =	sdelay $0x1  }
0x99: {  	s19 =	simm.s32 $_scs_section_size  }
0x9a: {  	s4 =	simm.s32 $_size__tile_overlayer_lowered;
	s5 =	simm.s32 $_tile_overlayer_lowered  }
0x9b: {  	s22 =	simm.s32 $0x1BFF;
	s21 =	sshll.u32 s5, $0x1;
	s2 =	sadd.s32 s19, s18  }
0x9c: {  	s6 =	simm.s32 $0x0;
	s20 =	sshll.u32 s4, $0x1;
	s4 =	sadd.s32 s21, s2  }
0x9d: {  	[timem:s6], [sflag:s22] =	dma.local [hbm:s4], s20  }
0x9e: {  	_ =	swait.ge [sflag:s22], s20  }
0x9f: {  	s3 =	ssub.s32 $0x0, s20;
	[sflag:s22] =	ssyncset.done $0x0  }
0xa0: {  	[sflag:s22] =	ssyncadd.s32 s3;
	_ =	sdelay $0x1  }
0xa1: {  	s23 =	simm.s32 $0x1B8B  }
0xa2: {  	_ =	swait.ge [sflag:s23], $0x1  }
0xa3: {  	[sflag:s23] =	ssyncset.done $0x0  }
0xa4: {  	s25 =	simm.s32 $0x1B8E;
	s24 =	sld [smem:$0x3FFE];
	[sflag:s23] =	ssyncadd.s32 $0xFFFFFFFF  }
0xa5: {  	s26 =	simm.s32 $execute0_lowered;
	[smem:$0x3FD2] =	sst s25  }
0xa6: {  	s4 =	sshll.u32 s26, $0x1;
	_ =	strace $0x80000049;
	[dreg:$0x1] =	wrdreg $0xFFFFFFFF  }
0xa7: {  	s28 =	simm.s32 $_size_execute0_lowered;
	s2 =	sadd.s32 s2, s4;
	[dreg:$0x0] =	wrdreg $0x0  }
0xa8: {  	s4 =	sshll.u32 s28, $0x1;
	[dreg:$0x2] =	wrdreg s2  }
0xa9: {  	[dreg:$0x3] =	wrdreg s4  }
0xaa: {  	[dreg:$0x4] =	wrdreg $0xC0  }
0xab: {  	_ =	task [dreg:s6], $0x5FFFF  }
0xac: {  	[dreg:$0x1] =	wrdreg $0xFFFFFFFF  }
0xad: {  	[dreg:$0x0] =	wrdreg $0x60  }
0xae: {  	[dreg:$0x2] =	wrdreg s24  }
0xaf: {  	[dreg:$0x3] =	wrdreg $0x0  }
0xb0: {  	[dreg:$0x4] =	wrdreg $0x9C400  }
0xb1: {  	[dreg:$0x5] =	wrdreg $0x9  }
0xb2: {  	_ =	task.clear_ibuf [dreg:s6], $0x6FFFF;
	_ =	strace $0x90000049  }
0xb3: {  	s29 =	simm.s32 $0x9;
	_ =	strace $0x8000004B  }
0xb4: {  	_ =	swait.ge [sflag:s29], $0x1  }
0xb5: {  	[sflag:s29] =	ssyncadd.s32 $0xFFFFFFFF  }
0xb6: {  	_ =	strace $0x9000004B  }
0xb7: {  	_ =	sfence  }
0xb8: {  	s30 =	sld [smem:$0x0];
	_ =	sdelay $0x2  }
0xb9: {  	s31 =	sshll.u32 s1, $0xD;
	s1 =	sshrl.u32 s1, $0x2  }
0xba: {  	s3 =	sand.u32 $0x4000, s31;
	s1 =	sadd.s32 s1, s30  }
0xbb: {  	s0 =	sor.u32 s3, s0;
	s1 =	sshll.u32 s1, $0x11  }
0xbc: {  	s0 =	sor.u32 s1, s0  }
0xbd: {  	s0 =	sadd.s32 $0x8F2B, s0  }
0xbe: {  	[sflag:s0] =	ssyncadd.remote.s32 $0x1  }
0xbf: {  	_ =	sfence.sel $0xFFFF  }
0xc0: {  	[dreg:$0x0] =	wrdreg $0xFFFFFFFF;
	(pc) =	sbr.abs _section_cstart, $3  }
0xc1: {  	[dreg:$0x1] =	wrdreg $0xFFFFFFFF  }
0xc2: {  	_ =	task.clear_ibuf [dreg:s6], $0x2FFFF;
	_ =	strace $0x9FFFFFFF  }
0xc3: {  	(tm) =	ssettm $0x7FFFFFFF  }
tec
execute0_lowered:
.L_overlay_start_1:
0x0: {  	(tag) =	ssettag $0x1  }
0x1: {  	s0 =	rddreg [dreg:$0x0]  }
0x2: {  	s1 =	rddreg [dreg:$0x1]  }
0x3: {  	s3 =	rddreg [dreg:$0x2];
	s2 =	simm.s32 $0x0;
	s11 =	stileid.u32  }
0x4: {  	s16 =	srdreg.scid;
	s15 =	simm.s32 $0x9;
	s28 =	simm.s32 $0x1  }
0x5: {  	s29 =	simm.s32 $0x2;
	s30 =	simm.s32 $0x3;
	s31 =	simm.s32 $0x4  }
0x6: {  	[smem:$0x7FF] =	sst s2;
	s4 =	smul.u32 $0x9C40, s11;
	s2 =	sand.u32 $0x1, s16  }
0x7: {  	s5 =	sadd.s32 $0x33600, s0;
	s7 =	sadd.s32 $0x29600, s0;
	s20 =	sshll.u32 s11, $0x6  }
0x8: {  	_ =	strace $0x8000004A;
	s6 =	ssub.s32 $0x2, s2;
	s10 =	sshll.u32 s2, $0x4  }
0x9: {  	p0 =	seq.s32 s2, $0x1;
	s2 =	simm.s32 $0x15C00;
	s8 =	sshrl.u32 s4, $0x3  }
0xa: {  	s9 =	sshrl.u32 s6, $0x1;
	s18 =	sor.u32 s11, s10;
	s19 =	sadd.s32 s4, s1  }
0xb: {  	s4 =	sadd.s32 s4, s3;
	s2 =	simm.s32 @!p0 $0x51000;
	s10 =	simm.s32 $0x16020  }
0xc: {  	s0 =	sadd.s32 s8, s0;
	s17 =	ssub.s32 s6, s9;
	s21 =	smul.u32 $0x2800, s18  }
0xd: {  	s6 =	sor.u32 $0x1C09, s20;
	s9 =	smul.u32 $0x500, s18;
	s14 =	sshrl.u32 s19, $0x3  }
0xe: {  	s16 =	sshrl.u32 s4, $0x3;
	s19 =	simm.s32 $0x80;
	s20 =	simm.s32 $0x160A0  }
0xf: {  	s4 =	simm.s32 $0x7;
	s8 =	simm.s32 $0x15F20;
	s12 =	sadd.s32 $0x2200, s0  }
0x10: {  	s22 =	sadd.s32 $0x3D600, s0;
	s26 =	smax.u32 s17, $0x1;
	[dreg:$0x4] =	wrdreg s12  }
0x11: {  	s0 =	sadd.s32 s2, s0;
	s17 =	simm.s32 $0x138A0;
	[dreg:$0x5] =	wrdreg s22  }
0x12: {  	s2 =	simm.s32 $0x6;
	s11 =	sshrl.u32 s21, $0x3;
	[dreg:$0xa] =	wrdreg s26  }
0x13: {  	s23 =	sadd.s32 s5, s9;
	s9 =	sadd.s32 s7, s9;
	[dreg:$0xb] =	wrdreg s0  }
0x14: {  	s21 =	simm.s32 $0x13920;
	s22 =	simm.s32 $0x180A0;
	[dreg:$0x6] =	wrdreg s23  }
0x15: {  	s26 =	simm.s32 $0x1C0A0;
	s0 =	simm.s32 $0x5;
	[dreg:$0x7] =	wrdreg s9  }
0x16: {  	s24 =	sadd.s32 $0x280, s11;
	s23 =	simm.s32 $0x139A0;
	s9 =	simm.s32 $0x15FA0  }
0x17: {  	s11 =	simm.s32 $0x0;
	s5 =	sadd.s32 s5, s24;
	s25 =	sadd.s32 s7, s24  }
0x18: {  	s24 =	simm.s32 $0x1A0A0;
	s7 =	simm.s32 $0x15EA0;
	[dreg:$0x8] =	wrdreg s5  }
0x19: {  	[dreg:$0x9] =	wrdreg s25;
	s25 =	simm.s32 $0x13A20;
	s5 =	simm.s32 $0x8  }
.LBB2_1:
0x1a: {  	s12 =	rddreg [dreg:$0x4]  }
0x1b: {  	[spmem:s14], [sflag:s6] =	dma.local [hbm:s12], $0x1388  }
0x1c: {  	_ =	swait.ge [sflag:s15], $0x1388  }
0x1d: {  	[sflag:s15] =	ssyncset.done $0x0  }
0x1e: {  	s13 =	rddreg [dreg:$0x5];
	[sflag:s15] =	ssyncadd.s32 $0xFFFFEC78  }
0x1f: {  	[spmem:s16], [sflag:s6] =	dma.local [hbm:s13], $0x1388  }
0x20: {  	_ =	swait.ge [sflag:s15], $0x1388  }
0x21: {  	[sflag:s15] =	ssyncset.done $0x0  }
0x22: {  	[sflag:s15] =	ssyncadd.s32 $0xFFFFEC78  }
0x23: {  	[bflag:$0x0] =	sbarrier.arrive $0xFFFF  }
0x24: {  	s12 =	simm.s32 $0x0;
	s13 =	rddreg [dreg:$0x6]  }
0x25: {  	[tilespmem:s17], [sflag:$0x9] =	stream.linear.gather [hbm4b:s13+s12], $0x1400, $0x38;
	[tilespmem:$0x1E0A0] =	vst v63  }
0x26: {  	_ =	swait.ge [sflag:s15], $0x1400  }
0x27: {  	[sflag:s15] =	ssyncset.done $0x0  }
0x28: {  	s18 =	simm.s32 $0x14CA0;
	s13 =	rddreg [dreg:$0x7];
	[sflag:s15] =	ssyncadd.s32 $0xFFFFEC00  }
0x29: {  	[tilespmem:s18], [sflag:$0x9] =	stream.linear.gather [hbm4b:s13+s12], $0x1400, $0x38;
	[tilespmem:$0x1E0A0] =	vst v63  }
0x2a: {  	_ =	swait.ge [sflag:s15], $0x1400  }
0x2b: {  	[sflag:s15] =	ssyncset.done $0x0  }
0x2c: {  	[sflag:s15] =	ssyncadd.s32 $0xFFFFEC00  }
0x2d: {  	[tilespmem:s20], [sflag:$0x1] =	stream.indirect.gather [spmem:s1], $0x40, s17, s19, $0xb8;
	[tilespmem:$0x1E0A0] =	vst v63  }
0x2e: {  	_ = 	snop  }
0x2f: {  	[tilespmem:s22], [sflag:$0x2] =	stream.indirect.gather [spmem:s1], $0x40, s21, s19, $0xb8;
	[tilespmem:$0x1E0A0] =	vst v63  }
0x30: {  	_ = 	snop  }
0x31: {  	[tilespmem:s24], [sflag:$0x3] =	stream.indirect.gather [spmem:s1], $0x40, s23, s19, $0xb8;
	[tilespmem:$0x1E0A0] =	vst v63  }
0x32: {  	_ = 	snop  }
0x33: {  	[tilespmem:s26], [sflag:$0x4] =	stream.indirect.gather [spmem:s1], $0x40, s25, s19, $0xb8;
	[tilespmem:$0x1E0A0] =	vst v63  }
0x34: {  	_ =	swait.ge [sflag:s28], $0x2000  }
0x35: {  	[sflag:s28] =	ssyncset.done $0x0  }
0x36: {  	s18 =	simm.s32 $0x14CA0;
	[sflag:s28] =	ssyncadd.s32 $0xFFFFE000  }
0x37: {  	[spmem:s3] =	stream.indirect.scatter.add.f32 [tilespmem:s20], [sflag:$0x5], $0x40, s18, s19, $0xb8;
	[tilespmem:$0x1E0A0] =	vst v63  }
0x38: {  	_ =	swait.ge [sflag:s29], $0x2000  }
0x39: {  	[sflag:s29] =	ssyncset.done $0x0  }
0x3a: {  	s13 =	simm.s32 $0x14D20;
	[sflag:s29] =	ssyncadd.s32 $0xFFFFE000  }
0x3b: {  	[spmem:s3] =	stream.indirect.scatter.add.f32 [tilespmem:s22], [sflag:$0x6], $0x40, s13, s19, $0xb8;
	[tilespmem:$0x1E0A0] =	vst v63  }
0x3c: {  	_ =	swait.ge [sflag:s30], $0x2000  }
0x3d: {  	[sflag:s30] =	ssyncset.done $0x0  }
0x3e: {  	s18 =	simm.s32 $0x14DA0;
	[sflag:s30] =	ssyncadd.s32 $0xFFFFE000  }
0x3f: {  	[spmem:s3] =	stream.indirect.scatter.add.f32 [tilespmem:s24], [sflag:$0x7], $0x40, s18, s19, $0xb8;
	[tilespmem:$0x1E0A0] =	vst v63  }
0x40: {  	_ =	swait.ge [sflag:s31], $0x2000  }
0x41: {  	[sflag:s31] =	ssyncset.done $0x0  }
0x42: {  	s13 =	simm.s32 $0x14E20;
	[sflag:s31] =	ssyncadd.s32 $0xFFFFE000  }
0x43: {  	[spmem:s3] =	stream.indirect.scatter.add.f32 [tilespmem:s26], [sflag:$0x8], $0x40, s13, s19, $0xb8;
	[tilespmem:$0x1E0A0] =	vst v63  }
0x44: {  	_ =	swait.ge [sflag:s0], $0x2000  }
0x45: {  	[sflag:s0] =	ssyncset.done $0x0  }
0x46: {  	s18 =	simm.s32 $0x13AA0;
	[sflag:s0] =	ssyncadd.s32 $0xFFFFE000  }
0x47: {  	[tilespmem:s20], [sflag:$0x1] =	stream.indirect.gather [spmem:s1], $0x40, s18, s19, $0xb8;
	[tilespmem:$0x1E0A0] =	vst v63  }
0x48: {  	_ =	swait.ge [sflag:s2], $0x2000  }
0x49: {  	[sflag:s2] =	ssyncset.done $0x0  }
0x4a: {  	s13 =	simm.s32 $0x13B20;
	[sflag:s2] =	ssyncadd.s32 $0xFFFFE000  }
0x4b: {  	[tilespmem:s22], [sflag:$0x2] =	stream.indirect.gather [spmem:s1], $0x40, s13, s19, $0xb8;
	[tilespmem:$0x1E0A0] =	vst v63  }
0x4c: {  	_ =	swait.ge [sflag:s4], $0x2000  }
0x4d: {  	[sflag:s4] =	ssyncset.done $0x0  }
0x4e: {  	s18 =	simm.s32 $0x13BA0;
	[sflag:s4] =	ssyncadd.s32 $0xFFFFE000  }
0x4f: {  	[tilespmem:s24], [sflag:$0x3] =	stream.indirect.gather [spmem:s1], $0x40, s18, s19, $0xb8;
	[tilespmem:$0x1E0A0] =	vst v63  }
0x50: {  	_ =	swait.ge [sflag:s5], $0x2000  }
0x51: {  	[sflag:s5] =	ssyncset.done $0x0  }
0x52: {  	s12 =	simm.s32 $0x800;
	s18 =	simm.s32 $0x13C20;
	[sflag:s5] =	ssyncadd.s32 $0xFFFFE000  }
.LBB2_2:
0x53: {  	[tilespmem:s26], [sflag:$0x4] =	stream.indirect.gather [spmem:s1], $0x40, s18, s19, $0xb8;
	[tilespmem:$0x1E0A0] =	vst v63  }
0x54: {  	s18 =	smov.u32 s12  }
0x55: {  	p0 =	sne.s32 s12, $0x4000;
	s12 =	sadd.s32 $0x800, s12;
	_ =	swait.ge [sflag:s28], $0x2000  }
0x56: {  	s18 =	sshra.s32 s18, $0x2;
	[sflag:s28] =	ssyncset.done $0x0  }
0x57: {  	s13 =	sadd.s32 $0x14CA0, s18;
	[sflag:s28] =	ssyncadd.s32 $0xFFFFE000  }
0x58: {  	[spmem:s3] =	stream.indirect.scatter.add.f32 [tilespmem:s20], [sflag:$0x5], $0x40, s13, s19, $0xb8;
	[tilespmem:$0x1E0A0] =	vst v63  }
0x59: {  	_ =	swait.ge [sflag:s29], $0x2000  }
0x5a: {  	[sflag:s29] =	ssyncset.done $0x0  }
0x5b: {  	s13 =	sadd.s32 $0x14D20, s18;
	[sflag:s29] =	ssyncadd.s32 $0xFFFFE000  }
0x5c: {  	[spmem:s3] =	stream.indirect.scatter.add.f32 [tilespmem:s22], [sflag:$0x6], $0x40, s13, s19, $0xb8;
	[tilespmem:$0x1E0A0] =	vst v63  }
0x5d: {  	_ =	swait.ge [sflag:s30], $0x2000  }
0x5e: {  	[sflag:s30] =	ssyncset.done $0x0  }
0x5f: {  	s13 =	sadd.s32 $0x14DA0, s18;
	[sflag:s30] =	ssyncadd.s32 $0xFFFFE000  }
0x60: {  	[spmem:s3] =	stream.indirect.scatter.add.f32 [tilespmem:s24], [sflag:$0x7], $0x40, s13, s19, $0xb8;
	[tilespmem:$0x1E0A0] =	vst v63  }
0x61: {  	_ =	swait.ge [sflag:s31], $0x2000  }
0x62: {  	[sflag:s31] =	ssyncset.done $0x0  }
0x63: {  	s13 =	sadd.s32 $0x14E20, s18;
	[sflag:s31] =	ssyncadd.s32 $0xFFFFE000  }
0x64: {  	[spmem:s3] =	stream.indirect.scatter.add.f32 [tilespmem:s26], [sflag:$0x8], $0x40, s13, s19, $0xb8;
	[tilespmem:$0x1E0A0] =	vst v63  }
0x65: {  	_ =	swait.ge [sflag:s0], $0x2000  }
0x66: {  	[sflag:s0] =	ssyncset.done $0x0  }
0x67: {  	s13 =	sadd.s32 $0x13AA0, s18;
	[sflag:s0] =	ssyncadd.s32 $0xFFFFE000  }
0x68: {  	[tilespmem:s20], [sflag:$0x1] =	stream.indirect.gather [spmem:s1], $0x40, s13, s19, $0xb8;
	[tilespmem:$0x1E0A0] =	vst v63  }
0x69: {  	_ =	swait.ge [sflag:s2], $0x2000  }
0x6a: {  	[sflag:s2] =	ssyncset.done $0x0  }
0x6b: {  	s13 =	sadd.s32 $0x13B20, s18;
	[sflag:s2] =	ssyncadd.s32 $0xFFFFE000  }
0x6c: {  	[tilespmem:s22], [sflag:$0x2] =	stream.indirect.gather [spmem:s1], $0x40, s13, s19, $0xb8;
	[tilespmem:$0x1E0A0] =	vst v63  }
0x6d: {  	_ =	swait.ge [sflag:s4], $0x2000  }
0x6e: {  	[sflag:s4] =	ssyncset.done $0x0  }
.Ltmp0:
0x6f: {  	s13 =	sadd.s32 $0x13BA0, s18;
	[sflag:s4] =	ssyncadd.s32 $0xFFFFE000;
	(pc) =	sbr.rel @p0 .LBB2_2-.Ltmp0, $4  }
0x70: {  	[tilespmem:s24], [sflag:$0x3] =	stream.indirect.gather [spmem:s1], $0x40, s13, s19, $0xb8;
	[tilespmem:$0x1E0A0] =	vst v63  }
0x71: {  	_ =	swait.ge [sflag:s5], $0x2000  }
0x72: {  	[sflag:s5] =	ssyncset.done $0x0  }
0x73: {  	s18 =	sadd.s32 $0x13C20, s18;
	[sflag:s5] =	ssyncadd.s32 $0xFFFFE000  }
0x74: {  	[tilespmem:s26], [sflag:$0x4] =	stream.indirect.gather [spmem:s1], $0x40, s18, s19, $0xb8;
	[tilespmem:$0x1E0A0] =	vst v63  }
0x75: {  	_ =	swait.ge [sflag:s28], $0x2000  }
0x76: {  	[sflag:s28] =	ssyncset.done $0x0  }
0x77: {  	[sflag:s28] =	ssyncadd.s32 $0xFFFFE000  }
0x78: {  	[spmem:s3] =	stream.indirect.scatter.add.f32 [tilespmem:s20], [sflag:$0x5], $0x40, s7, s19, $0xb8;
	[tilespmem:$0x1E0A0] =	vst v63  }
0x79: {  	_ =	swait.ge [sflag:s29], $0x2000  }
0x7a: {  	[sflag:s29] =	ssyncset.done $0x0  }
0x7b: {  	[sflag:s29] =	ssyncadd.s32 $0xFFFFE000  }
0x7c: {  	[spmem:s3] =	stream.indirect.scatter.add.f32 [tilespmem:s22], [sflag:$0x6], $0x40, s8, s19, $0xb8;
	[tilespmem:$0x1E0A0] =	vst v63  }
0x7d: {  	_ =	swait.ge [sflag:s30], $0x2000  }
0x7e: {  	[sflag:s30] =	ssyncset.done $0x0  }
0x7f: {  	[sflag:s30] =	ssyncadd.s32 $0xFFFFE000  }
0x80: {  	[spmem:s3] =	stream.indirect.scatter.add.f32 [tilespmem:s24], [sflag:$0x7], $0x40, s9, s19, $0xb8;
	[tilespmem:$0x1E0A0] =	vst v63  }
0x81: {  	_ =	swait.ge [sflag:s31], $0x2000  }
0x82: {  	[sflag:s31] =	ssyncset.done $0x0  }
0x83: {  	[sflag:s31] =	ssyncadd.s32 $0xFFFFE000  }
0x84: {  	[spmem:s3] =	stream.indirect.scatter.add.f32 [tilespmem:s26], [sflag:$0x8], $0x40, s10, s19, $0xb8;
	[tilespmem:$0x1E0A0] =	vst v63  }
0x85: {  	_ =	swait.ge [sflag:s0], $0x2000  }
0x86: {  	[sflag:s0] =	ssyncset.done $0x0  }
0x87: {  	[sflag:s0] =	ssyncadd.s32 $0xFFFFE000  }
0x88: {  	_ =	swait.ge [sflag:s2], $0x2000  }
0x89: {  	[sflag:s2] =	ssyncset.done $0x0  }
0x8a: {  	[sflag:s2] =	ssyncadd.s32 $0xFFFFE000  }
0x8b: {  	_ =	swait.ge [sflag:s4], $0x2000  }
0x8c: {  	[sflag:s4] =	ssyncset.done $0x0  }
0x8d: {  	[sflag:s4] =	ssyncadd.s32 $0xFFFFE000  }
0x8e: {  	_ =	swait.ge [sflag:s5], $0x2000  }
0x8f: {  	[sflag:s5] =	ssyncset.done $0x0  }
0x90: {  	s12 =	simm.s32 $0x0;
	s13 =	rddreg [dreg:$0x8];
	[sflag:s5] =	ssyncadd.s32 $0xFFFFE000  }
0x91: {  	[tilespmem:s17], [sflag:$0x9] =	stream.linear.gather [hbm4b:s13+s12], $0x1400, $0x38;
	[tilespmem:$0x1E0A0] =	vst v63  }
0x92: {  	_ =	swait.ge [sflag:s15], $0x1400  }
0x93: {  	[sflag:s15] =	ssyncset.done $0x0  }
0x94: {  	s18 =	simm.s32 $0x14CA0;
	s13 =	rddreg [dreg:$0x9];
	[sflag:s15] =	ssyncadd.s32 $0xFFFFEC00  }
0x95: {  	[tilespmem:s18], [sflag:$0x9] =	stream.linear.gather [hbm4b:s13+s12], $0x1400, $0x38;
	[tilespmem:$0x1E0A0] =	vst v63  }
0x96: {  	_ =	swait.ge [sflag:s15], $0x1400  }
0x97: {  	[sflag:s15] =	ssyncset.done $0x0  }
0x98: {  	[sflag:s15] =	ssyncadd.s32 $0xFFFFEC00  }
0x99: {  	[tilespmem:s20], [sflag:$0x1] =	stream.indirect.gather [spmem:s1], $0x40, s17, s19, $0xb8;
	[tilespmem:$0x1E0A0] =	vst v63  }
0x9a: {  	_ = 	snop  }
0x9b: {  	[tilespmem:s22], [sflag:$0x2] =	stream.indirect.gather [spmem:s1], $0x40, s21, s19, $0xb8;
	[tilespmem:$0x1E0A0] =	vst v63  }
0x9c: {  	_ = 	snop  }
0x9d: {  	[tilespmem:s24], [sflag:$0x3] =	stream.indirect.gather [spmem:s1], $0x40, s23, s19, $0xb8;
	[tilespmem:$0x1E0A0] =	vst v63  }
0x9e: {  	_ = 	snop  }
0x9f: {  	[tilespmem:s26], [sflag:$0x4] =	stream.indirect.gather [spmem:s1], $0x40, s25, s19, $0xb8;
	[tilespmem:$0x1E0A0] =	vst v63  }
0xa0: {  	_ =	swait.ge [sflag:s28], $0x2000  }
0xa1: {  	[sflag:s28] =	ssyncset.done $0x0  }
0xa2: {  	s18 =	simm.s32 $0x14CA0;
	[sflag:s28] =	ssyncadd.s32 $0xFFFFE000  }
0xa3: {  	[spmem:s3] =	stream.indirect.scatter.add.f32 [tilespmem:s20], [sflag:$0x5], $0x40, s18, s19, $0xb8;
	[tilespmem:$0x1E0A0] =	vst v63  }
0xa4: {  	_ =	swait.ge [sflag:s29], $0x2000  }
0xa5: {  	[sflag:s29] =	ssyncset.done $0x0  }
0xa6: {  	s13 =	simm.s32 $0x14D20;
	[sflag:s29] =	ssyncadd.s32 $0xFFFFE000  }
0xa7: {  	[spmem:s3] =	stream.indirect.scatter.add.f32 [tilespmem:s22], [sflag:$0x6], $0x40, s13, s19, $0xb8;
	[tilespmem:$0x1E0A0] =	vst v63  }
0xa8: {  	_ =	swait.ge [sflag:s30], $0x2000  }
0xa9: {  	[sflag:s30] =	ssyncset.done $0x0  }
0xaa: {  	s18 =	simm.s32 $0x14DA0;
	[sflag:s30] =	ssyncadd.s32 $0xFFFFE000  }
0xab: {  	[spmem:s3] =	stream.indirect.scatter.add.f32 [tilespmem:s24], [sflag:$0x7], $0x40, s18, s19, $0xb8;
	[tilespmem:$0x1E0A0] =	vst v63  }
0xac: {  	_ =	swait.ge [sflag:s31], $0x2000  }
0xad: {  	[sflag:s31] =	ssyncset.done $0x0  }
0xae: {  	s13 =	simm.s32 $0x14E20;
	[sflag:s31] =	ssyncadd.s32 $0xFFFFE000  }
0xaf: {  	[spmem:s3] =	stream.indirect.scatter.add.f32 [tilespmem:s26], [sflag:$0x8], $0x40, s13, s19, $0xb8;
	[tilespmem:$0x1E0A0] =	vst v63  }
0xb0: {  	_ =	swait.ge [sflag:s0], $0x2000  }
0xb1: {  	[sflag:s0] =	ssyncset.done $0x0  }
0xb2: {  	s18 =	simm.s32 $0x13AA0;
	[sflag:s0] =	ssyncadd.s32 $0xFFFFE000  }
0xb3: {  	[tilespmem:s20], [sflag:$0x1] =	stream.indirect.gather [spmem:s1], $0x40, s18, s19, $0xb8;
	[tilespmem:$0x1E0A0] =	vst v63  }
0xb4: {  	_ =	swait.ge [sflag:s2], $0x2000  }
0xb5: {  	[sflag:s2] =	ssyncset.done $0x0  }
0xb6: {  	s13 =	simm.s32 $0x13B20;
	[sflag:s2] =	ssyncadd.s32 $0xFFFFE000  }
0xb7: {  	[tilespmem:s22], [sflag:$0x2] =	stream.indirect.gather [spmem:s1], $0x40, s13, s19, $0xb8;
	[tilespmem:$0x1E0A0] =	vst v63  }
0xb8: {  	_ =	swait.ge [sflag:s4], $0x2000  }
0xb9: {  	[sflag:s4] =	ssyncset.done $0x0  }
0xba: {  	s18 =	simm.s32 $0x13BA0;
	[sflag:s4] =	ssyncadd.s32 $0xFFFFE000  }
0xbb: {  	[tilespmem:s24], [sflag:$0x3] =	stream.indirect.gather [spmem:s1], $0x40, s18, s19, $0xb8;
	[tilespmem:$0x1E0A0] =	vst v63  }
0xbc: {  	_ =	swait.ge [sflag:s5], $0x2000  }
0xbd: {  	[sflag:s5] =	ssyncset.done $0x0  }
0xbe: {  	s12 =	simm.s32 $0x800;
	s18 =	simm.s32 $0x13C20;
	[sflag:s5] =	ssyncadd.s32 $0xFFFFE000  }
.LBB2_4:
0xbf: {  	[tilespmem:s26], [sflag:$0x4] =	stream.indirect.gather [spmem:s1], $0x40, s18, s19, $0xb8;
	[tilespmem:$0x1E0A0] =	vst v63  }
0xc0: {  	s13 =	smov.u32 s12  }
0xc1: {  	p0 =	sne.s32 s12, $0x4000;
	s12 =	sadd.s32 $0x800, s12;
	_ =	swait.ge [sflag:s28], $0x2000  }
0xc2: {  	s18 =	sshra.s32 s13, $0x2;
	[sflag:s28] =	ssyncset.done $0x0  }
0xc3: {  	s13 =	sadd.s32 $0x14CA0, s18;
	[sflag:s28] =	ssyncadd.s32 $0xFFFFE000  }
0xc4: {  	[spmem:s3] =	stream.indirect.scatter.add.f32 [tilespmem:s20], [sflag:$0x5], $0x40, s13, s19, $0xb8;
	[tilespmem:$0x1E0A0] =	vst v63  }
0xc5: {  	_ =	swait.ge [sflag:s29], $0x2000  }
0xc6: {  	[sflag:s29] =	ssyncset.done $0x0  }
0xc7: {  	s13 =	sadd.s32 $0x14D20, s18;
	[sflag:s29] =	ssyncadd.s32 $0xFFFFE000  }
0xc8: {  	[spmem:s3] =	stream.indirect.scatter.add.f32 [tilespmem:s22], [sflag:$0x6], $0x40, s13, s19, $0xb8;
	[tilespmem:$0x1E0A0] =	vst v63  }
0xc9: {  	_ =	swait.ge [sflag:s30], $0x2000  }
0xca: {  	[sflag:s30] =	ssyncset.done $0x0  }
0xcb: {  	s13 =	sadd.s32 $0x14DA0, s18;
	[sflag:s30] =	ssyncadd.s32 $0xFFFFE000  }
0xcc: {  	[spmem:s3] =	stream.indirect.scatter.add.f32 [tilespmem:s24], [sflag:$0x7], $0x40, s13, s19, $0xb8;
	[tilespmem:$0x1E0A0] =	vst v63  }
0xcd: {  	_ =	swait.ge [sflag:s31], $0x2000  }
0xce: {  	[sflag:s31] =	ssyncset.done $0x0  }
0xcf: {  	s13 =	sadd.s32 $0x14E20, s18;
	[sflag:s31] =	ssyncadd.s32 $0xFFFFE000  }
0xd0: {  	[spmem:s3] =	stream.indirect.scatter.add.f32 [tilespmem:s26], [sflag:$0x8], $0x40, s13, s19, $0xb8;
	[tilespmem:$0x1E0A0] =	vst v63  }
0xd1: {  	_ =	swait.ge [sflag:s0], $0x2000  }
0xd2: {  	[sflag:s0] =	ssyncset.done $0x0  }
0xd3: {  	s13 =	sadd.s32 $0x13AA0, s18;
	[sflag:s0] =	ssyncadd.s32 $0xFFFFE000  }
0xd4: {  	[tilespmem:s20], [sflag:$0x1] =	stream.indirect.gather [spmem:s1], $0x40, s13, s19, $0xb8;
	[tilespmem:$0x1E0A0] =	vst v63  }
0xd5: {  	_ =	swait.ge [sflag:s2], $0x2000  }
0xd6: {  	[sflag:s2] =	ssyncset.done $0x0  }
0xd7: {  	s13 =	sadd.s32 $0x13B20, s18;
	[sflag:s2] =	ssyncadd.s32 $0xFFFFE000  }
0xd8: {  	[tilespmem:s22], [sflag:$0x2] =	stream.indirect.gather [spmem:s1], $0x40, s13, s19, $0xb8;
	[tilespmem:$0x1E0A0] =	vst v63  }
0xd9: {  	_ =	swait.ge [sflag:s4], $0x2000  }
0xda: {  	[sflag:s4] =	ssyncset.done $0x0  }
.Ltmp1:
0xdb: {  	s13 =	sadd.s32 $0x13BA0, s18;
	[sflag:s4] =	ssyncadd.s32 $0xFFFFE000;
	(pc) =	sbr.rel @p0 .LBB2_4-.Ltmp1, $4  }
0xdc: {  	[tilespmem:s24], [sflag:$0x3] =	stream.indirect.gather [spmem:s1], $0x40, s13, s19, $0xb8;
	[tilespmem:$0x1E0A0] =	vst v63  }
0xdd: {  	_ =	swait.ge [sflag:s5], $0x2000  }
0xde: {  	[sflag:s5] =	ssyncset.done $0x0  }
0xdf: {  	s18 =	sadd.s32 $0x13C20, s18;
	[sflag:s5] =	ssyncadd.s32 $0xFFFFE000  }
0xe0: {  	[tilespmem:s26], [sflag:$0x4] =	stream.indirect.gather [spmem:s1], $0x40, s18, s19, $0xb8;
	[tilespmem:$0x1E0A0] =	vst v63  }
0xe1: {  	_ =	swait.ge [sflag:s28], $0x2000  }
0xe2: {  	[sflag:s28] =	ssyncset.done $0x0  }
0xe3: {  	[sflag:s28] =	ssyncadd.s32 $0xFFFFE000  }
0xe4: {  	[spmem:s3] =	stream.indirect.scatter.add.f32 [tilespmem:s20], [sflag:$0x5], $0x40, s7, s19, $0xb8;
	[tilespmem:$0x1E0A0] =	vst v63  }
0xe5: {  	_ =	swait.ge [sflag:s29], $0x2000  }
0xe6: {  	[sflag:s29] =	ssyncset.done $0x0  }
0xe7: {  	[sflag:s29] =	ssyncadd.s32 $0xFFFFE000  }
0xe8: {  	[spmem:s3] =	stream.indirect.scatter.add.f32 [tilespmem:s22], [sflag:$0x6], $0x40, s8, s19, $0xb8;
	[tilespmem:$0x1E0A0] =	vst v63  }
0xe9: {  	_ =	swait.ge [sflag:s30], $0x2000  }
0xea: {  	[sflag:s30] =	ssyncset.done $0x0  }
0xeb: {  	[sflag:s30] =	ssyncadd.s32 $0xFFFFE000  }
0xec: {  	[spmem:s3] =	stream.indirect.scatter.add.f32 [tilespmem:s24], [sflag:$0x7], $0x40, s9, s19, $0xb8;
	[tilespmem:$0x1E0A0] =	vst v63  }
0xed: {  	_ =	swait.ge [sflag:s31], $0x2000  }
0xee: {  	[sflag:s31] =	ssyncset.done $0x0  }
0xef: {  	[sflag:s31] =	ssyncadd.s32 $0xFFFFE000  }
0xf0: {  	[spmem:s3] =	stream.indirect.scatter.add.f32 [tilespmem:s26], [sflag:$0x8], $0x40, s10, s19, $0xb8;
	[tilespmem:$0x1E0A0] =	vst v63  }
0xf1: {  	_ =	swait.ge [sflag:s0], $0x2000  }
0xf2: {  	[sflag:s0] =	ssyncset.done $0x0  }
0xf3: {  	[sflag:s0] =	ssyncadd.s32 $0xFFFFE000  }
0xf4: {  	_ =	swait.ge [sflag:s2], $0x2000  }
0xf5: {  	[sflag:s2] =	ssyncset.done $0x0  }
0xf6: {  	[sflag:s2] =	ssyncadd.s32 $0xFFFFE000  }
0xf7: {  	_ =	swait.ge [sflag:s4], $0x2000  }
0xf8: {  	[sflag:s4] =	ssyncset.done $0x0  }
0xf9: {  	[sflag:s4] =	ssyncadd.s32 $0xFFFFE000  }
0xfa: {  	_ =	swait.ge [sflag:s5], $0x2000  }
0xfb: {  	[sflag:s5] =	ssyncset.done $0x0  }
0xfc: {  	[sflag:s5] =	ssyncadd.s32 $0xFFFFE000  }
0xfd: {  	[bflag:$0x0] =	sbarrier.arrive $0xFFFF  }
0xfe: {  	s12 =	rddreg [dreg:$0xb]  }
0xff: {  	[hbm:s12], [sflag:s6] =	dma.local [spmem:s16], $0x1388  }
0x100: {  	_ =	swait.ge [sflag:s15], $0x1388  }
0x101: {  	s11 =	sadd.s32 $0x1, s11;
	s18 =	rddreg [dreg:$0xa]  }
0x102: {  	p0 =	sne.s32 s11, s18  }
.Ltmp2:
0x103: {  	_ = 	snop;
	(pc) =	sbr.rel @p0 .LBB2_1-.Ltmp2, $3  }
0x104: {  	_ =	sdelay $0x1  }
0x105: {  	[sflag:s15] =	ssyncset.done $0x0  }
0x106: {  	[sflag:s15] =	ssyncadd.s32 $0xFFFFEC78  }
0x107: {  	_ =	sfence.sel $0x180000  }
0x108: {  	[bflag:$0x0] =	sbarrier.arrive $0xFFFF  }
0x109: {  	_ =	strace $0x9000004A  }
0x10a: {  	s0 =	stileid.u32;
	[bflag:$0x2] =	sbarrier.arrive $0xFFFF  }
0x10b: {  	p0 =	sne.s32 s0, $0x0;
	s0 =	rddreg [dreg:$0x3]  }
0x10c: {  	s0 =	sadd.s32 @!p0 $0x100000, s0  }
0x10d: {  	[sflag:s0] =	ssyncadd.tile.s32 @!p0 $0x1;
	_ =	shalt  }
.Lfunc_end2:
_tile_overlayer_lowered:
.L_overlay_start_2:
0x10e: {  	(tag) =	ssettag $0x2  }
0x10f: {  	s0 =	rddreg [dreg:$0x0];
	s2 =	stileid.u32  }
0x110: {  	s1 =	rddreg [dreg:$0x1];
	p0 =	sne.s32 s2, $0x0  }
0x111: {  	s3 =	rddreg [dreg:$0x2];
	[bflag:$0x3] =	sbarrier.arrive $0xFFFF;
	s2 =	simm.s32 @!p0 $0x1C09  }
0x112: {  	[timem:s3], [sflag:s2] =	dma.local @!p0 [hbm:s0], s1  }
0x113: {  	s0 =	simm.s32 @!p0 $0x9  }
0x114: {  	_ =	swait.ge @!p0 [sflag:s0], s1  }
0x115: {  	s1 =	ssub.s32 @!p0 $0x0, s1;
	[sflag:s0] =	ssyncset.done @!p0 $0x0  }
0x116: {  	[sflag:s0] =	ssyncadd.s32 @!p0 s1  }
0x117: {  	[bflag:$0x3] =	sbarrier.arrive $0xFFFF  }
0x118: {  	_ =	shalt  }

</sc_bundles>
